<compile_context>
chip_gen: v7x
topology: tpu7x:2x2x1
jax: 0.10.2.dev20260603
libtpu: 0.0.44.dev20260713+nightly
codegen_flags: <defaults>
</compile_context>

<pallas_src>
import jax
import jax.numpy as jnp
from jax import lax
from jax.experimental import pallas as pl
from jax.experimental.pallas import tpu as pltpu
from jax.experimental.pallas import tpu_sc as plsc

N = 100000
NUM_FIELDS = 9
VOCAB = 100
HIDDEN = 128
NCH = HIDDEN // 16

NPAIR = 4
NLOOK = NPAIR + 1

NW = 32
BB = 80
NBLK = N // BB
BLK_PER_W = -(-NBLK // NW)


def _pair_body(te_ref, to_ref, out_ref):
    out_ref[0] = te_ref[0][:, None, :] + to_ref[0][None, :, :]


def _build_pair_tables(tables):
    return pl.pallas_call(
        _pair_body,
        grid=(NPAIR,),
        in_specs=[
            pl.BlockSpec((1, VOCAB, HIDDEN), lambda k: (2 * k, 0, 0)),
            pl.BlockSpec((1, VOCAB, HIDDEN), lambda k: (2 * k + 1, 0, 0)),
        ],
        out_specs=pl.BlockSpec((1, VOCAB, VOCAB, HIDDEN),
                               lambda k: (k, 0, 0, 0)),
        out_shape=jax.ShapeDtypeStruct((NPAIR, VOCAB, VOCAB, HIDDEN),
                                       jnp.float32),
    )(tables, tables)


def _body(x_hbm, big_hbm, ft_hbm, out_hbm,
          xv0, xv1, lk0, lk1, acc0, acc1,
          s00, s01, s02, s03, s10, s11, s12, s13,
          semA0, semA1, semB0, semB1, semC0, semC1, semI0, semI1):
    wid = lax.axis_index("s") * 2 + lax.axis_index("c")
    xv = (xv0, xv1)
    lk = (lk0, lk1)
    acc = (acc0, acc1)
    stg = ((s00, s01, s02, s03), (s10, s11, s12, s13))
    semA = (semA0, semA1)
    semB = (semB0, semB1)
    semC = (semC0, semC1)
    semI = (semI0, semI1)

    def wait_rows(dst, sem):
        pltpu.make_async_copy(ft_hbm.at[lk0.at[0]], dst, sem).wait()

    def fetch_x(blk, q):
        for j in range(NUM_FIELDS):
            pltpu.async_copy(x_hbm.at[pl.ds(j * N + blk * BB, BB)],
                             xv[q].at[j], semI[q])

    def compute_lk(xv_ref, lk_ref):
        for rc in range(BB // 16):
            sl = pl.ds(rc * 16, 16)
            for j in range(NPAIR):
                lk_ref[j, sl] = (xv_ref[2 * j, sl] * VOCAB
                                 + xv_ref[2 * j + 1, sl]
                                 + j * (VOCAB * VOCAB))
            lk_ref[NPAIR, sl] = xv_ref[NUM_FIELDS - 1, sl] + (
                (NUM_FIELDS - 1) * VOCAB)

    def fire_gathers(q):
        pltpu.async_copy(big_hbm.at[lk[q].at[0]], acc[q], semA[q])
        for j in range(1, NPAIR):
            pltpu.async_copy(big_hbm.at[lk[q].at[j]], stg[q][j - 1], semB[q])
        pltpu.async_copy(ft_hbm.at[lk[q].at[NPAIR]], stg[q][NPAIR - 1],
                         semB[q])

    def block(k, p):
        blk = k * NW + wid

        @pl.when(blk < NBLK)
        def _():
            nxt = blk + NW
            has_next = nxt < NBLK
            q = 1 - p

            @pl.when(has_next)
            def _():
                fetch_x(nxt, q)

            wait_rows(acc[p], semA[p])
            for _ in range(NLOOK - 1):
                wait_rows(stg[p][0], semB[p])

            @pl.when(has_next)
            def _():
                for j in range(NUM_FIELDS):
                    pltpu.make_async_copy(x_hbm.at[pl.ds(0, BB)],
                                          xv[q].at[j], semI[q]).wait()
                compute_lk(xv[q], lk[q])

                @pl.when(k >= 1)
                def _():
                    wait_rows(acc[q], semC[q])

                fire_gathers(q)

            a = acc[p]
            s0, s1, s2, s3 = stg[p]

            @plsc.parallel_loop(0, BB, unroll=4)
            def _(r):
                for c in range(NCH):
                    sl = pl.ds(c * 16, 16)
                    t01 = s0[r, sl] + s1[r, sl]
                    t23 = s2[r, sl] + s3[r, sl]
                    a[r, sl] = a[r, sl] + (t01 + t23)

            pltpu.async_copy(acc[p], out_hbm.at[pl.ds(blk * BB, BB)], semC[p])

    for j in range(NUM_FIELDS):
        pltpu.sync_copy(x_hbm.at[pl.ds(j * N + wid * BB, BB)], xv0.at[j])
    compute_lk(xv0, lk0)
    fire_gathers(0)

    def pair(kk, _):
        block(2 * kk, 0)
        block(2 * kk + 1, 1)
        return 0

    lax.fori_loop(0, BLK_PER_W // 2, pair, 0)

    wait_rows(acc0, semC0)
    wait_rows(acc1, semC1)


@jax.jit
def kernel(x, tables):
    xflat = x.astype(jnp.int32).T.reshape(NUM_FIELDS * N)
    ft = tables.reshape(NUM_FIELDS * VOCAB, HIDDEN)
    big = _build_pair_tables(tables).reshape(NPAIR * VOCAB * VOCAB, HIDDEN)

    mesh = plsc.VectorSubcoreMesh(core_axis_name="c", subcore_axis_name="s")
    run = pl.kernel(
        _body,
        out_type=jax.ShapeDtypeStruct((N, HIDDEN), jnp.float32),
        mesh=mesh,
        scratch_types=[
            pltpu.VMEM((NUM_FIELDS, BB), jnp.int32),
            pltpu.VMEM((NUM_FIELDS, BB), jnp.int32),
            pltpu.VMEM((NLOOK, BB), jnp.int32),
            pltpu.VMEM((NLOOK, BB), jnp.int32),
            pltpu.VMEM((BB, HIDDEN), jnp.float32),
            pltpu.VMEM((BB, HIDDEN), jnp.float32),
            pltpu.VMEM((BB, HIDDEN), jnp.float32),
            pltpu.VMEM((BB, HIDDEN), jnp.float32),
            pltpu.VMEM((BB, HIDDEN), jnp.float32),
            pltpu.VMEM((BB, HIDDEN), jnp.float32),
            pltpu.VMEM((BB, HIDDEN), jnp.float32),
            pltpu.VMEM((BB, HIDDEN), jnp.float32),
            pltpu.VMEM((BB, HIDDEN), jnp.float32),
            pltpu.VMEM((BB, HIDDEN), jnp.float32),
            pltpu.SemaphoreType.DMA,
            pltpu.SemaphoreType.DMA,
            pltpu.SemaphoreType.DMA,
            pltpu.SemaphoreType.DMA,
            pltpu.SemaphoreType.DMA,
            pltpu.SemaphoreType.DMA,
            pltpu.SemaphoreType.DMA,
            pltpu.SemaphoreType.DMA,
        ],
    )
    return run(xflat, big, ft)

# --- scband reference (transcript-rebuilt; emitter-appended) ---
"""Pipeline reference for scband-atom-encoder-29137058136187 (READ-ONLY COPY).

The authoritative reference and input builder live on the scoring server;
editing this copy changes nothing except your own understanding.
"""

import jax, jax.numpy as jnp
import numpy as np

N = 100000
NUM_FIELDS = 9
VOCAB = 100
HIDDEN = 128

def setup_inputs(seed: int = 0) -> dict:
    key = jax.random.key(seed)
    k_x, k_w = jax.random.split(key)
    x = jax.random.randint(k_x, (N, NUM_FIELDS), 0, VOCAB, dtype=jnp.int64 if jax.config.jax_enable_x64 else jnp.int32)
    # 9 embedding tables, each [100, hidden]; torch Embedding default init is N(0,1)
    tables = jax.random.normal(k_w, (NUM_FIELDS, VOCAB, HIDDEN), dtype=jnp.float32)
    return {"x": x, "tables": tables}

def reference(x, tables) -> jnp.ndarray:
    # Faithful to AtomEncoder.forward: out = sum_i embeddings[i](x[:, i])
    if x.ndim == 1:
        x = x[:, None]
    out = jnp.zeros((x.shape[0], tables.shape[-1]), dtype=tables.dtype)
    for i in range(x.shape[1]):
        out = out + jnp.take(tables[i], x[:, i], axis=0)
    return out

if __name__ == "__main__":
    import jax
    _d = setup_inputs()
    print(jax.jit(kernel)(*tuple(_d.values())))

</pallas_src>

<mosaic_0001>
#map = affine_map<(d0, d1) -> (0)>
#map1 = affine_map<(d0, d1) -> (0, 0)>
module attributes {stable_mosaic.version = 14 : i64} {
  func.func @_body(%arg0: i32, %arg1: i32, %arg2: memref<900000xi32, #tpu.memory_space<hbm>>, %arg3: memref<40000x128xf32, #tpu.memory_space<hbm>>, %arg4: memref<900x128xf32, #tpu.memory_space<hbm>>, %arg5: memref<100000x128xf32, #tpu.memory_space<hbm>>, %arg6: memref<9x80xi32, #tpu.memory_space<vmem>>, %arg7: memref<9x80xi32, #tpu.memory_space<vmem>>, %arg8: memref<5x80xi32, #tpu.memory_space<vmem>>, %arg9: memref<5x80xi32, #tpu.memory_space<vmem>>, %arg10: memref<80x128xf32, #tpu.memory_space<vmem>>, %arg11: memref<80x128xf32, #tpu.memory_space<vmem>>, %arg12: memref<80x128xf32, #tpu.memory_space<vmem>>, %arg13: memref<80x128xf32, #tpu.memory_space<vmem>>, %arg14: memref<80x128xf32, #tpu.memory_space<vmem>>, %arg15: memref<80x128xf32, #tpu.memory_space<vmem>>, %arg16: memref<80x128xf32, #tpu.memory_space<vmem>>, %arg17: memref<80x128xf32, #tpu.memory_space<vmem>>, %arg18: memref<80x128xf32, #tpu.memory_space<vmem>>, %arg19: memref<80x128xf32, #tpu.memory_space<vmem>>, %arg20: memref<!tpu.dma_semaphore, #tpu.memory_space<semaphore_mem>>, %arg21: memref<!tpu.dma_semaphore, #tpu.memory_space<semaphore_mem>>, %arg22: memref<!tpu.dma_semaphore, #tpu.memory_space<semaphore_mem>>, %arg23: memref<!tpu.dma_semaphore, #tpu.memory_space<semaphore_mem>>, %arg24: memref<!tpu.dma_semaphore, #tpu.memory_space<semaphore_mem>>, %arg25: memref<!tpu.dma_semaphore, #tpu.memory_space<semaphore_mem>>, %arg26: memref<!tpu.dma_semaphore, #tpu.memory_space<semaphore_mem>>, %arg27: memref<!tpu.dma_semaphore, #tpu.memory_space<semaphore_mem>>) attributes {dimension_semantics = [#tpu.dimension_semantics<core_parallel>, #tpu.dimension_semantics<subcore_parallel>], iteration_bounds = array<i64: 2, 16>, scalar_prefetch = 0 : i64, scratch_operands = 22 : i64, tpu.core_type = #tpu.core_type<sc_vector_subcore>, window_params = [{transform_indices = #map}, {transform_indices = #map1}, {transform_indices = #map1}, {transform_indices = #map1}]} {
    %mul3A = arith.constant 2 : i32
    %mul3A_0 = arith.muli %arg1, %mul3A : i32
    %add3A = arith.addi %mul3A_0, %arg0 : i32
    %mul3A_1 = arith.constant 80 : i32
    %mul3A_2 = arith.muli %add3A, %mul3A_1 : i32
    %add3A_3 = arith.constant 0 : i32
    %add3A_4 = arith.addi %add3A_3, %mul3A_2 : i32
    %run_scoped3A = arith.constant 0 : i32
    "tpu.region"() ({
      %run_scoped3A_626 = tpu.sem_alloc : memref<!tpu.dma_semaphore, #tpu.memory_space<semaphore_mem>>
      %dma_start3A_627 = arith.constant 0 : i32
      %dma_start3A_628 = tpu.memref_slice %arg6[%run_scoped3A, %dma_start3A_627] : memref<9x80xi32, #tpu.memory_space<vmem>> -> memref<1x80xi32, #tpu.memory_space<vmem>>
      %dma_start3A_629 = tpu.memref_squeeze %dma_start3A_628 : memref<1x80xi32, #tpu.memory_space<vmem>> -> memref<80xi32, #tpu.memory_space<vmem>>
      %dma_start3A_630 = tpu.memref_slice %arg2[%add3A_4] : memref<900000xi32, #tpu.memory_space<hbm>> -> memref<80xi32, #tpu.memory_space<hbm>>
      %dma_start3A_631 = arith.constant 0 : i32
      %dma_start3A_632 = tpu.memref_slice %arg6[%run_scoped3A, %dma_start3A_631] : memref<9x80xi32, #tpu.memory_space<vmem>> -> memref<1x80xi32, #tpu.memory_space<vmem>>
      %dma_start3A_633 = tpu.memref_squeeze %dma_start3A_632 : memref<1x80xi32, #tpu.memory_space<vmem>> -> memref<80xi32, #tpu.memory_space<vmem>>
      %dma_start3A_634 = tpu.memref_slice %arg2[%add3A_4] : memref<900000xi32, #tpu.memory_space<hbm>> -> memref<80xi32, #tpu.memory_space<hbm>>
      tpu.enqueue_dma source(%dma_start3A_634 : memref<80xi32, #tpu.memory_space<hbm>>) target(%dma_start3A_633 : memref<80xi32, #tpu.memory_space<vmem>>) target_semaphore(%run_scoped3A_626 : memref<!tpu.dma_semaphore, #tpu.memory_space<semaphore_mem>>)
      %dma_wait3A_635 = arith.constant 0 : i32
      %dma_wait3A_636 = tpu.memref_slice %arg6[%run_scoped3A, %dma_wait3A_635] : memref<9x80xi32, #tpu.memory_space<vmem>> -> memref<1x80xi32, #tpu.memory_space<vmem>>
      %dma_wait3A_637 = tpu.memref_squeeze %dma_wait3A_636 : memref<1x80xi32, #tpu.memory_space<vmem>> -> memref<80xi32, #tpu.memory_space<vmem>>
      %dma_wait3A_638 = tpu.memref_slice %arg2[%add3A_4] : memref<900000xi32, #tpu.memory_space<hbm>> -> memref<80xi32, #tpu.memory_space<hbm>>
      %dma_wait3A_639 = arith.constant 0 : i32
      %dma_wait3A_640 = tpu.memref_slice %arg6[%run_scoped3A, %dma_wait3A_639] : memref<9x80xi32, #tpu.memory_space<vmem>> -> memref<1x80xi32, #tpu.memory_space<vmem>>
      %dma_wait3A_641 = tpu.memref_squeeze %dma_wait3A_640 : memref<1x80xi32, #tpu.memory_space<vmem>> -> memref<80xi32, #tpu.memory_space<vmem>>
      %dma_wait3A_642 = tpu.memref_slice %arg2[%add3A_4] : memref<900000xi32, #tpu.memory_space<hbm>> -> memref<80xi32, #tpu.memory_space<hbm>>
      tpu.wait_dma2 semaphore(%run_scoped3A_626 : memref<!tpu.dma_semaphore, #tpu.memory_space<semaphore_mem>>) src(%dma_wait3A_642 : memref<80xi32, #tpu.memory_space<hbm>>) dst(%dma_wait3A_641 : memref<80xi32, #tpu.memory_space<vmem>>)
      tpu.yield
    }) : () -> ()
    %mul3A_5 = arith.constant 80 : i32
    %mul3A_6 = arith.muli %add3A, %mul3A_5 : i32
    %add3A_7 = arith.constant 100000 : i32
    %add3A_8 = arith.addi %add3A_7, %mul3A_6 : i32
    %run_scoped3A_9 = arith.constant 1 : i32
    "tpu.region"() ({
      %run_scoped3A_626 = tpu.sem_alloc : memref<!tpu.dma_semaphore, #tpu.memory_space<semaphore_mem>>
      %dma_start3A_627 = arith.constant 0 : i32
      %dma_start3A_628 = tpu.memref_slice %arg6[%run_scoped3A_9, %dma_start3A_627] : memref<9x80xi32, #tpu.memory_space<vmem>> -> memref<1x80xi32, #tpu.memory_space<vmem>>
      %dma_start3A_629 = tpu.memref_squeeze %dma_start3A_628 : memref<1x80xi32, #tpu.memory_space<vmem>> -> memref<80xi32, #tpu.memory_space<vmem>>
      %dma_start3A_630 = tpu.memref_slice %arg2[%add3A_8] : memref<900000xi32, #tpu.memory_space<hbm>> -> memref<80xi32, #tpu.memory_space<hbm>>
      %dma_start3A_631 = arith.constant 0 : i32
      %dma_start3A_632 = tpu.memref_slice %arg6[%run_scoped3A_9, %dma_start3A_631] : memref<9x80xi32, #tpu.memory_space<vmem>> -> memref<1x80xi32, #tpu.memory_space<vmem>>
      %dma_start3A_633 = tpu.memref_squeeze %dma_start3A_632 : memref<1x80xi32, #tpu.memory_space<vmem>> -> memref<80xi32, #tpu.memory_space<vmem>>
      %dma_start3A_634 = tpu.memref_slice %arg2[%add3A_8] : memref<900000xi32, #tpu.memory_space<hbm>> -> memref<80xi32, #tpu.memory_space<hbm>>
      tpu.enqueue_dma source(%dma_start3A_634 : memref<80xi32, #tpu.memory_space<hbm>>) target(%dma_start3A_633 : memref<80xi32, #tpu.memory_space<vmem>>) target_semaphore(%run_scoped3A_626 : memref<!tpu.dma_semaphore, #tpu.memory_space<semaphore_mem>>)
      %dma_wait3A_635 = arith.constant 0 : i32
      %dma_wait3A_636 = tpu.memref_slice %arg6[%run_scoped3A_9, %dma_wait3A_635] : memref<9x80xi32, #tpu.memory_space<vmem>> -> memref<1x80xi32, #tpu.memory_space<vmem>>
      %dma_wait3A_637 = tpu.memref_squeeze %dma_wait3A_636 : memref<1x80xi32, #tpu.memory_space<vmem>> -> memref<80xi32, #tpu.memory_space<vmem>>
      %dma_wait3A_638 = tpu.memref_slice %arg2[%add3A_8] : memref<900000xi32, #tpu.memory_space<hbm>> -> memref<80xi32, #tpu.memory_space<hbm>>
      %dma_wait3A_639 = arith.constant 0 : i32
      %dma_wait3A_640 = tpu.memref_slice %arg6[%run_scoped3A_9, %dma_wait3A_639] : memref<9x80xi32, #tpu.memory_space<vmem>> -> memref<1x80xi32, #tpu.memory_space<vmem>>
      %dma_wait3A_641 = tpu.memref_squeeze %dma_wait3A_640 : memref<1x80xi32, #tpu.memory_space<vmem>> -> memref<80xi32, #tpu.memory_space<vmem>>
      %dma_wait3A_642 = tpu.memref_slice %arg2[%add3A_8] : memref<900000xi32, #tpu.memory_space<hbm>> -> memref<80xi32, #tpu.memory_space<hbm>>
      tpu.wait_dma2 semaphore(%run_scoped3A_626 : memref<!tpu.dma_semaphore, #tpu.memory_space<semaphore_mem>>) src(%dma_wait3A_642 : memref<80xi32, #tpu.memory_space<hbm>>) dst(%dma_wait3A_641 : memref<80xi32, #tpu.memory_space<vmem>>)
      tpu.yield
    }) : () -> ()
    %mul3A_10 = arith.constant 80 : i32
    %mul3A_11 = arith.muli %add3A, %mul3A_10 : i32
    %add3A_12 = arith.constant 200000 : i32
    %add3A_13 = arith.addi %add3A_12, %mul3A_11 : i32
    %run_scoped3A_14 = arith.constant 2 : i32
    "tpu.region"() ({
      %run_scoped3A_626 = tpu.sem_alloc : memref<!tpu.dma_semaphore, #tpu.memory_space<semaphore_mem>>
      %dma_start3A_627 = arith.constant 0 : i32
      %dma_start3A_628 = tpu.memref_slice %arg6[%run_scoped3A_14, %dma_start3A_627] : memref<9x80xi32, #tpu.memory_space<vmem>> -> memref<1x80xi32, #tpu.memory_space<vmem>>
      %dma_start3A_629 = tpu.memref_squeeze %dma_start3A_628 : memref<1x80xi32, #tpu.memory_space<vmem>> -> memref<80xi32, #tpu.memory_space<vmem>>
      %dma_start3A_630 = tpu.memref_slice %arg2[%add3A_13] : memref<900000xi32, #tpu.memory_space<hbm>> -> memref<80xi32, #tpu.memory_space<hbm>>
      %dma_start3A_631 = arith.constant 0 : i32
      %dma_start3A_632 = tpu.memref_slice %arg6[%run_scoped3A_14, %dma_start3A_631] : memref<9x80xi32, #tpu.memory_space<vmem>> -> memref<1x80xi32, #tpu.memory_space<vmem>>
      %dma_start3A_633 = tpu.memref_squeeze %dma_start3A_632 : memref<1x80xi32, #tpu.memory_space<vmem>> -> memref<80xi32, #tpu.memory_space<vmem>>
      %dma_start3A_634 = tpu.memref_slice %arg2[%add3A_13] : memref<900000xi32, #tpu.memory_space<hbm>> -> memref<80xi32, #tpu.memory_space<hbm>>
      tpu.enqueue_dma source(%dma_start3A_634 : memref<80xi32, #tpu.memory_space<hbm>>) target(%dma_start3A_633 : memref<80xi32, #tpu.memory_space<vmem>>) target_semaphore(%run_scoped3A_626 : memref<!tpu.dma_semaphore, #tpu.memory_space<semaphore_mem>>)
      %dma_wait3A_635 = arith.constant 0 : i32
      %dma_wait3A_636 = tpu.memref_slice %arg6[%run_scoped3A_14, %dma_wait3A_635] : memref<9x80xi32, #tpu.memory_space<vmem>> -> memref<1x80xi32, #tpu.memory_space<vmem>>
      %dma_wait3A_637 = tpu.memref_squeeze %dma_wait3A_636 : memref<1x80xi32, #tpu.memory_space<vmem>> -> memref<80xi32, #tpu.memory_space<vmem>>
      %dma_wait3A_638 = tpu.memref_slice %arg2[%add3A_13] : memref<900000xi32, #tpu.memory_space<hbm>> -> memref<80xi32, #tpu.memory_space<hbm>>
      %dma_wait3A_639 = arith.constant 0 : i32
      %dma_wait3A_640 = tpu.memref_slice %arg6[%run_scoped3A_14, %dma_wait3A_639] : memref<9x80xi32, #tpu.memory_space<vmem>> -> memref<1x80xi32, #tpu.memory_space<vmem>>
      %dma_wait3A_641 = tpu.memref_squeeze %dma_wait3A_640 : memref<1x80xi32, #tpu.memory_space<vmem>> -> memref<80xi32, #tpu.memory_space<vmem>>
      %dma_wait3A_642 = tpu.memref_slice %arg2[%add3A_13] : memref<900000xi32, #tpu.memory_space<hbm>> -> memref<80xi32, #tpu.memory_space<hbm>>
      tpu.wait_dma2 semaphore(%run_scoped3A_626 : memref<!tpu.dma_semaphore, #tpu.memory_space<semaphore_mem>>) src(%dma_wait3A_642 : memref<80xi32, #tpu.memory_space<hbm>>) dst(%dma_wait3A_641 : memref<80xi32, #tpu.memory_space<vmem>>)
      tpu.yield
    }) : () -> ()
    %mul3A_15 = arith.constant 80 : i32
    %mul3A_16 = arith.muli %add3A, %mul3A_15 : i32
    %add3A_17 = arith.constant 300000 : i32
    %add3A_18 = arith.addi %add3A_17, %mul3A_16 : i32
    %run_scoped3A_19 = arith.constant 3 : i32
    "tpu.region"() ({
      %run_scoped3A_626 = tpu.sem_alloc : memref<!tpu.dma_semaphore, #tpu.memory_space<semaphore_mem>>
      %dma_start3A_627 = arith.constant 0 : i32
      %dma_start3A_628 = tpu.memref_slice %arg6[%run_scoped3A_19, %dma_start3A_627] : memref<9x80xi32, #tpu.memory_space<vmem>> -> memref<1x80xi32, #tpu.memory_space<vmem>>
      %dma_start3A_629 = tpu.memref_squeeze %dma_start3A_628 : memref<1x80xi32, #tpu.memory_space<vmem>> -> memref<80xi32, #tpu.memory_space<vmem>>
      %dma_start3A_630 = tpu.memref_slice %arg2[%add3A_18] : memref<900000xi32, #tpu.memory_space<hbm>> -> memref<80xi32, #tpu.memory_space<hbm>>
      %dma_start3A_631 = arith.constant 0 : i32
      %dma_start3A_632 = tpu.memref_slice %arg6[%run_scoped3A_19, %dma_start3A_631] : memref<9x80xi32, #tpu.memory_space<vmem>> -> memref<1x80xi32, #tpu.memory_space<vmem>>
      %dma_start3A_633 = tpu.memref_squeeze %dma_start3A_632 : memref<1x80xi32, #tpu.memory_space<vmem>> -> memref<80xi32, #tpu.memory_space<vmem>>
      %dma_start3A_634 = tpu.memref_slice %arg2[%add3A_18] : memref<900000xi32, #tpu.memory_space<hbm>> -> memref<80xi32, #tpu.memory_space<hbm>>
      tpu.enqueue_dma source(%dma_start3A_634 : memref<80xi32, #tpu.memory_space<hbm>>) target(%dma_start3A_633 : memref<80xi32, #tpu.memory_space<vmem>>) target_semaphore(%run_scoped3A_626 : memref<!tpu.dma_semaphore, #tpu.memory_space<semaphore_mem>>)
      %dma_wait3A_635 = arith.constant 0 : i32
      %dma_wait3A_636 = tpu.memref_slice %arg6[%run_scoped3A_19, %dma_wait3A_635] : memref<9x80xi32, #tpu.memory_space<vmem>> -> memref<1x80xi32, #tpu.memory_space<vmem>>
      %dma_wait3A_637 = tpu.memref_squeeze %dma_wait3A_636 : memref<1x80xi32, #tpu.memory_space<vmem>> -> memref<80xi32, #tpu.memory_space<vmem>>
      %dma_wait3A_638 = tpu.memref_slice %arg2[%add3A_18] : memref<900000xi32, #tpu.memory_space<hbm>> -> memref<80xi32, #tpu.memory_space<hbm>>
      %dma_wait3A_639 = arith.constant 0 : i32
      %dma_wait3A_640 = tpu.memref_slice %arg6[%run_scoped3A_19, %dma_wait3A_639] : memref<9x80xi32, #tpu.memory_space<vmem>> -> memref<1x80xi32, #tpu.memory_space<vmem>>
      %dma_wait3A_641 = tpu.memref_squeeze %dma_wait3A_640 : memref<1x80xi32, #tpu.memory_space<vmem>> -> memref<80xi32, #tpu.memory_space<vmem>>
      %dma_wait3A_642 = tpu.memref_slice %arg2[%add3A_18] : memref<900000xi32, #tpu.memory_space<hbm>> -> memref<80xi32, #tpu.memory_space<hbm>>
      tpu.wait_dma2 semaphore(%run_scoped3A_626 : memref<!tpu.dma_semaphore, #tpu.memory_space<semaphore_mem>>) src(%dma_wait3A_642 : memref<80xi32, #tpu.memory_space<hbm>>) dst(%dma_wait3A_641 : memref<80xi32, #tpu.memory_space<vmem>>)
      tpu.yield
    }) : () -> ()
    %mul3A_20 = arith.constant 80 : i32
    %mul3A_21 = arith.muli %add3A, %mul3A_20 : i32
    %add3A_22 = arith.constant 400000 : i32
    %add3A_23 = arith.addi %add3A_22, %mul3A_21 : i32
    %run_scoped3A_24 = arith.constant 4 : i32
    "tpu.region"() ({
      %run_scoped3A_626 = tpu.sem_alloc : memref<!tpu.dma_semaphore, #tpu.memory_space<semaphore_mem>>
      %dma_start3A_627 = arith.constant 0 : i32
      %dma_start3A_628 = tpu.memref_slice %arg6[%run_scoped3A_24, %dma_start3A_627] : memref<9x80xi32, #tpu.memory_space<vmem>> -> memref<1x80xi32, #tpu.memory_space<vmem>>
      %dma_start3A_629 = tpu.memref_squeeze %dma_start3A_628 : memref<1x80xi32, #tpu.memory_space<vmem>> -> memref<80xi32, #tpu.memory_space<vmem>>
      %dma_start3A_630 = tpu.memref_slice %arg2[%add3A_23] : memref<900000xi32, #tpu.memory_space<hbm>> -> memref<80xi32, #tpu.memory_space<hbm>>
      %dma_start3A_631 = arith.constant 0 : i32
      %dma_start3A_632 = tpu.memref_slice %arg6[%run_scoped3A_24, %dma_start3A_631] : memref<9x80xi32, #tpu.memory_space<vmem>> -> memref<1x80xi32, #tpu.memory_space<vmem>>
      %dma_start3A_633 = tpu.memref_squeeze %dma_start3A_632 : memref<1x80xi32, #tpu.memory_space<vmem>> -> memref<80xi32, #tpu.memory_space<vmem>>
      %dma_start3A_634 = tpu.memref_slice %arg2[%add3A_23] : memref<900000xi32, #tpu.memory_space<hbm>> -> memref<80xi32, #tpu.memory_space<hbm>>
      tpu.enqueue_dma source(%dma_start3A_634 : memref<80xi32, #tpu.memory_space<hbm>>) target(%dma_start3A_633 : memref<80xi32, #tpu.memory_space<vmem>>) target_semaphore(%run_scoped3A_626 : memref<!tpu.dma_semaphore, #tpu.memory_space<semaphore_mem>>)
      %dma_wait3A_635 = arith.constant 0 : i32
      %dma_wait3A_636 = tpu.memref_slice %arg6[%run_scoped3A_24, %dma_wait3A_635] : memref<9x80xi32, #tpu.memory_space<vmem>> -> memref<1x80xi32, #tpu.memory_space<vmem>>
      %dma_wait3A_637 = tpu.memref_squeeze %dma_wait3A_636 : memref<1x80xi32, #tpu.memory_space<vmem>> -> memref<80xi32, #tpu.memory_space<vmem>>
      %dma_wait3A_638 = tpu.memref_slice %arg2[%add3A_23] : memref<900000xi32, #tpu.memory_space<hbm>> -> memref<80xi32, #tpu.memory_space<hbm>>
      %dma_wait3A_639 = arith.constant 0 : i32
      %dma_wait3A_640 = tpu.memref_slice %arg6[%run_scoped3A_24, %dma_wait3A_639] : memref<9x80xi32, #tpu.memory_space<vmem>> -> memref<1x80xi32, #tpu.memory_space<vmem>>
      %dma_wait3A_641 = tpu.memref_squeeze %dma_wait3A_640 : memref<1x80xi32, #tpu.memory_space<vmem>> -> memref<80xi32, #tpu.memory_space<vmem>>
      %dma_wait3A_642 = tpu.memref_slice %arg2[%add3A_23] : memref<900000xi32, #tpu.memory_space<hbm>> -> memref<80xi32, #tpu.memory_space<hbm>>
      tpu.wait_dma2 semaphore(%run_scoped3A_626 : memref<!tpu.dma_semaphore, #tpu.memory_space<semaphore_mem>>) src(%dma_wait3A_642 : memref<80xi32, #tpu.memory_space<hbm>>) dst(%dma_wait3A_641 : memref<80xi32, #tpu.memory_space<vmem>>)
      tpu.yield
    }) : () -> ()
    %mul3A_25 = arith.constant 80 : i32
    %mul3A_26 = arith.muli %add3A, %mul3A_25 : i32
    %add3A_27 = arith.constant 500000 : i32
    %add3A_28 = arith.addi %add3A_27, %mul3A_26 : i32
    %run_scoped3A_29 = arith.constant 5 : i32
    "tpu.region"() ({
      %run_scoped3A_626 = tpu.sem_alloc : memref<!tpu.dma_semaphore, #tpu.memory_space<semaphore_mem>>
      %dma_start3A_627 = arith.constant 0 : i32
      %dma_start3A_628 = tpu.memref_slice %arg6[%run_scoped3A_29, %dma_start3A_627] : memref<9x80xi32, #tpu.memory_space<vmem>> -> memref<1x80xi32, #tpu.memory_space<vmem>>
      %dma_start3A_629 = tpu.memref_squeeze %dma_start3A_628 : memref<1x80xi32, #tpu.memory_space<vmem>> -> memref<80xi32, #tpu.memory_space<vmem>>
      %dma_start3A_630 = tpu.memref_slice %arg2[%add3A_28] : memref<900000xi32, #tpu.memory_space<hbm>> -> memref<80xi32, #tpu.memory_space<hbm>>
      %dma_start3A_631 = arith.constant 0 : i32
      %dma_start3A_632 = tpu.memref_slice %arg6[%run_scoped3A_29, %dma_start3A_631] : memref<9x80xi32, #tpu.memory_space<vmem>> -> memref<1x80xi32, #tpu.memory_space<vmem>>
      %dma_start3A_633 = tpu.memref_squeeze %dma_start3A_632 : memref<1x80xi32, #tpu.memory_space<vmem>> -> memref<80xi32, #tpu.memory_space<vmem>>
      %dma_start3A_634 = tpu.memref_slice %arg2[%add3A_28] : memref<900000xi32, #tpu.memory_space<hbm>> -> memref<80xi32, #tpu.memory_space<hbm>>
      tpu.enqueue_dma source(%dma_start3A_634 : memref<80xi32, #tpu.memory_space<hbm>>) target(%dma_start3A_633 : memref<80xi32, #tpu.memory_space<vmem>>) target_semaphore(%run_scoped3A_626 : memref<!tpu.dma_semaphore, #tpu.memory_space<semaphore_mem>>)
      %dma_wait3A_635 = arith.constant 0 : i32
      %dma_wait3A_636 = tpu.memref_slice %arg6[%run_scoped3A_29, %dma_wait3A_635] : memref<9x80xi32, #tpu.memory_space<vmem>> -> memref<1x80xi32, #tpu.memory_space<vmem>>
      %dma_wait3A_637 = tpu.memref_squeeze %dma_wait3A_636 : memref<1x80xi32, #tpu.memory_space<vmem>> -> memref<80xi32, #tpu.memory_space<vmem>>
      %dma_wait3A_638 = tpu.memref_slice %arg2[%add3A_28] : memref<900000xi32, #tpu.memory_space<hbm>> -> memref<80xi32, #tpu.memory_space<hbm>>
      %dma_wait3A_639 = arith.constant 0 : i32
      %dma_wait3A_640 = tpu.memref_slice %arg6[%run_scoped3A_29, %dma_wait3A_639] : memref<9x80xi32, #tpu.memory_space<vmem>> -> memref<1x80xi32, #tpu.memory_space<vmem>>
      %dma_wait3A_641 = tpu.memref_squeeze %dma_wait3A_640 : memref<1x80xi32, #tpu.memory_space<vmem>> -> memref<80xi32, #tpu.memory_space<vmem>>
      %dma_wait3A_642 = tpu.memref_slice %arg2[%add3A_28] : memref<900000xi32, #tpu.memory_space<hbm>> -> memref<80xi32, #tpu.memory_space<hbm>>
      tpu.wait_dma2 semaphore(%run_scoped3A_626 : memref<!tpu.dma_semaphore, #tpu.memory_space<semaphore_mem>>) src(%dma_wait3A_642 : memref<80xi32, #tpu.memory_space<hbm>>) dst(%dma_wait3A_641 : memref<80xi32, #tpu.memory_space<vmem>>)
      tpu.yield
    }) : () -> ()
    %mul3A_30 = arith.constant 80 : i32
    %mul3A_31 = arith.muli %add3A, %mul3A_30 : i32
    %add3A_32 = arith.constant 600000 : i32
    %add3A_33 = arith.addi %add3A_32, %mul3A_31 : i32
    %run_scoped3A_34 = arith.constant 6 : i32
    "tpu.region"() ({
      %run_scoped3A_626 = tpu.sem_alloc : memref<!tpu.dma_semaphore, #tpu.memory_space<semaphore_mem>>
      %dma_start3A_627 = arith.constant 0 : i32
      %dma_start3A_628 = tpu.memref_slice %arg6[%run_scoped3A_34, %dma_start3A_627] : memref<9x80xi32, #tpu.memory_space<vmem>> -> memref<1x80xi32, #tpu.memory_space<vmem>>
      %dma_start3A_629 = tpu.memref_squeeze %dma_start3A_628 : memref<1x80xi32, #tpu.memory_space<vmem>> -> memref<80xi32, #tpu.memory_space<vmem>>
      %dma_start3A_630 = tpu.memref_slice %arg2[%add3A_33] : memref<900000xi32, #tpu.memory_space<hbm>> -> memref<80xi32, #tpu.memory_space<hbm>>
      %dma_start3A_631 = arith.constant 0 : i32
      %dma_start3A_632 = tpu.memref_slice %arg6[%run_scoped3A_34, %dma_start3A_631] : memref<9x80xi32, #tpu.memory_space<vmem>> -> memref<1x80xi32, #tpu.memory_space<vmem>>
      %dma_start3A_633 = tpu.memref_squeeze %dma_start3A_632 : memref<1x80xi32, #tpu.memory_space<vmem>> -> memref<80xi32, #tpu.memory_space<vmem>>
      %dma_start3A_634 = tpu.memref_slice %arg2[%add3A_33] : memref<900000xi32, #tpu.memory_space<hbm>> -> memref<80xi32, #tpu.memory_space<hbm>>
      tpu.enqueue_dma source(%dma_start3A_634 : memref<80xi32, #tpu.memory_space<hbm>>) target(%dma_start3A_633 : memref<80xi32, #tpu.memory_space<vmem>>) target_semaphore(%run_scoped3A_626 : memref<!tpu.dma_semaphore, #tpu.memory_space<semaphore_mem>>)
      %dma_wait3A_635 = arith.constant 0 : i32
      %dma_wait3A_636 = tpu.memref_slice %arg6[%run_scoped3A_34, %dma_wait3A_635] : memref<9x80xi32, #tpu.memory_space<vmem>> -> memref<1x80xi32, #tpu.memory_space<vmem>>
      %dma_wait3A_637 = tpu.memref_squeeze %dma_wait3A_636 : memref<1x80xi32, #tpu.memory_space<vmem>> -> memref<80xi32, #tpu.memory_space<vmem>>
      %dma_wait3A_638 = tpu.memref_slice %arg2[%add3A_33] : memref<900000xi32, #tpu.memory_space<hbm>> -> memref<80xi32, #tpu.memory_space<hbm>>
      %dma_wait3A_639 = arith.constant 0 : i32
      %dma_wait3A_640 = tpu.memref_slice %arg6[%run_scoped3A_34, %dma_wait3A_639] : memref<9x80xi32, #tpu.memory_space<vmem>> -> memref<1x80xi32, #tpu.memory_space<vmem>>
      %dma_wait3A_641 = tpu.memref_squeeze %dma_wait3A_640 : memref<1x80xi32, #tpu.memory_space<vmem>> -> memref<80xi32, #tpu.memory_space<vmem>>
      %dma_wait3A_642 = tpu.memref_slice %arg2[%add3A_33] : memref<900000xi32, #tpu.memory_space<hbm>> -> memref<80xi32, #tpu.memory_space<hbm>>
      tpu.wait_dma2 semaphore(%run_scoped3A_626 : memref<!tpu.dma_semaphore, #tpu.memory_space<semaphore_mem>>) src(%dma_wait3A_642 : memref<80xi32, #tpu.memory_space<hbm>>) dst(%dma_wait3A_641 : memref<80xi32, #tpu.memory_space<vmem>>)
      tpu.yield
    }) : () -> ()
    %mul3A_35 = arith.constant 80 : i32
    %mul3A_36 = arith.muli %add3A, %mul3A_35 : i32
    %add3A_37 = arith.constant 700000 : i32
    %add3A_38 = arith.addi %add3A_37, %mul3A_36 : i32
    %run_scoped3A_39 = arith.constant 7 : i32
    "tpu.region"() ({
      %run_scoped3A_626 = tpu.sem_alloc : memref<!tpu.dma_semaphore, #tpu.memory_space<semaphore_mem>>
      %dma_start3A_627 = arith.constant 0 : i32
      %dma_start3A_628 = tpu.memref_slice %arg6[%run_scoped3A_39, %dma_start3A_627] : memref<9x80xi32, #tpu.memory_space<vmem>> -> memref<1x80xi32, #tpu.memory_space<vmem>>
      %dma_start3A_629 = tpu.memref_squeeze %dma_start3A_628 : memref<1x80xi32, #tpu.memory_space<vmem>> -> memref<80xi32, #tpu.memory_space<vmem>>
      %dma_start3A_630 = tpu.memref_slice %arg2[%add3A_38] : memref<900000xi32, #tpu.memory_space<hbm>> -> memref<80xi32, #tpu.memory_space<hbm>>
      %dma_start3A_631 = arith.constant 0 : i32
      %dma_start3A_632 = tpu.memref_slice %arg6[%run_scoped3A_39, %dma_start3A_631] : memref<9x80xi32, #tpu.memory_space<vmem>> -> memref<1x80xi32, #tpu.memory_space<vmem>>
      %dma_start3A_633 = tpu.memref_squeeze %dma_start3A_632 : memref<1x80xi32, #tpu.memory_space<vmem>> -> memref<80xi32, #tpu.memory_space<vmem>>
      %dma_start3A_634 = tpu.memref_slice %arg2[%add3A_38] : memref<900000xi32, #tpu.memory_space<hbm>> -> memref<80xi32, #tpu.memory_space<hbm>>
      tpu.enqueue_dma source(%dma_start3A_634 : memref<80xi32, #tpu.memory_space<hbm>>) target(%dma_start3A_633 : memref<80xi32, #tpu.memory_space<vmem>>) target_semaphore(%run_scoped3A_626 : memref<!tpu.dma_semaphore, #tpu.memory_space<semaphore_mem>>)
      %dma_wait3A_635 = arith.constant 0 : i32
      %dma_wait3A_636 = tpu.memref_slice %arg6[%run_scoped3A_39, %dma_wait3A_635] : memref<9x80xi32, #tpu.memory_space<vmem>> -> memref<1x80xi32, #tpu.memory_space<vmem>>
      %dma_wait3A_637 = tpu.memref_squeeze %dma_wait3A_636 : memref<1x80xi32, #tpu.memory_space<vmem>> -> memref<80xi32, #tpu.memory_space<vmem>>
      %dma_wait3A_638 = tpu.memref_slice %arg2[%add3A_38] : memref<900000xi32, #tpu.memory_space<hbm>> -> memref<80xi32, #tpu.memory_space<hbm>>
      %dma_wait3A_639 = arith.constant 0 : i32
      %dma_wait3A_640 = tpu.memref_slice %arg6[%run_scoped3A_39, %dma_wait3A_639] : memref<9x80xi32, #tpu.memory_space<vmem>> -> memref<1x80xi32, #tpu.memory_space<vmem>>
      %dma_wait3A_641 = tpu.memref_squeeze %dma_wait3A_640 : memref<1x80xi32, #tpu.memory_space<vmem>> -> memref<80xi32, #tpu.memory_space<vmem>>
      %dma_wait3A_642 = tpu.memref_slice %arg2[%add3A_38] : memref<900000xi32, #tpu.memory_space<hbm>> -> memref<80xi32, #tpu.memory_space<hbm>>
      tpu.wait_dma2 semaphore(%run_scoped3A_626 : memref<!tpu.dma_semaphore, #tpu.memory_space<semaphore_mem>>) src(%dma_wait3A_642 : memref<80xi32, #tpu.memory_space<hbm>>) dst(%dma_wait3A_641 : memref<80xi32, #tpu.memory_space<vmem>>)
      tpu.yield
    }) : () -> ()
    %mul3A_40 = arith.constant 80 : i32
    %mul3A_41 = arith.muli %add3A, %mul3A_40 : i32
    %add3A_42 = arith.constant 800000 : i32
    %add3A_43 = arith.addi %add3A_42, %mul3A_41 : i32
    %run_scoped3A_44 = arith.constant 8 : i32
    "tpu.region"() ({
      %run_scoped3A_626 = tpu.sem_alloc : memref<!tpu.dma_semaphore, #tpu.memory_space<semaphore_mem>>
      %dma_start3A_627 = arith.constant 0 : i32
      %dma_start3A_628 = tpu.memref_slice %arg6[%run_scoped3A_44, %dma_start3A_627] : memref<9x80xi32, #tpu.memory_space<vmem>> -> memref<1x80xi32, #tpu.memory_space<vmem>>
      %dma_start3A_629 = tpu.memref_squeeze %dma_start3A_628 : memref<1x80xi32, #tpu.memory_space<vmem>> -> memref<80xi32, #tpu.memory_space<vmem>>
      %dma_start3A_630 = tpu.memref_slice %arg2[%add3A_43] : memref<900000xi32, #tpu.memory_space<hbm>> -> memref<80xi32, #tpu.memory_space<hbm>>
      %dma_start3A_631 = arith.constant 0 : i32
      %dma_start3A_632 = tpu.memref_slice %arg6[%run_scoped3A_44, %dma_start3A_631] : memref<9x80xi32, #tpu.memory_space<vmem>> -> memref<1x80xi32, #tpu.memory_space<vmem>>
      %dma_start3A_633 = tpu.memref_squeeze %dma_start3A_632 : memref<1x80xi32, #tpu.memory_space<vmem>> -> memref<80xi32, #tpu.memory_space<vmem>>
      %dma_start3A_634 = tpu.memref_slice %arg2[%add3A_43] : memref<900000xi32, #tpu.memory_space<hbm>> -> memref<80xi32, #tpu.memory_space<hbm>>
      tpu.enqueue_dma source(%dma_start3A_634 : memref<80xi32, #tpu.memory_space<hbm>>) target(%dma_start3A_633 : memref<80xi32, #tpu.memory_space<vmem>>) target_semaphore(%run_scoped3A_626 : memref<!tpu.dma_semaphore, #tpu.memory_space<semaphore_mem>>)
      %dma_wait3A_635 = arith.constant 0 : i32
      %dma_wait3A_636 = tpu.memref_slice %arg6[%run_scoped3A_44, %dma_wait3A_635] : memref<9x80xi32, #tpu.memory_space<vmem>> -> memref<1x80xi32, #tpu.memory_space<vmem>>
      %dma_wait3A_637 = tpu.memref_squeeze %dma_wait3A_636 : memref<1x80xi32, #tpu.memory_space<vmem>> -> memref<80xi32, #tpu.memory_space<vmem>>
      %dma_wait3A_638 = tpu.memref_slice %arg2[%add3A_43] : memref<900000xi32, #tpu.memory_space<hbm>> -> memref<80xi32, #tpu.memory_space<hbm>>
      %dma_wait3A_639 = arith.constant 0 : i32
      %dma_wait3A_640 = tpu.memref_slice %arg6[%run_scoped3A_44, %dma_wait3A_639] : memref<9x80xi32, #tpu.memory_space<vmem>> -> memref<1x80xi32, #tpu.memory_space<vmem>>
      %dma_wait3A_641 = tpu.memref_squeeze %dma_wait3A_640 : memref<1x80xi32, #tpu.memory_space<vmem>> -> memref<80xi32, #tpu.memory_space<vmem>>
      %dma_wait3A_642 = tpu.memref_slice %arg2[%add3A_43] : memref<900000xi32, #tpu.memory_space<hbm>> -> memref<80xi32, #tpu.memory_space<hbm>>
      tpu.wait_dma2 semaphore(%run_scoped3A_626 : memref<!tpu.dma_semaphore, #tpu.memory_space<semaphore_mem>>) src(%dma_wait3A_642 : memref<80xi32, #tpu.memory_space<hbm>>) dst(%dma_wait3A_641 : memref<80xi32, #tpu.memory_space<vmem>>)
      tpu.yield
    }) : () -> ()
    %get3A = arith.constant 0 : i32
    %get3A_45 = arith.index_cast %get3A : i32 to index
    %get3A_46 = arith.constant 0 : index
    %get3A_47 = tpu.vector_load %arg6[%get3A_45, %get3A_46] {strides = array<i32>} : memref<9x80xi32, #tpu.memory_space<vmem>>, vector<1x16xi32>,
    %get3A_48 = vector.shape_cast %get3A_47 : vector<1x16xi32> to vector<16xi32>
    %mul3A_49 = arith.constant 100 : i32
    %mul3A_50 = vector.broadcast %mul3A_49 : i32 to vector<16xi32>
    %mul3A_51 = arith.muli %get3A_48, %mul3A_50 : vector<16xi32>
    %get3A_52 = arith.constant 1 : i32
    %get3A_53 = arith.index_cast %get3A_52 : i32 to index
    %get3A_54 = arith.constant 0 : index
    %get3A_55 = tpu.vector_load %arg6[%get3A_53, %get3A_54] {strides = array<i32>} : memref<9x80xi32, #tpu.memory_space<vmem>>, vector<1x16xi32>,
    %get3A_56 = vector.shape_cast %get3A_55 : vector<1x16xi32> to vector<16xi32>
    %add3A_57 = arith.addi %mul3A_51, %get3A_56 : vector<16xi32>
    %add3A_58 = arith.constant 0 : i32
    %add3A_59 = vector.broadcast %add3A_58 : i32 to vector<16xi32>
    %add3A_60 = arith.addi %add3A_57, %add3A_59 : vector<16xi32>
    %swap3A = arith.constant 0 : i32
    %swap3A_61 = arith.index_cast %swap3A : i32 to index
    %swap3A_62 = arith.constant 0 : index
    %swap3A_63 = tpu.vector_load %arg8[%swap3A_61, %swap3A_62] {strides = array<i32>} : memref<5x80xi32, #tpu.memory_space<vmem>>, vector<1x16xi32>,
    %swap3A_64 = vector.shape_cast %swap3A_63 : vector<1x16xi32> to vector<16xi32>
    %swap3A_65 = vector.shape_cast %add3A_60 : vector<16xi32> to vector<1x16xi32>
    tpu.vector_store %arg8[%swap3A_61, %swap3A_62], %swap3A_65 {strides = array<i32>} : memref<5x80xi32, #tpu.memory_space<vmem>>, vector<1x16xi32>,
    %get3A_66 = arith.constant 2 : i32
    %get3A_67 = arith.index_cast %get3A_66 : i32 to index
    %get3A_68 = arith.constant 0 : index
    %get3A_69 = tpu.vector_load %arg6[%get3A_67, %get3A_68] {strides = array<i32>} : memref<9x80xi32, #tpu.memory_space<vmem>>, vector<1x16xi32>,
    %get3A_70 = vector.shape_cast %get3A_69 : vector<1x16xi32> to vector<16xi32>
    %mul3A_71 = arith.constant 100 : i32
    %mul3A_72 = vector.broadcast %mul3A_71 : i32 to vector<16xi32>
    %mul3A_73 = arith.muli %get3A_70, %mul3A_72 : vector<16xi32>
    %get3A_74 = arith.constant 3 : i32
    %get3A_75 = arith.index_cast %get3A_74 : i32 to index
    %get3A_76 = arith.constant 0 : index
    %get3A_77 = tpu.vector_load %arg6[%get3A_75, %get3A_76] {strides = array<i32>} : memref<9x80xi32, #tpu.memory_space<vmem>>, vector<1x16xi32>,
    %get3A_78 = vector.shape_cast %get3A_77 : vector<1x16xi32> to vector<16xi32>
    %add3A_79 = arith.addi %mul3A_73, %get3A_78 : vector<16xi32>
    %add3A_80 = arith.constant 10000 : i32
    %add3A_81 = vector.broadcast %add3A_80 : i32 to vector<16xi32>
    %add3A_82 = arith.addi %add3A_79, %add3A_81 : vector<16xi32>
    %swap3A_83 = arith.constant 1 : i32
    %swap3A_84 = arith.index_cast %swap3A_83 : i32 to index
    %swap3A_85 = arith.constant 0 : index
    %swap3A_86 = tpu.vector_load %arg8[%swap3A_84, %swap3A_85] {strides = array<i32>} : memref<5x80xi32, #tpu.memory_space<vmem>>, vector<1x16xi32>,
    %swap3A_87 = vector.shape_cast %swap3A_86 : vector<1x16xi32> to vector<16xi32>
    %swap3A_88 = vector.shape_cast %add3A_82 : vector<16xi32> to vector<1x16xi32>
    tpu.vector_store %arg8[%swap3A_84, %swap3A_85], %swap3A_88 {strides = array<i32>} : memref<5x80xi32, #tpu.memory_space<vmem>>, vector<1x16xi32>,
    %get3A_89 = arith.constant 4 : i32
    %get3A_90 = arith.index_cast %get3A_89 : i32 to index
    %get3A_91 = arith.constant 0 : index
    %get3A_92 = tpu.vector_load %arg6[%get3A_90, %get3A_91] {strides = array<i32>} : memref<9x80xi32, #tpu.memory_space<vmem>>, vector<1x16xi32>,
    %get3A_93 = vector.shape_cast %get3A_92 : vector<1x16xi32> to vector<16xi32>
    %mul3A_94 = arith.constant 100 : i32
    %mul3A_95 = vector.broadcast %mul3A_94 : i32 to vector<16xi32>
    %mul3A_96 = arith.muli %get3A_93, %mul3A_95 : vector<16xi32>
    %get3A_97 = arith.constant 5 : i32
    %get3A_98 = arith.index_cast %get3A_97 : i32 to index
    %get3A_99 = arith.constant 0 : index
    %get3A_100 = tpu.vector_load %arg6[%get3A_98, %get3A_99] {strides = array<i32>} : memref<9x80xi32, #tpu.memory_space<vmem>>, vector<1x16xi32>,
    %get3A_101 = vector.shape_cast %get3A_100 : vector<1x16xi32> to vector<16xi32>
    %add3A_102 = arith.addi %mul3A_96, %get3A_101 : vector<16xi32>
    %add3A_103 = arith.constant 20000 : i32
    %add3A_104 = vector.broadcast %add3A_103 : i32 to vector<16xi32>
    %add3A_105 = arith.addi %add3A_102, %add3A_104 : vector<16xi32>
    %swap3A_106 = arith.constant 2 : i32
    %swap3A_107 = arith.index_cast %swap3A_106 : i32 to index
    %swap3A_108 = arith.constant 0 : index
    %swap3A_109 = tpu.vector_load %arg8[%swap3A_107, %swap3A_108] {strides = array<i32>} : memref<5x80xi32, #tpu.memory_space<vmem>>, vector<1x16xi32>,
    %swap3A_110 = vector.shape_cast %swap3A_109 : vector<1x16xi32> to vector<16xi32>
    %swap3A_111 = vector.shape_cast %add3A_105 : vector<16xi32> to vector<1x16xi32>
    tpu.vector_store %arg8[%swap3A_107, %swap3A_108], %swap3A_111 {strides = array<i32>} : memref<5x80xi32, #tpu.memory_space<vmem>>, vector<1x16xi32>,
    %get3A_112 = arith.constant 6 : i32
    %get3A_113 = arith.index_cast %get3A_112 : i32 to index
    %get3A_114 = arith.constant 0 : index
    %get3A_115 = tpu.vector_load %arg6[%get3A_113, %get3A_114] {strides = array<i32>} : memref<9x80xi32, #tpu.memory_space<vmem>>, vector<1x16xi32>,
    %get3A_116 = vector.shape_cast %get3A_115 : vector<1x16xi32> to vector<16xi32>
    %mul3A_117 = arith.constant 100 : i32
    %mul3A_118 = vector.broadcast %mul3A_117 : i32 to vector<16xi32>
    %mul3A_119 = arith.muli %get3A_116, %mul3A_118 : vector<16xi32>
    %get3A_120 = arith.constant 7 : i32
    %get3A_121 = arith.index_cast %get3A_120 : i32 to index
    %get3A_122 = arith.constant 0 : index
    %get3A_123 = tpu.vector_load %arg6[%get3A_121, %get3A_122] {strides = array<i32>} : memref<9x80xi32, #tpu.memory_space<vmem>>, vector<1x16xi32>,
    %get3A_124 = vector.shape_cast %get3A_123 : vector<1x16xi32> to vector<16xi32>
    %add3A_125 = arith.addi %mul3A_119, %get3A_124 : vector<16xi32>
    %add3A_126 = arith.constant 30000 : i32
    %add3A_127 = vector.broadcast %add3A_126 : i32 to vector<16xi32>
    %add3A_128 = arith.addi %add3A_125, %add3A_127 : vector<16xi32>
    %swap3A_129 = arith.constant 3 : i32
    %swap3A_130 = arith.index_cast %swap3A_129 : i32 to index
    %swap3A_131 = arith.constant 0 : index
    %swap3A_132 = tpu.vector_load %arg8[%swap3A_130, %swap3A_131] {strides = array<i32>} : memref<5x80xi32, #tpu.memory_space<vmem>>, vector<1x16xi32>,
    %swap3A_133 = vector.shape_cast %swap3A_132 : vector<1x16xi32> to vector<16xi32>
    %swap3A_134 = vector.shape_cast %add3A_128 : vector<16xi32> to vector<1x16xi32>
    tpu.vector_store %arg8[%swap3A_130, %swap3A_131], %swap3A_134 {strides = array<i32>} : memref<5x80xi32, #tpu.memory_space<vmem>>, vector<1x16xi32>,
    %get3A_135 = arith.constant 8 : i32
    %get3A_136 = arith.index_cast %get3A_135 : i32 to index
    %get3A_137 = arith.constant 0 : index
    %get3A_138 = tpu.vector_load %arg6[%get3A_136, %get3A_137] {strides = array<i32>} : memref<9x80xi32, #tpu.memory_space<vmem>>, vector<1x16xi32>,
    %get3A_139 = vector.shape_cast %get3A_138 : vector<1x16xi32> to vector<16xi32>
    %add3A_140 = arith.constant 800 : i32
    %add3A_141 = vector.broadcast %add3A_140 : i32 to vector<16xi32>
    %add3A_142 = arith.addi %get3A_139, %add3A_141 : vector<16xi32>
    %swap3A_143 = arith.constant 4 : i32
    %swap3A_144 = arith.index_cast %swap3A_143 : i32 to index
    %swap3A_145 = arith.constant 0 : index
    %swap3A_146 = tpu.vector_load %arg8[%swap3A_144, %swap3A_145] {strides = array<i32>} : memref<5x80xi32, #tpu.memory_space<vmem>>, vector<1x16xi32>,
    %swap3A_147 = vector.shape_cast %swap3A_146 : vector<1x16xi32> to vector<16xi32>
    %swap3A_148 = vector.shape_cast %add3A_142 : vector<16xi32> to vector<1x16xi32>
    tpu.vector_store %arg8[%swap3A_144, %swap3A_145], %swap3A_148 {strides = array<i32>} : memref<5x80xi32, #tpu.memory_space<vmem>>, vector<1x16xi32>,
    %get3A_149 = arith.constant 0 : i32
    %get3A_150 = arith.index_cast %get3A_149 : i32 to index
    %get3A_151 = arith.constant 16 : index
    %get3A_152 = tpu.vector_load %arg6[%get3A_150, %get3A_151] {strides = array<i32>} : memref<9x80xi32, #tpu.memory_space<vmem>>, vector<1x16xi32>,
    %get3A_153 = vector.shape_cast %get3A_152 : vector<1x16xi32> to vector<16xi32>
    %mul3A_154 = arith.constant 100 : i32
    %mul3A_155 = vector.broadcast %mul3A_154 : i32 to vector<16xi32>
    %mul3A_156 = arith.muli %get3A_153, %mul3A_155 : vector<16xi32>
    %get3A_157 = arith.constant 1 : i32
    %get3A_158 = arith.index_cast %get3A_157 : i32 to index
    %get3A_159 = arith.constant 16 : index
    %get3A_160 = tpu.vector_load %arg6[%get3A_158, %get3A_159] {strides = array<i32>} : memref<9x80xi32, #tpu.memory_space<vmem>>, vector<1x16xi32>,
    %get3A_161 = vector.shape_cast %get3A_160 : vector<1x16xi32> to vector<16xi32>
    %add3A_162 = arith.addi %mul3A_156, %get3A_161 : vector<16xi32>
    %add3A_163 = arith.constant 0 : i32
    %add3A_164 = vector.broadcast %add3A_163 : i32 to vector<16xi32>
    %add3A_165 = arith.addi %add3A_162, %add3A_164 : vector<16xi32>
    %swap3A_166 = arith.constant 0 : i32
    %swap3A_167 = arith.index_cast %swap3A_166 : i32 to index
    %swap3A_168 = arith.constant 16 : index
    %swap3A_169 = tpu.vector_load %arg8[%swap3A_167, %swap3A_168] {strides = array<i32>} : memref<5x80xi32, #tpu.memory_space<vmem>>, vector<1x16xi32>,
    %swap3A_170 = vector.shape_cast %swap3A_169 : vector<1x16xi32> to vector<16xi32>
    %swap3A_171 = vector.shape_cast %add3A_165 : vector<16xi32> to vector<1x16xi32>
    tpu.vector_store %arg8[%swap3A_167, %swap3A_168], %swap3A_171 {strides = array<i32>} : memref<5x80xi32, #tpu.memory_space<vmem>>, vector<1x16xi32>,
    %get3A_172 = arith.constant 2 : i32
    %get3A_173 = arith.index_cast %get3A_172 : i32 to index
    %get3A_174 = arith.constant 16 : index
    %get3A_175 = tpu.vector_load %arg6[%get3A_173, %get3A_174] {strides = array<i32>} : memref<9x80xi32, #tpu.memory_space<vmem>>, vector<1x16xi32>,
    %get3A_176 = vector.shape_cast %get3A_175 : vector<1x16xi32> to vector<16xi32>
    %mul3A_177 = arith.constant 100 : i32
    %mul3A_178 = vector.broadcast %mul3A_177 : i32 to vector<16xi32>
    %mul3A_179 = arith.muli %get3A_176, %mul3A_178 : vector<16xi32>
    %get3A_180 = arith.constant 3 : i32
    %get3A_181 = arith.index_cast %get3A_180 : i32 to index
    %get3A_182 = arith.constant 16 : index
    %get3A_183 = tpu.vector_load %arg6[%get3A_181, %get3A_182] {strides = array<i32>} : memref<9x80xi32, #tpu.memory_space<vmem>>, vector<1x16xi32>,
    %get3A_184 = vector.shape_cast %get3A_183 : vector<1x16xi32> to vector<16xi32>
    %add3A_185 = arith.addi %mul3A_179, %get3A_184 : vector<16xi32>
    %add3A_186 = arith.constant 10000 : i32
    %add3A_187 = vector.broadcast %add3A_186 : i32 to vector<16xi32>
    %add3A_188 = arith.addi %add3A_185, %add3A_187 : vector<16xi32>
    %swap3A_189 = arith.constant 1 : i32
    %swap3A_190 = arith.index_cast %swap3A_189 : i32 to index
    %swap3A_191 = arith.constant 16 : index
    %swap3A_192 = tpu.vector_load %arg8[%swap3A_190, %swap3A_191] {strides = array<i32>} : memref<5x80xi32, #tpu.memory_space<vmem>>, vector<1x16xi32>,
    %swap3A_193 = vector.shape_cast %swap3A_192 : vector<1x16xi32> to vector<16xi32>
    %swap3A_194 = vector.shape_cast %add3A_188 : vector<16xi32> to vector<1x16xi32>
    tpu.vector_store %arg8[%swap3A_190, %swap3A_191], %swap3A_194 {strides = array<i32>} : memref<5x80xi32, #tpu.memory_space<vmem>>, vector<1x16xi32>,
    %get3A_195 = arith.constant 4 : i32
    %get3A_196 = arith.index_cast %get3A_195 : i32 to index
    %get3A_197 = arith.constant 16 : index
    %get3A_198 = tpu.vector_load %arg6[%get3A_196, %get3A_197] {strides = array<i32>} : memref<9x80xi32, #tpu.memory_space<vmem>>, vector<1x16xi32>,
    %get3A_199 = vector.shape_cast %get3A_198 : vector<1x16xi32> to vector<16xi32>
    %mul3A_200 = arith.constant 100 : i32
    %mul3A_201 = vector.broadcast %mul3A_200 : i32 to vector<16xi32>
    %mul3A_202 = arith.muli %get3A_199, %mul3A_201 : vector<16xi32>
    %get3A_203 = arith.constant 5 : i32
    %get3A_204 = arith.index_cast %get3A_203 : i32 to index
    %get3A_205 = arith.constant 16 : index
    %get3A_206 = tpu.vector_load %arg6[%get3A_204, %get3A_205] {strides = array<i32>} : memref<9x80xi32, #tpu.memory_space<vmem>>, vector<1x16xi32>,
    %get3A_207 = vector.shape_cast %get3A_206 : vector<1x16xi32> to vector<16xi32>
    %add3A_208 = arith.addi %mul3A_202, %get3A_207 : vector<16xi32>
    %add3A_209 = arith.constant 20000 : i32
    %add3A_210 = vector.broadcast %add3A_209 : i32 to vector<16xi32>
    %add3A_211 = arith.addi %add3A_208, %add3A_210 : vector<16xi32>
    %swap3A_212 = arith.constant 2 : i32
    %swap3A_213 = arith.index_cast %swap3A_212 : i32 to index
    %swap3A_214 = arith.constant 16 : index
    %swap3A_215 = tpu.vector_load %arg8[%swap3A_213, %swap3A_214] {strides = array<i32>} : memref<5x80xi32, #tpu.memory_space<vmem>>, vector<1x16xi32>,
    %swap3A_216 = vector.shape_cast %swap3A_215 : vector<1x16xi32> to vector<16xi32>
    %swap3A_217 = vector.shape_cast %add3A_211 : vector<16xi32> to vector<1x16xi32>
    tpu.vector_store %arg8[%swap3A_213, %swap3A_214], %swap3A_217 {strides = array<i32>} : memref<5x80xi32, #tpu.memory_space<vmem>>, vector<1x16xi32>,
    %get3A_218 = arith.constant 6 : i32
    %get3A_219 = arith.index_cast %get3A_218 : i32 to index
    %get3A_220 = arith.constant 16 : index
    %get3A_221 = tpu.vector_load %arg6[%get3A_219, %get3A_220] {strides = array<i32>} : memref<9x80xi32, #tpu.memory_space<vmem>>, vector<1x16xi32>,
    %get3A_222 = vector.shape_cast %get3A_221 : vector<1x16xi32> to vector<16xi32>
    %mul3A_223 = arith.constant 100 : i32
    %mul3A_224 = vector.broadcast %mul3A_223 : i32 to vector<16xi32>
    %mul3A_225 = arith.muli %get3A_222, %mul3A_224 : vector<16xi32>
    %get3A_226 = arith.constant 7 : i32
    %get3A_227 = arith.index_cast %get3A_226 : i32 to index
    %get3A_228 = arith.constant 16 : index
    %get3A_229 = tpu.vector_load %arg6[%get3A_227, %get3A_228] {strides = array<i32>} : memref<9x80xi32, #tpu.memory_space<vmem>>, vector<1x16xi32>,
    %get3A_230 = vector.shape_cast %get3A_229 : vector<1x16xi32> to vector<16xi32>
    %add3A_231 = arith.addi %mul3A_225, %get3A_230 : vector<16xi32>
    %add3A_232 = arith.constant 30000 : i32
    %add3A_233 = vector.broadcast %add3A_232 : i32 to vector<16xi32>
    %add3A_234 = arith.addi %add3A_231, %add3A_233 : vector<16xi32>
    %swap3A_235 = arith.constant 3 : i32
    %swap3A_236 = arith.index_cast %swap3A_235 : i32 to index
    %swap3A_237 = arith.constant 16 : index
    %swap3A_238 = tpu.vector_load %arg8[%swap3A_236, %swap3A_237] {strides = array<i32>} : memref<5x80xi32, #tpu.memory_space<vmem>>, vector<1x16xi32>,
    %swap3A_239 = vector.shape_cast %swap3A_238 : vector<1x16xi32> to vector<16xi32>
    %swap3A_240 = vector.shape_cast %add3A_234 : vector<16xi32> to vector<1x16xi32>
    tpu.vector_store %arg8[%swap3A_236, %swap3A_237], %swap3A_240 {strides = array<i32>} : memref<5x80xi32, #tpu.memory_space<vmem>>, vector<1x16xi32>,
    %get3A_241 = arith.constant 8 : i32
    %get3A_242 = arith.index_cast %get3A_241 : i32 to index
    %get3A_243 = arith.constant 16 : index
    %get3A_244 = tpu.vector_load %arg6[%get3A_242, %get3A_243] {strides = array<i32>} : memref<9x80xi32, #tpu.memory_space<vmem>>, vector<1x16xi32>,
    %get3A_245 = vector.shape_cast %get3A_244 : vector<1x16xi32> to vector<16xi32>
    %add3A_246 = arith.constant 800 : i32
    %add3A_247 = vector.broadcast %add3A_246 : i32 to vector<16xi32>
    %add3A_248 = arith.addi %get3A_245, %add3A_247 : vector<16xi32>
    %swap3A_249 = arith.constant 4 : i32
    %swap3A_250 = arith.index_cast %swap3A_249 : i32 to index
    %swap3A_251 = arith.constant 16 : index
    %swap3A_252 = tpu.vector_load %arg8[%swap3A_250, %swap3A_251] {strides = array<i32>} : memref<5x80xi32, #tpu.memory_space<vmem>>, vector<1x16xi32>,
    %swap3A_253 = vector.shape_cast %swap3A_252 : vector<1x16xi32> to vector<16xi32>
    %swap3A_254 = vector.shape_cast %add3A_248 : vector<16xi32> to vector<1x16xi32>
    tpu.vector_store %arg8[%swap3A_250, %swap3A_251], %swap3A_254 {strides = array<i32>} : memref<5x80xi32, #tpu.memory_space<vmem>>, vector<1x16xi32>,
    %get3A_255 = arith.constant 0 : i32
    %get3A_256 = arith.index_cast %get3A_255 : i32 to index
    %get3A_257 = arith.constant 32 : index
    %get3A_258 = tpu.vector_load %arg6[%get3A_256, %get3A_257] {strides = array<i32>} : memref<9x80xi32, #tpu.memory_space<vmem>>, vector<1x16xi32>,
    %get3A_259 = vector.shape_cast %get3A_258 : vector<1x16xi32> to vector<16xi32>
    %mul3A_260 = arith.constant 100 : i32
    %mul3A_261 = vector.broadcast %mul3A_260 : i32 to vector<16xi32>
    %mul3A_262 = arith.muli %get3A_259, %mul3A_261 : vector<16xi32>
    %get3A_263 = arith.constant 1 : i32
    %get3A_264 = arith.index_cast %get3A_263 : i32 to index
    %get3A_265 = arith.constant 32 : index
    %get3A_266 = tpu.vector_load %arg6[%get3A_264, %get3A_265] {strides = array<i32>} : memref<9x80xi32, #tpu.memory_space<vmem>>, vector<1x16xi32>,
    %get3A_267 = vector.shape_cast %get3A_266 : vector<1x16xi32> to vector<16xi32>
    %add3A_268 = arith.addi %mul3A_262, %get3A_267 : vector<16xi32>
    %add3A_269 = arith.constant 0 : i32
    %add3A_270 = vector.broadcast %add3A_269 : i32 to vector<16xi32>
    %add3A_271 = arith.addi %add3A_268, %add3A_270 : vector<16xi32>
    %swap3A_272 = arith.constant 0 : i32
    %swap3A_273 = arith.index_cast %swap3A_272 : i32 to index
    %swap3A_274 = arith.constant 32 : index
    %swap3A_275 = tpu.vector_load %arg8[%swap3A_273, %swap3A_274] {strides = array<i32>} : memref<5x80xi32, #tpu.memory_space<vmem>>, vector<1x16xi32>,
    %swap3A_276 = vector.shape_cast %swap3A_275 : vector<1x16xi32> to vector<16xi32>
    %swap3A_277 = vector.shape_cast %add3A_271 : vector<16xi32> to vector<1x16xi32>
    tpu.vector_store %arg8[%swap3A_273, %swap3A_274], %swap3A_277 {strides = array<i32>} : memref<5x80xi32, #tpu.memory_space<vmem>>, vector<1x16xi32>,
    %get3A_278 = arith.constant 2 : i32
    %get3A_279 = arith.index_cast %get3A_278 : i32 to index
    %get3A_280 = arith.constant 32 : index
    %get3A_281 = tpu.vector_load %arg6[%get3A_279, %get3A_280] {strides = array<i32>} : memref<9x80xi32, #tpu.memory_space<vmem>>, vector<1x16xi32>,
    %get3A_282 = vector.shape_cast %get3A_281 : vector<1x16xi32> to vector<16xi32>
    %mul3A_283 = arith.constant 100 : i32
    %mul3A_284 = vector.broadcast %mul3A_283 : i32 to vector<16xi32>
    %mul3A_285 = arith.muli %get3A_282, %mul3A_284 : vector<16xi32>
    %get3A_286 = arith.constant 3 : i32
    %get3A_287 = arith.index_cast %get3A_286 : i32 to index
    %get3A_288 = arith.constant 32 : index
    %get3A_289 = tpu.vector_load %arg6[%get3A_287, %get3A_288] {strides = array<i32>} : memref<9x80xi32, #tpu.memory_space<vmem>>, vector<1x16xi32>,
    %get3A_290 = vector.shape_cast %get3A_289 : vector<1x16xi32> to vector<16xi32>
    %add3A_291 = arith.addi %mul3A_285, %get3A_290 : vector<16xi32>
    %add3A_292 = arith.constant 10000 : i32
    %add3A_293 = vector.broadcast %add3A_292 : i32 to vector<16xi32>
    %add3A_294 = arith.addi %add3A_291, %add3A_293 : vector<16xi32>
    %swap3A_295 = arith.constant 1 : i32
    %swap3A_296 = arith.index_cast %swap3A_295 : i32 to index
    %swap3A_297 = arith.constant 32 : index
    %swap3A_298 = tpu.vector_load %arg8[%swap3A_296, %swap3A_297] {strides = array<i32>} : memref<5x80xi32, #tpu.memory_space<vmem>>, vector<1x16xi32>,
    %swap3A_299 = vector.shape_cast %swap3A_298 : vector<1x16xi32> to vector<16xi32>
    %swap3A_300 = vector.shape_cast %add3A_294 : vector<16xi32> to vector<1x16xi32>
    tpu.vector_store %arg8[%swap3A_296, %swap3A_297], %swap3A_300 {strides = array<i32>} : memref<5x80xi32, #tpu.memory_space<vmem>>, vector<1x16xi32>,
    %get3A_301 = arith.constant 4 : i32
    %get3A_302 = arith.index_cast %get3A_301 : i32 to index
    %get3A_303 = arith.constant 32 : index
    %get3A_304 = tpu.vector_load %arg6[%get3A_302, %get3A_303] {strides = array<i32>} : memref<9x80xi32, #tpu.memory_space<vmem>>, vector<1x16xi32>,
    %get3A_305 = vector.shape_cast %get3A_304 : vector<1x16xi32> to vector<16xi32>
    %mul3A_306 = arith.constant 100 : i32
    %mul3A_307 = vector.broadcast %mul3A_306 : i32 to vector<16xi32>
    %mul3A_308 = arith.muli %get3A_305, %mul3A_307 : vector<16xi32>
    %get3A_309 = arith.constant 5 : i32
    %get3A_310 = arith.index_cast %get3A_309 : i32 to index
    %get3A_311 = arith.constant 32 : index
    %get3A_312 = tpu.vector_load %arg6[%get3A_310, %get3A_311] {strides = array<i32>} : memref<9x80xi32, #tpu.memory_space<vmem>>, vector<1x16xi32>,
    %get3A_313 = vector.shape_cast %get3A_312 : vector<1x16xi32> to vector<16xi32>
    %add3A_314 = arith.addi %mul3A_308, %get3A_313 : vector<16xi32>
    %add3A_315 = arith.constant 20000 : i32
    %add3A_316 = vector.broadcast %add3A_315 : i32 to vector<16xi32>
    %add3A_317 = arith.addi %add3A_314, %add3A_316 : vector<16xi32>
    %swap3A_318 = arith.constant 2 : i32
    %swap3A_319 = arith.index_cast %swap3A_318 : i32 to index
    %swap3A_320 = arith.constant 32 : index
    %swap3A_321 = tpu.vector_load %arg8[%swap3A_319, %swap3A_320] {strides = array<i32>} : memref<5x80xi32, #tpu.memory_space<vmem>>, vector<1x16xi32>,
    %swap3A_322 = vector.shape_cast %swap3A_321 : vector<1x16xi32> to vector<16xi32>
    %swap3A_323 = vector.shape_cast %add3A_317 : vector<16xi32> to vector<1x16xi32>
    tpu.vector_store %arg8[%swap3A_319, %swap3A_320], %swap3A_323 {strides = array<i32>} : memref<5x80xi32, #tpu.memory_space<vmem>>, vector<1x16xi32>,
    %get3A_324 = arith.constant 6 : i32
    %get3A_325 = arith.index_cast %get3A_324 : i32 to index
    %get3A_326 = arith.constant 32 : index
    %get3A_327 = tpu.vector_load %arg6[%get3A_325, %get3A_326] {strides = array<i32>} : memref<9x80xi32, #tpu.memory_space<vmem>>, vector<1x16xi32>,
    %get3A_328 = vector.shape_cast %get3A_327 : vector<1x16xi32> to vector<16xi32>
    %mul3A_329 = arith.constant 100 : i32
    %mul3A_330 = vector.broadcast %mul3A_329 : i32 to vector<16xi32>
    %mul3A_331 = arith.muli %get3A_328, %mul3A_330 : vector<16xi32>
    %get3A_332 = arith.constant 7 : i32
    %get3A_333 = arith.index_cast %get3A_332 : i32 to index
    %get3A_334 = arith.constant 32 : index
    %get3A_335 = tpu.vector_load %arg6[%get3A_333, %get3A_334] {strides = array<i32>} : memref<9x80xi32, #tpu.memory_space<vmem>>, vector<1x16xi32>,
    %get3A_336 = vector.shape_cast %get3A_335 : vector<1x16xi32> to vector<16xi32>
    %add3A_337 = arith.addi %mul3A_331, %get3A_336 : vector<16xi32>
    %add3A_338 = arith.constant 30000 : i32
    %add3A_339 = vector.broadcast %add3A_338 : i32 to vector<16xi32>
    %add3A_340 = arith.addi %add3A_337, %add3A_339 : vector<16xi32>
    %swap3A_341 = arith.constant 3 : i32
    %swap3A_342 = arith.index_cast %swap3A_341 : i32 to index
    %swap3A_343 = arith.constant 32 : index
    %swap3A_344 = tpu.vector_load %arg8[%swap3A_342, %swap3A_343] {strides = array<i32>} : memref<5x80xi32, #tpu.memory_space<vmem>>, vector<1x16xi32>,
    %swap3A_345 = vector.shape_cast %swap3A_344 : vector<1x16xi32> to vector<16xi32>
    %swap3A_346 = vector.shape_cast %add3A_340 : vector<16xi32> to vector<1x16xi32>
    tpu.vector_store %arg8[%swap3A_342, %swap3A_343], %swap3A_346 {strides = array<i32>} : memref<5x80xi32, #tpu.memory_space<vmem>>, vector<1x16xi32>,
    %get3A_347 = arith.constant 8 : i32
    %get3A_348 = arith.index_cast %get3A_347 : i32 to index
    %get3A_349 = arith.constant 32 : index
    %get3A_350 = tpu.vector_load %arg6[%get3A_348, %get3A_349] {strides = array<i32>} : memref<9x80xi32, #tpu.memory_space<vmem>>, vector<1x16xi32>,
    %get3A_351 = vector.shape_cast %get3A_350 : vector<1x16xi32> to vector<16xi32>
    %add3A_352 = arith.constant 800 : i32
    %add3A_353 = vector.broadcast %add3A_352 : i32 to vector<16xi32>
    %add3A_354 = arith.addi %get3A_351, %add3A_353 : vector<16xi32>
    %swap3A_355 = arith.constant 4 : i32
    %swap3A_356 = arith.index_cast %swap3A_355 : i32 to index
    %swap3A_357 = arith.constant 32 : index
    %swap3A_358 = tpu.vector_load %arg8[%swap3A_356, %swap3A_357] {strides = array<i32>} : memref<5x80xi32, #tpu.memory_space<vmem>>, vector<1x16xi32>,
    %swap3A_359 = vector.shape_cast %swap3A_358 : vector<1x16xi32> to vector<16xi32>
    %swap3A_360 = vector.shape_cast %add3A_354 : vector<16xi32> to vector<1x16xi32>
    tpu.vector_store %arg8[%swap3A_356, %swap3A_357], %swap3A_360 {strides = array<i32>} : memref<5x80xi32, #tpu.memory_space<vmem>>, vector<1x16xi32>,
    %get3A_361 = arith.constant 0 : i32
    %get3A_362 = arith.index_cast %get3A_361 : i32 to index
    %get3A_363 = arith.constant 48 : index
    %get3A_364 = tpu.vector_load %arg6[%get3A_362, %get3A_363] {strides = array<i32>} : memref<9x80xi32, #tpu.memory_space<vmem>>, vector<1x16xi32>,
    %get3A_365 = vector.shape_cast %get3A_364 : vector<1x16xi32> to vector<16xi32>
    %mul3A_366 = arith.constant 100 : i32
    %mul3A_367 = vector.broadcast %mul3A_366 : i32 to vector<16xi32>
    %mul3A_368 = arith.muli %get3A_365, %mul3A_367 : vector<16xi32>
    %get3A_369 = arith.constant 1 : i32
    %get3A_370 = arith.index_cast %get3A_369 : i32 to index
    %get3A_371 = arith.constant 48 : index
    %get3A_372 = tpu.vector_load %arg6[%get3A_370, %get3A_371] {strides = array<i32>} : memref<9x80xi32, #tpu.memory_space<vmem>>, vector<1x16xi32>,
    %get3A_373 = vector.shape_cast %get3A_372 : vector<1x16xi32> to vector<16xi32>
    %add3A_374 = arith.addi %mul3A_368, %get3A_373 : vector<16xi32>
    %add3A_375 = arith.constant 0 : i32
    %add3A_376 = vector.broadcast %add3A_375 : i32 to vector<16xi32>
    %add3A_377 = arith.addi %add3A_374, %add3A_376 : vector<16xi32>
    %swap3A_378 = arith.constant 0 : i32
    %swap3A_379 = arith.index_cast %swap3A_378 : i32 to index
    %swap3A_380 = arith.constant 48 : index
    %swap3A_381 = tpu.vector_load %arg8[%swap3A_379, %swap3A_380] {strides = array<i32>} : memref<5x80xi32, #tpu.memory_space<vmem>>, vector<1x16xi32>,
    %swap3A_382 = vector.shape_cast %swap3A_381 : vector<1x16xi32> to vector<16xi32>
    %swap3A_383 = vector.shape_cast %add3A_377 : vector<16xi32> to vector<1x16xi32>
    tpu.vector_store %arg8[%swap3A_379, %swap3A_380], %swap3A_383 {strides = array<i32>} : memref<5x80xi32, #tpu.memory_space<vmem>>, vector<1x16xi32>,
    %get3A_384 = arith.constant 2 : i32
    %get3A_385 = arith.index_cast %get3A_384 : i32 to index
    %get3A_386 = arith.constant 48 : index
    %get3A_387 = tpu.vector_load %arg6[%get3A_385, %get3A_386] {strides = array<i32>} : memref<9x80xi32, #tpu.memory_space<vmem>>, vector<1x16xi32>,
    %get3A_388 = vector.shape_cast %get3A_387 : vector<1x16xi32> to vector<16xi32>
    %mul3A_389 = arith.constant 100 : i32
    %mul3A_390 = vector.broadcast %mul3A_389 : i32 to vector<16xi32>
    %mul3A_391 = arith.muli %get3A_388, %mul3A_390 : vector<16xi32>
    %get3A_392 = arith.constant 3 : i32
    %get3A_393 = arith.index_cast %get3A_392 : i32 to index
    %get3A_394 = arith.constant 48 : index
    %get3A_395 = tpu.vector_load %arg6[%get3A_393, %get3A_394] {strides = array<i32>} : memref<9x80xi32, #tpu.memory_space<vmem>>, vector<1x16xi32>,
    %get3A_396 = vector.shape_cast %get3A_395 : vector<1x16xi32> to vector<16xi32>
    %add3A_397 = arith.addi %mul3A_391, %get3A_396 : vector<16xi32>
    %add3A_398 = arith.constant 10000 : i32
    %add3A_399 = vector.broadcast %add3A_398 : i32 to vector<16xi32>
    %add3A_400 = arith.addi %add3A_397, %add3A_399 : vector<16xi32>
    %swap3A_401 = arith.constant 1 : i32
    %swap3A_402 = arith.index_cast %swap3A_401 : i32 to index
    %swap3A_403 = arith.constant 48 : index
    %swap3A_404 = tpu.vector_load %arg8[%swap3A_402, %swap3A_403] {strides = array<i32>} : memref<5x80xi32, #tpu.memory_space<vmem>>, vector<1x16xi32>,
    %swap3A_405 = vector.shape_cast %swap3A_404 : vector<1x16xi32> to vector<16xi32>
    %swap3A_406 = vector.shape_cast %add3A_400 : vector<16xi32> to vector<1x16xi32>
    tpu.vector_store %arg8[%swap3A_402, %swap3A_403], %swap3A_406 {strides = array<i32>} : memref<5x80xi32, #tpu.memory_space<vmem>>, vector<1x16xi32>,
    %get3A_407 = arith.constant 4 : i32
    %get3A_408 = arith.index_cast %get3A_407 : i32 to index
    %get3A_409 = arith.constant 48 : index
    %get3A_410 = tpu.vector_load %arg6[%get3A_408, %get3A_409] {strides = array<i32>} : memref<9x80xi32, #tpu.memory_space<vmem>>, vector<1x16xi32>,
    %get3A_411 = vector.shape_cast %get3A_410 : vector<1x16xi32> to vector<16xi32>
    %mul3A_412 = arith.constant 100 : i32
    %mul3A_413 = vector.broadcast %mul3A_412 : i32 to vector<16xi32>
    %mul3A_414 = arith.muli %get3A_411, %mul3A_413 : vector<16xi32>
    %get3A_415 = arith.constant 5 : i32
    %get3A_416 = arith.index_cast %get3A_415 : i32 to index
    %get3A_417 = arith.constant 48 : index
    %get3A_418 = tpu.vector_load %arg6[%get3A_416, %get3A_417] {strides = array<i32>} : memref<9x80xi32, #tpu.memory_space<vmem>>, vector<1x16xi32>,
    %get3A_419 = vector.shape_cast %get3A_418 : vector<1x16xi32> to vector<16xi32>
    %add3A_420 = arith.addi %mul3A_414, %get3A_419 : vector<16xi32>
    %add3A_421 = arith.constant 20000 : i32
    %add3A_422 = vector.broadcast %add3A_421 : i32 to vector<16xi32>
    %add3A_423 = arith.addi %add3A_420, %add3A_422 : vector<16xi32>
    %swap3A_424 = arith.constant 2 : i32
    %swap3A_425 = arith.index_cast %swap3A_424 : i32 to index
    %swap3A_426 = arith.constant 48 : index
    %swap3A_427 = tpu.vector_load %arg8[%swap3A_425, %swap3A_426] {strides = array<i32>} : memref<5x80xi32, #tpu.memory_space<vmem>>, vector<1x16xi32>,
    %swap3A_428 = vector.shape_cast %swap3A_427 : vector<1x16xi32> to vector<16xi32>
    %swap3A_429 = vector.shape_cast %add3A_423 : vector<16xi32> to vector<1x16xi32>
    tpu.vector_store %arg8[%swap3A_425, %swap3A_426], %swap3A_429 {strides = array<i32>} : memref<5x80xi32, #tpu.memory_space<vmem>>, vector<1x16xi32>,
    %get3A_430 = arith.constant 6 : i32
    %get3A_431 = arith.index_cast %get3A_430 : i32 to index
    %get3A_432 = arith.constant 48 : index
    %get3A_433 = tpu.vector_load %arg6[%get3A_431, %get3A_432] {strides = array<i32>} : memref<9x80xi32, #tpu.memory_space<vmem>>, vector<1x16xi32>,
    %get3A_434 = vector.shape_cast %get3A_433 : vector<1x16xi32> to vector<16xi32>
    %mul3A_435 = arith.constant 100 : i32
    %mul3A_436 = vector.broadcast %mul3A_435 : i32 to vector<16xi32>
    %mul3A_437 = arith.muli %get3A_434, %mul3A_436 : vector<16xi32>
    %get3A_438 = arith.constant 7 : i32
    %get3A_439 = arith.index_cast %get3A_438 : i32 to index
    %get3A_440 = arith.constant 48 : index
    %get3A_441 = tpu.vector_load %arg6[%get3A_439, %get3A_440] {strides = array<i32>} : memref<9x80xi32, #tpu.memory_space<vmem>>, vector<1x16xi32>,
    %get3A_442 = vector.shape_cast %get3A_441 : vector<1x16xi32> to vector<16xi32>
    %add3A_443 = arith.addi %mul3A_437, %get3A_442 : vector<16xi32>
    %add3A_444 = arith.constant 30000 : i32
    %add3A_445 = vector.broadcast %add3A_444 : i32 to vector<16xi32>
    %add3A_446 = arith.addi %add3A_443, %add3A_445 : vector<16xi32>
    %swap3A_447 = arith.constant 3 : i32
    %swap3A_448 = arith.index_cast %swap3A_447 : i32 to index
    %swap3A_449 = arith.constant 48 : index
    %swap3A_450 = tpu.vector_load %arg8[%swap3A_448, %swap3A_449] {strides = array<i32>} : memref<5x80xi32, #tpu.memory_space<vmem>>, vector<1x16xi32>,
    %swap3A_451 = vector.shape_cast %swap3A_450 : vector<1x16xi32> to vector<16xi32>
    %swap3A_452 = vector.shape_cast %add3A_446 : vector<16xi32> to vector<1x16xi32>
    tpu.vector_store %arg8[%swap3A_448, %swap3A_449], %swap3A_452 {strides = array<i32>} : memref<5x80xi32, #tpu.memory_space<vmem>>, vector<1x16xi32>,
    %get3A_453 = arith.constant 8 : i32
    %get3A_454 = arith.index_cast %get3A_453 : i32 to index
    %get3A_455 = arith.constant 48 : index
    %get3A_456 = tpu.vector_load %arg6[%get3A_454, %get3A_455] {strides = array<i32>} : memref<9x80xi32, #tpu.memory_space<vmem>>, vector<1x16xi32>,
    %get3A_457 = vector.shape_cast %get3A_456 : vector<1x16xi32> to vector<16xi32>
    %add3A_458 = arith.constant 800 : i32
    %add3A_459 = vector.broadcast %add3A_458 : i32 to vector<16xi32>
    %add3A_460 = arith.addi %get3A_457, %add3A_459 : vector<16xi32>
    %swap3A_461 = arith.constant 4 : i32
    %swap3A_462 = arith.index_cast %swap3A_461 : i32 to index
    %swap3A_463 = arith.constant 48 : index
    %swap3A_464 = tpu.vector_load %arg8[%swap3A_462, %swap3A_463] {strides = array<i32>} : memref<5x80xi32, #tpu.memory_space<vmem>>, vector<1x16xi32>,
    %swap3A_465 = vector.shape_cast %swap3A_464 : vector<1x16xi32> to vector<16xi32>
    %swap3A_466 = vector.shape_cast %add3A_460 : vector<16xi32> to vector<1x16xi32>
    tpu.vector_store %arg8[%swap3A_462, %swap3A_463], %swap3A_466 {strides = array<i32>} : memref<5x80xi32, #tpu.memory_space<vmem>>, vector<1x16xi32>,
    %get3A_467 = arith.constant 0 : i32
    %get3A_468 = arith.index_cast %get3A_467 : i32 to index
    %get3A_469 = arith.constant 64 : index
    %get3A_470 = tpu.vector_load %arg6[%get3A_468, %get3A_469] {strides = array<i32>} : memref<9x80xi32, #tpu.memory_space<vmem>>, vector<1x16xi32>,
    %get3A_471 = vector.shape_cast %get3A_470 : vector<1x16xi32> to vector<16xi32>
    %mul3A_472 = arith.constant 100 : i32
    %mul3A_473 = vector.broadcast %mul3A_472 : i32 to vector<16xi32>
    %mul3A_474 = arith.muli %get3A_471, %mul3A_473 : vector<16xi32>
    %get3A_475 = arith.constant 1 : i32
    %get3A_476 = arith.index_cast %get3A_475 : i32 to index
    %get3A_477 = arith.constant 64 : index
    %get3A_478 = tpu.vector_load %arg6[%get3A_476, %get3A_477] {strides = array<i32>} : memref<9x80xi32, #tpu.memory_space<vmem>>, vector<1x16xi32>,
    %get3A_479 = vector.shape_cast %get3A_478 : vector<1x16xi32> to vector<16xi32>
    %add3A_480 = arith.addi %mul3A_474, %get3A_479 : vector<16xi32>
    %add3A_481 = arith.constant 0 : i32
    %add3A_482 = vector.broadcast %add3A_481 : i32 to vector<16xi32>
    %add3A_483 = arith.addi %add3A_480, %add3A_482 : vector<16xi32>
    %swap3A_484 = arith.constant 0 : i32
    %swap3A_485 = arith.index_cast %swap3A_484 : i32 to index
    %swap3A_486 = arith.constant 64 : index
    %swap3A_487 = tpu.vector_load %arg8[%swap3A_485, %swap3A_486] {strides = array<i32>} : memref<5x80xi32, #tpu.memory_space<vmem>>, vector<1x16xi32>,
    %swap3A_488 = vector.shape_cast %swap3A_487 : vector<1x16xi32> to vector<16xi32>
    %swap3A_489 = vector.shape_cast %add3A_483 : vector<16xi32> to vector<1x16xi32>
    tpu.vector_store %arg8[%swap3A_485, %swap3A_486], %swap3A_489 {strides = array<i32>} : memref<5x80xi32, #tpu.memory_space<vmem>>, vector<1x16xi32>,
    %get3A_490 = arith.constant 2 : i32
    %get3A_491 = arith.index_cast %get3A_490 : i32 to index
    %get3A_492 = arith.constant 64 : index
    %get3A_493 = tpu.vector_load %arg6[%get3A_491, %get3A_492] {strides = array<i32>} : memref<9x80xi32, #tpu.memory_space<vmem>>, vector<1x16xi32>,
    %get3A_494 = vector.shape_cast %get3A_493 : vector<1x16xi32> to vector<16xi32>
    %mul3A_495 = arith.constant 100 : i32
    %mul3A_496 = vector.broadcast %mul3A_495 : i32 to vector<16xi32>
    %mul3A_497 = arith.muli %get3A_494, %mul3A_496 : vector<16xi32>
    %get3A_498 = arith.constant 3 : i32
    %get3A_499 = arith.index_cast %get3A_498 : i32 to index
    %get3A_500 = arith.constant 64 : index
    %get3A_501 = tpu.vector_load %arg6[%get3A_499, %get3A_500] {strides = array<i32>} : memref<9x80xi32, #tpu.memory_space<vmem>>, vector<1x16xi32>,
    %get3A_502 = vector.shape_cast %get3A_501 : vector<1x16xi32> to vector<16xi32>
    %add3A_503 = arith.addi %mul3A_497, %get3A_502 : vector<16xi32>
    %add3A_504 = arith.constant 10000 : i32
    %add3A_505 = vector.broadcast %add3A_504 : i32 to vector<16xi32>
    %add3A_506 = arith.addi %add3A_503, %add3A_505 : vector<16xi32>
    %swap3A_507 = arith.constant 1 : i32
    %swap3A_508 = arith.index_cast %swap3A_507 : i32 to index
    %swap3A_509 = arith.constant 64 : index
    %swap3A_510 = tpu.vector_load %arg8[%swap3A_508, %swap3A_509] {strides = array<i32>} : memref<5x80xi32, #tpu.memory_space<vmem>>, vector<1x16xi32>,
    %swap3A_511 = vector.shape_cast %swap3A_510 : vector<1x16xi32> to vector<16xi32>
    %swap3A_512 = vector.shape_cast %add3A_506 : vector<16xi32> to vector<1x16xi32>
    tpu.vector_store %arg8[%swap3A_508, %swap3A_509], %swap3A_512 {strides = array<i32>} : memref<5x80xi32, #tpu.memory_space<vmem>>, vector<1x16xi32>,
    %get3A_513 = arith.constant 4 : i32
    %get3A_514 = arith.index_cast %get3A_513 : i32 to index
    %get3A_515 = arith.constant 64 : index
    %get3A_516 = tpu.vector_load %arg6[%get3A_514, %get3A_515] {strides = array<i32>} : memref<9x80xi32, #tpu.memory_space<vmem>>, vector<1x16xi32>,
    %get3A_517 = vector.shape_cast %get3A_516 : vector<1x16xi32> to vector<16xi32>
    %mul3A_518 = arith.constant 100 : i32
    %mul3A_519 = vector.broadcast %mul3A_518 : i32 to vector<16xi32>
    %mul3A_520 = arith.muli %get3A_517, %mul3A_519 : vector<16xi32>
    %get3A_521 = arith.constant 5 : i32
    %get3A_522 = arith.index_cast %get3A_521 : i32 to index
    %get3A_523 = arith.constant 64 : index
    %get3A_524 = tpu.vector_load %arg6[%get3A_522, %get3A_523] {strides = array<i32>} : memref<9x80xi32, #tpu.memory_space<vmem>>, vector<1x16xi32>,
    %get3A_525 = vector.shape_cast %get3A_524 : vector<1x16xi32> to vector<16xi32>
    %add3A_526 = arith.addi %mul3A_520, %get3A_525 : vector<16xi32>
    %add3A_527 = arith.constant 20000 : i32
    %add3A_528 = vector.broadcast %add3A_527 : i32 to vector<16xi32>
    %add3A_529 = arith.addi %add3A_526, %add3A_528 : vector<16xi32>
    %swap3A_530 = arith.constant 2 : i32
    %swap3A_531 = arith.index_cast %swap3A_530 : i32 to index
    %swap3A_532 = arith.constant 64 : index
    %swap3A_533 = tpu.vector_load %arg8[%swap3A_531, %swap3A_532] {strides = array<i32>} : memref<5x80xi32, #tpu.memory_space<vmem>>, vector<1x16xi32>,
    %swap3A_534 = vector.shape_cast %swap3A_533 : vector<1x16xi32> to vector<16xi32>
    %swap3A_535 = vector.shape_cast %add3A_529 : vector<16xi32> to vector<1x16xi32>
    tpu.vector_store %arg8[%swap3A_531, %swap3A_532], %swap3A_535 {strides = array<i32>} : memref<5x80xi32, #tpu.memory_space<vmem>>, vector<1x16xi32>,
    %get3A_536 = arith.constant 6 : i32
    %get3A_537 = arith.index_cast %get3A_536 : i32 to index
    %get3A_538 = arith.constant 64 : index
    %get3A_539 = tpu.vector_load %arg6[%get3A_537, %get3A_538] {strides = array<i32>} : memref<9x80xi32, #tpu.memory_space<vmem>>, vector<1x16xi32>,
    %get3A_540 = vector.shape_cast %get3A_539 : vector<1x16xi32> to vector<16xi32>
    %mul3A_541 = arith.constant 100 : i32
    %mul3A_542 = vector.broadcast %mul3A_541 : i32 to vector<16xi32>
    %mul3A_543 = arith.muli %get3A_540, %mul3A_542 : vector<16xi32>
    %get3A_544 = arith.constant 7 : i32
    %get3A_545 = arith.index_cast %get3A_544 : i32 to index
    %get3A_546 = arith.constant 64 : index
    %get3A_547 = tpu.vector_load %arg6[%get3A_545, %get3A_546] {strides = array<i32>} : memref<9x80xi32, #tpu.memory_space<vmem>>, vector<1x16xi32>,
    %get3A_548 = vector.shape_cast %get3A_547 : vector<1x16xi32> to vector<16xi32>
    %add3A_549 = arith.addi %mul3A_543, %get3A_548 : vector<16xi32>
    %add3A_550 = arith.constant 30000 : i32
    %add3A_551 = vector.broadcast %add3A_550 : i32 to vector<16xi32>
    %add3A_552 = arith.addi %add3A_549, %add3A_551 : vector<16xi32>
    %swap3A_553 = arith.constant 3 : i32
    %swap3A_554 = arith.index_cast %swap3A_553 : i32 to index
    %swap3A_555 = arith.constant 64 : index
    %swap3A_556 = tpu.vector_load %arg8[%swap3A_554, %swap3A_555] {strides = array<i32>} : memref<5x80xi32, #tpu.memory_space<vmem>>, vector<1x16xi32>,
    %swap3A_557 = vector.shape_cast %swap3A_556 : vector<1x16xi32> to vector<16xi32>
    %swap3A_558 = vector.shape_cast %add3A_552 : vector<16xi32> to vector<1x16xi32>
    tpu.vector_store %arg8[%swap3A_554, %swap3A_555], %swap3A_558 {strides = array<i32>} : memref<5x80xi32, #tpu.memory_space<vmem>>, vector<1x16xi32>,
    %get3A_559 = arith.constant 8 : i32
    %get3A_560 = arith.index_cast %get3A_559 : i32 to index
    %get3A_561 = arith.constant 64 : index
    %get3A_562 = tpu.vector_load %arg6[%get3A_560, %get3A_561] {strides = array<i32>} : memref<9x80xi32, #tpu.memory_space<vmem>>, vector<1x16xi32>,
    %get3A_563 = vector.shape_cast %get3A_562 : vector<1x16xi32> to vector<16xi32>
    %add3A_564 = arith.constant 800 : i32
    %add3A_565 = vector.broadcast %add3A_564 : i32 to vector<16xi32>
    %add3A_566 = arith.addi %get3A_563, %add3A_565 : vector<16xi32>
    %swap3A_567 = arith.constant 4 : i32
    %swap3A_568 = arith.index_cast %swap3A_567 : i32 to index
    %swap3A_569 = arith.constant 64 : index
    %swap3A_570 = tpu.vector_load %arg8[%swap3A_568, %swap3A_569] {strides = array<i32>} : memref<5x80xi32, #tpu.memory_space<vmem>>, vector<1x16xi32>,
    %swap3A_571 = vector.shape_cast %swap3A_570 : vector<1x16xi32> to vector<16xi32>
    %swap3A_572 = vector.shape_cast %add3A_566 : vector<16xi32> to vector<1x16xi32>
    tpu.vector_store %arg8[%swap3A_568, %swap3A_569], %swap3A_572 {strides = array<i32>} : memref<5x80xi32, #tpu.memory_space<vmem>>, vector<1x16xi32>,
    %dma_start3A = arith.constant 0 : i32
    %dma_start3A_573 = arith.constant 0 : i32
    %dma_start3A_574 = tpu.memref_slice %arg8[%dma_start3A, %dma_start3A_573] : memref<5x80xi32, #tpu.memory_space<vmem>> -> memref<1x80xi32, #tpu.memory_space<vmem>>
    %dma_start3A_575 = tpu.memref_squeeze %dma_start3A_574 : memref<1x80xi32, #tpu.memory_space<vmem>> -> memref<80xi32, #tpu.memory_space<vmem>>
    %dma_start3A_576 = arith.constant 0 : i32
    %dma_start3A_577 = arith.constant 0 : i32
    %dma_start3A_578 = tpu.memref_slice %arg3[%dma_start3A_576, %dma_start3A_577] : memref<40000x128xf32, #tpu.memory_space<hbm>> -> memref<40000x128xf32, #tpu.memory_space<hbm>>
    tpu.enqueue_indirect_dma source(%dma_start3A_578 : memref<40000x128xf32, #tpu.memory_space<hbm>>) target(%arg10 : memref<80x128xf32, #tpu.memory_space<vmem>>) offsets(%dma_start3A_575 : memref<80xi32, #tpu.memory_space<vmem>>) semaphore(%arg20 : memref<!tpu.dma_semaphore, #tpu.memory_space<semaphore_mem>>)
    %dma_start3A_579 = arith.constant 1 : i32
    %dma_start3A_580 = arith.constant 0 : i32
    %dma_start3A_581 = tpu.memref_slice %arg8[%dma_start3A_579, %dma_start3A_580] : memref<5x80xi32, #tpu.memory_space<vmem>> -> memref<1x80xi32, #tpu.memory_space<vmem>>
    %dma_start3A_582 = tpu.memref_squeeze %dma_start3A_581 : memref<1x80xi32, #tpu.memory_space<vmem>> -> memref<80xi32, #tpu.memory_space<vmem>>
    %dma_start3A_583 = arith.constant 0 : i32
    %dma_start3A_584 = arith.constant 0 : i32
    %dma_start3A_585 = tpu.memref_slice %arg3[%dma_start3A_583, %dma_start3A_584] : memref<40000x128xf32, #tpu.memory_space<hbm>> -> memref<40000x128xf32, #tpu.memory_space<hbm>>
    tpu.enqueue_indirect_dma source(%dma_start3A_585 : memref<40000x128xf32, #tpu.memory_space<hbm>>) target(%arg12 : memref<80x128xf32, #tpu.memory_space<vmem>>) offsets(%dma_start3A_582 : memref<80xi32, #tpu.memory_space<vmem>>) semaphore(%arg22 : memref<!tpu.dma_semaphore, #tpu.memory_space<semaphore_mem>>)
    %dma_start3A_586 = arith.constant 2 : i32
    %dma_start3A_587 = arith.constant 0 : i32
    %dma_start3A_588 = tpu.memref_slice %arg8[%dma_start3A_586, %dma_start3A_587] : memref<5x80xi32, #tpu.memory_space<vmem>> -> memref<1x80xi32, #tpu.memory_space<vmem>>
    %dma_start3A_589 = tpu.memref_squeeze %dma_start3A_588 : memref<1x80xi32, #tpu.memory_space<vmem>> -> memref<80xi32, #tpu.memory_space<vmem>>
    %dma_start3A_590 = arith.constant 0 : i32
    %dma_start3A_591 = arith.constant 0 : i32
    %dma_start3A_592 = tpu.memref_slice %arg3[%dma_start3A_590, %dma_start3A_591] : memref<40000x128xf32, #tpu.memory_space<hbm>> -> memref<40000x128xf32, #tpu.memory_space<hbm>>
    tpu.enqueue_indirect_dma source(%dma_start3A_592 : memref<40000x128xf32, #tpu.memory_space<hbm>>) target(%arg13 : memref<80x128xf32, #tpu.memory_space<vmem>>) offsets(%dma_start3A_589 : memref<80xi32, #tpu.memory_space<vmem>>) semaphore(%arg22 : memref<!tpu.dma_semaphore, #tpu.memory_space<semaphore_mem>>)
    %dma_start3A_593 = arith.constant 3 : i32
    %dma_start3A_594 = arith.constant 0 : i32
    %dma_start3A_595 = tpu.memref_slice %arg8[%dma_start3A_593, %dma_start3A_594] : memref<5x80xi32, #tpu.memory_space<vmem>> -> memref<1x80xi32, #tpu.memory_space<vmem>>
    %dma_start3A_596 = tpu.memref_squeeze %dma_start3A_595 : memref<1x80xi32, #tpu.memory_space<vmem>> -> memref<80xi32, #tpu.memory_space<vmem>>
    %dma_start3A_597 = arith.constant 0 : i32
    %dma_start3A_598 = arith.constant 0 : i32
    %dma_start3A_599 = tpu.memref_slice %arg3[%dma_start3A_597, %dma_start3A_598] : memref<40000x128xf32, #tpu.memory_space<hbm>> -> memref<40000x128xf32, #tpu.memory_space<hbm>>
    tpu.enqueue_indirect_dma source(%dma_start3A_599 : memref<40000x128xf32, #tpu.memory_space<hbm>>) target(%arg14 : memref<80x128xf32, #tpu.memory_space<vmem>>) offsets(%dma_start3A_596 : memref<80xi32, #tpu.memory_space<vmem>>) semaphore(%arg22 : memref<!tpu.dma_semaphore, #tpu.memory_space<semaphore_mem>>)
    %dma_start3A_600 = arith.constant 4 : i32
    %dma_start3A_601 = arith.constant 0 : i32
    %dma_start3A_602 = tpu.memref_slice %arg8[%dma_start3A_600, %dma_start3A_601] : memref<5x80xi32, #tpu.memory_space<vmem>> -> memref<1x80xi32, #tpu.memory_space<vmem>>
    %dma_start3A_603 = tpu.memref_squeeze %dma_start3A_602 : memref<1x80xi32, #tpu.memory_space<vmem>> -> memref<80xi32, #tpu.memory_space<vmem>>
    %dma_start3A_604 = arith.constant 0 : i32
    %dma_start3A_605 = arith.constant 0 : i32
    %dma_start3A_606 = tpu.memref_slice %arg4[%dma_start3A_604, %dma_start3A_605] : memref<900x128xf32, #tpu.memory_space<hbm>> -> memref<900x128xf32, #tpu.memory_space<hbm>>
    tpu.enqueue_indirect_dma source(%dma_start3A_606 : memref<900x128xf32, #tpu.memory_space<hbm>>) target(%arg15 : memref<80x128xf32, #tpu.memory_space<vmem>>) offsets(%dma_start3A_603 : memref<80xi32, #tpu.memory_space<vmem>>) semaphore(%arg22 : memref<!tpu.dma_semaphore, #tpu.memory_space<semaphore_mem>>)
    %scan3A = arith.constant 0 : i32
    %scan3A_607 = arith.constant 0 : i32
    %scan3A_608 = arith.constant 20 : i32
    %scan3A_609 = arith.addi %scan3A_607, %scan3A_608 : i32
    %scan3A_610 = arith.constant 1 : i32
    %scan3A_611 = scf.for %scan3A_626 = %scan3A_607 to %scan3A_609 step %scan3A_610 iter_args(%scan3A_627 = %scan3A) -> (i32)  : i32 {
      %mul3A_628 = arith.constant 2 : i32
      %mul3A_629 = arith.muli %mul3A_628, %scan3A_626 : i32
      %mul3A_630 = arith.constant 32 : i32
      %mul3A_631 = arith.muli %mul3A_629, %mul3A_630 : i32
      %add3A_632 = arith.addi %mul3A_631, %add3A : i32
      %lt3A = arith.constant 1250 : i32
      %lt3A_633 = arith.cmpi slt, %add3A_632, %lt3A : i32
      %convert_element_type3A = arith.extui %lt3A_633 : i1 to i32
      %cond3A = arith.constant 0 : i32
      %cond3A_634 = arith.cmpi ne, %convert_element_type3A, %cond3A : i32
      scf.if %cond3A_634 {
        %add3A_648 = arith.constant 32 : i32
        %add3A_649 = arith.addi %add3A_632, %add3A_648 : i32
        %lt3A_650 = arith.constant 1250 : i32
        %lt3A_651 = arith.cmpi slt, %add3A_649, %lt3A_650 : i32
        %convert_element_type3A_652 = arith.extui %lt3A_651 : i1 to i32
        %cond3A_653 = arith.constant 0 : i32
        %cond3A_654 = arith.cmpi ne, %convert_element_type3A_652, %cond3A_653 : i32
        scf.if %cond3A_654 {
          %mul3A_701 = arith.constant 80 : i32
          %mul3A_702 = arith.muli %add3A_649, %mul3A_701 : i32
          %add3A_703 = arith.constant 0 : i32
          %add3A_704 = arith.addi %add3A_703, %mul3A_702 : i32
          %dma_start3A_705 = arith.constant 0 : i32
          %dma_start3A_706 = arith.constant 0 : i32
          %dma_start3A_707 = tpu.memref_slice %arg7[%dma_start3A_705, %dma_start3A_706] : memref<9x80xi32, #tpu.memory_space<vmem>> -> memref<1x80xi32, #tpu.memory_space<vmem>>
          %dma_start3A_708 = tpu.memref_squeeze %dma_start3A_707 : memref<1x80xi32, #tpu.memory_space<vmem>> -> memref<80xi32, #tpu.memory_space<vmem>>
          %dma_start3A_709 = tpu.memref_slice %arg2[%add3A_704] : memref<900000xi32, #tpu.memory_space<hbm>> -> memref<80xi32, #tpu.memory_space<hbm>>
          %dma_start3A_710 = arith.constant 0 : i32
          %dma_start3A_711 = tpu.memref_slice %arg7[%dma_start3A_705, %dma_start3A_710] : memref<9x80xi32, #tpu.memory_space<vmem>> -> memref<1x80xi32, #tpu.memory_space<vmem>>
          %dma_start3A_712 = tpu.memref_squeeze %dma_start3A_711 : memref<1x80xi32, #tpu.memory_space<vmem>> -> memref<80xi32, #tpu.memory_space<vmem>>
          %dma_start3A_713 = tpu.memref_slice %arg2[%add3A_704] : memref<900000xi32, #tpu.memory_space<hbm>> -> memref<80xi32, #tpu.memory_space<hbm>>
          tpu.enqueue_dma source(%dma_start3A_713 : memref<80xi32, #tpu.memory_space<hbm>>) target(%dma_start3A_712 : memref<80xi32, #tpu.memory_space<vmem>>) target_semaphore(%arg27 : memref<!tpu.dma_semaphore, #tpu.memory_space<semaphore_mem>>)
          %mul3A_714 = arith.constant 80 : i32
          %mul3A_715 = arith.muli %add3A_649, %mul3A_714 : i32
          %add3A_716 = arith.constant 100000 : i32
          %add3A_717 = arith.addi %add3A_716, %mul3A_715 : i32
          %dma_start3A_718 = arith.constant 1 : i32
          %dma_start3A_719 = arith.constant 0 : i32
          %dma_start3A_720 = tpu.memref_slice %arg7[%dma_start3A_718, %dma_start3A_719] : memref<9x80xi32, #tpu.memory_space<vmem>> -> memref<1x80xi32, #tpu.memory_space<vmem>>
          %dma_start3A_721 = tpu.memref_squeeze %dma_start3A_720 : memref<1x80xi32, #tpu.memory_space<vmem>> -> memref<80xi32, #tpu.memory_space<vmem>>
          %dma_start3A_722 = tpu.memref_slice %arg2[%add3A_717] : memref<900000xi32, #tpu.memory_space<hbm>> -> memref<80xi32, #tpu.memory_space<hbm>>
          %dma_start3A_723 = arith.constant 0 : i32
          %dma_start3A_724 = tpu.memref_slice %arg7[%dma_start3A_718, %dma_start3A_723] : memref<9x80xi32, #tpu.memory_space<vmem>> -> memref<1x80xi32, #tpu.memory_space<vmem>>
          %dma_start3A_725 = tpu.memref_squeeze %dma_start3A_724 : memref<1x80xi32, #tpu.memory_space<vmem>> -> memref<80xi32, #tpu.memory_space<vmem>>
          %dma_start3A_726 = tpu.memref_slice %arg2[%add3A_717] : memref<900000xi32, #tpu.memory_space<hbm>> -> memref<80xi32, #tpu.memory_space<hbm>>
          tpu.enqueue_dma source(%dma_start3A_726 : memref<80xi32, #tpu.memory_space<hbm>>) target(%dma_start3A_725 : memref<80xi32, #tpu.memory_space<vmem>>) target_semaphore(%arg27 : memref<!tpu.dma_semaphore, #tpu.memory_space<semaphore_mem>>)
          %mul3A_727 = arith.constant 80 : i32
          %mul3A_728 = arith.muli %add3A_649, %mul3A_727 : i32
          %add3A_729 = arith.constant 200000 : i32
          %add3A_730 = arith.addi %add3A_729, %mul3A_728 : i32
          %dma_start3A_731 = arith.constant 2 : i32
          %dma_start3A_732 = arith.constant 0 : i32
          %dma_start3A_733 = tpu.memref_slice %arg7[%dma_start3A_731, %dma_start3A_732] : memref<9x80xi32, #tpu.memory_space<vmem>> -> memref<1x80xi32, #tpu.memory_space<vmem>>
          %dma_start3A_734 = tpu.memref_squeeze %dma_start3A_733 : memref<1x80xi32, #tpu.memory_space<vmem>> -> memref<80xi32, #tpu.memory_space<vmem>>
          %dma_start3A_735 = tpu.memref_slice %arg2[%add3A_730] : memref<900000xi32, #tpu.memory_space<hbm>> -> memref<80xi32, #tpu.memory_space<hbm>>
          %dma_start3A_736 = arith.constant 0 : i32
          %dma_start3A_737 = tpu.memref_slice %arg7[%dma_start3A_731, %dma_start3A_736] : memref<9x80xi32, #tpu.memory_space<vmem>> -> memref<1x80xi32, #tpu.memory_space<vmem>>
          %dma_start3A_738 = tpu.memref_squeeze %dma_start3A_737 : memref<1x80xi32, #tpu.memory_space<vmem>> -> memref<80xi32, #tpu.memory_space<vmem>>
          %dma_start3A_739 = tpu.memref_slice %arg2[%add3A_730] : memref<900000xi32, #tpu.memory_space<hbm>> -> memref<80xi32, #tpu.memory_space<hbm>>
          tpu.enqueue_dma source(%dma_start3A_739 : memref<80xi32, #tpu.memory_space<hbm>>) target(%dma_start3A_738 : memref<80xi32, #tpu.memory_space<vmem>>) target_semaphore(%arg27 : memref<!tpu.dma_semaphore, #tpu.memory_space<semaphore_mem>>)
          %mul3A_740 = arith.constant 80 : i32
          %mul3A_741 = arith.muli %add3A_649, %mul3A_740 : i32
          %add3A_742 = arith.constant 300000 : i32
          %add3A_743 = arith.addi %add3A_742, %mul3A_741 : i32
          %dma_start3A_744 = arith.constant 3 : i32
          %dma_start3A_745 = arith.constant 0 : i32
          %dma_start3A_746 = tpu.memref_slice %arg7[%dma_start3A_744, %dma_start3A_745] : memref<9x80xi32, #tpu.memory_space<vmem>> -> memref<1x80xi32, #tpu.memory_space<vmem>>
          %dma_start3A_747 = tpu.memref_squeeze %dma_start3A_746 : memref<1x80xi32, #tpu.memory_space<vmem>> -> memref<80xi32, #tpu.memory_space<vmem>>
          %dma_start3A_748 = tpu.memref_slice %arg2[%add3A_743] : memref<900000xi32, #tpu.memory_space<hbm>> -> memref<80xi32, #tpu.memory_space<hbm>>
          %dma_start3A_749 = arith.constant 0 : i32
          %dma_start3A_750 = tpu.memref_slice %arg7[%dma_start3A_744, %dma_start3A_749] : memref<9x80xi32, #tpu.memory_space<vmem>> -> memref<1x80xi32, #tpu.memory_space<vmem>>
          %dma_start3A_751 = tpu.memref_squeeze %dma_start3A_750 : memref<1x80xi32, #tpu.memory_space<vmem>> -> memref<80xi32, #tpu.memory_space<vmem>>
          %dma_start3A_752 = tpu.memref_slice %arg2[%add3A_743] : memref<900000xi32, #tpu.memory_space<hbm>> -> memref<80xi32, #tpu.memory_space<hbm>>
          tpu.enqueue_dma source(%dma_start3A_752 : memref<80xi32, #tpu.memory_space<hbm>>) target(%dma_start3A_751 : memref<80xi32, #tpu.memory_space<vmem>>) target_semaphore(%arg27 : memref<!tpu.dma_semaphore, #tpu.memory_space<semaphore_mem>>)
          %mul3A_753 = arith.constant 80 : i32
          %mul3A_754 = arith.muli %add3A_649, %mul3A_753 : i32
          %add3A_755 = arith.constant 400000 : i32
          %add3A_756 = arith.addi %add3A_755, %mul3A_754 : i32
          %dma_start3A_757 = arith.constant 4 : i32
          %dma_start3A_758 = arith.constant 0 : i32
          %dma_start3A_759 = tpu.memref_slice %arg7[%dma_start3A_757, %dma_start3A_758] : memref<9x80xi32, #tpu.memory_space<vmem>> -> memref<1x80xi32, #tpu.memory_space<vmem>>
          %dma_start3A_760 = tpu.memref_squeeze %dma_start3A_759 : memref<1x80xi32, #tpu.memory_space<vmem>> -> memref<80xi32, #tpu.memory_space<vmem>>
          %dma_start3A_761 = tpu.memref_slice %arg2[%add3A_756] : memref<900000xi32, #tpu.memory_space<hbm>> -> memref<80xi32, #tpu.memory_space<hbm>>
          %dma_start3A_762 = arith.constant 0 : i32
          %dma_start3A_763 = tpu.memref_slice %arg7[%dma_start3A_757, %dma_start3A_762] : memref<9x80xi32, #tpu.memory_space<vmem>> -> memref<1x80xi32, #tpu.memory_space<vmem>>
          %dma_start3A_764 = tpu.memref_squeeze %dma_start3A_763 : memref<1x80xi32, #tpu.memory_space<vmem>> -> memref<80xi32, #tpu.memory_space<vmem>>
          %dma_start3A_765 = tpu.memref_slice %arg2[%add3A_756] : memref<900000xi32, #tpu.memory_space<hbm>> -> memref<80xi32, #tpu.memory_space<hbm>>
          tpu.enqueue_dma source(%dma_start3A_765 : memref<80xi32, #tpu.memory_space<hbm>>) target(%dma_start3A_764 : memref<80xi32, #tpu.memory_space<vmem>>) target_semaphore(%arg27 : memref<!tpu.dma_semaphore, #tpu.memory_space<semaphore_mem>>)
          %mul3A_766 = arith.constant 80 : i32
          %mul3A_767 = arith.muli %add3A_649, %mul3A_766 : i32
          %add3A_768 = arith.constant 500000 : i32
          %add3A_769 = arith.addi %add3A_768, %mul3A_767 : i32
          %dma_start3A_770 = arith.constant 5 : i32
          %dma_start3A_771 = arith.constant 0 : i32
          %dma_start3A_772 = tpu.memref_slice %arg7[%dma_start3A_770, %dma_start3A_771] : memref<9x80xi32, #tpu.memory_space<vmem>> -> memref<1x80xi32, #tpu.memory_space<vmem>>
          %dma_start3A_773 = tpu.memref_squeeze %dma_start3A_772 : memref<1x80xi32, #tpu.memory_space<vmem>> -> memref<80xi32, #tpu.memory_space<vmem>>
          %dma_start3A_774 = tpu.memref_slice %arg2[%add3A_769] : memref<900000xi32, #tpu.memory_space<hbm>> -> memref<80xi32, #tpu.memory_space<hbm>>
          %dma_start3A_775 = arith.constant 0 : i32
          %dma_start3A_776 = tpu.memref_slice %arg7[%dma_start3A_770, %dma_start3A_775] : memref<9x80xi32, #tpu.memory_space<vmem>> -> memref<1x80xi32, #tpu.memory_space<vmem>>
          %dma_start3A_777 = tpu.memref_squeeze %dma_start3A_776 : memref<1x80xi32, #tpu.memory_space<vmem>> -> memref<80xi32, #tpu.memory_space<vmem>>
          %dma_start3A_778 = tpu.memref_slice %arg2[%add3A_769] : memref<900000xi32, #tpu.memory_space<hbm>> -> memref<80xi32, #tpu.memory_space<hbm>>
          tpu.enqueue_dma source(%dma_start3A_778 : memref<80xi32, #tpu.memory_space<hbm>>) target(%dma_start3A_777 : memref<80xi32, #tpu.memory_space<vmem>>) target_semaphore(%arg27 : memref<!tpu.dma_semaphore, #tpu.memory_space<semaphore_mem>>)
          %mul3A_779 = arith.constant 80 : i32
          %mul3A_780 = arith.muli %add3A_649, %mul3A_779 : i32
          %add3A_781 = arith.constant 600000 : i32
          %add3A_782 = arith.addi %add3A_781, %mul3A_780 : i32
          %dma_start3A_783 = arith.constant 6 : i32
          %dma_start3A_784 = arith.constant 0 : i32
          %dma_start3A_785 = tpu.memref_slice %arg7[%dma_start3A_783, %dma_start3A_784] : memref<9x80xi32, #tpu.memory_space<vmem>> -> memref<1x80xi32, #tpu.memory_space<vmem>>
          %dma_start3A_786 = tpu.memref_squeeze %dma_start3A_785 : memref<1x80xi32, #tpu.memory_space<vmem>> -> memref<80xi32, #tpu.memory_space<vmem>>
          %dma_start3A_787 = tpu.memref_slice %arg2[%add3A_782] : memref<900000xi32, #tpu.memory_space<hbm>> -> memref<80xi32, #tpu.memory_space<hbm>>
          %dma_start3A_788 = arith.constant 0 : i32
          %dma_start3A_789 = tpu.memref_slice %arg7[%dma_start3A_783, %dma_start3A_788] : memref<9x80xi32, #tpu.memory_space<vmem>> -> memref<1x80xi32, #tpu.memory_space<vmem>>
          %dma_start3A_790 = tpu.memref_squeeze %dma_start3A_789 : memref<1x80xi32, #tpu.memory_space<vmem>> -> memref<80xi32, #tpu.memory_space<vmem>>
          %dma_start3A_791 = tpu.memref_slice %arg2[%add3A_782] : memref<900000xi32, #tpu.memory_space<hbm>> -> memref<80xi32, #tpu.memory_space<hbm>>
          tpu.enqueue_dma source(%dma_start3A_791 : memref<80xi32, #tpu.memory_space<hbm>>) target(%dma_start3A_790 : memref<80xi32, #tpu.memory_space<vmem>>) target_semaphore(%arg27 : memref<!tpu.dma_semaphore, #tpu.memory_space<semaphore_mem>>)
          %mul3A_792 = arith.constant 80 : i32
          %mul3A_793 = arith.muli %add3A_649, %mul3A_792 : i32
          %add3A_794 = arith.constant 700000 : i32
          %add3A_795 = arith.addi %add3A_794, %mul3A_793 : i32
          %dma_start3A_796 = arith.constant 7 : i32
          %dma_start3A_797 = arith.constant 0 : i32
          %dma_start3A_798 = tpu.memref_slice %arg7[%dma_start3A_796, %dma_start3A_797] : memref<9x80xi32, #tpu.memory_space<vmem>> -> memref<1x80xi32, #tpu.memory_space<vmem>>
          %dma_start3A_799 = tpu.memref_squeeze %dma_start3A_798 : memref<1x80xi32, #tpu.memory_space<vmem>> -> memref<80xi32, #tpu.memory_space<vmem>>
          %dma_start3A_800 = tpu.memref_slice %arg2[%add3A_795] : memref<900000xi32, #tpu.memory_space<hbm>> -> memref<80xi32, #tpu.memory_space<hbm>>
          %dma_start3A_801 = arith.constant 0 : i32
          %dma_start3A_802 = tpu.memref_slice %arg7[%dma_start3A_796, %dma_start3A_801] : memref<9x80xi32, #tpu.memory_space<vmem>> -> memref<1x80xi32, #tpu.memory_space<vmem>>
          %dma_start3A_803 = tpu.memref_squeeze %dma_start3A_802 : memref<1x80xi32, #tpu.memory_space<vmem>> -> memref<80xi32, #tpu.memory_space<vmem>>
          %dma_start3A_804 = tpu.memref_slice %arg2[%add3A_795] : memref<900000xi32, #tpu.memory_space<hbm>> -> memref<80xi32, #tpu.memory_space<hbm>>
          tpu.enqueue_dma source(%dma_start3A_804 : memref<80xi32, #tpu.memory_space<hbm>>) target(%dma_start3A_803 : memref<80xi32, #tpu.memory_space<vmem>>) target_semaphore(%arg27 : memref<!tpu.dma_semaphore, #tpu.memory_space<semaphore_mem>>)
          %mul3A_805 = arith.constant 80 : i32
          %mul3A_806 = arith.muli %add3A_649, %mul3A_805 : i32
          %add3A_807 = arith.constant 800000 : i32
          %add3A_808 = arith.addi %add3A_807, %mul3A_806 : i32
          %dma_start3A_809 = arith.constant 8 : i32
          %dma_start3A_810 = arith.constant 0 : i32
          %dma_start3A_811 = tpu.memref_slice %arg7[%dma_start3A_809, %dma_start3A_810] : memref<9x80xi32, #tpu.memory_space<vmem>> -> memref<1x80xi32, #tpu.memory_space<vmem>>
          %dma_start3A_812 = tpu.memref_squeeze %dma_start3A_811 : memref<1x80xi32, #tpu.memory_space<vmem>> -> memref<80xi32, #tpu.memory_space<vmem>>
          %dma_start3A_813 = tpu.memref_slice %arg2[%add3A_808] : memref<900000xi32, #tpu.memory_space<hbm>> -> memref<80xi32, #tpu.memory_space<hbm>>
          %dma_start3A_814 = arith.constant 0 : i32
          %dma_start3A_815 = tpu.memref_slice %arg7[%dma_start3A_809, %dma_start3A_814] : memref<9x80xi32, #tpu.memory_space<vmem>> -> memref<1x80xi32, #tpu.memory_space<vmem>>
          %dma_start3A_816 = tpu.memref_squeeze %dma_start3A_815 : memref<1x80xi32, #tpu.memory_space<vmem>> -> memref<80xi32, #tpu.memory_space<vmem>>
          %dma_start3A_817 = tpu.memref_slice %arg2[%add3A_808] : memref<900000xi32, #tpu.memory_space<hbm>> -> memref<80xi32, #tpu.memory_space<hbm>>
          tpu.enqueue_dma source(%dma_start3A_817 : memref<80xi32, #tpu.memory_space<hbm>>) target(%dma_start3A_816 : memref<80xi32, #tpu.memory_space<vmem>>) target_semaphore(%arg27 : memref<!tpu.dma_semaphore, #tpu.memory_space<semaphore_mem>>)
        } else {
        }
        %dma_wait3A_655 = arith.constant 0 : i32
        %dma_wait3A_656 = arith.constant 0 : i32
        %dma_wait3A_657 = tpu.memref_slice %arg8[%dma_wait3A_655, %dma_wait3A_656] : memref<5x80xi32, #tpu.memory_space<vmem>> -> memref<1x80xi32, #tpu.memory_space<vmem>>
        %dma_wait3A_658 = tpu.memref_squeeze %dma_wait3A_657 : memref<1x80xi32, #tpu.memory_space<vmem>> -> memref<80xi32, #tpu.memory_space<vmem>>
        %dma_wait3A_659 = arith.constant 0 : i32
        %dma_wait3A_660 = arith.constant 0 : i32
        %dma_wait3A_661 = tpu.memref_slice %arg4[%dma_wait3A_659, %dma_wait3A_660] : memref<900x128xf32, #tpu.memory_space<hbm>> -> memref<900x128xf32, #tpu.memory_space<hbm>>
        tpu.wait_indirect_dma semaphore(%arg20 : memref<!tpu.dma_semaphore, #tpu.memory_space<semaphore_mem>>) src(%dma_wait3A_661 : memref<900x128xf32, #tpu.memory_space<hbm>>) dst(%arg10 : memref<80x128xf32, #tpu.memory_space<vmem>>)
        %dma_wait3A_662 = arith.constant 0 : i32
        %dma_wait3A_663 = arith.constant 0 : i32
        %dma_wait3A_664 = tpu.memref_slice %arg8[%dma_wait3A_662, %dma_wait3A_663] : memref<5x80xi32, #tpu.memory_space<vmem>> -> memref<1x80xi32, #tpu.memory_space<vmem>>
        %dma_wait3A_665 = tpu.memref_squeeze %dma_wait3A_664 : memref<1x80xi32, #tpu.memory_space<vmem>> -> memref<80xi32, #tpu.memory_space<vmem>>
        %dma_wait3A_666 = arith.constant 0 : i32
        %dma_wait3A_667 = arith.constant 0 : i32
        %dma_wait3A_668 = tpu.memref_slice %arg4[%dma_wait3A_666, %dma_wait3A_667] : memref<900x128xf32, #tpu.memory_space<hbm>> -> memref<900x128xf32, #tpu.memory_space<hbm>>
        tpu.wait_indirect_dma semaphore(%arg22 : memref<!tpu.dma_semaphore, #tpu.memory_space<semaphore_mem>>) src(%dma_wait3A_668 : memref<900x128xf32, #tpu.memory_space<hbm>>) dst(%arg12 : memref<80x128xf32, #tpu.memory_space<vmem>>)
        %dma_wait3A_669 = arith.constant 0 : i32
        %dma_wait3A_670 = arith.constant 0 : i32
        %dma_wait3A_671 = tpu.memref_slice %arg8[%dma_wait3A_669, %dma_wait3A_670] : memref<5x80xi32, #tpu.memory_space<vmem>> -> memref<1x80xi32, #tpu.memory_space<vmem>>
        %dma_wait3A_672 = tpu.memref_squeeze %dma_wait3A_671 : memref<1x80xi32, #tpu.memory_space<vmem>> -> memref<80xi32, #tpu.memory_space<vmem>>
        %dma_wait3A_673 = arith.constant 0 : i32
        %dma_wait3A_674 = arith.constant 0 : i32
        %dma_wait3A_675 = tpu.memref_slice %arg4[%dma_wait3A_673, %dma_wait3A_674] : memref<900x128xf32, #tpu.memory_space<hbm>> -> memref<900x128xf32, #tpu.memory_space<hbm>>
        tpu.wait_indirect_dma semaphore(%arg22 : memref<!tpu.dma_semaphore, #tpu.memory_space<semaphore_mem>>) src(%dma_wait3A_675 : memref<900x128xf32, #tpu.memory_space<hbm>>) dst(%arg12 : memref<80x128xf32, #tpu.memory_space<vmem>>)
        %dma_wait3A_676 = arith.constant 0 : i32
        %dma_wait3A_677 = arith.constant 0 : i32
        %dma_wait3A_678 = tpu.memref_slice %arg8[%dma_wait3A_676, %dma_wait3A_677] : memref<5x80xi32, #tpu.memory_space<vmem>> -> memref<1x80xi32, #tpu.memory_space<vmem>>
        %dma_wait3A_679 = tpu.memref_squeeze %dma_wait3A_678 : memref<1x80xi32, #tpu.memory_space<vmem>> -> memref<80xi32, #tpu.memory_space<vmem>>
        %dma_wait3A_680 = arith.constant 0 : i32
        %dma_wait3A_681 = arith.constant 0 : i32
        %dma_wait3A_682 = tpu.memref_slice %arg4[%dma_wait3A_680, %dma_wait3A_681] : memref<900x128xf32, #tpu.memory_space<hbm>> -> memref<900x128xf32, #tpu.memory_space<hbm>>
        tpu.wait_indirect_dma semaphore(%arg22 : memref<!tpu.dma_semaphore, #tpu.memory_space<semaphore_mem>>) src(%dma_wait3A_682 : memref<900x128xf32, #tpu.memory_space<hbm>>) dst(%arg12 : memref<80x128xf32, #tpu.memory_space<vmem>>)
        %dma_wait3A_683 = arith.constant 0 : i32
        %dma_wait3A_684 = arith.constant 0 : i32
        %dma_wait3A_685 = tpu.memref_slice %arg8[%dma_wait3A_683, %dma_wait3A_684] : memref<5x80xi32, #tpu.memory_space<vmem>> -> memref<1x80xi32, #tpu.memory_space<vmem>>
        %dma_wait3A_686 = tpu.memref_squeeze %dma_wait3A_685 : memref<1x80xi32, #tpu.memory_space<vmem>> -> memref<80xi32, #tpu.memory_space<vmem>>
        %dma_wait3A_687 = arith.constant 0 : i32
        %dma_wait3A_688 = arith.constant 0 : i32
        %dma_wait3A_689 = tpu.memref_slice %arg4[%dma_wait3A_687, %dma_wait3A_688] : memref<900x128xf32, #tpu.memory_space<hbm>> -> memref<900x128xf32, #tpu.memory_space<hbm>>
        tpu.wait_indirect_dma semaphore(%arg22 : memref<!tpu.dma_semaphore, #tpu.memory_space<semaphore_mem>>) src(%dma_wait3A_689 : memref<900x128xf32, #tpu.memory_space<hbm>>) dst(%arg12 : memref<80x128xf32, #tpu.memory_space<vmem>>)
        %convert_element_type3A_690 = arith.extui %lt3A_651 : i1 to i32
        %cond3A_691 = arith.constant 0 : i32
        %cond3A_692 = arith.cmpi ne, %convert_element_type3A_690, %cond3A_691 : i32
        scf.if %cond3A_692 {
          %dma_wait3A_701 = arith.constant 0 : i32
          %dma_wait3A_702 = arith.constant 0 : i32
          %dma_wait3A_703 = tpu.memref_slice %arg7[%dma_wait3A_701, %dma_wait3A_702] : memref<9x80xi32, #tpu.memory_space<vmem>> -> memref<1x80xi32, #tpu.memory_space<vmem>>
          %dma_wait3A_704 = tpu.memref_squeeze %dma_wait3A_703 : memref<1x80xi32, #tpu.memory_space<vmem>> -> memref<80xi32, #tpu.memory_space<vmem>>
          %dma_wait3A_705 = arith.constant 0 : i32
          %dma_wait3A_706 = tpu.memref_slice %arg2[%dma_wait3A_705] : memref<900000xi32, #tpu.memory_space<hbm>> -> memref<80xi32, #tpu.memory_space<hbm>>
          %dma_wait3A_707 = arith.constant 0 : i32
          %dma_wait3A_708 = tpu.memref_slice %arg7[%dma_wait3A_701, %dma_wait3A_707] : memref<9x80xi32, #tpu.memory_space<vmem>> -> memref<1x80xi32, #tpu.memory_space<vmem>>
          %dma_wait3A_709 = tpu.memref_squeeze %dma_wait3A_708 : memref<1x80xi32, #tpu.memory_space<vmem>> -> memref<80xi32, #tpu.memory_space<vmem>>
          %dma_wait3A_710 = arith.constant 0 : i32
          %dma_wait3A_711 = tpu.memref_slice %arg2[%dma_wait3A_710] : memref<900000xi32, #tpu.memory_space<hbm>> -> memref<80xi32, #tpu.memory_space<hbm>>
          tpu.wait_dma2 semaphore(%arg27 : memref<!tpu.dma_semaphore, #tpu.memory_space<semaphore_mem>>) src(%dma_wait3A_711 : memref<80xi32, #tpu.memory_space<hbm>>) dst(%dma_wait3A_709 : memref<80xi32, #tpu.memory_space<vmem>>)
          %dma_wait3A_712 = arith.constant 1 : i32
          %dma_wait3A_713 = arith.constant 0 : i32
          %dma_wait3A_714 = tpu.memref_slice %arg7[%dma_wait3A_712, %dma_wait3A_713] : memref<9x80xi32, #tpu.memory_space<vmem>> -> memref<1x80xi32, #tpu.memory_space<vmem>>
          %dma_wait3A_715 = tpu.memref_squeeze %dma_wait3A_714 : memref<1x80xi32, #tpu.memory_space<vmem>> -> memref<80xi32, #tpu.memory_space<vmem>>
          %dma_wait3A_716 = arith.constant 0 : i32
          %dma_wait3A_717 = tpu.memref_slice %arg2[%dma_wait3A_716] : memref<900000xi32, #tpu.memory_space<hbm>> -> memref<80xi32, #tpu.memory_space<hbm>>
          %dma_wait3A_718 = arith.constant 0 : i32
          %dma_wait3A_719 = tpu.memref_slice %arg7[%dma_wait3A_712, %dma_wait3A_718] : memref<9x80xi32, #tpu.memory_space<vmem>> -> memref<1x80xi32, #tpu.memory_space<vmem>>
          %dma_wait3A_720 = tpu.memref_squeeze %dma_wait3A_719 : memref<1x80xi32, #tpu.memory_space<vmem>> -> memref<80xi32, #tpu.memory_space<vmem>>
          %dma_wait3A_721 = arith.constant 0 : i32
          %dma_wait3A_722 = tpu.memref_slice %arg2[%dma_wait3A_721] : memref<900000xi32, #tpu.memory_space<hbm>> -> memref<80xi32, #tpu.memory_space<hbm>>
          tpu.wait_dma2 semaphore(%arg27 : memref<!tpu.dma_semaphore, #tpu.memory_space<semaphore_mem>>) src(%dma_wait3A_722 : memref<80xi32, #tpu.memory_space<hbm>>) dst(%dma_wait3A_720 : memref<80xi32, #tpu.memory_space<vmem>>)
          %dma_wait3A_723 = arith.constant 2 : i32
          %dma_wait3A_724 = arith.constant 0 : i32
          %dma_wait3A_725 = tpu.memref_slice %arg7[%dma_wait3A_723, %dma_wait3A_724] : memref<9x80xi32, #tpu.memory_space<vmem>> -> memref<1x80xi32, #tpu.memory_space<vmem>>
          %dma_wait3A_726 = tpu.memref_squeeze %dma_wait3A_725 : memref<1x80xi32, #tpu.memory_space<vmem>> -> memref<80xi32, #tpu.memory_space<vmem>>
          %dma_wait3A_727 = arith.constant 0 : i32
          %dma_wait3A_728 = tpu.memref_slice %arg2[%dma_wait3A_727] : memref<900000xi32, #tpu.memory_space<hbm>> -> memref<80xi32, #tpu.memory_space<hbm>>
          %dma_wait3A_729 = arith.constant 0 : i32
          %dma_wait3A_730 = tpu.memref_slice %arg7[%dma_wait3A_723, %dma_wait3A_729] : memref<9x80xi32, #tpu.memory_space<vmem>> -> memref<1x80xi32, #tpu.memory_space<vmem>>
          %dma_wait3A_731 = tpu.memref_squeeze %dma_wait3A_730 : memref<1x80xi32, #tpu.memory_space<vmem>> -> memref<80xi32, #tpu.memory_space<vmem>>
          %dma_wait3A_732 = arith.constant 0 : i32
          %dma_wait3A_733 = tpu.memref_slice %arg2[%dma_wait3A_732] : memref<900000xi32, #tpu.memory_space<hbm>> -> memref<80xi32, #tpu.memory_space<hbm>>
          tpu.wait_dma2 semaphore(%arg27 : memref<!tpu.dma_semaphore, #tpu.memory_space<semaphore_mem>>) src(%dma_wait3A_733 : memref<80xi32, #tpu.memory_space<hbm>>) dst(%dma_wait3A_731 : memref<80xi32, #tpu.memory_space<vmem>>)
          %dma_wait3A_734 = arith.constant 3 : i32
          %dma_wait3A_735 = arith.constant 0 : i32
          %dma_wait3A_736 = tpu.memref_slice %arg7[%dma_wait3A_734, %dma_wait3A_735] : memref<9x80xi32, #tpu.memory_space<vmem>> -> memref<1x80xi32, #tpu.memory_space<vmem>>
          %dma_wait3A_737 = tpu.memref_squeeze %dma_wait3A_736 : memref<1x80xi32, #tpu.memory_space<vmem>> -> memref<80xi32, #tpu.memory_space<vmem>>
          %dma_wait3A_738 = arith.constant 0 : i32
          %dma_wait3A_739 = tpu.memref_slice %arg2[%dma_wait3A_738] : memref<900000xi32, #tpu.memory_space<hbm>> -> memref<80xi32, #tpu.memory_space<hbm>>
          %dma_wait3A_740 = arith.constant 0 : i32
          %dma_wait3A_741 = tpu.memref_slice %arg7[%dma_wait3A_734, %dma_wait3A_740] : memref<9x80xi32, #tpu.memory_space<vmem>> -> memref<1x80xi32, #tpu.memory_space<vmem>>
          %dma_wait3A_742 = tpu.memref_squeeze %dma_wait3A_741 : memref<1x80xi32, #tpu.memory_space<vmem>> -> memref<80xi32, #tpu.memory_space<vmem>>
          %dma_wait3A_743 = arith.constant 0 : i32
          %dma_wait3A_744 = tpu.memref_slice %arg2[%dma_wait3A_743] : memref<900000xi32, #tpu.memory_space<hbm>> -> memref<80xi32, #tpu.memory_space<hbm>>
          tpu.wait_dma2 semaphore(%arg27 : memref<!tpu.dma_semaphore, #tpu.memory_space<semaphore_mem>>) src(%dma_wait3A_744 : memref<80xi32, #tpu.memory_space<hbm>>) dst(%dma_wait3A_742 : memref<80xi32, #tpu.memory_space<vmem>>)
          %dma_wait3A_745 = arith.constant 4 : i32
          %dma_wait3A_746 = arith.constant 0 : i32
          %dma_wait3A_747 = tpu.memref_slice %arg7[%dma_wait3A_745, %dma_wait3A_746] : memref<9x80xi32, #tpu.memory_space<vmem>> -> memref<1x80xi32, #tpu.memory_space<vmem>>
          %dma_wait3A_748 = tpu.memref_squeeze %dma_wait3A_747 : memref<1x80xi32, #tpu.memory_space<vmem>> -> memref<80xi32, #tpu.memory_space<vmem>>
          %dma_wait3A_749 = arith.constant 0 : i32
          %dma_wait3A_750 = tpu.memref_slice %arg2[%dma_wait3A_749] : memref<900000xi32, #tpu.memory_space<hbm>> -> memref<80xi32, #tpu.memory_space<hbm>>
          %dma_wait3A_751 = arith.constant 0 : i32
          %dma_wait3A_752 = tpu.memref_slice %arg7[%dma_wait3A_745, %dma_wait3A_751] : memref<9x80xi32, #tpu.memory_space<vmem>> -> memref<1x80xi32, #tpu.memory_space<vmem>>
          %dma_wait3A_753 = tpu.memref_squeeze %dma_wait3A_752 : memref<1x80xi32, #tpu.memory_space<vmem>> -> memref<80xi32, #tpu.memory_space<vmem>>
          %dma_wait3A_754 = arith.constant 0 : i32
          %dma_wait3A_755 = tpu.memref_slice %arg2[%dma_wait3A_754] : memref<900000xi32, #tpu.memory_space<hbm>> -> memref<80xi32, #tpu.memory_space<hbm>>
          tpu.wait_dma2 semaphore(%arg27 : memref<!tpu.dma_semaphore, #tpu.memory_space<semaphore_mem>>) src(%dma_wait3A_755 : memref<80xi32, #tpu.memory_space<hbm>>) dst(%dma_wait3A_753 : memref<80xi32, #tpu.memory_space<vmem>>)
          %dma_wait3A_756 = arith.constant 5 : i32
          %dma_wait3A_757 = arith.constant 0 : i32
          %dma_wait3A_758 = tpu.memref_slice %arg7[%dma_wait3A_756, %dma_wait3A_757] : memref<9x80xi32, #tpu.memory_space<vmem>> -> memref<1x80xi32, #tpu.memory_space<vmem>>
          %dma_wait3A_759 = tpu.memref_squeeze %dma_wait3A_758 : memref<1x80xi32, #tpu.memory_space<vmem>> -> memref<80xi32, #tpu.memory_space<vmem>>
          %dma_wait3A_760 = arith.constant 0 : i32
          %dma_wait3A_761 = tpu.memref_slice %arg2[%dma_wait3A_760] : memref<900000xi32, #tpu.memory_space<hbm>> -> memref<80xi32, #tpu.memory_space<hbm>>
          %dma_wait3A_762 = arith.constant 0 : i32
          %dma_wait3A_763 = tpu.memref_slice %arg7[%dma_wait3A_756, %dma_wait3A_762] : memref<9x80xi32, #tpu.memory_space<vmem>> -> memref<1x80xi32, #tpu.memory_space<vmem>>
          %dma_wait3A_764 = tpu.memref_squeeze %dma_wait3A_763 : memref<1x80xi32, #tpu.memory_space<vmem>> -> memref<80xi32, #tpu.memory_space<vmem>>
          %dma_wait3A_765 = arith.constant 0 : i32
          %dma_wait3A_766 = tpu.memref_slice %arg2[%dma_wait3A_765] : memref<900000xi32, #tpu.memory_space<hbm>> -> memref<80xi32, #tpu.memory_space<hbm>>
          tpu.wait_dma2 semaphore(%arg27 : memref<!tpu.dma_semaphore, #tpu.memory_space<semaphore_mem>>) src(%dma_wait3A_766 : memref<80xi32, #tpu.memory_space<hbm>>) dst(%dma_wait3A_764 : memref<80xi32, #tpu.memory_space<vmem>>)
          %dma_wait3A_767 = arith.constant 6 : i32
          %dma_wait3A_768 = arith.constant 0 : i32
          %dma_wait3A_769 = tpu.memref_slice %arg7[%dma_wait3A_767, %dma_wait3A_768] : memref<9x80xi32, #tpu.memory_space<vmem>> -> memref<1x80xi32, #tpu.memory_space<vmem>>
          %dma_wait3A_770 = tpu.memref_squeeze %dma_wait3A_769 : memref<1x80xi32, #tpu.memory_space<vmem>> -> memref<80xi32, #tpu.memory_space<vmem>>
          %dma_wait3A_771 = arith.constant 0 : i32
          %dma_wait3A_772 = tpu.memref_slice %arg2[%dma_wait3A_771] : memref<900000xi32, #tpu.memory_space<hbm>> -> memref<80xi32, #tpu.memory_space<hbm>>
          %dma_wait3A_773 = arith.constant 0 : i32
          %dma_wait3A_774 = tpu.memref_slice %arg7[%dma_wait3A_767, %dma_wait3A_773] : memref<9x80xi32, #tpu.memory_space<vmem>> -> memref<1x80xi32, #tpu.memory_space<vmem>>
          %dma_wait3A_775 = tpu.memref_squeeze %dma_wait3A_774 : memref<1x80xi32, #tpu.memory_space<vmem>> -> memref<80xi32, #tpu.memory_space<vmem>>
          %dma_wait3A_776 = arith.constant 0 : i32
          %dma_wait3A_777 = tpu.memref_slice %arg2[%dma_wait3A_776] : memref<900000xi32, #tpu.memory_space<hbm>> -> memref<80xi32, #tpu.memory_space<hbm>>
          tpu.wait_dma2 semaphore(%arg27 : memref<!tpu.dma_semaphore, #tpu.memory_space<semaphore_mem>>) src(%dma_wait3A_777 : memref<80xi32, #tpu.memory_space<hbm>>) dst(%dma_wait3A_775 : memref<80xi32, #tpu.memory_space<vmem>>)
          %dma_wait3A_778 = arith.constant 7 : i32
          %dma_wait3A_779 = arith.constant 0 : i32
          %dma_wait3A_780 = tpu.memref_slice %arg7[%dma_wait3A_778, %dma_wait3A_779] : memref<9x80xi32, #tpu.memory_space<vmem>> -> memref<1x80xi32, #tpu.memory_space<vmem>>
          %dma_wait3A_781 = tpu.memref_squeeze %dma_wait3A_780 : memref<1x80xi32, #tpu.memory_space<vmem>> -> memref<80xi32, #tpu.memory_space<vmem>>
          %dma_wait3A_782 = arith.constant 0 : i32
          %dma_wait3A_783 = tpu.memref_slice %arg2[%dma_wait3A_782] : memref<900000xi32, #tpu.memory_space<hbm>> -> memref<80xi32, #tpu.memory_space<hbm>>
          %dma_wait3A_784 = arith.constant 0 : i32
          %dma_wait3A_785 = tpu.memref_slice %arg7[%dma_wait3A_778, %dma_wait3A_784] : memref<9x80xi32, #tpu.memory_space<vmem>> -> memref<1x80xi32, #tpu.memory_space<vmem>>
          %dma_wait3A_786 = tpu.memref_squeeze %dma_wait3A_785 : memref<1x80xi32, #tpu.memory_space<vmem>> -> memref<80xi32, #tpu.memory_space<vmem>>
          %dma_wait3A_787 = arith.constant 0 : i32
          %dma_wait3A_788 = tpu.memref_slice %arg2[%dma_wait3A_787] : memref<900000xi32, #tpu.memory_space<hbm>> -> memref<80xi32, #tpu.memory_space<hbm>>
          tpu.wait_dma2 semaphore(%arg27 : memref<!tpu.dma_semaphore, #tpu.memory_space<semaphore_mem>>) src(%dma_wait3A_788 : memref<80xi32, #tpu.memory_space<hbm>>) dst(%dma_wait3A_786 : memref<80xi32, #tpu.memory_space<vmem>>)
          %dma_wait3A_789 = arith.constant 8 : i32
          %dma_wait3A_790 = arith.constant 0 : i32
          %dma_wait3A_791 = tpu.memref_slice %arg7[%dma_wait3A_789, %dma_wait3A_790] : memref<9x80xi32, #tpu.memory_space<vmem>> -> memref<1x80xi32, #tpu.memory_space<vmem>>
          %dma_wait3A_792 = tpu.memref_squeeze %dma_wait3A_791 : memref<1x80xi32, #tpu.memory_space<vmem>> -> memref<80xi32, #tpu.memory_space<vmem>>
          %dma_wait3A_793 = arith.constant 0 : i32
          %dma_wait3A_794 = tpu.memref_slice %arg2[%dma_wait3A_793] : memref<900000xi32, #tpu.memory_space<hbm>> -> memref<80xi32, #tpu.memory_space<hbm>>
          %dma_wait3A_795 = arith.constant 0 : i32
          %dma_wait3A_796 = tpu.memref_slice %arg7[%dma_wait3A_789, %dma_wait3A_795] : memref<9x80xi32, #tpu.memory_space<vmem>> -> memref<1x80xi32, #tpu.memory_space<vmem>>
          %dma_wait3A_797 = tpu.memref_squeeze %dma_wait3A_796 : memref<1x80xi32, #tpu.memory_space<vmem>> -> memref<80xi32, #tpu.memory_space<vmem>>
          %dma_wait3A_798 = arith.constant 0 : i32
          %dma_wait3A_799 = tpu.memref_slice %arg2[%dma_wait3A_798] : memref<900000xi32, #tpu.memory_space<hbm>> -> memref<80xi32, #tpu.memory_space<hbm>>
          tpu.wait_dma2 semaphore(%arg27 : memref<!tpu.dma_semaphore, #tpu.memory_space<semaphore_mem>>) src(%dma_wait3A_799 : memref<80xi32, #tpu.memory_space<hbm>>) dst(%dma_wait3A_797 : memref<80xi32, #tpu.memory_space<vmem>>)
          %get3A_800 = arith.constant 0 : i32
          %get3A_801 = arith.index_cast %get3A_800 : i32 to index
          %get3A_802 = arith.constant 0 : index
          %get3A_803 = tpu.vector_load %arg7[%get3A_801, %get3A_802] {strides = array<i32>} : memref<9x80xi32, #tpu.memory_space<vmem>>, vector<1x16xi32>,
          %get3A_804 = vector.shape_cast %get3A_803 : vector<1x16xi32> to vector<16xi32>
          %mul3A_805 = arith.constant 100 : i32
          %mul3A_806 = vector.broadcast %mul3A_805 : i32 to vector<16xi32>
          %mul3A_807 = arith.muli %get3A_804, %mul3A_806 : vector<16xi32>
          %get3A_808 = arith.constant 1 : i32
          %get3A_809 = arith.index_cast %get3A_808 : i32 to index
          %get3A_810 = arith.constant 0 : index
          %get3A_811 = tpu.vector_load %arg7[%get3A_809, %get3A_810] {strides = array<i32>} : memref<9x80xi32, #tpu.memory_space<vmem>>, vector<1x16xi32>,
          %get3A_812 = vector.shape_cast %get3A_811 : vector<1x16xi32> to vector<16xi32>
          %add3A_813 = arith.addi %mul3A_807, %get3A_812 : vector<16xi32>
          %add3A_814 = arith.constant 0 : i32
          %add3A_815 = vector.broadcast %add3A_814 : i32 to vector<16xi32>
          %add3A_816 = arith.addi %add3A_813, %add3A_815 : vector<16xi32>
          %swap3A_817 = arith.constant 0 : i32
          %swap3A_818 = arith.index_cast %swap3A_817 : i32 to index
          %swap3A_819 = arith.constant 0 : index
          %swap3A_820 = tpu.vector_load %arg9[%swap3A_818, %swap3A_819] {strides = array<i32>} : memref<5x80xi32, #tpu.memory_space<vmem>>, vector<1x16xi32>,
          %swap3A_821 = vector.shape_cast %swap3A_820 : vector<1x16xi32> to vector<16xi32>
          %swap3A_822 = vector.shape_cast %add3A_816 : vector<16xi32> to vector<1x16xi32>
          tpu.vector_store %arg9[%swap3A_818, %swap3A_819], %swap3A_822 {strides = array<i32>} : memref<5x80xi32, #tpu.memory_space<vmem>>, vector<1x16xi32>,
          %get3A_823 = arith.constant 2 : i32
          %get3A_824 = arith.index_cast %get3A_823 : i32 to index
          %get3A_825 = arith.constant 0 : index
          %get3A_826 = tpu.vector_load %arg7[%get3A_824, %get3A_825] {strides = array<i32>} : memref<9x80xi32, #tpu.memory_space<vmem>>, vector<1x16xi32>,
          %get3A_827 = vector.shape_cast %get3A_826 : vector<1x16xi32> to vector<16xi32>
          %mul3A_828 = arith.constant 100 : i32
          %mul3A_829 = vector.broadcast %mul3A_828 : i32 to vector<16xi32>
          %mul3A_830 = arith.muli %get3A_827, %mul3A_829 : vector<16xi32>
          %get3A_831 = arith.constant 3 : i32
          %get3A_832 = arith.index_cast %get3A_831 : i32 to index
          %get3A_833 = arith.constant 0 : index
          %get3A_834 = tpu.vector_load %arg7[%get3A_832, %get3A_833] {strides = array<i32>} : memref<9x80xi32, #tpu.memory_space<vmem>>, vector<1x16xi32>,
          %get3A_835 = vector.shape_cast %get3A_834 : vector<1x16xi32> to vector<16xi32>
          %add3A_836 = arith.addi %mul3A_830, %get3A_835 : vector<16xi32>
          %add3A_837 = arith.constant 10000 : i32
          %add3A_838 = vector.broadcast %add3A_837 : i32 to vector<16xi32>
          %add3A_839 = arith.addi %add3A_836, %add3A_838 : vector<16xi32>
          %swap3A_840 = arith.constant 1 : i32
          %swap3A_841 = arith.index_cast %swap3A_840 : i32 to index
          %swap3A_842 = arith.constant 0 : index
          %swap3A_843 = tpu.vector_load %arg9[%swap3A_841, %swap3A_842] {strides = array<i32>} : memref<5x80xi32, #tpu.memory_space<vmem>>, vector<1x16xi32>,
          %swap3A_844 = vector.shape_cast %swap3A_843 : vector<1x16xi32> to vector<16xi32>
          %swap3A_845 = vector.shape_cast %add3A_839 : vector<16xi32> to vector<1x16xi32>
          tpu.vector_store %arg9[%swap3A_841, %swap3A_842], %swap3A_845 {strides = array<i32>} : memref<5x80xi32, #tpu.memory_space<vmem>>, vector<1x16xi32>,
          %get3A_846 = arith.constant 4 : i32
          %get3A_847 = arith.index_cast %get3A_846 : i32 to index
          %get3A_848 = arith.constant 0 : index
          %get3A_849 = tpu.vector_load %arg7[%get3A_847, %get3A_848] {strides = array<i32>} : memref<9x80xi32, #tpu.memory_space<vmem>>, vector<1x16xi32>,
          %get3A_850 = vector.shape_cast %get3A_849 : vector<1x16xi32> to vector<16xi32>
          %mul3A_851 = arith.constant 100 : i32
          %mul3A_852 = vector.broadcast %mul3A_851 : i32 to vector<16xi32>
          %mul3A_853 = arith.muli %get3A_850, %mul3A_852 : vector<16xi32>
          %get3A_854 = arith.constant 5 : i32
          %get3A_855 = arith.index_cast %get3A_854 : i32 to index
          %get3A_856 = arith.constant 0 : index
          %get3A_857 = tpu.vector_load %arg7[%get3A_855, %get3A_856] {strides = array<i32>} : memref<9x80xi32, #tpu.memory_space<vmem>>, vector<1x16xi32>,
          %get3A_858 = vector.shape_cast %get3A_857 : vector<1x16xi32> to vector<16xi32>
          %add3A_859 = arith.addi %mul3A_853, %get3A_858 : vector<16xi32>
          %add3A_860 = arith.constant 20000 : i32
          %add3A_861 = vector.broadcast %add3A_860 : i32 to vector<16xi32>
          %add3A_862 = arith.addi %add3A_859, %add3A_861 : vector<16xi32>
          %swap3A_863 = arith.constant 2 : i32
          %swap3A_864 = arith.index_cast %swap3A_863 : i32 to index
          %swap3A_865 = arith.constant 0 : index
          %swap3A_866 = tpu.vector_load %arg9[%swap3A_864, %swap3A_865] {strides = array<i32>} : memref<5x80xi32, #tpu.memory_space<vmem>>, vector<1x16xi32>,
          %swap3A_867 = vector.shape_cast %swap3A_866 : vector<1x16xi32> to vector<16xi32>
          %swap3A_868 = vector.shape_cast %add3A_862 : vector<16xi32> to vector<1x16xi32>
          tpu.vector_store %arg9[%swap3A_864, %swap3A_865], %swap3A_868 {strides = array<i32>} : memref<5x80xi32, #tpu.memory_space<vmem>>, vector<1x16xi32>,
          %get3A_869 = arith.constant 6 : i32
          %get3A_870 = arith.index_cast %get3A_869 : i32 to index
          %get3A_871 = arith.constant 0 : index
          %get3A_872 = tpu.vector_load %arg7[%get3A_870, %get3A_871] {strides = array<i32>} : memref<9x80xi32, #tpu.memory_space<vmem>>, vector<1x16xi32>,
          %get3A_873 = vector.shape_cast %get3A_872 : vector<1x16xi32> to vector<16xi32>
          %mul3A_874 = arith.constant 100 : i32
          %mul3A_875 = vector.broadcast %mul3A_874 : i32 to vector<16xi32>
          %mul3A_876 = arith.muli %get3A_873, %mul3A_875 : vector<16xi32>
          %get3A_877 = arith.constant 7 : i32
          %get3A_878 = arith.index_cast %get3A_877 : i32 to index
          %get3A_879 = arith.constant 0 : index
          %get3A_880 = tpu.vector_load %arg7[%get3A_878, %get3A_879] {strides = array<i32>} : memref<9x80xi32, #tpu.memory_space<vmem>>, vector<1x16xi32>,
          %get3A_881 = vector.shape_cast %get3A_880 : vector<1x16xi32> to vector<16xi32>
          %add3A_882 = arith.addi %mul3A_876, %get3A_881 : vector<16xi32>
          %add3A_883 = arith.constant 30000 : i32
          %add3A_884 = vector.broadcast %add3A_883 : i32 to vector<16xi32>
          %add3A_885 = arith.addi %add3A_882, %add3A_884 : vector<16xi32>
          %swap3A_886 = arith.constant 3 : i32
          %swap3A_887 = arith.index_cast %swap3A_886 : i32 to index
          %swap3A_888 = arith.constant 0 : index
          %swap3A_889 = tpu.vector_load %arg9[%swap3A_887, %swap3A_888] {strides = array<i32>} : memref<5x80xi32, #tpu.memory_space<vmem>>, vector<1x16xi32>,
          %swap3A_890 = vector.shape_cast %swap3A_889 : vector<1x16xi32> to vector<16xi32>
          %swap3A_891 = vector.shape_cast %add3A_885 : vector<16xi32> to vector<1x16xi32>
          tpu.vector_store %arg9[%swap3A_887, %swap3A_888], %swap3A_891 {strides = array<i32>} : memref<5x80xi32, #tpu.memory_space<vmem>>, vector<1x16xi32>,
          %get3A_892 = arith.constant 8 : i32
          %get3A_893 = arith.index_cast %get3A_892 : i32 to index
          %get3A_894 = arith.constant 0 : index
          %get3A_895 = tpu.vector_load %arg7[%get3A_893, %get3A_894] {strides = array<i32>} : memref<9x80xi32, #tpu.memory_space<vmem>>, vector<1x16xi32>,
          %get3A_896 = vector.shape_cast %get3A_895 : vector<1x16xi32> to vector<16xi32>
          %add3A_897 = arith.constant 800 : i32
          %add3A_898 = vector.broadcast %add3A_897 : i32 to vector<16xi32>
          %add3A_899 = arith.addi %get3A_896, %add3A_898 : vector<16xi32>
          %swap3A_900 = arith.constant 4 : i32
          %swap3A_901 = arith.index_cast %swap3A_900 : i32 to index
          %swap3A_902 = arith.constant 0 : index
          %swap3A_903 = tpu.vector_load %arg9[%swap3A_901, %swap3A_902] {strides = array<i32>} : memref<5x80xi32, #tpu.memory_space<vmem>>, vector<1x16xi32>,
          %swap3A_904 = vector.shape_cast %swap3A_903 : vector<1x16xi32> to vector<16xi32>
          %swap3A_905 = vector.shape_cast %add3A_899 : vector<16xi32> to vector<1x16xi32>
          tpu.vector_store %arg9[%swap3A_901, %swap3A_902], %swap3A_905 {strides = array<i32>} : memref<5x80xi32, #tpu.memory_space<vmem>>, vector<1x16xi32>,
          %get3A_906 = arith.constant 0 : i32
          %get3A_907 = arith.index_cast %get3A_906 : i32 to index
          %get3A_908 = arith.constant 16 : index
          %get3A_909 = tpu.vector_load %arg7[%get3A_907, %get3A_908] {strides = array<i32>} : memref<9x80xi32, #tpu.memory_space<vmem>>, vector<1x16xi32>,
          %get3A_910 = vector.shape_cast %get3A_909 : vector<1x16xi32> to vector<16xi32>
          %mul3A_911 = arith.constant 100 : i32
          %mul3A_912 = vector.broadcast %mul3A_911 : i32 to vector<16xi32>
          %mul3A_913 = arith.muli %get3A_910, %mul3A_912 : vector<16xi32>
          %get3A_914 = arith.constant 1 : i32
          %get3A_915 = arith.index_cast %get3A_914 : i32 to index
          %get3A_916 = arith.constant 16 : index
          %get3A_917 = tpu.vector_load %arg7[%get3A_915, %get3A_916] {strides = array<i32>} : memref<9x80xi32, #tpu.memory_space<vmem>>, vector<1x16xi32>,
          %get3A_918 = vector.shape_cast %get3A_917 : vector<1x16xi32> to vector<16xi32>
          %add3A_919 = arith.addi %mul3A_913, %get3A_918 : vector<16xi32>
          %add3A_920 = arith.constant 0 : i32
          %add3A_921 = vector.broadcast %add3A_920 : i32 to vector<16xi32>
          %add3A_922 = arith.addi %add3A_919, %add3A_921 : vector<16xi32>
          %swap3A_923 = arith.constant 0 : i32
          %swap3A_924 = arith.index_cast %swap3A_923 : i32 to index
          %swap3A_925 = arith.constant 16 : index
          %swap3A_926 = tpu.vector_load %arg9[%swap3A_924, %swap3A_925] {strides = array<i32>} : memref<5x80xi32, #tpu.memory_space<vmem>>, vector<1x16xi32>,
          %swap3A_927 = vector.shape_cast %swap3A_926 : vector<1x16xi32> to vector<16xi32>
          %swap3A_928 = vector.shape_cast %add3A_922 : vector<16xi32> to vector<1x16xi32>
          tpu.vector_store %arg9[%swap3A_924, %swap3A_925], %swap3A_928 {strides = array<i32>} : memref<5x80xi32, #tpu.memory_space<vmem>>, vector<1x16xi32>,
          %get3A_929 = arith.constant 2 : i32
          %get3A_930 = arith.index_cast %get3A_929 : i32 to index
          %get3A_931 = arith.constant 16 : index
          %get3A_932 = tpu.vector_load %arg7[%get3A_930, %get3A_931] {strides = array<i32>} : memref<9x80xi32, #tpu.memory_space<vmem>>, vector<1x16xi32>,
          %get3A_933 = vector.shape_cast %get3A_932 : vector<1x16xi32> to vector<16xi32>
          %mul3A_934 = arith.constant 100 : i32
          %mul3A_935 = vector.broadcast %mul3A_934 : i32 to vector<16xi32>
          %mul3A_936 = arith.muli %get3A_933, %mul3A_935 : vector<16xi32>
          %get3A_937 = arith.constant 3 : i32
          %get3A_938 = arith.index_cast %get3A_937 : i32 to index
          %get3A_939 = arith.constant 16 : index
          %get3A_940 = tpu.vector_load %arg7[%get3A_938, %get3A_939] {strides = array<i32>} : memref<9x80xi32, #tpu.memory_space<vmem>>, vector<1x16xi32>,
          %get3A_941 = vector.shape_cast %get3A_940 : vector<1x16xi32> to vector<16xi32>
          %add3A_942 = arith.addi %mul3A_936, %get3A_941 : vector<16xi32>
          %add3A_943 = arith.constant 10000 : i32
          %add3A_944 = vector.broadcast %add3A_943 : i32 to vector<16xi32>
          %add3A_945 = arith.addi %add3A_942, %add3A_944 : vector<16xi32>
          %swap3A_946 = arith.constant 1 : i32
          %swap3A_947 = arith.index_cast %swap3A_946 : i32 to index
          %swap3A_948 = arith.constant 16 : index
          %swap3A_949 = tpu.vector_load %arg9[%swap3A_947, %swap3A_948] {strides = array<i32>} : memref<5x80xi32, #tpu.memory_space<vmem>>, vector<1x16xi32>,
          %swap3A_950 = vector.shape_cast %swap3A_949 : vector<1x16xi32> to vector<16xi32>
          %swap3A_951 = vector.shape_cast %add3A_945 : vector<16xi32> to vector<1x16xi32>
          tpu.vector_store %arg9[%swap3A_947, %swap3A_948], %swap3A_951 {strides = array<i32>} : memref<5x80xi32, #tpu.memory_space<vmem>>, vector<1x16xi32>,
          %get3A_952 = arith.constant 4 : i32
          %get3A_953 = arith.index_cast %get3A_952 : i32 to index
          %get3A_954 = arith.constant 16 : index
          %get3A_955 = tpu.vector_load %arg7[%get3A_953, %get3A_954] {strides = array<i32>} : memref<9x80xi32, #tpu.memory_space<vmem>>, vector<1x16xi32>,
          %get3A_956 = vector.shape_cast %get3A_955 : vector<1x16xi32> to vector<16xi32>
          %mul3A_957 = arith.constant 100 : i32
          %mul3A_958 = vector.broadcast %mul3A_957 : i32 to vector<16xi32>
          %mul3A_959 = arith.muli %get3A_956, %mul3A_958 : vector<16xi32>
          %get3A_960 = arith.constant 5 : i32
          %get3A_961 = arith.index_cast %get3A_960 : i32 to index
          %get3A_962 = arith.constant 16 : index
          %get3A_963 = tpu.vector_load %arg7[%get3A_961, %get3A_962] {strides = array<i32>} : memref<9x80xi32, #tpu.memory_space<vmem>>, vector<1x16xi32>,
          %get3A_964 = vector.shape_cast %get3A_963 : vector<1x16xi32> to vector<16xi32>
          %add3A_965 = arith.addi %mul3A_959, %get3A_964 : vector<16xi32>
          %add3A_966 = arith.constant 20000 : i32
          %add3A_967 = vector.broadcast %add3A_966 : i32 to vector<16xi32>
          %add3A_968 = arith.addi %add3A_965, %add3A_967 : vector<16xi32>
          %swap3A_969 = arith.constant 2 : i32
          %swap3A_970 = arith.index_cast %swap3A_969 : i32 to index
          %swap3A_971 = arith.constant 16 : index
          %swap3A_972 = tpu.vector_load %arg9[%swap3A_970, %swap3A_971] {strides = array<i32>} : memref<5x80xi32, #tpu.memory_space<vmem>>, vector<1x16xi32>,
          %swap3A_973 = vector.shape_cast %swap3A_972 : vector<1x16xi32> to vector<16xi32>
          %swap3A_974 = vector.shape_cast %add3A_968 : vector<16xi32> to vector<1x16xi32>
          tpu.vector_store %arg9[%swap3A_970, %swap3A_971], %swap3A_974 {strides = array<i32>} : memref<5x80xi32, #tpu.memory_space<vmem>>, vector<1x16xi32>,
          %get3A_975 = arith.constant 6 : i32
          %get3A_976 = arith.index_cast %get3A_975 : i32 to index
          %get3A_977 = arith.constant 16 : index
          %get3A_978 = tpu.vector_load %arg7[%get3A_976, %get3A_977] {strides = array<i32>} : memref<9x80xi32, #tpu.memory_space<vmem>>, vector<1x16xi32>,
          %get3A_979 = vector.shape_cast %get3A_978 : vector<1x16xi32> to vector<16xi32>
          %mul3A_980 = arith.constant 100 : i32
          %mul3A_981 = vector.broadcast %mul3A_980 : i32 to vector<16xi32>
          %mul3A_982 = arith.muli %get3A_979, %mul3A_981 : vector<16xi32>
          %get3A_983 = arith.constant 7 : i32
          %get3A_984 = arith.index_cast %get3A_983 : i32 to index
          %get3A_985 = arith.constant 16 : index
          %get3A_986 = tpu.vector_load %arg7[%get3A_984, %get3A_985] {strides = array<i32>} : memref<9x80xi32, #tpu.memory_space<vmem>>, vector<1x16xi32>,
          %get3A_987 = vector.shape_cast %get3A_986 : vector<1x16xi32> to vector<16xi32>
          %add3A_988 = arith.addi %mul3A_982, %get3A_987 : vector<16xi32>
          %add3A_989 = arith.constant 30000 : i32
          %add3A_990 = vector.broadcast %add3A_989 : i32 to vector<16xi32>
          %add3A_991 = arith.addi %add3A_988, %add3A_990 : vector<16xi32>
          %swap3A_992 = arith.constant 3 : i32
          %swap3A_993 = arith.index_cast %swap3A_992 : i32 to index
          %swap3A_994 = arith.constant 16 : index
          %swap3A_995 = tpu.vector_load %arg9[%swap3A_993, %swap3A_994] {strides = array<i32>} : memref<5x80xi32, #tpu.memory_space<vmem>>, vector<1x16xi32>,
          %swap3A_996 = vector.shape_cast %swap3A_995 : vector<1x16xi32> to vector<16xi32>
          %swap3A_997 = vector.shape_cast %add3A_991 : vector<16xi32> to vector<1x16xi32>
          tpu.vector_store %arg9[%swap3A_993, %swap3A_994], %swap3A_997 {strides = array<i32>} : memref<5x80xi32, #tpu.memory_space<vmem>>, vector<1x16xi32>,
          %get3A_998 = arith.constant 8 : i32
          %get3A_999 = arith.index_cast %get3A_998 : i32 to index
          %get3A_1000 = arith.constant 16 : index
          %get3A_1001 = tpu.vector_load %arg7[%get3A_999, %get3A_1000] {strides = array<i32>} : memref<9x80xi32, #tpu.memory_space<vmem>>, vector<1x16xi32>,
          %get3A_1002 = vector.shape_cast %get3A_1001 : vector<1x16xi32> to vector<16xi32>
          %add3A_1003 = arith.constant 800 : i32
          %add3A_1004 = vector.broadcast %add3A_1003 : i32 to vector<16xi32>
          %add3A_1005 = arith.addi %get3A_1002, %add3A_1004 : vector<16xi32>
          %swap3A_1006 = arith.constant 4 : i32
          %swap3A_1007 = arith.index_cast %swap3A_1006 : i32 to index
          %swap3A_1008 = arith.constant 16 : index
          %swap3A_1009 = tpu.vector_load %arg9[%swap3A_1007, %swap3A_1008] {strides = array<i32>} : memref<5x80xi32, #tpu.memory_space<vmem>>, vector<1x16xi32>,
          %swap3A_1010 = vector.shape_cast %swap3A_1009 : vector<1x16xi32> to vector<16xi32>
          %swap3A_1011 = vector.shape_cast %add3A_1005 : vector<16xi32> to vector<1x16xi32>
          tpu.vector_store %arg9[%swap3A_1007, %swap3A_1008], %swap3A_1011 {strides = array<i32>} : memref<5x80xi32, #tpu.memory_space<vmem>>, vector<1x16xi32>,
          %get3A_1012 = arith.constant 0 : i32
          %get3A_1013 = arith.index_cast %get3A_1012 : i32 to index
          %get3A_1014 = arith.constant 32 : index
          %get3A_1015 = tpu.vector_load %arg7[%get3A_1013, %get3A_1014] {strides = array<i32>} : memref<9x80xi32, #tpu.memory_space<vmem>>, vector<1x16xi32>,
          %get3A_1016 = vector.shape_cast %get3A_1015 : vector<1x16xi32> to vector<16xi32>
          %mul3A_1017 = arith.constant 100 : i32
          %mul3A_1018 = vector.broadcast %mul3A_1017 : i32 to vector<16xi32>
          %mul3A_1019 = arith.muli %get3A_1016, %mul3A_1018 : vector<16xi32>
          %get3A_1020 = arith.constant 1 : i32
          %get3A_1021 = arith.index_cast %get3A_1020 : i32 to index
          %get3A_1022 = arith.constant 32 : index
          %get3A_1023 = tpu.vector_load %arg7[%get3A_1021, %get3A_1022] {strides = array<i32>} : memref<9x80xi32, #tpu.memory_space<vmem>>, vector<1x16xi32>,
          %get3A_1024 = vector.shape_cast %get3A_1023 : vector<1x16xi32> to vector<16xi32>
          %add3A_1025 = arith.addi %mul3A_1019, %get3A_1024 : vector<16xi32>
          %add3A_1026 = arith.constant 0 : i32
          %add3A_1027 = vector.broadcast %add3A_1026 : i32 to vector<16xi32>
          %add3A_1028 = arith.addi %add3A_1025, %add3A_1027 : vector<16xi32>
          %swap3A_1029 = arith.constant 0 : i32
          %swap3A_1030 = arith.index_cast %swap3A_1029 : i32 to index
          %swap3A_1031 = arith.constant 32 : index
          %swap3A_1032 = tpu.vector_load %arg9[%swap3A_1030, %swap3A_1031] {strides = array<i32>} : memref<5x80xi32, #tpu.memory_space<vmem>>, vector<1x16xi32>,
          %swap3A_1033 = vector.shape_cast %swap3A_1032 : vector<1x16xi32> to vector<16xi32>
          %swap3A_1034 = vector.shape_cast %add3A_1028 : vector<16xi32> to vector<1x16xi32>
          tpu.vector_store %arg9[%swap3A_1030, %swap3A_1031], %swap3A_1034 {strides = array<i32>} : memref<5x80xi32, #tpu.memory_space<vmem>>, vector<1x16xi32>,
          %get3A_1035 = arith.constant 2 : i32
          %get3A_1036 = arith.index_cast %get3A_1035 : i32 to index
          %get3A_1037 = arith.constant 32 : index
          %get3A_1038 = tpu.vector_load %arg7[%get3A_1036, %get3A_1037] {strides = array<i32>} : memref<9x80xi32, #tpu.memory_space<vmem>>, vector<1x16xi32>,
          %get3A_1039 = vector.shape_cast %get3A_1038 : vector<1x16xi32> to vector<16xi32>
          %mul3A_1040 = arith.constant 100 : i32
          %mul3A_1041 = vector.broadcast %mul3A_1040 : i32 to vector<16xi32>
          %mul3A_1042 = arith.muli %get3A_1039, %mul3A_1041 : vector<16xi32>
          %get3A_1043 = arith.constant 3 : i32
          %get3A_1044 = arith.index_cast %get3A_1043 : i32 to index
          %get3A_1045 = arith.constant 32 : index
          %get3A_1046 = tpu.vector_load %arg7[%get3A_1044, %get3A_1045] {strides = array<i32>} : memref<9x80xi32, #tpu.memory_space<vmem>>, vector<1x16xi32>,
          %get3A_1047 = vector.shape_cast %get3A_1046 : vector<1x16xi32> to vector<16xi32>
          %add3A_1048 = arith.addi %mul3A_1042, %get3A_1047 : vector<16xi32>
          %add3A_1049 = arith.constant 10000 : i32
          %add3A_1050 = vector.broadcast %add3A_1049 : i32 to vector<16xi32>
          %add3A_1051 = arith.addi %add3A_1048, %add3A_1050 : vector<16xi32>
          %swap3A_1052 = arith.constant 1 : i32
          %swap3A_1053 = arith.index_cast %swap3A_1052 : i32 to index
          %swap3A_1054 = arith.constant 32 : index
          %swap3A_1055 = tpu.vector_load %arg9[%swap3A_1053, %swap3A_1054] {strides = array<i32>} : memref<5x80xi32, #tpu.memory_space<vmem>>, vector<1x16xi32>,
          %swap3A_1056 = vector.shape_cast %swap3A_1055 : vector<1x16xi32> to vector<16xi32>
          %swap3A_1057 = vector.shape_cast %add3A_1051 : vector<16xi32> to vector<1x16xi32>
          tpu.vector_store %arg9[%swap3A_1053, %swap3A_1054], %swap3A_1057 {strides = array<i32>} : memref<5x80xi32, #tpu.memory_space<vmem>>, vector<1x16xi32>,
          %get3A_1058 = arith.constant 4 : i32
          %get3A_1059 = arith.index_cast %get3A_1058 : i32 to index
          %get3A_1060 = arith.constant 32 : index
          %get3A_1061 = tpu.vector_load %arg7[%get3A_1059, %get3A_1060] {strides = array<i32>} : memref<9x80xi32, #tpu.memory_space<vmem>>, vector<1x16xi32>,
          %get3A_1062 = vector.shape_cast %get3A_1061 : vector<1x16xi32> to vector<16xi32>
          %mul3A_1063 = arith.constant 100 : i32
          %mul3A_1064 = vector.broadcast %mul3A_1063 : i32 to vector<16xi32>
          %mul3A_1065 = arith.muli %get3A_1062, %mul3A_1064 : vector<16xi32>
          %get3A_1066 = arith.constant 5 : i32
          %get3A_1067 = arith.index_cast %get3A_1066 : i32 to index
          %get3A_1068 = arith.constant 32 : index
          %get3A_1069 = tpu.vector_load %arg7[%get3A_1067, %get3A_1068] {strides = array<i32>} : memref<9x80xi32, #tpu.memory_space<vmem>>, vector<1x16xi32>,
          %get3A_1070 = vector.shape_cast %get3A_1069 : vector<1x16xi32> to vector<16xi32>
          %add3A_1071 = arith.addi %mul3A_1065, %get3A_1070 : vector<16xi32>
          %add3A_1072 = arith.constant 20000 : i32
          %add3A_1073 = vector.broadcast %add3A_1072 : i32 to vector<16xi32>
          %add3A_1074 = arith.addi %add3A_1071, %add3A_1073 : vector<16xi32>
          %swap3A_1075 = arith.constant 2 : i32
          %swap3A_1076 = arith.index_cast %swap3A_1075 : i32 to index
          %swap3A_1077 = arith.constant 32 : index
          %swap3A_1078 = tpu.vector_load %arg9[%swap3A_1076, %swap3A_1077] {strides = array<i32>} : memref<5x80xi32, #tpu.memory_space<vmem>>, vector<1x16xi32>,
          %swap3A_1079 = vector.shape_cast %swap3A_1078 : vector<1x16xi32> to vector<16xi32>
          %swap3A_1080 = vector.shape_cast %add3A_1074 : vector<16xi32> to vector<1x16xi32>
          tpu.vector_store %arg9[%swap3A_1076, %swap3A_1077], %swap3A_1080 {strides = array<i32>} : memref<5x80xi32, #tpu.memory_space<vmem>>, vector<1x16xi32>,
          %get3A_1081 = arith.constant 6 : i32
          %get3A_1082 = arith.index_cast %get3A_1081 : i32 to index
          %get3A_1083 = arith.constant 32 : index
          %get3A_1084 = tpu.vector_load %arg7[%get3A_1082, %get3A_1083] {strides = array<i32>} : memref<9x80xi32, #tpu.memory_space<vmem>>, vector<1x16xi32>,
          %get3A_1085 = vector.shape_cast %get3A_1084 : vector<1x16xi32> to vector<16xi32>
          %mul3A_1086 = arith.constant 100 : i32
          %mul3A_1087 = vector.broadcast %mul3A_1086 : i32 to vector<16xi32>
          %mul3A_1088 = arith.muli %get3A_1085, %mul3A_1087 : vector<16xi32>
          %get3A_1089 = arith.constant 7 : i32
          %get3A_1090 = arith.index_cast %get3A_1089 : i32 to index
          %get3A_1091 = arith.constant 32 : index
          %get3A_1092 = tpu.vector_load %arg7[%get3A_1090, %get3A_1091] {strides = array<i32>} : memref<9x80xi32, #tpu.memory_space<vmem>>, vector<1x16xi32>,
          %get3A_1093 = vector.shape_cast %get3A_1092 : vector<1x16xi32> to vector<16xi32>
          %add3A_1094 = arith.addi %mul3A_1088, %get3A_1093 : vector<16xi32>
          %add3A_1095 = arith.constant 30000 : i32
          %add3A_1096 = vector.broadcast %add3A_1095 : i32 to vector<16xi32>
          %add3A_1097 = arith.addi %add3A_1094, %add3A_1096 : vector<16xi32>
          %swap3A_1098 = arith.constant 3 : i32
          %swap3A_1099 = arith.index_cast %swap3A_1098 : i32 to index
          %swap3A_1100 = arith.constant 32 : index
          %swap3A_1101 = tpu.vector_load %arg9[%swap3A_1099, %swap3A_1100] {strides = array<i32>} : memref<5x80xi32, #tpu.memory_space<vmem>>, vector<1x16xi32>,
          %swap3A_1102 = vector.shape_cast %swap3A_1101 : vector<1x16xi32> to vector<16xi32>
          %swap3A_1103 = vector.shape_cast %add3A_1097 : vector<16xi32> to vector<1x16xi32>
          tpu.vector_store %arg9[%swap3A_1099, %swap3A_1100], %swap3A_1103 {strides = array<i32>} : memref<5x80xi32, #tpu.memory_space<vmem>>, vector<1x16xi32>,
          %get3A_1104 = arith.constant 8 : i32
          %get3A_1105 = arith.index_cast %get3A_1104 : i32 to index
          %get3A_1106 = arith.constant 32 : index
          %get3A_1107 = tpu.vector_load %arg7[%get3A_1105, %get3A_1106] {strides = array<i32>} : memref<9x80xi32, #tpu.memory_space<vmem>>, vector<1x16xi32>,
          %get3A_1108 = vector.shape_cast %get3A_1107 : vector<1x16xi32> to vector<16xi32>
          %add3A_1109 = arith.constant 800 : i32
          %add3A_1110 = vector.broadcast %add3A_1109 : i32 to vector<16xi32>
          %add3A_1111 = arith.addi %get3A_1108, %add3A_1110 : vector<16xi32>
          %swap3A_1112 = arith.constant 4 : i32
          %swap3A_1113 = arith.index_cast %swap3A_1112 : i32 to index
          %swap3A_1114 = arith.constant 32 : index
          %swap3A_1115 = tpu.vector_load %arg9[%swap3A_1113, %swap3A_1114] {strides = array<i32>} : memref<5x80xi32, #tpu.memory_space<vmem>>, vector<1x16xi32>,
          %swap3A_1116 = vector.shape_cast %swap3A_1115 : vector<1x16xi32> to vector<16xi32>
          %swap3A_1117 = vector.shape_cast %add3A_1111 : vector<16xi32> to vector<1x16xi32>
          tpu.vector_store %arg9[%swap3A_1113, %swap3A_1114], %swap3A_1117 {strides = array<i32>} : memref<5x80xi32, #tpu.memory_space<vmem>>, vector<1x16xi32>,
          %get3A_1118 = arith.constant 0 : i32
          %get3A_1119 = arith.index_cast %get3A_1118 : i32 to index
          %get3A_1120 = arith.constant 48 : index
          %get3A_1121 = tpu.vector_load %arg7[%get3A_1119, %get3A_1120] {strides = array<i32>} : memref<9x80xi32, #tpu.memory_space<vmem>>, vector<1x16xi32>,
          %get3A_1122 = vector.shape_cast %get3A_1121 : vector<1x16xi32> to vector<16xi32>
          %mul3A_1123 = arith.constant 100 : i32
          %mul3A_1124 = vector.broadcast %mul3A_1123 : i32 to vector<16xi32>
          %mul3A_1125 = arith.muli %get3A_1122, %mul3A_1124 : vector<16xi32>
          %get3A_1126 = arith.constant 1 : i32
          %get3A_1127 = arith.index_cast %get3A_1126 : i32 to index
          %get3A_1128 = arith.constant 48 : index
          %get3A_1129 = tpu.vector_load %arg7[%get3A_1127, %get3A_1128] {strides = array<i32>} : memref<9x80xi32, #tpu.memory_space<vmem>>, vector<1x16xi32>,
          %get3A_1130 = vector.shape_cast %get3A_1129 : vector<1x16xi32> to vector<16xi32>
          %add3A_1131 = arith.addi %mul3A_1125, %get3A_1130 : vector<16xi32>
          %add3A_1132 = arith.constant 0 : i32
          %add3A_1133 = vector.broadcast %add3A_1132 : i32 to vector<16xi32>
          %add3A_1134 = arith.addi %add3A_1131, %add3A_1133 : vector<16xi32>
          %swap3A_1135 = arith.constant 0 : i32
          %swap3A_1136 = arith.index_cast %swap3A_1135 : i32 to index
          %swap3A_1137 = arith.constant 48 : index
          %swap3A_1138 = tpu.vector_load %arg9[%swap3A_1136, %swap3A_1137] {strides = array<i32>} : memref<5x80xi32, #tpu.memory_space<vmem>>, vector<1x16xi32>,
          %swap3A_1139 = vector.shape_cast %swap3A_1138 : vector<1x16xi32> to vector<16xi32>
          %swap3A_1140 = vector.shape_cast %add3A_1134 : vector<16xi32> to vector<1x16xi32>
          tpu.vector_store %arg9[%swap3A_1136, %swap3A_1137], %swap3A_1140 {strides = array<i32>} : memref<5x80xi32, #tpu.memory_space<vmem>>, vector<1x16xi32>,
          %get3A_1141 = arith.constant 2 : i32
          %get3A_1142 = arith.index_cast %get3A_1141 : i32 to index
          %get3A_1143 = arith.constant 48 : index
          %get3A_1144 = tpu.vector_load %arg7[%get3A_1142, %get3A_1143] {strides = array<i32>} : memref<9x80xi32, #tpu.memory_space<vmem>>, vector<1x16xi32>,
          %get3A_1145 = vector.shape_cast %get3A_1144 : vector<1x16xi32> to vector<16xi32>
          %mul3A_1146 = arith.constant 100 : i32
          %mul3A_1147 = vector.broadcast %mul3A_1146 : i32 to vector<16xi32>
          %mul3A_1148 = arith.muli %get3A_1145, %mul3A_1147 : vector<16xi32>
          %get3A_1149 = arith.constant 3 : i32
          %get3A_1150 = arith.index_cast %get3A_1149 : i32 to index
          %get3A_1151 = arith.constant 48 : index
          %get3A_1152 = tpu.vector_load %arg7[%get3A_1150, %get3A_1151] {strides = array<i32>} : memref<9x80xi32, #tpu.memory_space<vmem>>, vector<1x16xi32>,
          %get3A_1153 = vector.shape_cast %get3A_1152 : vector<1x16xi32> to vector<16xi32>
          %add3A_1154 = arith.addi %mul3A_1148, %get3A_1153 : vector<16xi32>
          %add3A_1155 = arith.constant 10000 : i32
          %add3A_1156 = vector.broadcast %add3A_1155 : i32 to vector<16xi32>
          %add3A_1157 = arith.addi %add3A_1154, %add3A_1156 : vector<16xi32>
          %swap3A_1158 = arith.constant 1 : i32
          %swap3A_1159 = arith.index_cast %swap3A_1158 : i32 to index
          %swap3A_1160 = arith.constant 48 : index
          %swap3A_1161 = tpu.vector_load %arg9[%swap3A_1159, %swap3A_1160] {strides = array<i32>} : memref<5x80xi32, #tpu.memory_space<vmem>>, vector<1x16xi32>,
          %swap3A_1162 = vector.shape_cast %swap3A_1161 : vector<1x16xi32> to vector<16xi32>
          %swap3A_1163 = vector.shape_cast %add3A_1157 : vector<16xi32> to vector<1x16xi32>
          tpu.vector_store %arg9[%swap3A_1159, %swap3A_1160], %swap3A_1163 {strides = array<i32>} : memref<5x80xi32, #tpu.memory_space<vmem>>, vector<1x16xi32>,
          %get3A_1164 = arith.constant 4 : i32
          %get3A_1165 = arith.index_cast %get3A_1164 : i32 to index
          %get3A_1166 = arith.constant 48 : index
          %get3A_1167 = tpu.vector_load %arg7[%get3A_1165, %get3A_1166] {strides = array<i32>} : memref<9x80xi32, #tpu.memory_space<vmem>>, vector<1x16xi32>,
          %get3A_1168 = vector.shape_cast %get3A_1167 : vector<1x16xi32> to vector<16xi32>
          %mul3A_1169 = arith.constant 100 : i32
          %mul3A_1170 = vector.broadcast %mul3A_1169 : i32 to vector<16xi32>
          %mul3A_1171 = arith.muli %get3A_1168, %mul3A_1170 : vector<16xi32>
          %get3A_1172 = arith.constant 5 : i32
          %get3A_1173 = arith.index_cast %get3A_1172 : i32 to index
          %get3A_1174 = arith.constant 48 : index
          %get3A_1175 = tpu.vector_load %arg7[%get3A_1173, %get3A_1174] {strides = array<i32>} : memref<9x80xi32, #tpu.memory_space<vmem>>, vector<1x16xi32>,
          %get3A_1176 = vector.shape_cast %get3A_1175 : vector<1x16xi32> to vector<16xi32>
          %add3A_1177 = arith.addi %mul3A_1171, %get3A_1176 : vector<16xi32>
          %add3A_1178 = arith.constant 20000 : i32
          %add3A_1179 = vector.broadcast %add3A_1178 : i32 to vector<16xi32>
          %add3A_1180 = arith.addi %add3A_1177, %add3A_1179 : vector<16xi32>
          %swap3A_1181 = arith.constant 2 : i32
          %swap3A_1182 = arith.index_cast %swap3A_1181 : i32 to index
          %swap3A_1183 = arith.constant 48 : index
          %swap3A_1184 = tpu.vector_load %arg9[%swap3A_1182, %swap3A_1183] {strides = array<i32>} : memref<5x80xi32, #tpu.memory_space<vmem>>, vector<1x16xi32>,
          %swap3A_1185 = vector.shape_cast %swap3A_1184 : vector<1x16xi32> to vector<16xi32>
          %swap3A_1186 = vector.shape_cast %add3A_1180 : vector<16xi32> to vector<1x16xi32>
          tpu.vector_store %arg9[%swap3A_1182, %swap3A_1183], %swap3A_1186 {strides = array<i32>} : memref<5x80xi32, #tpu.memory_space<vmem>>, vector<1x16xi32>,
          %get3A_1187 = arith.constant 6 : i32
          %get3A_1188 = arith.index_cast %get3A_1187 : i32 to index
          %get3A_1189 = arith.constant 48 : index
          %get3A_1190 = tpu.vector_load %arg7[%get3A_1188, %get3A_1189] {strides = array<i32>} : memref<9x80xi32, #tpu.memory_space<vmem>>, vector<1x16xi32>,
          %get3A_1191 = vector.shape_cast %get3A_1190 : vector<1x16xi32> to vector<16xi32>
          %mul3A_1192 = arith.constant 100 : i32
          %mul3A_1193 = vector.broadcast %mul3A_1192 : i32 to vector<16xi32>
          %mul3A_1194 = arith.muli %get3A_1191, %mul3A_1193 : vector<16xi32>
          %get3A_1195 = arith.constant 7 : i32
          %get3A_1196 = arith.index_cast %get3A_1195 : i32 to index
          %get3A_1197 = arith.constant 48 : index
          %get3A_1198 = tpu.vector_load %arg7[%get3A_1196, %get3A_1197] {strides = array<i32>} : memref<9x80xi32, #tpu.memory_space<vmem>>, vector<1x16xi32>,
          %get3A_1199 = vector.shape_cast %get3A_1198 : vector<1x16xi32> to vector<16xi32>
          %add3A_1200 = arith.addi %mul3A_1194, %get3A_1199 : vector<16xi32>
          %add3A_1201 = arith.constant 30000 : i32
          %add3A_1202 = vector.broadcast %add3A_1201 : i32 to vector<16xi32>
          %add3A_1203 = arith.addi %add3A_1200, %add3A_1202 : vector<16xi32>
          %swap3A_1204 = arith.constant 3 : i32
          %swap3A_1205 = arith.index_cast %swap3A_1204 : i32 to index
          %swap3A_1206 = arith.constant 48 : index
          %swap3A_1207 = tpu.vector_load %arg9[%swap3A_1205, %swap3A_1206] {strides = array<i32>} : memref<5x80xi32, #tpu.memory_space<vmem>>, vector<1x16xi32>,
          %swap3A_1208 = vector.shape_cast %swap3A_1207 : vector<1x16xi32> to vector<16xi32>
          %swap3A_1209 = vector.shape_cast %add3A_1203 : vector<16xi32> to vector<1x16xi32>
          tpu.vector_store %arg9[%swap3A_1205, %swap3A_1206], %swap3A_1209 {strides = array<i32>} : memref<5x80xi32, #tpu.memory_space<vmem>>, vector<1x16xi32>,
          %get3A_1210 = arith.constant 8 : i32
          %get3A_1211 = arith.index_cast %get3A_1210 : i32 to index
          %get3A_1212 = arith.constant 48 : index
          %get3A_1213 = tpu.vector_load %arg7[%get3A_1211, %get3A_1212] {strides = array<i32>} : memref<9x80xi32, #tpu.memory_space<vmem>>, vector<1x16xi32>,
          %get3A_1214 = vector.shape_cast %get3A_1213 : vector<1x16xi32> to vector<16xi32>
          %add3A_1215 = arith.constant 800 : i32
          %add3A_1216 = vector.broadcast %add3A_1215 : i32 to vector<16xi32>
          %add3A_1217 = arith.addi %get3A_1214, %add3A_1216 : vector<16xi32>
          %swap3A_1218 = arith.constant 4 : i32
          %swap3A_1219 = arith.index_cast %swap3A_1218 : i32 to index
          %swap3A_1220 = arith.constant 48 : index
          %swap3A_1221 = tpu.vector_load %arg9[%swap3A_1219, %swap3A_1220] {strides = array<i32>} : memref<5x80xi32, #tpu.memory_space<vmem>>, vector<1x16xi32>,
          %swap3A_1222 = vector.shape_cast %swap3A_1221 : vector<1x16xi32> to vector<16xi32>
          %swap3A_1223 = vector.shape_cast %add3A_1217 : vector<16xi32> to vector<1x16xi32>
          tpu.vector_store %arg9[%swap3A_1219, %swap3A_1220], %swap3A_1223 {strides = array<i32>} : memref<5x80xi32, #tpu.memory_space<vmem>>, vector<1x16xi32>,
          %get3A_1224 = arith.constant 0 : i32
          %get3A_1225 = arith.index_cast %get3A_1224 : i32 to index
          %get3A_1226 = arith.constant 64 : index
          %get3A_1227 = tpu.vector_load %arg7[%get3A_1225, %get3A_1226] {strides = array<i32>} : memref<9x80xi32, #tpu.memory_space<vmem>>, vector<1x16xi32>,
          %get3A_1228 = vector.shape_cast %get3A_1227 : vector<1x16xi32> to vector<16xi32>
          %mul3A_1229 = arith.constant 100 : i32
          %mul3A_1230 = vector.broadcast %mul3A_1229 : i32 to vector<16xi32>
          %mul3A_1231 = arith.muli %get3A_1228, %mul3A_1230 : vector<16xi32>
          %get3A_1232 = arith.constant 1 : i32
          %get3A_1233 = arith.index_cast %get3A_1232 : i32 to index
          %get3A_1234 = arith.constant 64 : index
          %get3A_1235 = tpu.vector_load %arg7[%get3A_1233, %get3A_1234] {strides = array<i32>} : memref<9x80xi32, #tpu.memory_space<vmem>>, vector<1x16xi32>,
          %get3A_1236 = vector.shape_cast %get3A_1235 : vector<1x16xi32> to vector<16xi32>
          %add3A_1237 = arith.addi %mul3A_1231, %get3A_1236 : vector<16xi32>
          %add3A_1238 = arith.constant 0 : i32
          %add3A_1239 = vector.broadcast %add3A_1238 : i32 to vector<16xi32>
          %add3A_1240 = arith.addi %add3A_1237, %add3A_1239 : vector<16xi32>
          %swap3A_1241 = arith.constant 0 : i32
          %swap3A_1242 = arith.index_cast %swap3A_1241 : i32 to index
          %swap3A_1243 = arith.constant 64 : index
          %swap3A_1244 = tpu.vector_load %arg9[%swap3A_1242, %swap3A_1243] {strides = array<i32>} : memref<5x80xi32, #tpu.memory_space<vmem>>, vector<1x16xi32>,
          %swap3A_1245 = vector.shape_cast %swap3A_1244 : vector<1x16xi32> to vector<16xi32>
          %swap3A_1246 = vector.shape_cast %add3A_1240 : vector<16xi32> to vector<1x16xi32>
          tpu.vector_store %arg9[%swap3A_1242, %swap3A_1243], %swap3A_1246 {strides = array<i32>} : memref<5x80xi32, #tpu.memory_space<vmem>>, vector<1x16xi32>,
          %get3A_1247 = arith.constant 2 : i32
          %get3A_1248 = arith.index_cast %get3A_1247 : i32 to index
          %get3A_1249 = arith.constant 64 : index
          %get3A_1250 = tpu.vector_load %arg7[%get3A_1248, %get3A_1249] {strides = array<i32>} : memref<9x80xi32, #tpu.memory_space<vmem>>, vector<1x16xi32>,
          %get3A_1251 = vector.shape_cast %get3A_1250 : vector<1x16xi32> to vector<16xi32>
          %mul3A_1252 = arith.constant 100 : i32
          %mul3A_1253 = vector.broadcast %mul3A_1252 : i32 to vector<16xi32>
          %mul3A_1254 = arith.muli %get3A_1251, %mul3A_1253 : vector<16xi32>
          %get3A_1255 = arith.constant 3 : i32
          %get3A_1256 = arith.index_cast %get3A_1255 : i32 to index
          %get3A_1257 = arith.constant 64 : index
          %get3A_1258 = tpu.vector_load %arg7[%get3A_1256, %get3A_1257] {strides = array<i32>} : memref<9x80xi32, #tpu.memory_space<vmem>>, vector<1x16xi32>,
          %get3A_1259 = vector.shape_cast %get3A_1258 : vector<1x16xi32> to vector<16xi32>
          %add3A_1260 = arith.addi %mul3A_1254, %get3A_1259 : vector<16xi32>
          %add3A_1261 = arith.constant 10000 : i32
          %add3A_1262 = vector.broadcast %add3A_1261 : i32 to vector<16xi32>
          %add3A_1263 = arith.addi %add3A_1260, %add3A_1262 : vector<16xi32>
          %swap3A_1264 = arith.constant 1 : i32
          %swap3A_1265 = arith.index_cast %swap3A_1264 : i32 to index
          %swap3A_1266 = arith.constant 64 : index
          %swap3A_1267 = tpu.vector_load %arg9[%swap3A_1265, %swap3A_1266] {strides = array<i32>} : memref<5x80xi32, #tpu.memory_space<vmem>>, vector<1x16xi32>,
          %swap3A_1268 = vector.shape_cast %swap3A_1267 : vector<1x16xi32> to vector<16xi32>
          %swap3A_1269 = vector.shape_cast %add3A_1263 : vector<16xi32> to vector<1x16xi32>
          tpu.vector_store %arg9[%swap3A_1265, %swap3A_1266], %swap3A_1269 {strides = array<i32>} : memref<5x80xi32, #tpu.memory_space<vmem>>, vector<1x16xi32>,
          %get3A_1270 = arith.constant 4 : i32
          %get3A_1271 = arith.index_cast %get3A_1270 : i32 to index
          %get3A_1272 = arith.constant 64 : index
          %get3A_1273 = tpu.vector_load %arg7[%get3A_1271, %get3A_1272] {strides = array<i32>} : memref<9x80xi32, #tpu.memory_space<vmem>>, vector<1x16xi32>,
          %get3A_1274 = vector.shape_cast %get3A_1273 : vector<1x16xi32> to vector<16xi32>
          %mul3A_1275 = arith.constant 100 : i32
          %mul3A_1276 = vector.broadcast %mul3A_1275 : i32 to vector<16xi32>
          %mul3A_1277 = arith.muli %get3A_1274, %mul3A_1276 : vector<16xi32>
          %get3A_1278 = arith.constant 5 : i32
          %get3A_1279 = arith.index_cast %get3A_1278 : i32 to index
          %get3A_1280 = arith.constant 64 : index
          %get3A_1281 = tpu.vector_load %arg7[%get3A_1279, %get3A_1280] {strides = array<i32>} : memref<9x80xi32, #tpu.memory_space<vmem>>, vector<1x16xi32>,
          %get3A_1282 = vector.shape_cast %get3A_1281 : vector<1x16xi32> to vector<16xi32>
          %add3A_1283 = arith.addi %mul3A_1277, %get3A_1282 : vector<16xi32>
          %add3A_1284 = arith.constant 20000 : i32
          %add3A_1285 = vector.broadcast %add3A_1284 : i32 to vector<16xi32>
          %add3A_1286 = arith.addi %add3A_1283, %add3A_1285 : vector<16xi32>
          %swap3A_1287 = arith.constant 2 : i32
          %swap3A_1288 = arith.index_cast %swap3A_1287 : i32 to index
          %swap3A_1289 = arith.constant 64 : index
          %swap3A_1290 = tpu.vector_load %arg9[%swap3A_1288, %swap3A_1289] {strides = array<i32>} : memref<5x80xi32, #tpu.memory_space<vmem>>, vector<1x16xi32>,
          %swap3A_1291 = vector.shape_cast %swap3A_1290 : vector<1x16xi32> to vector<16xi32>
          %swap3A_1292 = vector.shape_cast %add3A_1286 : vector<16xi32> to vector<1x16xi32>
          tpu.vector_store %arg9[%swap3A_1288, %swap3A_1289], %swap3A_1292 {strides = array<i32>} : memref<5x80xi32, #tpu.memory_space<vmem>>, vector<1x16xi32>,
          %get3A_1293 = arith.constant 6 : i32
          %get3A_1294 = arith.index_cast %get3A_1293 : i32 to index
          %get3A_1295 = arith.constant 64 : index
          %get3A_1296 = tpu.vector_load %arg7[%get3A_1294, %get3A_1295] {strides = array<i32>} : memref<9x80xi32, #tpu.memory_space<vmem>>, vector<1x16xi32>,
          %get3A_1297 = vector.shape_cast %get3A_1296 : vector<1x16xi32> to vector<16xi32>
          %mul3A_1298 = arith.constant 100 : i32
          %mul3A_1299 = vector.broadcast %mul3A_1298 : i32 to vector<16xi32>
          %mul3A_1300 = arith.muli %get3A_1297, %mul3A_1299 : vector<16xi32>
          %get3A_1301 = arith.constant 7 : i32
          %get3A_1302 = arith.index_cast %get3A_1301 : i32 to index
          %get3A_1303 = arith.constant 64 : index
          %get3A_1304 = tpu.vector_load %arg7[%get3A_1302, %get3A_1303] {strides = array<i32>} : memref<9x80xi32, #tpu.memory_space<vmem>>, vector<1x16xi32>,
          %get3A_1305 = vector.shape_cast %get3A_1304 : vector<1x16xi32> to vector<16xi32>
          %add3A_1306 = arith.addi %mul3A_1300, %get3A_1305 : vector<16xi32>
          %add3A_1307 = arith.constant 30000 : i32
          %add3A_1308 = vector.broadcast %add3A_1307 : i32 to vector<16xi32>
          %add3A_1309 = arith.addi %add3A_1306, %add3A_1308 : vector<16xi32>
          %swap3A_1310 = arith.constant 3 : i32
          %swap3A_1311 = arith.index_cast %swap3A_1310 : i32 to index
          %swap3A_1312 = arith.constant 64 : index
          %swap3A_1313 = tpu.vector_load %arg9[%swap3A_1311, %swap3A_1312] {strides = array<i32>} : memref<5x80xi32, #tpu.memory_space<vmem>>, vector<1x16xi32>,
          %swap3A_1314 = vector.shape_cast %swap3A_1313 : vector<1x16xi32> to vector<16xi32>
          %swap3A_1315 = vector.shape_cast %add3A_1309 : vector<16xi32> to vector<1x16xi32>
          tpu.vector_store %arg9[%swap3A_1311, %swap3A_1312], %swap3A_1315 {strides = array<i32>} : memref<5x80xi32, #tpu.memory_space<vmem>>, vector<1x16xi32>,
          %get3A_1316 = arith.constant 8 : i32
          %get3A_1317 = arith.index_cast %get3A_1316 : i32 to index
          %get3A_1318 = arith.constant 64 : index
          %get3A_1319 = tpu.vector_load %arg7[%get3A_1317, %get3A_1318] {strides = array<i32>} : memref<9x80xi32, #tpu.memory_space<vmem>>, vector<1x16xi32>,
          %get3A_1320 = vector.shape_cast %get3A_1319 : vector<1x16xi32> to vector<16xi32>
          %add3A_1321 = arith.constant 800 : i32
          %add3A_1322 = vector.broadcast %add3A_1321 : i32 to vector<16xi32>
          %add3A_1323 = arith.addi %get3A_1320, %add3A_1322 : vector<16xi32>
          %swap3A_1324 = arith.constant 4 : i32
          %swap3A_1325 = arith.index_cast %swap3A_1324 : i32 to index
          %swap3A_1326 = arith.constant 64 : index
          %swap3A_1327 = tpu.vector_load %arg9[%swap3A_1325, %swap3A_1326] {strides = array<i32>} : memref<5x80xi32, #tpu.memory_space<vmem>>, vector<1x16xi32>,
          %swap3A_1328 = vector.shape_cast %swap3A_1327 : vector<1x16xi32> to vector<16xi32>
          %swap3A_1329 = vector.shape_cast %add3A_1323 : vector<16xi32> to vector<1x16xi32>
          tpu.vector_store %arg9[%swap3A_1325, %swap3A_1326], %swap3A_1329 {strides = array<i32>} : memref<5x80xi32, #tpu.memory_space<vmem>>, vector<1x16xi32>,
          %ge3A = arith.constant 1 : i32
          %ge3A_1330 = arith.cmpi sge, %mul3A_629, %ge3A : i32
          %convert_element_type3A_1331 = arith.extui %ge3A_1330 : i1 to i32
          %cond3A_1332 = arith.constant 0 : i32
          %cond3A_1333 = arith.cmpi ne, %convert_element_type3A_1331, %cond3A_1332 : i32
          scf.if %cond3A_1333 {
            %dma_wait3A_1369 = arith.constant 0 : i32
            %dma_wait3A_1370 = arith.constant 0 : i32
            %dma_wait3A_1371 = tpu.memref_slice %arg8[%dma_wait3A_1369, %dma_wait3A_1370] : memref<5x80xi32, #tpu.memory_space<vmem>> -> memref<1x80xi32, #tpu.memory_space<vmem>>
            %dma_wait3A_1372 = tpu.memref_squeeze %dma_wait3A_1371 : memref<1x80xi32, #tpu.memory_space<vmem>> -> memref<80xi32, #tpu.memory_space<vmem>>
            %dma_wait3A_1373 = arith.constant 0 : i32
            %dma_wait3A_1374 = arith.constant 0 : i32
            %dma_wait3A_1375 = tpu.memref_slice %arg4[%dma_wait3A_1373, %dma_wait3A_1374] : memref<900x128xf32, #tpu.memory_space<hbm>> -> memref<900x128xf32, #tpu.memory_space<hbm>>
            tpu.wait_indirect_dma semaphore(%arg25 : memref<!tpu.dma_semaphore, #tpu.memory_space<semaphore_mem>>) src(%dma_wait3A_1375 : memref<900x128xf32, #tpu.memory_space<hbm>>) dst(%arg11 : memref<80x128xf32, #tpu.memory_space<vmem>>)
          } else {
          }
          %dma_start3A_1334 = arith.constant 0 : i32
          %dma_start3A_1335 = arith.constant 0 : i32
          %dma_start3A_1336 = tpu.memref_slice %arg9[%dma_start3A_1334, %dma_start3A_1335] : memref<5x80xi32, #tpu.memory_space<vmem>> -> memref<1x80xi32, #tpu.memory_space<vmem>>
          %dma_start3A_1337 = tpu.memref_squeeze %dma_start3A_1336 : memref<1x80xi32, #tpu.memory_space<vmem>> -> memref<80xi32, #tpu.memory_space<vmem>>
          %dma_start3A_1338 = arith.constant 0 : i32
          %dma_start3A_1339 = arith.constant 0 : i32
          %dma_start3A_1340 = tpu.memref_slice %arg3[%dma_start3A_1338, %dma_start3A_1339] : memref<40000x128xf32, #tpu.memory_space<hbm>> -> memref<40000x128xf32, #tpu.memory_space<hbm>>
          tpu.enqueue_indirect_dma source(%dma_start3A_1340 : memref<40000x128xf32, #tpu.memory_space<hbm>>) target(%arg11 : memref<80x128xf32, #tpu.memory_space<vmem>>) offsets(%dma_start3A_1337 : memref<80xi32, #tpu.memory_space<vmem>>) semaphore(%arg21 : memref<!tpu.dma_semaphore, #tpu.memory_space<semaphore_mem>>)
          %dma_start3A_1341 = arith.constant 1 : i32
          %dma_start3A_1342 = arith.constant 0 : i32
          %dma_start3A_1343 = tpu.memref_slice %arg9[%dma_start3A_1341, %dma_start3A_1342] : memref<5x80xi32, #tpu.memory_space<vmem>> -> memref<1x80xi32, #tpu.memory_space<vmem>>
          %dma_start3A_1344 = tpu.memref_squeeze %dma_start3A_1343 : memref<1x80xi32, #tpu.memory_space<vmem>> -> memref<80xi32, #tpu.memory_space<vmem>>
          %dma_start3A_1345 = arith.constant 0 : i32
          %dma_start3A_1346 = arith.constant 0 : i32
          %dma_start3A_1347 = tpu.memref_slice %arg3[%dma_start3A_1345, %dma_start3A_1346] : memref<40000x128xf32, #tpu.memory_space<hbm>> -> memref<40000x128xf32, #tpu.memory_space<hbm>>
          tpu.enqueue_indirect_dma source(%dma_start3A_1347 : memref<40000x128xf32, #tpu.memory_space<hbm>>) target(%arg16 : memref<80x128xf32, #tpu.memory_space<vmem>>) offsets(%dma_start3A_1344 : memref<80xi32, #tpu.memory_space<vmem>>) semaphore(%arg23 : memref<!tpu.dma_semaphore, #tpu.memory_space<semaphore_mem>>)
          %dma_start3A_1348 = arith.constant 2 : i32
          %dma_start3A_1349 = arith.constant 0 : i32
          %dma_start3A_1350 = tpu.memref_slice %arg9[%dma_start3A_1348, %dma_start3A_1349] : memref<5x80xi32, #tpu.memory_space<vmem>> -> memref<1x80xi32, #tpu.memory_space<vmem>>
          %dma_start3A_1351 = tpu.memref_squeeze %dma_start3A_1350 : memref<1x80xi32, #tpu.memory_space<vmem>> -> memref<80xi32, #tpu.memory_space<vmem>>
          %dma_start3A_1352 = arith.constant 0 : i32
          %dma_start3A_1353 = arith.constant 0 : i32
          %dma_start3A_1354 = tpu.memref_slice %arg3[%dma_start3A_1352, %dma_start3A_1353] : memref<40000x128xf32, #tpu.memory_space<hbm>> -> memref<40000x128xf32, #tpu.memory_space<hbm>>
          tpu.enqueue_indirect_dma source(%dma_start3A_1354 : memref<40000x128xf32, #tpu.memory_space<hbm>>) target(%arg17 : memref<80x128xf32, #tpu.memory_space<vmem>>) offsets(%dma_start3A_1351 : memref<80xi32, #tpu.memory_space<vmem>>) semaphore(%arg23 : memref<!tpu.dma_semaphore, #tpu.memory_space<semaphore_mem>>)
          %dma_start3A_1355 = arith.constant 3 : i32
          %dma_start3A_1356 = arith.constant 0 : i32
          %dma_start3A_1357 = tpu.memref_slice %arg9[%dma_start3A_1355, %dma_start3A_1356] : memref<5x80xi32, #tpu.memory_space<vmem>> -> memref<1x80xi32, #tpu.memory_space<vmem>>
          %dma_start3A_1358 = tpu.memref_squeeze %dma_start3A_1357 : memref<1x80xi32, #tpu.memory_space<vmem>> -> memref<80xi32, #tpu.memory_space<vmem>>
          %dma_start3A_1359 = arith.constant 0 : i32
          %dma_start3A_1360 = arith.constant 0 : i32
          %dma_start3A_1361 = tpu.memref_slice %arg3[%dma_start3A_1359, %dma_start3A_1360] : memref<40000x128xf32, #tpu.memory_space<hbm>> -> memref<40000x128xf32, #tpu.memory_space<hbm>>
          tpu.enqueue_indirect_dma source(%dma_start3A_1361 : memref<40000x128xf32, #tpu.memory_space<hbm>>) target(%arg18 : memref<80x128xf32, #tpu.memory_space<vmem>>) offsets(%dma_start3A_1358 : memref<80xi32, #tpu.memory_space<vmem>>) semaphore(%arg23 : memref<!tpu.dma_semaphore, #tpu.memory_space<semaphore_mem>>)
          %dma_start3A_1362 = arith.constant 4 : i32
          %dma_start3A_1363 = arith.constant 0 : i32
          %dma_start3A_1364 = tpu.memref_slice %arg9[%dma_start3A_1362, %dma_start3A_1363] : memref<5x80xi32, #tpu.memory_space<vmem>> -> memref<1x80xi32, #tpu.memory_space<vmem>>
          %dma_start3A_1365 = tpu.memref_squeeze %dma_start3A_1364 : memref<1x80xi32, #tpu.memory_space<vmem>> -> memref<80xi32, #tpu.memory_space<vmem>>
          %dma_start3A_1366 = arith.constant 0 : i32
          %dma_start3A_1367 = arith.constant 0 : i32
          %dma_start3A_1368 = tpu.memref_slice %arg4[%dma_start3A_1366, %dma_start3A_1367] : memref<900x128xf32, #tpu.memory_space<hbm>> -> memref<900x128xf32, #tpu.memory_space<hbm>>
          tpu.enqueue_indirect_dma source(%dma_start3A_1368 : memref<900x128xf32, #tpu.memory_space<hbm>>) target(%arg19 : memref<80x128xf32, #tpu.memory_space<vmem>>) offsets(%dma_start3A_1365 : memref<80xi32, #tpu.memory_space<vmem>>) semaphore(%arg23 : memref<!tpu.dma_semaphore, #tpu.memory_space<semaphore_mem>>)
        } else {
        }
        %parallel_loop3A = arith.constant 0 : i32
        %parallel_loop3A_693 = arith.constant 80 : i32
        %parallel_loop3A_694 = arith.constant 1 : i32
        scf.for %parallel_loop3A_701 = %parallel_loop3A to %parallel_loop3A_693 step %parallel_loop3A_694  : i32 {
          %parallel_loop3A_702 = arith.index_cast %parallel_loop3A_701 : i32 to index
          %parallel_loop3A_703 = arith.constant 0 : index
          %parallel_loop3A_704 = tpu.vector_load %arg12[%parallel_loop3A_702, %parallel_loop3A_703] {strides = array<i32>} : memref<80x128xf32, #tpu.memory_space<vmem>>, vector<1x16xf32>,
          %parallel_loop3A_705 = vector.shape_cast %parallel_loop3A_704 : vector<1x16xf32> to vector<16xf32>
          %parallel_loop3A_706 = arith.index_cast %parallel_loop3A_701 : i32 to index
          %parallel_loop3A_707 = arith.constant 0 : index
          %parallel_loop3A_708 = tpu.vector_load %arg13[%parallel_loop3A_706, %parallel_loop3A_707] {strides = array<i32>} : memref<80x128xf32, #tpu.memory_space<vmem>>, vector<1x16xf32>,
          %parallel_loop3A_709 = vector.shape_cast %parallel_loop3A_708 : vector<1x16xf32> to vector<16xf32>
          %parallel_loop3A_710 = arith.addf %parallel_loop3A_705, %parallel_loop3A_709 : vector<16xf32>
          %parallel_loop3A_711 = arith.index_cast %parallel_loop3A_701 : i32 to index
          %parallel_loop3A_712 = arith.constant 0 : index
          %parallel_loop3A_713 = tpu.vector_load %arg14[%parallel_loop3A_711, %parallel_loop3A_712] {strides = array<i32>} : memref<80x128xf32, #tpu.memory_space<vmem>>, vector<1x16xf32>,
          %parallel_loop3A_714 = vector.shape_cast %parallel_loop3A_713 : vector<1x16xf32> to vector<16xf32>
          %parallel_loop3A_715 = arith.index_cast %parallel_loop3A_701 : i32 to index
          %parallel_loop3A_716 = arith.constant 0 : index
          %parallel_loop3A_717 = tpu.vector_load %arg15[%parallel_loop3A_715, %parallel_loop3A_716] {strides = array<i32>} : memref<80x128xf32, #tpu.memory_space<vmem>>, vector<1x16xf32>,
          %parallel_loop3A_718 = vector.shape_cast %parallel_loop3A_717 : vector<1x16xf32> to vector<16xf32>
          %parallel_loop3A_719 = arith.addf %parallel_loop3A_714, %parallel_loop3A_718 : vector<16xf32>
          %parallel_loop3A_720 = arith.index_cast %parallel_loop3A_701 : i32 to index
          %parallel_loop3A_721 = arith.constant 0 : index
          %parallel_loop3A_722 = tpu.vector_load %arg10[%parallel_loop3A_720, %parallel_loop3A_721] {strides = array<i32>} : memref<80x128xf32, #tpu.memory_space<vmem>>, vector<1x16xf32>,
          %parallel_loop3A_723 = vector.shape_cast %parallel_loop3A_722 : vector<1x16xf32> to vector<16xf32>
          %parallel_loop3A_724 = arith.addf %parallel_loop3A_710, %parallel_loop3A_719 : vector<16xf32>
          %parallel_loop3A_725 = arith.addf %parallel_loop3A_723, %parallel_loop3A_724 : vector<16xf32>
          %parallel_loop3A_726 = arith.index_cast %parallel_loop3A_701 : i32 to index
          %parallel_loop3A_727 = arith.constant 0 : index
          %parallel_loop3A_728 = tpu.vector_load %arg10[%parallel_loop3A_726, %parallel_loop3A_727] {strides = array<i32>} : memref<80x128xf32, #tpu.memory_space<vmem>>, vector<1x16xf32>,
          %parallel_loop3A_729 = vector.shape_cast %parallel_loop3A_728 : vector<1x16xf32> to vector<16xf32>
          %parallel_loop3A_730 = vector.shape_cast %parallel_loop3A_725 : vector<16xf32> to vector<1x16xf32>
          tpu.vector_store %arg10[%parallel_loop3A_726, %parallel_loop3A_727], %parallel_loop3A_730 {strides = array<i32>} : memref<80x128xf32, #tpu.memory_space<vmem>>, vector<1x16xf32>,
          %parallel_loop3A_731 = arith.index_cast %parallel_loop3A_701 : i32 to index
          %parallel_loop3A_732 = arith.constant 16 : index
          %parallel_loop3A_733 = tpu.vector_load %arg12[%parallel_loop3A_731, %parallel_loop3A_732] {strides = array<i32>} : memref<80x128xf32, #tpu.memory_space<vmem>>, vector<1x16xf32>,
          %parallel_loop3A_734 = vector.shape_cast %parallel_loop3A_733 : vector<1x16xf32> to vector<16xf32>
          %parallel_loop3A_735 = arith.index_cast %parallel_loop3A_701 : i32 to index
          %parallel_loop3A_736 = arith.constant 16 : index
          %parallel_loop3A_737 = tpu.vector_load %arg13[%parallel_loop3A_735, %parallel_loop3A_736] {strides = array<i32>} : memref<80x128xf32, #tpu.memory_space<vmem>>, vector<1x16xf32>,
          %parallel_loop3A_738 = vector.shape_cast %parallel_loop3A_737 : vector<1x16xf32> to vector<16xf32>
          %parallel_loop3A_739 = arith.addf %parallel_loop3A_734, %parallel_loop3A_738 : vector<16xf32>
          %parallel_loop3A_740 = arith.index_cast %parallel_loop3A_701 : i32 to index
          %parallel_loop3A_741 = arith.constant 16 : index
          %parallel_loop3A_742 = tpu.vector_load %arg14[%parallel_loop3A_740, %parallel_loop3A_741] {strides = array<i32>} : memref<80x128xf32, #tpu.memory_space<vmem>>, vector<1x16xf32>,
          %parallel_loop3A_743 = vector.shape_cast %parallel_loop3A_742 : vector<1x16xf32> to vector<16xf32>
          %parallel_loop3A_744 = arith.index_cast %parallel_loop3A_701 : i32 to index
          %parallel_loop3A_745 = arith.constant 16 : index
          %parallel_loop3A_746 = tpu.vector_load %arg15[%parallel_loop3A_744, %parallel_loop3A_745] {strides = array<i32>} : memref<80x128xf32, #tpu.memory_space<vmem>>, vector<1x16xf32>,
          %parallel_loop3A_747 = vector.shape_cast %parallel_loop3A_746 : vector<1x16xf32> to vector<16xf32>
          %parallel_loop3A_748 = arith.addf %parallel_loop3A_743, %parallel_loop3A_747 : vector<16xf32>
          %parallel_loop3A_749 = arith.index_cast %parallel_loop3A_701 : i32 to index
          %parallel_loop3A_750 = arith.constant 16 : index
          %parallel_loop3A_751 = tpu.vector_load %arg10[%parallel_loop3A_749, %parallel_loop3A_750] {strides = array<i32>} : memref<80x128xf32, #tpu.memory_space<vmem>>, vector<1x16xf32>,
          %parallel_loop3A_752 = vector.shape_cast %parallel_loop3A_751 : vector<1x16xf32> to vector<16xf32>
          %parallel_loop3A_753 = arith.addf %parallel_loop3A_739, %parallel_loop3A_748 : vector<16xf32>
          %parallel_loop3A_754 = arith.addf %parallel_loop3A_752, %parallel_loop3A_753 : vector<16xf32>
          %parallel_loop3A_755 = arith.index_cast %parallel_loop3A_701 : i32 to index
          %parallel_loop3A_756 = arith.constant 16 : index
          %parallel_loop3A_757 = tpu.vector_load %arg10[%parallel_loop3A_755, %parallel_loop3A_756] {strides = array<i32>} : memref<80x128xf32, #tpu.memory_space<vmem>>, vector<1x16xf32>,
          %parallel_loop3A_758 = vector.shape_cast %parallel_loop3A_757 : vector<1x16xf32> to vector<16xf32>
          %parallel_loop3A_759 = vector.shape_cast %parallel_loop3A_754 : vector<16xf32> to vector<1x16xf32>
          tpu.vector_store %arg10[%parallel_loop3A_755, %parallel_loop3A_756], %parallel_loop3A_759 {strides = array<i32>} : memref<80x128xf32, #tpu.memory_space<vmem>>, vector<1x16xf32>,
          %parallel_loop3A_760 = arith.index_cast %parallel_loop3A_701 : i32 to index
          %parallel_loop3A_761 = arith.constant 32 : index
          %parallel_loop3A_762 = tpu.vector_load %arg12[%parallel_loop3A_760, %parallel_loop3A_761] {strides = array<i32>} : memref<80x128xf32, #tpu.memory_space<vmem>>, vector<1x16xf32>,
          %parallel_loop3A_763 = vector.shape_cast %parallel_loop3A_762 : vector<1x16xf32> to vector<16xf32>
          %parallel_loop3A_764 = arith.index_cast %parallel_loop3A_701 : i32 to index
          %parallel_loop3A_765 = arith.constant 32 : index
          %parallel_loop3A_766 = tpu.vector_load %arg13[%parallel_loop3A_764, %parallel_loop3A_765] {strides = array<i32>} : memref<80x128xf32, #tpu.memory_space<vmem>>, vector<1x16xf32>,
          %parallel_loop3A_767 = vector.shape_cast %parallel_loop3A_766 : vector<1x16xf32> to vector<16xf32>
          %parallel_loop3A_768 = arith.addf %parallel_loop3A_763, %parallel_loop3A_767 : vector<16xf32>
          %parallel_loop3A_769 = arith.index_cast %parallel_loop3A_701 : i32 to index
          %parallel_loop3A_770 = arith.constant 32 : index
          %parallel_loop3A_771 = tpu.vector_load %arg14[%parallel_loop3A_769, %parallel_loop3A_770] {strides = array<i32>} : memref<80x128xf32, #tpu.memory_space<vmem>>, vector<1x16xf32>,
          %parallel_loop3A_772 = vector.shape_cast %parallel_loop3A_771 : vector<1x16xf32> to vector<16xf32>
          %parallel_loop3A_773 = arith.index_cast %parallel_loop3A_701 : i32 to index
          %parallel_loop3A_774 = arith.constant 32 : index
          %parallel_loop3A_775 = tpu.vector_load %arg15[%parallel_loop3A_773, %parallel_loop3A_774] {strides = array<i32>} : memref<80x128xf32, #tpu.memory_space<vmem>>, vector<1x16xf32>,
          %parallel_loop3A_776 = vector.shape_cast %parallel_loop3A_775 : vector<1x16xf32> to vector<16xf32>
          %parallel_loop3A_777 = arith.addf %parallel_loop3A_772, %parallel_loop3A_776 : vector<16xf32>
          %parallel_loop3A_778 = arith.index_cast %parallel_loop3A_701 : i32 to index
          %parallel_loop3A_779 = arith.constant 32 : index
          %parallel_loop3A_780 = tpu.vector_load %arg10[%parallel_loop3A_778, %parallel_loop3A_779] {strides = array<i32>} : memref<80x128xf32, #tpu.memory_space<vmem>>, vector<1x16xf32>,
          %parallel_loop3A_781 = vector.shape_cast %parallel_loop3A_780 : vector<1x16xf32> to vector<16xf32>
          %parallel_loop3A_782 = arith.addf %parallel_loop3A_768, %parallel_loop3A_777 : vector<16xf32>
          %parallel_loop3A_783 = arith.addf %parallel_loop3A_781, %parallel_loop3A_782 : vector<16xf32>
          %parallel_loop3A_784 = arith.index_cast %parallel_loop3A_701 : i32 to index
          %parallel_loop3A_785 = arith.constant 32 : index
          %parallel_loop3A_786 = tpu.vector_load %arg10[%parallel_loop3A_784, %parallel_loop3A_785] {strides = array<i32>} : memref<80x128xf32, #tpu.memory_space<vmem>>, vector<1x16xf32>,
          %parallel_loop3A_787 = vector.shape_cast %parallel_loop3A_786 : vector<1x16xf32> to vector<16xf32>
          %parallel_loop3A_788 = vector.shape_cast %parallel_loop3A_783 : vector<16xf32> to vector<1x16xf32>
          tpu.vector_store %arg10[%parallel_loop3A_784, %parallel_loop3A_785], %parallel_loop3A_788 {strides = array<i32>} : memref<80x128xf32, #tpu.memory_space<vmem>>, vector<1x16xf32>,
          %parallel_loop3A_789 = arith.index_cast %parallel_loop3A_701 : i32 to index
          %parallel_loop3A_790 = arith.constant 48 : index
          %parallel_loop3A_791 = tpu.vector_load %arg12[%parallel_loop3A_789, %parallel_loop3A_790] {strides = array<i32>} : memref<80x128xf32, #tpu.memory_space<vmem>>, vector<1x16xf32>,
          %parallel_loop3A_792 = vector.shape_cast %parallel_loop3A_791 : vector<1x16xf32> to vector<16xf32>
          %parallel_loop3A_793 = arith.index_cast %parallel_loop3A_701 : i32 to index
          %parallel_loop3A_794 = arith.constant 48 : index
          %parallel_loop3A_795 = tpu.vector_load %arg13[%parallel_loop3A_793, %parallel_loop3A_794] {strides = array<i32>} : memref<80x128xf32, #tpu.memory_space<vmem>>, vector<1x16xf32>,
          %parallel_loop3A_796 = vector.shape_cast %parallel_loop3A_795 : vector<1x16xf32> to vector<16xf32>
          %parallel_loop3A_797 = arith.addf %parallel_loop3A_792, %parallel_loop3A_796 : vector<16xf32>
          %parallel_loop3A_798 = arith.index_cast %parallel_loop3A_701 : i32 to index
          %parallel_loop3A_799 = arith.constant 48 : index
          %parallel_loop3A_800 = tpu.vector_load %arg14[%parallel_loop3A_798, %parallel_loop3A_799] {strides = array<i32>} : memref<80x128xf32, #tpu.memory_space<vmem>>, vector<1x16xf32>,
          %parallel_loop3A_801 = vector.shape_cast %parallel_loop3A_800 : vector<1x16xf32> to vector<16xf32>
          %parallel_loop3A_802 = arith.index_cast %parallel_loop3A_701 : i32 to index
          %parallel_loop3A_803 = arith.constant 48 : index
          %parallel_loop3A_804 = tpu.vector_load %arg15[%parallel_loop3A_802, %parallel_loop3A_803] {strides = array<i32>} : memref<80x128xf32, #tpu.memory_space<vmem>>, vector<1x16xf32>,
          %parallel_loop3A_805 = vector.shape_cast %parallel_loop3A_804 : vector<1x16xf32> to vector<16xf32>
          %parallel_loop3A_806 = arith.addf %parallel_loop3A_801, %parallel_loop3A_805 : vector<16xf32>
          %parallel_loop3A_807 = arith.index_cast %parallel_loop3A_701 : i32 to index
          %parallel_loop3A_808 = arith.constant 48 : index
          %parallel_loop3A_809 = tpu.vector_load %arg10[%parallel_loop3A_807, %parallel_loop3A_808] {strides = array<i32>} : memref<80x128xf32, #tpu.memory_space<vmem>>, vector<1x16xf32>,
          %parallel_loop3A_810 = vector.shape_cast %parallel_loop3A_809 : vector<1x16xf32> to vector<16xf32>
          %parallel_loop3A_811 = arith.addf %parallel_loop3A_797, %parallel_loop3A_806 : vector<16xf32>
          %parallel_loop3A_812 = arith.addf %parallel_loop3A_810, %parallel_loop3A_811 : vector<16xf32>
          %parallel_loop3A_813 = arith.index_cast %parallel_loop3A_701 : i32 to index
          %parallel_loop3A_814 = arith.constant 48 : index
          %parallel_loop3A_815 = tpu.vector_load %arg10[%parallel_loop3A_813, %parallel_loop3A_814] {strides = array<i32>} : memref<80x128xf32, #tpu.memory_space<vmem>>, vector<1x16xf32>,
          %parallel_loop3A_816 = vector.shape_cast %parallel_loop3A_815 : vector<1x16xf32> to vector<16xf32>
          %parallel_loop3A_817 = vector.shape_cast %parallel_loop3A_812 : vector<16xf32> to vector<1x16xf32>
          tpu.vector_store %arg10[%parallel_loop3A_813, %parallel_loop3A_814], %parallel_loop3A_817 {strides = array<i32>} : memref<80x128xf32, #tpu.memory_space<vmem>>, vector<1x16xf32>,
          %parallel_loop3A_818 = arith.index_cast %parallel_loop3A_701 : i32 to index
          %parallel_loop3A_819 = arith.constant 64 : index
          %parallel_loop3A_820 = tpu.vector_load %arg12[%parallel_loop3A_818, %parallel_loop3A_819] {strides = array<i32>} : memref<80x128xf32, #tpu.memory_space<vmem>>, vector<1x16xf32>,
          %parallel_loop3A_821 = vector.shape_cast %parallel_loop3A_820 : vector<1x16xf32> to vector<16xf32>
          %parallel_loop3A_822 = arith.index_cast %parallel_loop3A_701 : i32 to index
          %parallel_loop3A_823 = arith.constant 64 : index
          %parallel_loop3A_824 = tpu.vector_load %arg13[%parallel_loop3A_822, %parallel_loop3A_823] {strides = array<i32>} : memref<80x128xf32, #tpu.memory_space<vmem>>, vector<1x16xf32>,
          %parallel_loop3A_825 = vector.shape_cast %parallel_loop3A_824 : vector<1x16xf32> to vector<16xf32>
          %parallel_loop3A_826 = arith.addf %parallel_loop3A_821, %parallel_loop3A_825 : vector<16xf32>
          %parallel_loop3A_827 = arith.index_cast %parallel_loop3A_701 : i32 to index
          %parallel_loop3A_828 = arith.constant 64 : index
          %parallel_loop3A_829 = tpu.vector_load %arg14[%parallel_loop3A_827, %parallel_loop3A_828] {strides = array<i32>} : memref<80x128xf32, #tpu.memory_space<vmem>>, vector<1x16xf32>,
          %parallel_loop3A_830 = vector.shape_cast %parallel_loop3A_829 : vector<1x16xf32> to vector<16xf32>
          %parallel_loop3A_831 = arith.index_cast %parallel_loop3A_701 : i32 to index
          %parallel_loop3A_832 = arith.constant 64 : index
          %parallel_loop3A_833 = tpu.vector_load %arg15[%parallel_loop3A_831, %parallel_loop3A_832] {strides = array<i32>} : memref<80x128xf32, #tpu.memory_space<vmem>>, vector<1x16xf32>,
          %parallel_loop3A_834 = vector.shape_cast %parallel_loop3A_833 : vector<1x16xf32> to vector<16xf32>
          %parallel_loop3A_835 = arith.addf %parallel_loop3A_830, %parallel_loop3A_834 : vector<16xf32>
          %parallel_loop3A_836 = arith.index_cast %parallel_loop3A_701 : i32 to index
          %parallel_loop3A_837 = arith.constant 64 : index
          %parallel_loop3A_838 = tpu.vector_load %arg10[%parallel_loop3A_836, %parallel_loop3A_837] {strides = array<i32>} : memref<80x128xf32, #tpu.memory_space<vmem>>, vector<1x16xf32>,
          %parallel_loop3A_839 = vector.shape_cast %parallel_loop3A_838 : vector<1x16xf32> to vector<16xf32>
          %parallel_loop3A_840 = arith.addf %parallel_loop3A_826, %parallel_loop3A_835 : vector<16xf32>
          %parallel_loop3A_841 = arith.addf %parallel_loop3A_839, %parallel_loop3A_840 : vector<16xf32>
          %parallel_loop3A_842 = arith.index_cast %parallel_loop3A_701 : i32 to index
          %parallel_loop3A_843 = arith.constant 64 : index
          %parallel_loop3A_844 = tpu.vector_load %arg10[%parallel_loop3A_842, %parallel_loop3A_843] {strides = array<i32>} : memref<80x128xf32, #tpu.memory_space<vmem>>, vector<1x16xf32>,
          %parallel_loop3A_845 = vector.shape_cast %parallel_loop3A_844 : vector<1x16xf32> to vector<16xf32>
          %parallel_loop3A_846 = vector.shape_cast %parallel_loop3A_841 : vector<16xf32> to vector<1x16xf32>
          tpu.vector_store %arg10[%parallel_loop3A_842, %parallel_loop3A_843], %parallel_loop3A_846 {strides = array<i32>} : memref<80x128xf32, #tpu.memory_space<vmem>>, vector<1x16xf32>,
          %parallel_loop3A_847 = arith.index_cast %parallel_loop3A_701 : i32 to index
          %parallel_loop3A_848 = arith.constant 80 : index
          %parallel_loop3A_849 = tpu.vector_load %arg12[%parallel_loop3A_847, %parallel_loop3A_848] {strides = array<i32>} : memref<80x128xf32, #tpu.memory_space<vmem>>, vector<1x16xf32>,
          %parallel_loop3A_850 = vector.shape_cast %parallel_loop3A_849 : vector<1x16xf32> to vector<16xf32>
          %parallel_loop3A_851 = arith.index_cast %parallel_loop3A_701 : i32 to index
          %parallel_loop3A_852 = arith.constant 80 : index
          %parallel_loop3A_853 = tpu.vector_load %arg13[%parallel_loop3A_851, %parallel_loop3A_852] {strides = array<i32>} : memref<80x128xf32, #tpu.memory_space<vmem>>, vector<1x16xf32>,
          %parallel_loop3A_854 = vector.shape_cast %parallel_loop3A_853 : vector<1x16xf32> to vector<16xf32>
          %parallel_loop3A_855 = arith.addf %parallel_loop3A_850, %parallel_loop3A_854 : vector<16xf32>
          %parallel_loop3A_856 = arith.index_cast %parallel_loop3A_701 : i32 to index
          %parallel_loop3A_857 = arith.constant 80 : index
          %parallel_loop3A_858 = tpu.vector_load %arg14[%parallel_loop3A_856, %parallel_loop3A_857] {strides = array<i32>} : memref<80x128xf32, #tpu.memory_space<vmem>>, vector<1x16xf32>,
          %parallel_loop3A_859 = vector.shape_cast %parallel_loop3A_858 : vector<1x16xf32> to vector<16xf32>
          %parallel_loop3A_860 = arith.index_cast %parallel_loop3A_701 : i32 to index
          %parallel_loop3A_861 = arith.constant 80 : index
          %parallel_loop3A_862 = tpu.vector_load %arg15[%parallel_loop3A_860, %parallel_loop3A_861] {strides = array<i32>} : memref<80x128xf32, #tpu.memory_space<vmem>>, vector<1x16xf32>,
          %parallel_loop3A_863 = vector.shape_cast %parallel_loop3A_862 : vector<1x16xf32> to vector<16xf32>
          %parallel_loop3A_864 = arith.addf %parallel_loop3A_859, %parallel_loop3A_863 : vector<16xf32>
          %parallel_loop3A_865 = arith.index_cast %parallel_loop3A_701 : i32 to index
          %parallel_loop3A_866 = arith.constant 80 : index
          %parallel_loop3A_867 = tpu.vector_load %arg10[%parallel_loop3A_865, %parallel_loop3A_866] {strides = array<i32>} : memref<80x128xf32, #tpu.memory_space<vmem>>, vector<1x16xf32>,
          %parallel_loop3A_868 = vector.shape_cast %parallel_loop3A_867 : vector<1x16xf32> to vector<16xf32>
          %parallel_loop3A_869 = arith.addf %parallel_loop3A_855, %parallel_loop3A_864 : vector<16xf32>
          %parallel_loop3A_870 = arith.addf %parallel_loop3A_868, %parallel_loop3A_869 : vector<16xf32>
          %parallel_loop3A_871 = arith.index_cast %parallel_loop3A_701 : i32 to index
          %parallel_loop3A_872 = arith.constant 80 : index
          %parallel_loop3A_873 = tpu.vector_load %arg10[%parallel_loop3A_871, %parallel_loop3A_872] {strides = array<i32>} : memref<80x128xf32, #tpu.memory_space<vmem>>, vector<1x16xf32>,
          %parallel_loop3A_874 = vector.shape_cast %parallel_loop3A_873 : vector<1x16xf32> to vector<16xf32>
          %parallel_loop3A_875 = vector.shape_cast %parallel_loop3A_870 : vector<16xf32> to vector<1x16xf32>
          tpu.vector_store %arg10[%parallel_loop3A_871, %parallel_loop3A_872], %parallel_loop3A_875 {strides = array<i32>} : memref<80x128xf32, #tpu.memory_space<vmem>>, vector<1x16xf32>,
          %parallel_loop3A_876 = arith.index_cast %parallel_loop3A_701 : i32 to index
          %parallel_loop3A_877 = arith.constant 96 : index
          %parallel_loop3A_878 = tpu.vector_load %arg12[%parallel_loop3A_876, %parallel_loop3A_877] {strides = array<i32>} : memref<80x128xf32, #tpu.memory_space<vmem>>, vector<1x16xf32>,
          %parallel_loop3A_879 = vector.shape_cast %parallel_loop3A_878 : vector<1x16xf32> to vector<16xf32>
          %parallel_loop3A_880 = arith.index_cast %parallel_loop3A_701 : i32 to index
          %parallel_loop3A_881 = arith.constant 96 : index
          %parallel_loop3A_882 = tpu.vector_load %arg13[%parallel_loop3A_880, %parallel_loop3A_881] {strides = array<i32>} : memref<80x128xf32, #tpu.memory_space<vmem>>, vector<1x16xf32>,
          %parallel_loop3A_883 = vector.shape_cast %parallel_loop3A_882 : vector<1x16xf32> to vector<16xf32>
          %parallel_loop3A_884 = arith.addf %parallel_loop3A_879, %parallel_loop3A_883 : vector<16xf32>
          %parallel_loop3A_885 = arith.index_cast %parallel_loop3A_701 : i32 to index
          %parallel_loop3A_886 = arith.constant 96 : index
          %parallel_loop3A_887 = tpu.vector_load %arg14[%parallel_loop3A_885, %parallel_loop3A_886] {strides = array<i32>} : memref<80x128xf32, #tpu.memory_space<vmem>>, vector<1x16xf32>,
          %parallel_loop3A_888 = vector.shape_cast %parallel_loop3A_887 : vector<1x16xf32> to vector<16xf32>
          %parallel_loop3A_889 = arith.index_cast %parallel_loop3A_701 : i32 to index
          %parallel_loop3A_890 = arith.constant 96 : index
          %parallel_loop3A_891 = tpu.vector_load %arg15[%parallel_loop3A_889, %parallel_loop3A_890] {strides = array<i32>} : memref<80x128xf32, #tpu.memory_space<vmem>>, vector<1x16xf32>,
          %parallel_loop3A_892 = vector.shape_cast %parallel_loop3A_891 : vector<1x16xf32> to vector<16xf32>
          %parallel_loop3A_893 = arith.addf %parallel_loop3A_888, %parallel_loop3A_892 : vector<16xf32>
          %parallel_loop3A_894 = arith.index_cast %parallel_loop3A_701 : i32 to index
          %parallel_loop3A_895 = arith.constant 96 : index
          %parallel_loop3A_896 = tpu.vector_load %arg10[%parallel_loop3A_894, %parallel_loop3A_895] {strides = array<i32>} : memref<80x128xf32, #tpu.memory_space<vmem>>, vector<1x16xf32>,
          %parallel_loop3A_897 = vector.shape_cast %parallel_loop3A_896 : vector<1x16xf32> to vector<16xf32>
          %parallel_loop3A_898 = arith.addf %parallel_loop3A_884, %parallel_loop3A_893 : vector<16xf32>
          %parallel_loop3A_899 = arith.addf %parallel_loop3A_897, %parallel_loop3A_898 : vector<16xf32>
          %parallel_loop3A_900 = arith.index_cast %parallel_loop3A_701 : i32 to index
          %parallel_loop3A_901 = arith.constant 96 : index
          %parallel_loop3A_902 = tpu.vector_load %arg10[%parallel_loop3A_900, %parallel_loop3A_901] {strides = array<i32>} : memref<80x128xf32, #tpu.memory_space<vmem>>, vector<1x16xf32>,
          %parallel_loop3A_903 = vector.shape_cast %parallel_loop3A_902 : vector<1x16xf32> to vector<16xf32>
          %parallel_loop3A_904 = vector.shape_cast %parallel_loop3A_899 : vector<16xf32> to vector<1x16xf32>
          tpu.vector_store %arg10[%parallel_loop3A_900, %parallel_loop3A_901], %parallel_loop3A_904 {strides = array<i32>} : memref<80x128xf32, #tpu.memory_space<vmem>>, vector<1x16xf32>,
          %parallel_loop3A_905 = arith.index_cast %parallel_loop3A_701 : i32 to index
          %parallel_loop3A_906 = arith.constant 112 : index
          %parallel_loop3A_907 = tpu.vector_load %arg12[%parallel_loop3A_905, %parallel_loop3A_906] {strides = array<i32>} : memref<80x128xf32, #tpu.memory_space<vmem>>, vector<1x16xf32>,
          %parallel_loop3A_908 = vector.shape_cast %parallel_loop3A_907 : vector<1x16xf32> to vector<16xf32>
          %parallel_loop3A_909 = arith.index_cast %parallel_loop3A_701 : i32 to index
          %parallel_loop3A_910 = arith.constant 112 : index
          %parallel_loop3A_911 = tpu.vector_load %arg13[%parallel_loop3A_909, %parallel_loop3A_910] {strides = array<i32>} : memref<80x128xf32, #tpu.memory_space<vmem>>, vector<1x16xf32>,
          %parallel_loop3A_912 = vector.shape_cast %parallel_loop3A_911 : vector<1x16xf32> to vector<16xf32>
          %parallel_loop3A_913 = arith.addf %parallel_loop3A_908, %parallel_loop3A_912 : vector<16xf32>
          %parallel_loop3A_914 = arith.index_cast %parallel_loop3A_701 : i32 to index
          %parallel_loop3A_915 = arith.constant 112 : index
          %parallel_loop3A_916 = tpu.vector_load %arg14[%parallel_loop3A_914, %parallel_loop3A_915] {strides = array<i32>} : memref<80x128xf32, #tpu.memory_space<vmem>>, vector<1x16xf32>,
          %parallel_loop3A_917 = vector.shape_cast %parallel_loop3A_916 : vector<1x16xf32> to vector<16xf32>
          %parallel_loop3A_918 = arith.index_cast %parallel_loop3A_701 : i32 to index
          %parallel_loop3A_919 = arith.constant 112 : index
          %parallel_loop3A_920 = tpu.vector_load %arg15[%parallel_loop3A_918, %parallel_loop3A_919] {strides = array<i32>} : memref<80x128xf32, #tpu.memory_space<vmem>>, vector<1x16xf32>,
          %parallel_loop3A_921 = vector.shape_cast %parallel_loop3A_920 : vector<1x16xf32> to vector<16xf32>
          %parallel_loop3A_922 = arith.addf %parallel_loop3A_917, %parallel_loop3A_921 : vector<16xf32>
          %parallel_loop3A_923 = arith.index_cast %parallel_loop3A_701 : i32 to index
          %parallel_loop3A_924 = arith.constant 112 : index
          %parallel_loop3A_925 = tpu.vector_load %arg10[%parallel_loop3A_923, %parallel_loop3A_924] {strides = array<i32>} : memref<80x128xf32, #tpu.memory_space<vmem>>, vector<1x16xf32>,
          %parallel_loop3A_926 = vector.shape_cast %parallel_loop3A_925 : vector<1x16xf32> to vector<16xf32>
          %parallel_loop3A_927 = arith.addf %parallel_loop3A_913, %parallel_loop3A_922 : vector<16xf32>
          %parallel_loop3A_928 = arith.addf %parallel_loop3A_926, %parallel_loop3A_927 : vector<16xf32>
          %parallel_loop3A_929 = arith.index_cast %parallel_loop3A_701 : i32 to index
          %parallel_loop3A_930 = arith.constant 112 : index
          %parallel_loop3A_931 = tpu.vector_load %arg10[%parallel_loop3A_929, %parallel_loop3A_930] {strides = array<i32>} : memref<80x128xf32, #tpu.memory_space<vmem>>, vector<1x16xf32>,
          %parallel_loop3A_932 = vector.shape_cast %parallel_loop3A_931 : vector<1x16xf32> to vector<16xf32>
          %parallel_loop3A_933 = vector.shape_cast %parallel_loop3A_928 : vector<16xf32> to vector<1x16xf32>
          tpu.vector_store %arg10[%parallel_loop3A_929, %parallel_loop3A_930], %parallel_loop3A_933 {strides = array<i32>} : memref<80x128xf32, #tpu.memory_space<vmem>>, vector<1x16xf32>,
        } {sc.loop_unroll_factor = 4 : i64, sc.parallel_access}
        %mul3A_695 = arith.constant 80 : i32
        %mul3A_696 = arith.muli %add3A_632, %mul3A_695 : i32
        %dma_start3A_697 = arith.constant 0 : i32
        %dma_start3A_698 = tpu.memref_slice %arg5[%mul3A_696, %dma_start3A_697] : memref<100000x128xf32, #tpu.memory_space<hbm>> -> memref<80x128xf32, #tpu.memory_space<hbm>>
        %dma_start3A_699 = arith.constant 0 : i32
        %dma_start3A_700 = tpu.memref_slice %arg5[%mul3A_696, %dma_start3A_699] : memref<100000x128xf32, #tpu.memory_space<hbm>> -> memref<80x128xf32, #tpu.memory_space<hbm>>
        tpu.enqueue_dma source(%arg10 : memref<80x128xf32, #tpu.memory_space<vmem>>) target(%dma_start3A_700 : memref<80x128xf32, #tpu.memory_space<hbm>>) target_semaphore(%arg24 : memref<!tpu.dma_semaphore, #tpu.memory_space<semaphore_mem>>)
      } else {
      }
      %mul3A_635 = arith.constant 2 : i32
      %mul3A_636 = arith.muli %mul3A_635, %scan3A_626 : i32
      %add3A_637 = arith.constant 1 : i32
      %add3A_638 = arith.addi %mul3A_636, %add3A_637 : i32
      %mul3A_639 = arith.constant 32 : i32
      %mul3A_640 = arith.muli %add3A_638, %mul3A_639 : i32
      %add3A_641 = arith.addi %mul3A_640, %add3A : i32
      %lt3A_642 = arith.constant 1250 : i32
      %lt3A_643 = arith.cmpi slt, %add3A_641, %lt3A_642 : i32
      %convert_element_type3A_644 = arith.extui %lt3A_643 : i1 to i32
      %cond3A_645 = arith.constant 0 : i32
      %cond3A_646 = arith.cmpi ne, %convert_element_type3A_644, %cond3A_645 : i32
      scf.if %cond3A_646 {
        %add3A_648 = arith.constant 32 : i32
        %add3A_649 = arith.addi %add3A_641, %add3A_648 : i32
        %lt3A_650 = arith.constant 1250 : i32
        %lt3A_651 = arith.cmpi slt, %add3A_649, %lt3A_650 : i32
        %convert_element_type3A_652 = arith.extui %lt3A_651 : i1 to i32
        %cond3A_653 = arith.constant 0 : i32
        %cond3A_654 = arith.cmpi ne, %convert_element_type3A_652, %cond3A_653 : i32
        scf.if %cond3A_654 {
          %mul3A_701 = arith.constant 80 : i32
          %mul3A_702 = arith.muli %add3A_649, %mul3A_701 : i32
          %add3A_703 = arith.constant 0 : i32
          %add3A_704 = arith.addi %add3A_703, %mul3A_702 : i32
          %dma_start3A_705 = arith.constant 0 : i32
          %dma_start3A_706 = arith.constant 0 : i32
          %dma_start3A_707 = tpu.memref_slice %arg6[%dma_start3A_705, %dma_start3A_706] : memref<9x80xi32, #tpu.memory_space<vmem>> -> memref<1x80xi32, #tpu.memory_space<vmem>>
          %dma_start3A_708 = tpu.memref_squeeze %dma_start3A_707 : memref<1x80xi32, #tpu.memory_space<vmem>> -> memref<80xi32, #tpu.memory_space<vmem>>
          %dma_start3A_709 = tpu.memref_slice %arg2[%add3A_704] : memref<900000xi32, #tpu.memory_space<hbm>> -> memref<80xi32, #tpu.memory_space<hbm>>
          %dma_start3A_710 = arith.constant 0 : i32
          %dma_start3A_711 = tpu.memref_slice %arg6[%dma_start3A_705, %dma_start3A_710] : memref<9x80xi32, #tpu.memory_space<vmem>> -> memref<1x80xi32, #tpu.memory_space<vmem>>
          %dma_start3A_712 = tpu.memref_squeeze %dma_start3A_711 : memref<1x80xi32, #tpu.memory_space<vmem>> -> memref<80xi32, #tpu.memory_space<vmem>>
          %dma_start3A_713 = tpu.memref_slice %arg2[%add3A_704] : memref<900000xi32, #tpu.memory_space<hbm>> -> memref<80xi32, #tpu.memory_space<hbm>>
          tpu.enqueue_dma source(%dma_start3A_713 : memref<80xi32, #tpu.memory_space<hbm>>) target(%dma_start3A_712 : memref<80xi32, #tpu.memory_space<vmem>>) target_semaphore(%arg26 : memref<!tpu.dma_semaphore, #tpu.memory_space<semaphore_mem>>)
          %mul3A_714 = arith.constant 80 : i32
          %mul3A_715 = arith.muli %add3A_649, %mul3A_714 : i32
          %add3A_716 = arith.constant 100000 : i32
          %add3A_717 = arith.addi %add3A_716, %mul3A_715 : i32
          %dma_start3A_718 = arith.constant 1 : i32
          %dma_start3A_719 = arith.constant 0 : i32
          %dma_start3A_720 = tpu.memref_slice %arg6[%dma_start3A_718, %dma_start3A_719] : memref<9x80xi32, #tpu.memory_space<vmem>> -> memref<1x80xi32, #tpu.memory_space<vmem>>
          %dma_start3A_721 = tpu.memref_squeeze %dma_start3A_720 : memref<1x80xi32, #tpu.memory_space<vmem>> -> memref<80xi32, #tpu.memory_space<vmem>>
          %dma_start3A_722 = tpu.memref_slice %arg2[%add3A_717] : memref<900000xi32, #tpu.memory_space<hbm>> -> memref<80xi32, #tpu.memory_space<hbm>>
          %dma_start3A_723 = arith.constant 0 : i32
          %dma_start3A_724 = tpu.memref_slice %arg6[%dma_start3A_718, %dma_start3A_723] : memref<9x80xi32, #tpu.memory_space<vmem>> -> memref<1x80xi32, #tpu.memory_space<vmem>>
          %dma_start3A_725 = tpu.memref_squeeze %dma_start3A_724 : memref<1x80xi32, #tpu.memory_space<vmem>> -> memref<80xi32, #tpu.memory_space<vmem>>
          %dma_start3A_726 = tpu.memref_slice %arg2[%add3A_717] : memref<900000xi32, #tpu.memory_space<hbm>> -> memref<80xi32, #tpu.memory_space<hbm>>
          tpu.enqueue_dma source(%dma_start3A_726 : memref<80xi32, #tpu.memory_space<hbm>>) target(%dma_start3A_725 : memref<80xi32, #tpu.memory_space<vmem>>) target_semaphore(%arg26 : memref<!tpu.dma_semaphore, #tpu.memory_space<semaphore_mem>>)
          %mul3A_727 = arith.constant 80 : i32
          %mul3A_728 = arith.muli %add3A_649, %mul3A_727 : i32
          %add3A_729 = arith.constant 200000 : i32
          %add3A_730 = arith.addi %add3A_729, %mul3A_728 : i32
          %dma_start3A_731 = arith.constant 2 : i32
          %dma_start3A_732 = arith.constant 0 : i32
          %dma_start3A_733 = tpu.memref_slice %arg6[%dma_start3A_731, %dma_start3A_732] : memref<9x80xi32, #tpu.memory_space<vmem>> -> memref<1x80xi32, #tpu.memory_space<vmem>>
          %dma_start3A_734 = tpu.memref_squeeze %dma_start3A_733 : memref<1x80xi32, #tpu.memory_space<vmem>> -> memref<80xi32, #tpu.memory_space<vmem>>
          %dma_start3A_735 = tpu.memref_slice %arg2[%add3A_730] : memref<900000xi32, #tpu.memory_space<hbm>> -> memref<80xi32, #tpu.memory_space<hbm>>
          %dma_start3A_736 = arith.constant 0 : i32
          %dma_start3A_737 = tpu.memref_slice %arg6[%dma_start3A_731, %dma_start3A_736] : memref<9x80xi32, #tpu.memory_space<vmem>> -> memref<1x80xi32, #tpu.memory_space<vmem>>
          %dma_start3A_738 = tpu.memref_squeeze %dma_start3A_737 : memref<1x80xi32, #tpu.memory_space<vmem>> -> memref<80xi32, #tpu.memory_space<vmem>>
          %dma_start3A_739 = tpu.memref_slice %arg2[%add3A_730] : memref<900000xi32, #tpu.memory_space<hbm>> -> memref<80xi32, #tpu.memory_space<hbm>>
          tpu.enqueue_dma source(%dma_start3A_739 : memref<80xi32, #tpu.memory_space<hbm>>) target(%dma_start3A_738 : memref<80xi32, #tpu.memory_space<vmem>>) target_semaphore(%arg26 : memref<!tpu.dma_semaphore, #tpu.memory_space<semaphore_mem>>)
          %mul3A_740 = arith.constant 80 : i32
          %mul3A_741 = arith.muli %add3A_649, %mul3A_740 : i32
          %add3A_742 = arith.constant 300000 : i32
          %add3A_743 = arith.addi %add3A_742, %mul3A_741 : i32
          %dma_start3A_744 = arith.constant 3 : i32
          %dma_start3A_745 = arith.constant 0 : i32
          %dma_start3A_746 = tpu.memref_slice %arg6[%dma_start3A_744, %dma_start3A_745] : memref<9x80xi32, #tpu.memory_space<vmem>> -> memref<1x80xi32, #tpu.memory_space<vmem>>
          %dma_start3A_747 = tpu.memref_squeeze %dma_start3A_746 : memref<1x80xi32, #tpu.memory_space<vmem>> -> memref<80xi32, #tpu.memory_space<vmem>>
          %dma_start3A_748 = tpu.memref_slice %arg2[%add3A_743] : memref<900000xi32, #tpu.memory_space<hbm>> -> memref<80xi32, #tpu.memory_space<hbm>>
          %dma_start3A_749 = arith.constant 0 : i32
          %dma_start3A_750 = tpu.memref_slice %arg6[%dma_start3A_744, %dma_start3A_749] : memref<9x80xi32, #tpu.memory_space<vmem>> -> memref<1x80xi32, #tpu.memory_space<vmem>>
          %dma_start3A_751 = tpu.memref_squeeze %dma_start3A_750 : memref<1x80xi32, #tpu.memory_space<vmem>> -> memref<80xi32, #tpu.memory_space<vmem>>
          %dma_start3A_752 = tpu.memref_slice %arg2[%add3A_743] : memref<900000xi32, #tpu.memory_space<hbm>> -> memref<80xi32, #tpu.memory_space<hbm>>
          tpu.enqueue_dma source(%dma_start3A_752 : memref<80xi32, #tpu.memory_space<hbm>>) target(%dma_start3A_751 : memref<80xi32, #tpu.memory_space<vmem>>) target_semaphore(%arg26 : memref<!tpu.dma_semaphore, #tpu.memory_space<semaphore_mem>>)
          %mul3A_753 = arith.constant 80 : i32
          %mul3A_754 = arith.muli %add3A_649, %mul3A_753 : i32
          %add3A_755 = arith.constant 400000 : i32
          %add3A_756 = arith.addi %add3A_755, %mul3A_754 : i32
          %dma_start3A_757 = arith.constant 4 : i32
          %dma_start3A_758 = arith.constant 0 : i32
          %dma_start3A_759 = tpu.memref_slice %arg6[%dma_start3A_757, %dma_start3A_758] : memref<9x80xi32, #tpu.memory_space<vmem>> -> memref<1x80xi32, #tpu.memory_space<vmem>>
          %dma_start3A_760 = tpu.memref_squeeze %dma_start3A_759 : memref<1x80xi32, #tpu.memory_space<vmem>> -> memref<80xi32, #tpu.memory_space<vmem>>
          %dma_start3A_761 = tpu.memref_slice %arg2[%add3A_756] : memref<900000xi32, #tpu.memory_space<hbm>> -> memref<80xi32, #tpu.memory_space<hbm>>
          %dma_start3A_762 = arith.constant 0 : i32
          %dma_start3A_763 = tpu.memref_slice %arg6[%dma_start3A_757, %dma_start3A_762] : memref<9x80xi32, #tpu.memory_space<vmem>> -> memref<1x80xi32, #tpu.memory_space<vmem>>
          %dma_start3A_764 = tpu.memref_squeeze %dma_start3A_763 : memref<1x80xi32, #tpu.memory_space<vmem>> -> memref<80xi32, #tpu.memory_space<vmem>>
          %dma_start3A_765 = tpu.memref_slice %arg2[%add3A_756] : memref<900000xi32, #tpu.memory_space<hbm>> -> memref<80xi32, #tpu.memory_space<hbm>>
          tpu.enqueue_dma source(%dma_start3A_765 : memref<80xi32, #tpu.memory_space<hbm>>) target(%dma_start3A_764 : memref<80xi32, #tpu.memory_space<vmem>>) target_semaphore(%arg26 : memref<!tpu.dma_semaphore, #tpu.memory_space<semaphore_mem>>)
          %mul3A_766 = arith.constant 80 : i32
          %mul3A_767 = arith.muli %add3A_649, %mul3A_766 : i32
          %add3A_768 = arith.constant 500000 : i32
          %add3A_769 = arith.addi %add3A_768, %mul3A_767 : i32
          %dma_start3A_770 = arith.constant 5 : i32
          %dma_start3A_771 = arith.constant 0 : i32
          %dma_start3A_772 = tpu.memref_slice %arg6[%dma_start3A_770, %dma_start3A_771] : memref<9x80xi32, #tpu.memory_space<vmem>> -> memref<1x80xi32, #tpu.memory_space<vmem>>
          %dma_start3A_773 = tpu.memref_squeeze %dma_start3A_772 : memref<1x80xi32, #tpu.memory_space<vmem>> -> memref<80xi32, #tpu.memory_space<vmem>>
          %dma_start3A_774 = tpu.memref_slice %arg2[%add3A_769] : memref<900000xi32, #tpu.memory_space<hbm>> -> memref<80xi32, #tpu.memory_space<hbm>>
          %dma_start3A_775 = arith.constant 0 : i32
          %dma_start3A_776 = tpu.memref_slice %arg6[%dma_start3A_770, %dma_start3A_775] : memref<9x80xi32, #tpu.memory_space<vmem>> -> memref<1x80xi32, #tpu.memory_space<vmem>>
          %dma_start3A_777 = tpu.memref_squeeze %dma_start3A_776 : memref<1x80xi32, #tpu.memory_space<vmem>> -> memref<80xi32, #tpu.memory_space<vmem>>
          %dma_start3A_778 = tpu.memref_slice %arg2[%add3A_769] : memref<900000xi32, #tpu.memory_space<hbm>> -> memref<80xi32, #tpu.memory_space<hbm>>
          tpu.enqueue_dma source(%dma_start3A_778 : memref<80xi32, #tpu.memory_space<hbm>>) target(%dma_start3A_777 : memref<80xi32, #tpu.memory_space<vmem>>) target_semaphore(%arg26 : memref<!tpu.dma_semaphore, #tpu.memory_space<semaphore_mem>>)
          %mul3A_779 = arith.constant 80 : i32
          %mul3A_780 = arith.muli %add3A_649, %mul3A_779 : i32
          %add3A_781 = arith.constant 600000 : i32
          %add3A_782 = arith.addi %add3A_781, %mul3A_780 : i32
          %dma_start3A_783 = arith.constant 6 : i32
          %dma_start3A_784 = arith.constant 0 : i32
          %dma_start3A_785 = tpu.memref_slice %arg6[%dma_start3A_783, %dma_start3A_784] : memref<9x80xi32, #tpu.memory_space<vmem>> -> memref<1x80xi32, #tpu.memory_space<vmem>>
          %dma_start3A_786 = tpu.memref_squeeze %dma_start3A_785 : memref<1x80xi32, #tpu.memory_space<vmem>> -> memref<80xi32, #tpu.memory_space<vmem>>
          %dma_start3A_787 = tpu.memref_slice %arg2[%add3A_782] : memref<900000xi32, #tpu.memory_space<hbm>> -> memref<80xi32, #tpu.memory_space<hbm>>
          %dma_start3A_788 = arith.constant 0 : i32
          %dma_start3A_789 = tpu.memref_slice %arg6[%dma_start3A_783, %dma_start3A_788] : memref<9x80xi32, #tpu.memory_space<vmem>> -> memref<1x80xi32, #tpu.memory_space<vmem>>
          %dma_start3A_790 = tpu.memref_squeeze %dma_start3A_789 : memref<1x80xi32, #tpu.memory_space<vmem>> -> memref<80xi32, #tpu.memory_space<vmem>>
          %dma_start3A_791 = tpu.memref_slice %arg2[%add3A_782] : memref<900000xi32, #tpu.memory_space<hbm>> -> memref<80xi32, #tpu.memory_space<hbm>>
          tpu.enqueue_dma source(%dma_start3A_791 : memref<80xi32, #tpu.memory_space<hbm>>) target(%dma_start3A_790 : memref<80xi32, #tpu.memory_space<vmem>>) target_semaphore(%arg26 : memref<!tpu.dma_semaphore, #tpu.memory_space<semaphore_mem>>)
          %mul3A_792 = arith.constant 80 : i32
          %mul3A_793 = arith.muli %add3A_649, %mul3A_792 : i32
          %add3A_794 = arith.constant 700000 : i32
          %add3A_795 = arith.addi %add3A_794, %mul3A_793 : i32
          %dma_start3A_796 = arith.constant 7 : i32
          %dma_start3A_797 = arith.constant 0 : i32
          %dma_start3A_798 = tpu.memref_slice %arg6[%dma_start3A_796, %dma_start3A_797] : memref<9x80xi32, #tpu.memory_space<vmem>> -> memref<1x80xi32, #tpu.memory_space<vmem>>
          %dma_start3A_799 = tpu.memref_squeeze %dma_start3A_798 : memref<1x80xi32, #tpu.memory_space<vmem>> -> memref<80xi32, #tpu.memory_space<vmem>>
          %dma_start3A_800 = tpu.memref_slice %arg2[%add3A_795] : memref<900000xi32, #tpu.memory_space<hbm>> -> memref<80xi32, #tpu.memory_space<hbm>>
          %dma_start3A_801 = arith.constant 0 : i32
          %dma_start3A_802 = tpu.memref_slice %arg6[%dma_start3A_796, %dma_start3A_801] : memref<9x80xi32, #tpu.memory_space<vmem>> -> memref<1x80xi32, #tpu.memory_space<vmem>>
          %dma_start3A_803 = tpu.memref_squeeze %dma_start3A_802 : memref<1x80xi32, #tpu.memory_space<vmem>> -> memref<80xi32, #tpu.memory_space<vmem>>
          %dma_start3A_804 = tpu.memref_slice %arg2[%add3A_795] : memref<900000xi32, #tpu.memory_space<hbm>> -> memref<80xi32, #tpu.memory_space<hbm>>
          tpu.enqueue_dma source(%dma_start3A_804 : memref<80xi32, #tpu.memory_space<hbm>>) target(%dma_start3A_803 : memref<80xi32, #tpu.memory_space<vmem>>) target_semaphore(%arg26 : memref<!tpu.dma_semaphore, #tpu.memory_space<semaphore_mem>>)
          %mul3A_805 = arith.constant 80 : i32
          %mul3A_806 = arith.muli %add3A_649, %mul3A_805 : i32
          %add3A_807 = arith.constant 800000 : i32
          %add3A_808 = arith.addi %add3A_807, %mul3A_806 : i32
          %dma_start3A_809 = arith.constant 8 : i32
          %dma_start3A_810 = arith.constant 0 : i32
          %dma_start3A_811 = tpu.memref_slice %arg6[%dma_start3A_809, %dma_start3A_810] : memref<9x80xi32, #tpu.memory_space<vmem>> -> memref<1x80xi32, #tpu.memory_space<vmem>>
          %dma_start3A_812 = tpu.memref_squeeze %dma_start3A_811 : memref<1x80xi32, #tpu.memory_space<vmem>> -> memref<80xi32, #tpu.memory_space<vmem>>
          %dma_start3A_813 = tpu.memref_slice %arg2[%add3A_808] : memref<900000xi32, #tpu.memory_space<hbm>> -> memref<80xi32, #tpu.memory_space<hbm>>
          %dma_start3A_814 = arith.constant 0 : i32
          %dma_start3A_815 = tpu.memref_slice %arg6[%dma_start3A_809, %dma_start3A_814] : memref<9x80xi32, #tpu.memory_space<vmem>> -> memref<1x80xi32, #tpu.memory_space<vmem>>
          %dma_start3A_816 = tpu.memref_squeeze %dma_start3A_815 : memref<1x80xi32, #tpu.memory_space<vmem>> -> memref<80xi32, #tpu.memory_space<vmem>>
          %dma_start3A_817 = tpu.memref_slice %arg2[%add3A_808] : memref<900000xi32, #tpu.memory_space<hbm>> -> memref<80xi32, #tpu.memory_space<hbm>>
          tpu.enqueue_dma source(%dma_start3A_817 : memref<80xi32, #tpu.memory_space<hbm>>) target(%dma_start3A_816 : memref<80xi32, #tpu.memory_space<vmem>>) target_semaphore(%arg26 : memref<!tpu.dma_semaphore, #tpu.memory_space<semaphore_mem>>)
        } else {
        }
        %dma_wait3A_655 = arith.constant 0 : i32
        %dma_wait3A_656 = arith.constant 0 : i32
        %dma_wait3A_657 = tpu.memref_slice %arg8[%dma_wait3A_655, %dma_wait3A_656] : memref<5x80xi32, #tpu.memory_space<vmem>> -> memref<1x80xi32, #tpu.memory_space<vmem>>
        %dma_wait3A_658 = tpu.memref_squeeze %dma_wait3A_657 : memref<1x80xi32, #tpu.memory_space<vmem>> -> memref<80xi32, #tpu.memory_space<vmem>>
        %dma_wait3A_659 = arith.constant 0 : i32
        %dma_wait3A_660 = arith.constant 0 : i32
        %dma_wait3A_661 = tpu.memref_slice %arg4[%dma_wait3A_659, %dma_wait3A_660] : memref<900x128xf32, #tpu.memory_space<hbm>> -> memref<900x128xf32, #tpu.memory_space<hbm>>
        tpu.wait_indirect_dma semaphore(%arg21 : memref<!tpu.dma_semaphore, #tpu.memory_space<semaphore_mem>>) src(%dma_wait3A_661 : memref<900x128xf32, #tpu.memory_space<hbm>>) dst(%arg11 : memref<80x128xf32, #tpu.memory_space<vmem>>)
        %dma_wait3A_662 = arith.constant 0 : i32
        %dma_wait3A_663 = arith.constant 0 : i32
        %dma_wait3A_664 = tpu.memref_slice %arg8[%dma_wait3A_662, %dma_wait3A_663] : memref<5x80xi32, #tpu.memory_space<vmem>> -> memref<1x80xi32, #tpu.memory_space<vmem>>
        %dma_wait3A_665 = tpu.memref_squeeze %dma_wait3A_664 : memref<1x80xi32, #tpu.memory_space<vmem>> -> memref<80xi32, #tpu.memory_space<vmem>>
        %dma_wait3A_666 = arith.constant 0 : i32
        %dma_wait3A_667 = arith.constant 0 : i32
        %dma_wait3A_668 = tpu.memref_slice %arg4[%dma_wait3A_666, %dma_wait3A_667] : memref<900x128xf32, #tpu.memory_space<hbm>> -> memref<900x128xf32, #tpu.memory_space<hbm>>
        tpu.wait_indirect_dma semaphore(%arg23 : memref<!tpu.dma_semaphore, #tpu.memory_space<semaphore_mem>>) src(%dma_wait3A_668 : memref<900x128xf32, #tpu.memory_space<hbm>>) dst(%arg16 : memref<80x128xf32, #tpu.memory_space<vmem>>)
        %dma_wait3A_669 = arith.constant 0 : i32
        %dma_wait3A_670 = arith.constant 0 : i32
        %dma_wait3A_671 = tpu.memref_slice %arg8[%dma_wait3A_669, %dma_wait3A_670] : memref<5x80xi32, #tpu.memory_space<vmem>> -> memref<1x80xi32, #tpu.memory_space<vmem>>
        %dma_wait3A_672 = tpu.memref_squeeze %dma_wait3A_671 : memref<1x80xi32, #tpu.memory_space<vmem>> -> memref<80xi32, #tpu.memory_space<vmem>>
        %dma_wait3A_673 = arith.constant 0 : i32
        %dma_wait3A_674 = arith.constant 0 : i32
        %dma_wait3A_675 = tpu.memref_slice %arg4[%dma_wait3A_673, %dma_wait3A_674] : memref<900x128xf32, #tpu.memory_space<hbm>> -> memref<900x128xf32, #tpu.memory_space<hbm>>
        tpu.wait_indirect_dma semaphore(%arg23 : memref<!tpu.dma_semaphore, #tpu.memory_space<semaphore_mem>>) src(%dma_wait3A_675 : memref<900x128xf32, #tpu.memory_space<hbm>>) dst(%arg16 : memref<80x128xf32, #tpu.memory_space<vmem>>)
        %dma_wait3A_676 = arith.constant 0 : i32
        %dma_wait3A_677 = arith.constant 0 : i32
        %dma_wait3A_678 = tpu.memref_slice %arg8[%dma_wait3A_676, %dma_wait3A_677] : memref<5x80xi32, #tpu.memory_space<vmem>> -> memref<1x80xi32, #tpu.memory_space<vmem>>
        %dma_wait3A_679 = tpu.memref_squeeze %dma_wait3A_678 : memref<1x80xi32, #tpu.memory_space<vmem>> -> memref<80xi32, #tpu.memory_space<vmem>>
        %dma_wait3A_680 = arith.constant 0 : i32
        %dma_wait3A_681 = arith.constant 0 : i32
        %dma_wait3A_682 = tpu.memref_slice %arg4[%dma_wait3A_680, %dma_wait3A_681] : memref<900x128xf32, #tpu.memory_space<hbm>> -> memref<900x128xf32, #tpu.memory_space<hbm>>
        tpu.wait_indirect_dma semaphore(%arg23 : memref<!tpu.dma_semaphore, #tpu.memory_space<semaphore_mem>>) src(%dma_wait3A_682 : memref<900x128xf32, #tpu.memory_space<hbm>>) dst(%arg16 : memref<80x128xf32, #tpu.memory_space<vmem>>)
        %dma_wait3A_683 = arith.constant 0 : i32
        %dma_wait3A_684 = arith.constant 0 : i32
        %dma_wait3A_685 = tpu.memref_slice %arg8[%dma_wait3A_683, %dma_wait3A_684] : memref<5x80xi32, #tpu.memory_space<vmem>> -> memref<1x80xi32, #tpu.memory_space<vmem>>
        %dma_wait3A_686 = tpu.memref_squeeze %dma_wait3A_685 : memref<1x80xi32, #tpu.memory_space<vmem>> -> memref<80xi32, #tpu.memory_space<vmem>>
        %dma_wait3A_687 = arith.constant 0 : i32
        %dma_wait3A_688 = arith.constant 0 : i32
        %dma_wait3A_689 = tpu.memref_slice %arg4[%dma_wait3A_687, %dma_wait3A_688] : memref<900x128xf32, #tpu.memory_space<hbm>> -> memref<900x128xf32, #tpu.memory_space<hbm>>
        tpu.wait_indirect_dma semaphore(%arg23 : memref<!tpu.dma_semaphore, #tpu.memory_space<semaphore_mem>>) src(%dma_wait3A_689 : memref<900x128xf32, #tpu.memory_space<hbm>>) dst(%arg16 : memref<80x128xf32, #tpu.memory_space<vmem>>)
        %convert_element_type3A_690 = arith.extui %lt3A_651 : i1 to i32
        %cond3A_691 = arith.constant 0 : i32
        %cond3A_692 = arith.cmpi ne, %convert_element_type3A_690, %cond3A_691 : i32
        scf.if %cond3A_692 {
          %dma_wait3A_701 = arith.constant 0 : i32
          %dma_wait3A_702 = arith.constant 0 : i32
          %dma_wait3A_703 = tpu.memref_slice %arg6[%dma_wait3A_701, %dma_wait3A_702] : memref<9x80xi32, #tpu.memory_space<vmem>> -> memref<1x80xi32, #tpu.memory_space<vmem>>
          %dma_wait3A_704 = tpu.memref_squeeze %dma_wait3A_703 : memref<1x80xi32, #tpu.memory_space<vmem>> -> memref<80xi32, #tpu.memory_space<vmem>>
          %dma_wait3A_705 = arith.constant 0 : i32
          %dma_wait3A_706 = tpu.memref_slice %arg2[%dma_wait3A_705] : memref<900000xi32, #tpu.memory_space<hbm>> -> memref<80xi32, #tpu.memory_space<hbm>>
          %dma_wait3A_707 = arith.constant 0 : i32
          %dma_wait3A_708 = tpu.memref_slice %arg6[%dma_wait3A_701, %dma_wait3A_707] : memref<9x80xi32, #tpu.memory_space<vmem>> -> memref<1x80xi32, #tpu.memory_space<vmem>>
          %dma_wait3A_709 = tpu.memref_squeeze %dma_wait3A_708 : memref<1x80xi32, #tpu.memory_space<vmem>> -> memref<80xi32, #tpu.memory_space<vmem>>
          %dma_wait3A_710 = arith.constant 0 : i32
          %dma_wait3A_711 = tpu.memref_slice %arg2[%dma_wait3A_710] : memref<900000xi32, #tpu.memory_space<hbm>> -> memref<80xi32, #tpu.memory_space<hbm>>
          tpu.wait_dma2 semaphore(%arg26 : memref<!tpu.dma_semaphore, #tpu.memory_space<semaphore_mem>>) src(%dma_wait3A_711 : memref<80xi32, #tpu.memory_space<hbm>>) dst(%dma_wait3A_709 : memref<80xi32, #tpu.memory_space<vmem>>)
          %dma_wait3A_712 = arith.constant 1 : i32
          %dma_wait3A_713 = arith.constant 0 : i32
          %dma_wait3A_714 = tpu.memref_slice %arg6[%dma_wait3A_712, %dma_wait3A_713] : memref<9x80xi32, #tpu.memory_space<vmem>> -> memref<1x80xi32, #tpu.memory_space<vmem>>
          %dma_wait3A_715 = tpu.memref_squeeze %dma_wait3A_714 : memref<1x80xi32, #tpu.memory_space<vmem>> -> memref<80xi32, #tpu.memory_space<vmem>>
          %dma_wait3A_716 = arith.constant 0 : i32
          %dma_wait3A_717 = tpu.memref_slice %arg2[%dma_wait3A_716] : memref<900000xi32, #tpu.memory_space<hbm>> -> memref<80xi32, #tpu.memory_space<hbm>>
          %dma_wait3A_718 = arith.constant 0 : i32
          %dma_wait3A_719 = tpu.memref_slice %arg6[%dma_wait3A_712, %dma_wait3A_718] : memref<9x80xi32, #tpu.memory_space<vmem>> -> memref<1x80xi32, #tpu.memory_space<vmem>>
          %dma_wait3A_720 = tpu.memref_squeeze %dma_wait3A_719 : memref<1x80xi32, #tpu.memory_space<vmem>> -> memref<80xi32, #tpu.memory_space<vmem>>
          %dma_wait3A_721 = arith.constant 0 : i32
          %dma_wait3A_722 = tpu.memref_slice %arg2[%dma_wait3A_721] : memref<900000xi32, #tpu.memory_space<hbm>> -> memref<80xi32, #tpu.memory_space<hbm>>
          tpu.wait_dma2 semaphore(%arg26 : memref<!tpu.dma_semaphore, #tpu.memory_space<semaphore_mem>>) src(%dma_wait3A_722 : memref<80xi32, #tpu.memory_space<hbm>>) dst(%dma_wait3A_720 : memref<80xi32, #tpu.memory_space<vmem>>)
          %dma_wait3A_723 = arith.constant 2 : i32
          %dma_wait3A_724 = arith.constant 0 : i32
          %dma_wait3A_725 = tpu.memref_slice %arg6[%dma_wait3A_723, %dma_wait3A_724] : memref<9x80xi32, #tpu.memory_space<vmem>> -> memref<1x80xi32, #tpu.memory_space<vmem>>
          %dma_wait3A_726 = tpu.memref_squeeze %dma_wait3A_725 : memref<1x80xi32, #tpu.memory_space<vmem>> -> memref<80xi32, #tpu.memory_space<vmem>>
          %dma_wait3A_727 = arith.constant 0 : i32
          %dma_wait3A_728 = tpu.memref_slice %arg2[%dma_wait3A_727] : memref<900000xi32, #tpu.memory_space<hbm>> -> memref<80xi32, #tpu.memory_space<hbm>>
          %dma_wait3A_729 = arith.constant 0 : i32
          %dma_wait3A_730 = tpu.memref_slice %arg6[%dma_wait3A_723, %dma_wait3A_729] : memref<9x80xi32, #tpu.memory_space<vmem>> -> memref<1x80xi32, #tpu.memory_space<vmem>>
          %dma_wait3A_731 = tpu.memref_squeeze %dma_wait3A_730 : memref<1x80xi32, #tpu.memory_space<vmem>> -> memref<80xi32, #tpu.memory_space<vmem>>
          %dma_wait3A_732 = arith.constant 0 : i32
          %dma_wait3A_733 = tpu.memref_slice %arg2[%dma_wait3A_732] : memref<900000xi32, #tpu.memory_space<hbm>> -> memref<80xi32, #tpu.memory_space<hbm>>
          tpu.wait_dma2 semaphore(%arg26 : memref<!tpu.dma_semaphore, #tpu.memory_space<semaphore_mem>>) src(%dma_wait3A_733 : memref<80xi32, #tpu.memory_space<hbm>>) dst(%dma_wait3A_731 : memref<80xi32, #tpu.memory_space<vmem>>)
          %dma_wait3A_734 = arith.constant 3 : i32
          %dma_wait3A_735 = arith.constant 0 : i32
          %dma_wait3A_736 = tpu.memref_slice %arg6[%dma_wait3A_734, %dma_wait3A_735] : memref<9x80xi32, #tpu.memory_space<vmem>> -> memref<1x80xi32, #tpu.memory_space<vmem>>
          %dma_wait3A_737 = tpu.memref_squeeze %dma_wait3A_736 : memref<1x80xi32, #tpu.memory_space<vmem>> -> memref<80xi32, #tpu.memory_space<vmem>>
          %dma_wait3A_738 = arith.constant 0 : i32
          %dma_wait3A_739 = tpu.memref_slice %arg2[%dma_wait3A_738] : memref<900000xi32, #tpu.memory_space<hbm>> -> memref<80xi32, #tpu.memory_space<hbm>>
          %dma_wait3A_740 = arith.constant 0 : i32
          %dma_wait3A_741 = tpu.memref_slice %arg6[%dma_wait3A_734, %dma_wait3A_740] : memref<9x80xi32, #tpu.memory_space<vmem>> -> memref<1x80xi32, #tpu.memory_space<vmem>>
          %dma_wait3A_742 = tpu.memref_squeeze %dma_wait3A_741 : memref<1x80xi32, #tpu.memory_space<vmem>> -> memref<80xi32, #tpu.memory_space<vmem>>
          %dma_wait3A_743 = arith.constant 0 : i32
          %dma_wait3A_744 = tpu.memref_slice %arg2[%dma_wait3A_743] : memref<900000xi32, #tpu.memory_space<hbm>> -> memref<80xi32, #tpu.memory_space<hbm>>
          tpu.wait_dma2 semaphore(%arg26 : memref<!tpu.dma_semaphore, #tpu.memory_space<semaphore_mem>>) src(%dma_wait3A_744 : memref<80xi32, #tpu.memory_space<hbm>>) dst(%dma_wait3A_742 : memref<80xi32, #tpu.memory_space<vmem>>)
          %dma_wait3A_745 = arith.constant 4 : i32
          %dma_wait3A_746 = arith.constant 0 : i32
          %dma_wait3A_747 = tpu.memref_slice %arg6[%dma_wait3A_745, %dma_wait3A_746] : memref<9x80xi32, #tpu.memory_space<vmem>> -> memref<1x80xi32, #tpu.memory_space<vmem>>
          %dma_wait3A_748 = tpu.memref_squeeze %dma_wait3A_747 : memref<1x80xi32, #tpu.memory_space<vmem>> -> memref<80xi32, #tpu.memory_space<vmem>>
          %dma_wait3A_749 = arith.constant 0 : i32
          %dma_wait3A_750 = tpu.memref_slice %arg2[%dma_wait3A_749] : memref<900000xi32, #tpu.memory_space<hbm>> -> memref<80xi32, #tpu.memory_space<hbm>>
          %dma_wait3A_751 = arith.constant 0 : i32
          %dma_wait3A_752 = tpu.memref_slice %arg6[%dma_wait3A_745, %dma_wait3A_751] : memref<9x80xi32, #tpu.memory_space<vmem>> -> memref<1x80xi32, #tpu.memory_space<vmem>>
          %dma_wait3A_753 = tpu.memref_squeeze %dma_wait3A_752 : memref<1x80xi32, #tpu.memory_space<vmem>> -> memref<80xi32, #tpu.memory_space<vmem>>
          %dma_wait3A_754 = arith.constant 0 : i32
          %dma_wait3A_755 = tpu.memref_slice %arg2[%dma_wait3A_754] : memref<900000xi32, #tpu.memory_space<hbm>> -> memref<80xi32, #tpu.memory_space<hbm>>
          tpu.wait_dma2 semaphore(%arg26 : memref<!tpu.dma_semaphore, #tpu.memory_space<semaphore_mem>>) src(%dma_wait3A_755 : memref<80xi32, #tpu.memory_space<hbm>>) dst(%dma_wait3A_753 : memref<80xi32, #tpu.memory_space<vmem>>)
          %dma_wait3A_756 = arith.constant 5 : i32
          %dma_wait3A_757 = arith.constant 0 : i32
          %dma_wait3A_758 = tpu.memref_slice %arg6[%dma_wait3A_756, %dma_wait3A_757] : memref<9x80xi32, #tpu.memory_space<vmem>> -> memref<1x80xi32, #tpu.memory_space<vmem>>
          %dma_wait3A_759 = tpu.memref_squeeze %dma_wait3A_758 : memref<1x80xi32, #tpu.memory_space<vmem>> -> memref<80xi32, #tpu.memory_space<vmem>>
          %dma_wait3A_760 = arith.constant 0 : i32
          %dma_wait3A_761 = tpu.memref_slice %arg2[%dma_wait3A_760] : memref<900000xi32, #tpu.memory_space<hbm>> -> memref<80xi32, #tpu.memory_space<hbm>>
          %dma_wait3A_762 = arith.constant 0 : i32
          %dma_wait3A_763 = tpu.memref_slice %arg6[%dma_wait3A_756, %dma_wait3A_762] : memref<9x80xi32, #tpu.memory_space<vmem>> -> memref<1x80xi32, #tpu.memory_space<vmem>>
          %dma_wait3A_764 = tpu.memref_squeeze %dma_wait3A_763 : memref<1x80xi32, #tpu.memory_space<vmem>> -> memref<80xi32, #tpu.memory_space<vmem>>
          %dma_wait3A_765 = arith.constant 0 : i32
          %dma_wait3A_766 = tpu.memref_slice %arg2[%dma_wait3A_765] : memref<900000xi32, #tpu.memory_space<hbm>> -> memref<80xi32, #tpu.memory_space<hbm>>
          tpu.wait_dma2 semaphore(%arg26 : memref<!tpu.dma_semaphore, #tpu.memory_space<semaphore_mem>>) src(%dma_wait3A_766 : memref<80xi32, #tpu.memory_space<hbm>>) dst(%dma_wait3A_764 : memref<80xi32, #tpu.memory_space<vmem>>)
          %dma_wait3A_767 = arith.constant 6 : i32
          %dma_wait3A_768 = arith.constant 0 : i32
          %dma_wait3A_769 = tpu.memref_slice %arg6[%dma_wait3A_767, %dma_wait3A_768] : memref<9x80xi32, #tpu.memory_space<vmem>> -> memref<1x80xi32, #tpu.memory_space<vmem>>
          %dma_wait3A_770 = tpu.memref_squeeze %dma_wait3A_769 : memref<1x80xi32, #tpu.memory_space<vmem>> -> memref<80xi32, #tpu.memory_space<vmem>>
          %dma_wait3A_771 = arith.constant 0 : i32
          %dma_wait3A_772 = tpu.memref_slice %arg2[%dma_wait3A_771] : memref<900000xi32, #tpu.memory_space<hbm>> -> memref<80xi32, #tpu.memory_space<hbm>>
          %dma_wait3A_773 = arith.constant 0 : i32
          %dma_wait3A_774 = tpu.memref_slice %arg6[%dma_wait3A_767, %dma_wait3A_773] : memref<9x80xi32, #tpu.memory_space<vmem>> -> memref<1x80xi32, #tpu.memory_space<vmem>>
          %dma_wait3A_775 = tpu.memref_squeeze %dma_wait3A_774 : memref<1x80xi32, #tpu.memory_space<vmem>> -> memref<80xi32, #tpu.memory_space<vmem>>
          %dma_wait3A_776 = arith.constant 0 : i32
          %dma_wait3A_777 = tpu.memref_slice %arg2[%dma_wait3A_776] : memref<900000xi32, #tpu.memory_space<hbm>> -> memref<80xi32, #tpu.memory_space<hbm>>
          tpu.wait_dma2 semaphore(%arg26 : memref<!tpu.dma_semaphore, #tpu.memory_space<semaphore_mem>>) src(%dma_wait3A_777 : memref<80xi32, #tpu.memory_space<hbm>>) dst(%dma_wait3A_775 : memref<80xi32, #tpu.memory_space<vmem>>)
          %dma_wait3A_778 = arith.constant 7 : i32
          %dma_wait3A_779 = arith.constant 0 : i32
          %dma_wait3A_780 = tpu.memref_slice %arg6[%dma_wait3A_778, %dma_wait3A_779] : memref<9x80xi32, #tpu.memory_space<vmem>> -> memref<1x80xi32, #tpu.memory_space<vmem>>
          %dma_wait3A_781 = tpu.memref_squeeze %dma_wait3A_780 : memref<1x80xi32, #tpu.memory_space<vmem>> -> memref<80xi32, #tpu.memory_space<vmem>>
          %dma_wait3A_782 = arith.constant 0 : i32
          %dma_wait3A_783 = tpu.memref_slice %arg2[%dma_wait3A_782] : memref<900000xi32, #tpu.memory_space<hbm>> -> memref<80xi32, #tpu.memory_space<hbm>>
          %dma_wait3A_784 = arith.constant 0 : i32
          %dma_wait3A_785 = tpu.memref_slice %arg6[%dma_wait3A_778, %dma_wait3A_784] : memref<9x80xi32, #tpu.memory_space<vmem>> -> memref<1x80xi32, #tpu.memory_space<vmem>>
          %dma_wait3A_786 = tpu.memref_squeeze %dma_wait3A_785 : memref<1x80xi32, #tpu.memory_space<vmem>> -> memref<80xi32, #tpu.memory_space<vmem>>
          %dma_wait3A_787 = arith.constant 0 : i32
          %dma_wait3A_788 = tpu.memref_slice %arg2[%dma_wait3A_787] : memref<900000xi32, #tpu.memory_space<hbm>> -> memref<80xi32, #tpu.memory_space<hbm>>
          tpu.wait_dma2 semaphore(%arg26 : memref<!tpu.dma_semaphore, #tpu.memory_space<semaphore_mem>>) src(%dma_wait3A_788 : memref<80xi32, #tpu.memory_space<hbm>>) dst(%dma_wait3A_786 : memref<80xi32, #tpu.memory_space<vmem>>)
          %dma_wait3A_789 = arith.constant 8 : i32
          %dma_wait3A_790 = arith.constant 0 : i32
          %dma_wait3A_791 = tpu.memref_slice %arg6[%dma_wait3A_789, %dma_wait3A_790] : memref<9x80xi32, #tpu.memory_space<vmem>> -> memref<1x80xi32, #tpu.memory_space<vmem>>
          %dma_wait3A_792 = tpu.memref_squeeze %dma_wait3A_791 : memref<1x80xi32, #tpu.memory_space<vmem>> -> memref<80xi32, #tpu.memory_space<vmem>>
          %dma_wait3A_793 = arith.constant 0 : i32
          %dma_wait3A_794 = tpu.memref_slice %arg2[%dma_wait3A_793] : memref<900000xi32, #tpu.memory_space<hbm>> -> memref<80xi32, #tpu.memory_space<hbm>>
          %dma_wait3A_795 = arith.constant 0 : i32
          %dma_wait3A_796 = tpu.memref_slice %arg6[%dma_wait3A_789, %dma_wait3A_795] : memref<9x80xi32, #tpu.memory_space<vmem>> -> memref<1x80xi32, #tpu.memory_space<vmem>>
          %dma_wait3A_797 = tpu.memref_squeeze %dma_wait3A_796 : memref<1x80xi32, #tpu.memory_space<vmem>> -> memref<80xi32, #tpu.memory_space<vmem>>
          %dma_wait3A_798 = arith.constant 0 : i32
          %dma_wait3A_799 = tpu.memref_slice %arg2[%dma_wait3A_798] : memref<900000xi32, #tpu.memory_space<hbm>> -> memref<80xi32, #tpu.memory_space<hbm>>
          tpu.wait_dma2 semaphore(%arg26 : memref<!tpu.dma_semaphore, #tpu.memory_space<semaphore_mem>>) src(%dma_wait3A_799 : memref<80xi32, #tpu.memory_space<hbm>>) dst(%dma_wait3A_797 : memref<80xi32, #tpu.memory_space<vmem>>)
          %get3A_800 = arith.constant 0 : i32
          %get3A_801 = arith.index_cast %get3A_800 : i32 to index
          %get3A_802 = arith.constant 0 : index
          %get3A_803 = tpu.vector_load %arg6[%get3A_801, %get3A_802] {strides = array<i32>} : memref<9x80xi32, #tpu.memory_space<vmem>>, vector<1x16xi32>,
          %get3A_804 = vector.shape_cast %get3A_803 : vector<1x16xi32> to vector<16xi32>
          %mul3A_805 = arith.constant 100 : i32
          %mul3A_806 = vector.broadcast %mul3A_805 : i32 to vector<16xi32>
          %mul3A_807 = arith.muli %get3A_804, %mul3A_806 : vector<16xi32>
          %get3A_808 = arith.constant 1 : i32
          %get3A_809 = arith.index_cast %get3A_808 : i32 to index
          %get3A_810 = arith.constant 0 : index
          %get3A_811 = tpu.vector_load %arg6[%get3A_809, %get3A_810] {strides = array<i32>} : memref<9x80xi32, #tpu.memory_space<vmem>>, vector<1x16xi32>,
          %get3A_812 = vector.shape_cast %get3A_811 : vector<1x16xi32> to vector<16xi32>
          %add3A_813 = arith.addi %mul3A_807, %get3A_812 : vector<16xi32>
          %add3A_814 = arith.constant 0 : i32
          %add3A_815 = vector.broadcast %add3A_814 : i32 to vector<16xi32>
          %add3A_816 = arith.addi %add3A_813, %add3A_815 : vector<16xi32>
          %swap3A_817 = arith.constant 0 : i32
          %swap3A_818 = arith.index_cast %swap3A_817 : i32 to index
          %swap3A_819 = arith.constant 0 : index
          %swap3A_820 = tpu.vector_load %arg8[%swap3A_818, %swap3A_819] {strides = array<i32>} : memref<5x80xi32, #tpu.memory_space<vmem>>, vector<1x16xi32>,
          %swap3A_821 = vector.shape_cast %swap3A_820 : vector<1x16xi32> to vector<16xi32>
          %swap3A_822 = vector.shape_cast %add3A_816 : vector<16xi32> to vector<1x16xi32>
          tpu.vector_store %arg8[%swap3A_818, %swap3A_819], %swap3A_822 {strides = array<i32>} : memref<5x80xi32, #tpu.memory_space<vmem>>, vector<1x16xi32>,
          %get3A_823 = arith.constant 2 : i32
          %get3A_824 = arith.index_cast %get3A_823 : i32 to index
          %get3A_825 = arith.constant 0 : index
          %get3A_826 = tpu.vector_load %arg6[%get3A_824, %get3A_825] {strides = array<i32>} : memref<9x80xi32, #tpu.memory_space<vmem>>, vector<1x16xi32>,
          %get3A_827 = vector.shape_cast %get3A_826 : vector<1x16xi32> to vector<16xi32>
          %mul3A_828 = arith.constant 100 : i32
          %mul3A_829 = vector.broadcast %mul3A_828 : i32 to vector<16xi32>
          %mul3A_830 = arith.muli %get3A_827, %mul3A_829 : vector<16xi32>
          %get3A_831 = arith.constant 3 : i32
          %get3A_832 = arith.index_cast %get3A_831 : i32 to index
          %get3A_833 = arith.constant 0 : index
          %get3A_834 = tpu.vector_load %arg6[%get3A_832, %get3A_833] {strides = array<i32>} : memref<9x80xi32, #tpu.memory_space<vmem>>, vector<1x16xi32>,
          %get3A_835 = vector.shape_cast %get3A_834 : vector<1x16xi32> to vector<16xi32>
          %add3A_836 = arith.addi %mul3A_830, %get3A_835 : vector<16xi32>
          %add3A_837 = arith.constant 10000 : i32
          %add3A_838 = vector.broadcast %add3A_837 : i32 to vector<16xi32>
          %add3A_839 = arith.addi %add3A_836, %add3A_838 : vector<16xi32>
          %swap3A_840 = arith.constant 1 : i32
          %swap3A_841 = arith.index_cast %swap3A_840 : i32 to index
          %swap3A_842 = arith.constant 0 : index
          %swap3A_843 = tpu.vector_load %arg8[%swap3A_841, %swap3A_842] {strides = array<i32>} : memref<5x80xi32, #tpu.memory_space<vmem>>, vector<1x16xi32>,
          %swap3A_844 = vector.shape_cast %swap3A_843 : vector<1x16xi32> to vector<16xi32>
          %swap3A_845 = vector.shape_cast %add3A_839 : vector<16xi32> to vector<1x16xi32>
          tpu.vector_store %arg8[%swap3A_841, %swap3A_842], %swap3A_845 {strides = array<i32>} : memref<5x80xi32, #tpu.memory_space<vmem>>, vector<1x16xi32>,
          %get3A_846 = arith.constant 4 : i32
          %get3A_847 = arith.index_cast %get3A_846 : i32 to index
          %get3A_848 = arith.constant 0 : index
          %get3A_849 = tpu.vector_load %arg6[%get3A_847, %get3A_848] {strides = array<i32>} : memref<9x80xi32, #tpu.memory_space<vmem>>, vector<1x16xi32>,
          %get3A_850 = vector.shape_cast %get3A_849 : vector<1x16xi32> to vector<16xi32>
          %mul3A_851 = arith.constant 100 : i32
          %mul3A_852 = vector.broadcast %mul3A_851 : i32 to vector<16xi32>
          %mul3A_853 = arith.muli %get3A_850, %mul3A_852 : vector<16xi32>
          %get3A_854 = arith.constant 5 : i32
          %get3A_855 = arith.index_cast %get3A_854 : i32 to index
          %get3A_856 = arith.constant 0 : index
          %get3A_857 = tpu.vector_load %arg6[%get3A_855, %get3A_856] {strides = array<i32>} : memref<9x80xi32, #tpu.memory_space<vmem>>, vector<1x16xi32>,
          %get3A_858 = vector.shape_cast %get3A_857 : vector<1x16xi32> to vector<16xi32>
          %add3A_859 = arith.addi %mul3A_853, %get3A_858 : vector<16xi32>
          %add3A_860 = arith.constant 20000 : i32
          %add3A_861 = vector.broadcast %add3A_860 : i32 to vector<16xi32>
          %add3A_862 = arith.addi %add3A_859, %add3A_861 : vector<16xi32>
          %swap3A_863 = arith.constant 2 : i32
          %swap3A_864 = arith.index_cast %swap3A_863 : i32 to index
          %swap3A_865 = arith.constant 0 : index
          %swap3A_866 = tpu.vector_load %arg8[%swap3A_864, %swap3A_865] {strides = array<i32>} : memref<5x80xi32, #tpu.memory_space<vmem>>, vector<1x16xi32>,
          %swap3A_867 = vector.shape_cast %swap3A_866 : vector<1x16xi32> to vector<16xi32>
          %swap3A_868 = vector.shape_cast %add3A_862 : vector<16xi32> to vector<1x16xi32>
          tpu.vector_store %arg8[%swap3A_864, %swap3A_865], %swap3A_868 {strides = array<i32>} : memref<5x80xi32, #tpu.memory_space<vmem>>, vector<1x16xi32>,
          %get3A_869 = arith.constant 6 : i32
          %get3A_870 = arith.index_cast %get3A_869 : i32 to index
          %get3A_871 = arith.constant 0 : index
          %get3A_872 = tpu.vector_load %arg6[%get3A_870, %get3A_871] {strides = array<i32>} : memref<9x80xi32, #tpu.memory_space<vmem>>, vector<1x16xi32>,
          %get3A_873 = vector.shape_cast %get3A_872 : vector<1x16xi32> to vector<16xi32>
          %mul3A_874 = arith.constant 100 : i32
          %mul3A_875 = vector.broadcast %mul3A_874 : i32 to vector<16xi32>
          %mul3A_876 = arith.muli %get3A_873, %mul3A_875 : vector<16xi32>
          %get3A_877 = arith.constant 7 : i32
          %get3A_878 = arith.index_cast %get3A_877 : i32 to index
          %get3A_879 = arith.constant 0 : index
          %get3A_880 = tpu.vector_load %arg6[%get3A_878, %get3A_879] {strides = array<i32>} : memref<9x80xi32, #tpu.memory_space<vmem>>, vector<1x16xi32>,
          %get3A_881 = vector.shape_cast %get3A_880 : vector<1x16xi32> to vector<16xi32>
          %add3A_882 = arith.addi %mul3A_876, %get3A_881 : vector<16xi32>
          %add3A_883 = arith.constant 30000 : i32
          %add3A_884 = vector.broadcast %add3A_883 : i32 to vector<16xi32>
          %add3A_885 = arith.addi %add3A_882, %add3A_884 : vector<16xi32>
          %swap3A_886 = arith.constant 3 : i32
          %swap3A_887 = arith.index_cast %swap3A_886 : i32 to index
          %swap3A_888 = arith.constant 0 : index
          %swap3A_889 = tpu.vector_load %arg8[%swap3A_887, %swap3A_888] {strides = array<i32>} : memref<5x80xi32, #tpu.memory_space<vmem>>, vector<1x16xi32>,
          %swap3A_890 = vector.shape_cast %swap3A_889 : vector<1x16xi32> to vector<16xi32>
          %swap3A_891 = vector.shape_cast %add3A_885 : vector<16xi32> to vector<1x16xi32>
          tpu.vector_store %arg8[%swap3A_887, %swap3A_888], %swap3A_891 {strides = array<i32>} : memref<5x80xi32, #tpu.memory_space<vmem>>, vector<1x16xi32>,
          %get3A_892 = arith.constant 8 : i32
          %get3A_893 = arith.index_cast %get3A_892 : i32 to index
          %get3A_894 = arith.constant 0 : index
          %get3A_895 = tpu.vector_load %arg6[%get3A_893, %get3A_894] {strides = array<i32>} : memref<9x80xi32, #tpu.memory_space<vmem>>, vector<1x16xi32>,
          %get3A_896 = vector.shape_cast %get3A_895 : vector<1x16xi32> to vector<16xi32>
          %add3A_897 = arith.constant 800 : i32
          %add3A_898 = vector.broadcast %add3A_897 : i32 to vector<16xi32>
          %add3A_899 = arith.addi %get3A_896, %add3A_898 : vector<16xi32>
          %swap3A_900 = arith.constant 4 : i32
          %swap3A_901 = arith.index_cast %swap3A_900 : i32 to index
          %swap3A_902 = arith.constant 0 : index
          %swap3A_903 = tpu.vector_load %arg8[%swap3A_901, %swap3A_902] {strides = array<i32>} : memref<5x80xi32, #tpu.memory_space<vmem>>, vector<1x16xi32>,
          %swap3A_904 = vector.shape_cast %swap3A_903 : vector<1x16xi32> to vector<16xi32>
          %swap3A_905 = vector.shape_cast %add3A_899 : vector<16xi32> to vector<1x16xi32>
          tpu.vector_store %arg8[%swap3A_901, %swap3A_902], %swap3A_905 {strides = array<i32>} : memref<5x80xi32, #tpu.memory_space<vmem>>, vector<1x16xi32>,
          %get3A_906 = arith.constant 0 : i32
          %get3A_907 = arith.index_cast %get3A_906 : i32 to index
          %get3A_908 = arith.constant 16 : index
          %get3A_909 = tpu.vector_load %arg6[%get3A_907, %get3A_908] {strides = array<i32>} : memref<9x80xi32, #tpu.memory_space<vmem>>, vector<1x16xi32>,
          %get3A_910 = vector.shape_cast %get3A_909 : vector<1x16xi32> to vector<16xi32>
          %mul3A_911 = arith.constant 100 : i32
          %mul3A_912 = vector.broadcast %mul3A_911 : i32 to vector<16xi32>
          %mul3A_913 = arith.muli %get3A_910, %mul3A_912 : vector<16xi32>
          %get3A_914 = arith.constant 1 : i32
          %get3A_915 = arith.index_cast %get3A_914 : i32 to index
          %get3A_916 = arith.constant 16 : index
          %get3A_917 = tpu.vector_load %arg6[%get3A_915, %get3A_916] {strides = array<i32>} : memref<9x80xi32, #tpu.memory_space<vmem>>, vector<1x16xi32>,
          %get3A_918 = vector.shape_cast %get3A_917 : vector<1x16xi32> to vector<16xi32>
          %add3A_919 = arith.addi %mul3A_913, %get3A_918 : vector<16xi32>
          %add3A_920 = arith.constant 0 : i32
          %add3A_921 = vector.broadcast %add3A_920 : i32 to vector<16xi32>
          %add3A_922 = arith.addi %add3A_919, %add3A_921 : vector<16xi32>
          %swap3A_923 = arith.constant 0 : i32
          %swap3A_924 = arith.index_cast %swap3A_923 : i32 to index
          %swap3A_925 = arith.constant 16 : index
          %swap3A_926 = tpu.vector_load %arg8[%swap3A_924, %swap3A_925] {strides = array<i32>} : memref<5x80xi32, #tpu.memory_space<vmem>>, vector<1x16xi32>,
          %swap3A_927 = vector.shape_cast %swap3A_926 : vector<1x16xi32> to vector<16xi32>
          %swap3A_928 = vector.shape_cast %add3A_922 : vector<16xi32> to vector<1x16xi32>
          tpu.vector_store %arg8[%swap3A_924, %swap3A_925], %swap3A_928 {strides = array<i32>} : memref<5x80xi32, #tpu.memory_space<vmem>>, vector<1x16xi32>,
          %get3A_929 = arith.constant 2 : i32
          %get3A_930 = arith.index_cast %get3A_929 : i32 to index
          %get3A_931 = arith.constant 16 : index
          %get3A_932 = tpu.vector_load %arg6[%get3A_930, %get3A_931] {strides = array<i32>} : memref<9x80xi32, #tpu.memory_space<vmem>>, vector<1x16xi32>,
          %get3A_933 = vector.shape_cast %get3A_932 : vector<1x16xi32> to vector<16xi32>
          %mul3A_934 = arith.constant 100 : i32
          %mul3A_935 = vector.broadcast %mul3A_934 : i32 to vector<16xi32>
          %mul3A_936 = arith.muli %get3A_933, %mul3A_935 : vector<16xi32>
          %get3A_937 = arith.constant 3 : i32
          %get3A_938 = arith.index_cast %get3A_937 : i32 to index
          %get3A_939 = arith.constant 16 : index
          %get3A_940 = tpu.vector_load %arg6[%get3A_938, %get3A_939] {strides = array<i32>} : memref<9x80xi32, #tpu.memory_space<vmem>>, vector<1x16xi32>,
          %get3A_941 = vector.shape_cast %get3A_940 : vector<1x16xi32> to vector<16xi32>
          %add3A_942 = arith.addi %mul3A_936, %get3A_941 : vector<16xi32>
          %add3A_943 = arith.constant 10000 : i32
          %add3A_944 = vector.broadcast %add3A_943 : i32 to vector<16xi32>
          %add3A_945 = arith.addi %add3A_942, %add3A_944 : vector<16xi32>
          %swap3A_946 = arith.constant 1 : i32
          %swap3A_947 = arith.index_cast %swap3A_946 : i32 to index
          %swap3A_948 = arith.constant 16 : index
          %swap3A_949 = tpu.vector_load %arg8[%swap3A_947, %swap3A_948] {strides = array<i32>} : memref<5x80xi32, #tpu.memory_space<vmem>>, vector<1x16xi32>,
          %swap3A_950 = vector.shape_cast %swap3A_949 : vector<1x16xi32> to vector<16xi32>
          %swap3A_951 = vector.shape_cast %add3A_945 : vector<16xi32> to vector<1x16xi32>
          tpu.vector_store %arg8[%swap3A_947, %swap3A_948], %swap3A_951 {strides = array<i32>} : memref<5x80xi32, #tpu.memory_space<vmem>>, vector<1x16xi32>,
          %get3A_952 = arith.constant 4 : i32
          %get3A_953 = arith.index_cast %get3A_952 : i32 to index
          %get3A_954 = arith.constant 16 : index
          %get3A_955 = tpu.vector_load %arg6[%get3A_953, %get3A_954] {strides = array<i32>} : memref<9x80xi32, #tpu.memory_space<vmem>>, vector<1x16xi32>,
          %get3A_956 = vector.shape_cast %get3A_955 : vector<1x16xi32> to vector<16xi32>
          %mul3A_957 = arith.constant 100 : i32
          %mul3A_958 = vector.broadcast %mul3A_957 : i32 to vector<16xi32>
          %mul3A_959 = arith.muli %get3A_956, %mul3A_958 : vector<16xi32>
          %get3A_960 = arith.constant 5 : i32
          %get3A_961 = arith.index_cast %get3A_960 : i32 to index
          %get3A_962 = arith.constant 16 : index
          %get3A_963 = tpu.vector_load %arg6[%get3A_961, %get3A_962] {strides = array<i32>} : memref<9x80xi32, #tpu.memory_space<vmem>>, vector<1x16xi32>,
          %get3A_964 = vector.shape_cast %get3A_963 : vector<1x16xi32> to vector<16xi32>
          %add3A_965 = arith.addi %mul3A_959, %get3A_964 : vector<16xi32>
          %add3A_966 = arith.constant 20000 : i32
          %add3A_967 = vector.broadcast %add3A_966 : i32 to vector<16xi32>
          %add3A_968 = arith.addi %add3A_965, %add3A_967 : vector<16xi32>
          %swap3A_969 = arith.constant 2 : i32
          %swap3A_970 = arith.index_cast %swap3A_969 : i32 to index
          %swap3A_971 = arith.constant 16 : index
          %swap3A_972 = tpu.vector_load %arg8[%swap3A_970, %swap3A_971] {strides = array<i32>} : memref<5x80xi32, #tpu.memory_space<vmem>>, vector<1x16xi32>,
          %swap3A_973 = vector.shape_cast %swap3A_972 : vector<1x16xi32> to vector<16xi32>
          %swap3A_974 = vector.shape_cast %add3A_968 : vector<16xi32> to vector<1x16xi32>
          tpu.vector_store %arg8[%swap3A_970, %swap3A_971], %swap3A_974 {strides = array<i32>} : memref<5x80xi32, #tpu.memory_space<vmem>>, vector<1x16xi32>,
          %get3A_975 = arith.constant 6 : i32
          %get3A_976 = arith.index_cast %get3A_975 : i32 to index
          %get3A_977 = arith.constant 16 : index
          %get3A_978 = tpu.vector_load %arg6[%get3A_976, %get3A_977] {strides = array<i32>} : memref<9x80xi32, #tpu.memory_space<vmem>>, vector<1x16xi32>,
          %get3A_979 = vector.shape_cast %get3A_978 : vector<1x16xi32> to vector<16xi32>
          %mul3A_980 = arith.constant 100 : i32
          %mul3A_981 = vector.broadcast %mul3A_980 : i32 to vector<16xi32>
          %mul3A_982 = arith.muli %get3A_979, %mul3A_981 : vector<16xi32>
          %get3A_983 = arith.constant 7 : i32
          %get3A_984 = arith.index_cast %get3A_983 : i32 to index
          %get3A_985 = arith.constant 16 : index
          %get3A_986 = tpu.vector_load %arg6[%get3A_984, %get3A_985] {strides = array<i32>} : memref<9x80xi32, #tpu.memory_space<vmem>>, vector<1x16xi32>,
          %get3A_987 = vector.shape_cast %get3A_986 : vector<1x16xi32> to vector<16xi32>
          %add3A_988 = arith.addi %mul3A_982, %get3A_987 : vector<16xi32>
          %add3A_989 = arith.constant 30000 : i32
          %add3A_990 = vector.broadcast %add3A_989 : i32 to vector<16xi32>
          %add3A_991 = arith.addi %add3A_988, %add3A_990 : vector<16xi32>
          %swap3A_992 = arith.constant 3 : i32
          %swap3A_993 = arith.index_cast %swap3A_992 : i32 to index
          %swap3A_994 = arith.constant 16 : index
          %swap3A_995 = tpu.vector_load %arg8[%swap3A_993, %swap3A_994] {strides = array<i32>} : memref<5x80xi32, #tpu.memory_space<vmem>>, vector<1x16xi32>,
          %swap3A_996 = vector.shape_cast %swap3A_995 : vector<1x16xi32> to vector<16xi32>
          %swap3A_997 = vector.shape_cast %add3A_991 : vector<16xi32> to vector<1x16xi32>
          tpu.vector_store %arg8[%swap3A_993, %swap3A_994], %swap3A_997 {strides = array<i32>} : memref<5x80xi32, #tpu.memory_space<vmem>>, vector<1x16xi32>,
          %get3A_998 = arith.constant 8 : i32
          %get3A_999 = arith.index_cast %get3A_998 : i32 to index
          %get3A_1000 = arith.constant 16 : index
          %get3A_1001 = tpu.vector_load %arg6[%get3A_999, %get3A_1000] {strides = array<i32>} : memref<9x80xi32, #tpu.memory_space<vmem>>, vector<1x16xi32>,
          %get3A_1002 = vector.shape_cast %get3A_1001 : vector<1x16xi32> to vector<16xi32>
          %add3A_1003 = arith.constant 800 : i32
          %add3A_1004 = vector.broadcast %add3A_1003 : i32 to vector<16xi32>
          %add3A_1005 = arith.addi %get3A_1002, %add3A_1004 : vector<16xi32>
          %swap3A_1006 = arith.constant 4 : i32
          %swap3A_1007 = arith.index_cast %swap3A_1006 : i32 to index
          %swap3A_1008 = arith.constant 16 : index
          %swap3A_1009 = tpu.vector_load %arg8[%swap3A_1007, %swap3A_1008] {strides = array<i32>} : memref<5x80xi32, #tpu.memory_space<vmem>>, vector<1x16xi32>,
          %swap3A_1010 = vector.shape_cast %swap3A_1009 : vector<1x16xi32> to vector<16xi32>
          %swap3A_1011 = vector.shape_cast %add3A_1005 : vector<16xi32> to vector<1x16xi32>
          tpu.vector_store %arg8[%swap3A_1007, %swap3A_1008], %swap3A_1011 {strides = array<i32>} : memref<5x80xi32, #tpu.memory_space<vmem>>, vector<1x16xi32>,
          %get3A_1012 = arith.constant 0 : i32
          %get3A_1013 = arith.index_cast %get3A_1012 : i32 to index
          %get3A_1014 = arith.constant 32 : index
          %get3A_1015 = tpu.vector_load %arg6[%get3A_1013, %get3A_1014] {strides = array<i32>} : memref<9x80xi32, #tpu.memory_space<vmem>>, vector<1x16xi32>,
          %get3A_1016 = vector.shape_cast %get3A_1015 : vector<1x16xi32> to vector<16xi32>
          %mul3A_1017 = arith.constant 100 : i32
          %mul3A_1018 = vector.broadcast %mul3A_1017 : i32 to vector<16xi32>
          %mul3A_1019 = arith.muli %get3A_1016, %mul3A_1018 : vector<16xi32>
          %get3A_1020 = arith.constant 1 : i32
          %get3A_1021 = arith.index_cast %get3A_1020 : i32 to index
          %get3A_1022 = arith.constant 32 : index
          %get3A_1023 = tpu.vector_load %arg6[%get3A_1021, %get3A_1022] {strides = array<i32>} : memref<9x80xi32, #tpu.memory_space<vmem>>, vector<1x16xi32>,
          %get3A_1024 = vector.shape_cast %get3A_1023 : vector<1x16xi32> to vector<16xi32>
          %add3A_1025 = arith.addi %mul3A_1019, %get3A_1024 : vector<16xi32>
          %add3A_1026 = arith.constant 0 : i32
          %add3A_1027 = vector.broadcast %add3A_1026 : i32 to vector<16xi32>
          %add3A_1028 = arith.addi %add3A_1025, %add3A_1027 : vector<16xi32>
          %swap3A_1029 = arith.constant 0 : i32
          %swap3A_1030 = arith.index_cast %swap3A_1029 : i32 to index
          %swap3A_1031 = arith.constant 32 : index
          %swap3A_1032 = tpu.vector_load %arg8[%swap3A_1030, %swap3A_1031] {strides = array<i32>} : memref<5x80xi32, #tpu.memory_space<vmem>>, vector<1x16xi32>,
          %swap3A_1033 = vector.shape_cast %swap3A_1032 : vector<1x16xi32> to vector<16xi32>
          %swap3A_1034 = vector.shape_cast %add3A_1028 : vector<16xi32> to vector<1x16xi32>
          tpu.vector_store %arg8[%swap3A_1030, %swap3A_1031], %swap3A_1034 {strides = array<i32>} : memref<5x80xi32, #tpu.memory_space<vmem>>, vector<1x16xi32>,
          %get3A_1035 = arith.constant 2 : i32
          %get3A_1036 = arith.index_cast %get3A_1035 : i32 to index
          %get3A_1037 = arith.constant 32 : index
          %get3A_1038 = tpu.vector_load %arg6[%get3A_1036, %get3A_1037] {strides = array<i32>} : memref<9x80xi32, #tpu.memory_space<vmem>>, vector<1x16xi32>,
          %get3A_1039 = vector.shape_cast %get3A_1038 : vector<1x16xi32> to vector<16xi32>
          %mul3A_1040 = arith.constant 100 : i32
          %mul3A_1041 = vector.broadcast %mul3A_1040 : i32 to vector<16xi32>
          %mul3A_1042 = arith.muli %get3A_1039, %mul3A_1041 : vector<16xi32>
          %get3A_1043 = arith.constant 3 : i32
          %get3A_1044 = arith.index_cast %get3A_1043 : i32 to index
          %get3A_1045 = arith.constant 32 : index
          %get3A_1046 = tpu.vector_load %arg6[%get3A_1044, %get3A_1045] {strides = array<i32>} : memref<9x80xi32, #tpu.memory_space<vmem>>, vector<1x16xi32>,
          %get3A_1047 = vector.shape_cast %get3A_1046 : vector<1x16xi32> to vector<16xi32>
          %add3A_1048 = arith.addi %mul3A_1042, %get3A_1047 : vector<16xi32>
          %add3A_1049 = arith.constant 10000 : i32
          %add3A_1050 = vector.broadcast %add3A_1049 : i32 to vector<16xi32>
          %add3A_1051 = arith.addi %add3A_1048, %add3A_1050 : vector<16xi32>
          %swap3A_1052 = arith.constant 1 : i32
          %swap3A_1053 = arith.index_cast %swap3A_1052 : i32 to index
          %swap3A_1054 = arith.constant 32 : index
          %swap3A_1055 = tpu.vector_load %arg8[%swap3A_1053, %swap3A_1054] {strides = array<i32>} : memref<5x80xi32, #tpu.memory_space<vmem>>, vector<1x16xi32>,
          %swap3A_1056 = vector.shape_cast %swap3A_1055 : vector<1x16xi32> to vector<16xi32>
          %swap3A_1057 = vector.shape_cast %add3A_1051 : vector<16xi32> to vector<1x16xi32>
          tpu.vector_store %arg8[%swap3A_1053, %swap3A_1054], %swap3A_1057 {strides = array<i32>} : memref<5x80xi32, #tpu.memory_space<vmem>>, vector<1x16xi32>,
          %get3A_1058 = arith.constant 4 : i32
          %get3A_1059 = arith.index_cast %get3A_1058 : i32 to index
          %get3A_1060 = arith.constant 32 : index
          %get3A_1061 = tpu.vector_load %arg6[%get3A_1059, %get3A_1060] {strides = array<i32>} : memref<9x80xi32, #tpu.memory_space<vmem>>, vector<1x16xi32>,
          %get3A_1062 = vector.shape_cast %get3A_1061 : vector<1x16xi32> to vector<16xi32>
          %mul3A_1063 = arith.constant 100 : i32
          %mul3A_1064 = vector.broadcast %mul3A_1063 : i32 to vector<16xi32>
          %mul3A_1065 = arith.muli %get3A_1062, %mul3A_1064 : vector<16xi32>
          %get3A_1066 = arith.constant 5 : i32
          %get3A_1067 = arith.index_cast %get3A_1066 : i32 to index
          %get3A_1068 = arith.constant 32 : index
          %get3A_1069 = tpu.vector_load %arg6[%get3A_1067, %get3A_1068] {strides = array<i32>} : memref<9x80xi32, #tpu.memory_space<vmem>>, vector<1x16xi32>,
          %get3A_1070 = vector.shape_cast %get3A_1069 : vector<1x16xi32> to vector<16xi32>
          %add3A_1071 = arith.addi %mul3A_1065, %get3A_1070 : vector<16xi32>
          %add3A_1072 = arith.constant 20000 : i32
          %add3A_1073 = vector.broadcast %add3A_1072 : i32 to vector<16xi32>
          %add3A_1074 = arith.addi %add3A_1071, %add3A_1073 : vector<16xi32>
          %swap3A_1075 = arith.constant 2 : i32
          %swap3A_1076 = arith.index_cast %swap3A_1075 : i32 to index
          %swap3A_1077 = arith.constant 32 : index
          %swap3A_1078 = tpu.vector_load %arg8[%swap3A_1076, %swap3A_1077] {strides = array<i32>} : memref<5x80xi32, #tpu.memory_space<vmem>>, vector<1x16xi32>,
          %swap3A_1079 = vector.shape_cast %swap3A_1078 : vector<1x16xi32> to vector<16xi32>
          %swap3A_1080 = vector.shape_cast %add3A_1074 : vector<16xi32> to vector<1x16xi32>
          tpu.vector_store %arg8[%swap3A_1076, %swap3A_1077], %swap3A_1080 {strides = array<i32>} : memref<5x80xi32, #tpu.memory_space<vmem>>, vector<1x16xi32>,
          %get3A_1081 = arith.constant 6 : i32
          %get3A_1082 = arith.index_cast %get3A_1081 : i32 to index
          %get3A_1083 = arith.constant 32 : index
          %get3A_1084 = tpu.vector_load %arg6[%get3A_1082, %get3A_1083] {strides = array<i32>} : memref<9x80xi32, #tpu.memory_space<vmem>>, vector<1x16xi32>,
          %get3A_1085 = vector.shape_cast %get3A_1084 : vector<1x16xi32> to vector<16xi32>
          %mul3A_1086 = arith.constant 100 : i32
          %mul3A_1087 = vector.broadcast %mul3A_1086 : i32 to vector<16xi32>
          %mul3A_1088 = arith.muli %get3A_1085, %mul3A_1087 : vector<16xi32>
          %get3A_1089 = arith.constant 7 : i32
          %get3A_1090 = arith.index_cast %get3A_1089 : i32 to index
          %get3A_1091 = arith.constant 32 : index
          %get3A_1092 = tpu.vector_load %arg6[%get3A_1090, %get3A_1091] {strides = array<i32>} : memref<9x80xi32, #tpu.memory_space<vmem>>, vector<1x16xi32>,
          %get3A_1093 = vector.shape_cast %get3A_1092 : vector<1x16xi32> to vector<16xi32>
          %add3A_1094 = arith.addi %mul3A_1088, %get3A_1093 : vector<16xi32>
          %add3A_1095 = arith.constant 30000 : i32
          %add3A_1096 = vector.broadcast %add3A_1095 : i32 to vector<16xi32>
          %add3A_1097 = arith.addi %add3A_1094, %add3A_1096 : vector<16xi32>
          %swap3A_1098 = arith.constant 3 : i32
          %swap3A_1099 = arith.index_cast %swap3A_1098 : i32 to index
          %swap3A_1100 = arith.constant 32 : index
          %swap3A_1101 = tpu.vector_load %arg8[%swap3A_1099, %swap3A_1100] {strides = array<i32>} : memref<5x80xi32, #tpu.memory_space<vmem>>, vector<1x16xi32>,
          %swap3A_1102 = vector.shape_cast %swap3A_1101 : vector<1x16xi32> to vector<16xi32>
          %swap3A_1103 = vector.shape_cast %add3A_1097 : vector<16xi32> to vector<1x16xi32>
          tpu.vector_store %arg8[%swap3A_1099, %swap3A_1100], %swap3A_1103 {strides = array<i32>} : memref<5x80xi32, #tpu.memory_space<vmem>>, vector<1x16xi32>,
          %get3A_1104 = arith.constant 8 : i32
          %get3A_1105 = arith.index_cast %get3A_1104 : i32 to index
          %get3A_1106 = arith.constant 32 : index
          %get3A_1107 = tpu.vector_load %arg6[%get3A_1105, %get3A_1106] {strides = array<i32>} : memref<9x80xi32, #tpu.memory_space<vmem>>, vector<1x16xi32>,
          %get3A_1108 = vector.shape_cast %get3A_1107 : vector<1x16xi32> to vector<16xi32>
          %add3A_1109 = arith.constant 800 : i32
          %add3A_1110 = vector.broadcast %add3A_1109 : i32 to vector<16xi32>
          %add3A_1111 = arith.addi %get3A_1108, %add3A_1110 : vector<16xi32>
          %swap3A_1112 = arith.constant 4 : i32
          %swap3A_1113 = arith.index_cast %swap3A_1112 : i32 to index
          %swap3A_1114 = arith.constant 32 : index
          %swap3A_1115 = tpu.vector_load %arg8[%swap3A_1113, %swap3A_1114] {strides = array<i32>} : memref<5x80xi32, #tpu.memory_space<vmem>>, vector<1x16xi32>,
          %swap3A_1116 = vector.shape_cast %swap3A_1115 : vector<1x16xi32> to vector<16xi32>
          %swap3A_1117 = vector.shape_cast %add3A_1111 : vector<16xi32> to vector<1x16xi32>
          tpu.vector_store %arg8[%swap3A_1113, %swap3A_1114], %swap3A_1117 {strides = array<i32>} : memref<5x80xi32, #tpu.memory_space<vmem>>, vector<1x16xi32>,
          %get3A_1118 = arith.constant 0 : i32
          %get3A_1119 = arith.index_cast %get3A_1118 : i32 to index
          %get3A_1120 = arith.constant 48 : index
          %get3A_1121 = tpu.vector_load %arg6[%get3A_1119, %get3A_1120] {strides = array<i32>} : memref<9x80xi32, #tpu.memory_space<vmem>>, vector<1x16xi32>,
          %get3A_1122 = vector.shape_cast %get3A_1121 : vector<1x16xi32> to vector<16xi32>
          %mul3A_1123 = arith.constant 100 : i32
          %mul3A_1124 = vector.broadcast %mul3A_1123 : i32 to vector<16xi32>
          %mul3A_1125 = arith.muli %get3A_1122, %mul3A_1124 : vector<16xi32>
          %get3A_1126 = arith.constant 1 : i32
          %get3A_1127 = arith.index_cast %get3A_1126 : i32 to index
          %get3A_1128 = arith.constant 48 : index
          %get3A_1129 = tpu.vector_load %arg6[%get3A_1127, %get3A_1128] {strides = array<i32>} : memref<9x80xi32, #tpu.memory_space<vmem>>, vector<1x16xi32>,
          %get3A_1130 = vector.shape_cast %get3A_1129 : vector<1x16xi32> to vector<16xi32>
          %add3A_1131 = arith.addi %mul3A_1125, %get3A_1130 : vector<16xi32>
          %add3A_1132 = arith.constant 0 : i32
          %add3A_1133 = vector.broadcast %add3A_1132 : i32 to vector<16xi32>
          %add3A_1134 = arith.addi %add3A_1131, %add3A_1133 : vector<16xi32>
          %swap3A_1135 = arith.constant 0 : i32
          %swap3A_1136 = arith.index_cast %swap3A_1135 : i32 to index
          %swap3A_1137 = arith.constant 48 : index
          %swap3A_1138 = tpu.vector_load %arg8[%swap3A_1136, %swap3A_1137] {strides = array<i32>} : memref<5x80xi32, #tpu.memory_space<vmem>>, vector<1x16xi32>,
          %swap3A_1139 = vector.shape_cast %swap3A_1138 : vector<1x16xi32> to vector<16xi32>
          %swap3A_1140 = vector.shape_cast %add3A_1134 : vector<16xi32> to vector<1x16xi32>
          tpu.vector_store %arg8[%swap3A_1136, %swap3A_1137], %swap3A_1140 {strides = array<i32>} : memref<5x80xi32, #tpu.memory_space<vmem>>, vector<1x16xi32>,
          %get3A_1141 = arith.constant 2 : i32
          %get3A_1142 = arith.index_cast %get3A_1141 : i32 to index
          %get3A_1143 = arith.constant 48 : index
          %get3A_1144 = tpu.vector_load %arg6[%get3A_1142, %get3A_1143] {strides = array<i32>} : memref<9x80xi32, #tpu.memory_space<vmem>>, vector<1x16xi32>,
          %get3A_1145 = vector.shape_cast %get3A_1144 : vector<1x16xi32> to vector<16xi32>
          %mul3A_1146 = arith.constant 100 : i32
          %mul3A_1147 = vector.broadcast %mul3A_1146 : i32 to vector<16xi32>
          %mul3A_1148 = arith.muli %get3A_1145, %mul3A_1147 : vector<16xi32>
          %get3A_1149 = arith.constant 3 : i32
          %get3A_1150 = arith.index_cast %get3A_1149 : i32 to index
          %get3A_1151 = arith.constant 48 : index
          %get3A_1152 = tpu.vector_load %arg6[%get3A_1150, %get3A_1151] {strides = array<i32>} : memref<9x80xi32, #tpu.memory_space<vmem>>, vector<1x16xi32>,
          %get3A_1153 = vector.shape_cast %get3A_1152 : vector<1x16xi32> to vector<16xi32>
          %add3A_1154 = arith.addi %mul3A_1148, %get3A_1153 : vector<16xi32>
          %add3A_1155 = arith.constant 10000 : i32
          %add3A_1156 = vector.broadcast %add3A_1155 : i32 to vector<16xi32>
          %add3A_1157 = arith.addi %add3A_1154, %add3A_1156 : vector<16xi32>
          %swap3A_1158 = arith.constant 1 : i32
          %swap3A_1159 = arith.index_cast %swap3A_1158 : i32 to index
          %swap3A_1160 = arith.constant 48 : index
          %swap3A_1161 = tpu.vector_load %arg8[%swap3A_1159, %swap3A_1160] {strides = array<i32>} : memref<5x80xi32, #tpu.memory_space<vmem>>, vector<1x16xi32>,
          %swap3A_1162 = vector.shape_cast %swap3A_1161 : vector<1x16xi32> to vector<16xi32>
          %swap3A_1163 = vector.shape_cast %add3A_1157 : vector<16xi32> to vector<1x16xi32>
          tpu.vector_store %arg8[%swap3A_1159, %swap3A_1160], %swap3A_1163 {strides = array<i32>} : memref<5x80xi32, #tpu.memory_space<vmem>>, vector<1x16xi32>,
          %get3A_1164 = arith.constant 4 : i32
          %get3A_1165 = arith.index_cast %get3A_1164 : i32 to index
          %get3A_1166 = arith.constant 48 : index
          %get3A_1167 = tpu.vector_load %arg6[%get3A_1165, %get3A_1166] {strides = array<i32>} : memref<9x80xi32, #tpu.memory_space<vmem>>, vector<1x16xi32>,
          %get3A_1168 = vector.shape_cast %get3A_1167 : vector<1x16xi32> to vector<16xi32>
          %mul3A_1169 = arith.constant 100 : i32
          %mul3A_1170 = vector.broadcast %mul3A_1169 : i32 to vector<16xi32>
          %mul3A_1171 = arith.muli %get3A_1168, %mul3A_1170 : vector<16xi32>
          %get3A_1172 = arith.constant 5 : i32
          %get3A_1173 = arith.index_cast %get3A_1172 : i32 to index
          %get3A_1174 = arith.constant 48 : index
          %get3A_1175 = tpu.vector_load %arg6[%get3A_1173, %get3A_1174] {strides = array<i32>} : memref<9x80xi32, #tpu.memory_space<vmem>>, vector<1x16xi32>,
          %get3A_1176 = vector.shape_cast %get3A_1175 : vector<1x16xi32> to vector<16xi32>
          %add3A_1177 = arith.addi %mul3A_1171, %get3A_1176 : vector<16xi32>
          %add3A_1178 = arith.constant 20000 : i32
          %add3A_1179 = vector.broadcast %add3A_1178 : i32 to vector<16xi32>
          %add3A_1180 = arith.addi %add3A_1177, %add3A_1179 : vector<16xi32>
          %swap3A_1181 = arith.constant 2 : i32
          %swap3A_1182 = arith.index_cast %swap3A_1181 : i32 to index
          %swap3A_1183 = arith.constant 48 : index
          %swap3A_1184 = tpu.vector_load %arg8[%swap3A_1182, %swap3A_1183] {strides = array<i32>} : memref<5x80xi32, #tpu.memory_space<vmem>>, vector<1x16xi32>,
          %swap3A_1185 = vector.shape_cast %swap3A_1184 : vector<1x16xi32> to vector<16xi32>
          %swap3A_1186 = vector.shape_cast %add3A_1180 : vector<16xi32> to vector<1x16xi32>
          tpu.vector_store %arg8[%swap3A_1182, %swap3A_1183], %swap3A_1186 {strides = array<i32>} : memref<5x80xi32, #tpu.memory_space<vmem>>, vector<1x16xi32>,
          %get3A_1187 = arith.constant 6 : i32
          %get3A_1188 = arith.index_cast %get3A_1187 : i32 to index
          %get3A_1189 = arith.constant 48 : index
          %get3A_1190 = tpu.vector_load %arg6[%get3A_1188, %get3A_1189] {strides = array<i32>} : memref<9x80xi32, #tpu.memory_space<vmem>>, vector<1x16xi32>,
          %get3A_1191 = vector.shape_cast %get3A_1190 : vector<1x16xi32> to vector<16xi32>
          %mul3A_1192 = arith.constant 100 : i32
          %mul3A_1193 = vector.broadcast %mul3A_1192 : i32 to vector<16xi32>
          %mul3A_1194 = arith.muli %get3A_1191, %mul3A_1193 : vector<16xi32>
          %get3A_1195 = arith.constant 7 : i32
          %get3A_1196 = arith.index_cast %get3A_1195 : i32 to index
          %get3A_1197 = arith.constant 48 : index
          %get3A_1198 = tpu.vector_load %arg6[%get3A_1196, %get3A_1197] {strides = array<i32>} : memref<9x80xi32, #tpu.memory_space<vmem>>, vector<1x16xi32>,
          %get3A_1199 = vector.shape_cast %get3A_1198 : vector<1x16xi32> to vector<16xi32>
          %add3A_1200 = arith.addi %mul3A_1194, %get3A_1199 : vector<16xi32>
          %add3A_1201 = arith.constant 30000 : i32
          %add3A_1202 = vector.broadcast %add3A_1201 : i32 to vector<16xi32>
          %add3A_1203 = arith.addi %add3A_1200, %add3A_1202 : vector<16xi32>
          %swap3A_1204 = arith.constant 3 : i32
          %swap3A_1205 = arith.index_cast %swap3A_1204 : i32 to index
          %swap3A_1206 = arith.constant 48 : index
          %swap3A_1207 = tpu.vector_load %arg8[%swap3A_1205, %swap3A_1206] {strides = array<i32>} : memref<5x80xi32, #tpu.memory_space<vmem>>, vector<1x16xi32>,
          %swap3A_1208 = vector.shape_cast %swap3A_1207 : vector<1x16xi32> to vector<16xi32>
          %swap3A_1209 = vector.shape_cast %add3A_1203 : vector<16xi32> to vector<1x16xi32>
          tpu.vector_store %arg8[%swap3A_1205, %swap3A_1206], %swap3A_1209 {strides = array<i32>} : memref<5x80xi32, #tpu.memory_space<vmem>>, vector<1x16xi32>,
          %get3A_1210 = arith.constant 8 : i32
          %get3A_1211 = arith.index_cast %get3A_1210 : i32 to index
          %get3A_1212 = arith.constant 48 : index
          %get3A_1213 = tpu.vector_load %arg6[%get3A_1211, %get3A_1212] {strides = array<i32>} : memref<9x80xi32, #tpu.memory_space<vmem>>, vector<1x16xi32>,
          %get3A_1214 = vector.shape_cast %get3A_1213 : vector<1x16xi32> to vector<16xi32>
          %add3A_1215 = arith.constant 800 : i32
          %add3A_1216 = vector.broadcast %add3A_1215 : i32 to vector<16xi32>
          %add3A_1217 = arith.addi %get3A_1214, %add3A_1216 : vector<16xi32>
          %swap3A_1218 = arith.constant 4 : i32
          %swap3A_1219 = arith.index_cast %swap3A_1218 : i32 to index
          %swap3A_1220 = arith.constant 48 : index
          %swap3A_1221 = tpu.vector_load %arg8[%swap3A_1219, %swap3A_1220] {strides = array<i32>} : memref<5x80xi32, #tpu.memory_space<vmem>>, vector<1x16xi32>,
          %swap3A_1222 = vector.shape_cast %swap3A_1221 : vector<1x16xi32> to vector<16xi32>
          %swap3A_1223 = vector.shape_cast %add3A_1217 : vector<16xi32> to vector<1x16xi32>
          tpu.vector_store %arg8[%swap3A_1219, %swap3A_1220], %swap3A_1223 {strides = array<i32>} : memref<5x80xi32, #tpu.memory_space<vmem>>, vector<1x16xi32>,
          %get3A_1224 = arith.constant 0 : i32
          %get3A_1225 = arith.index_cast %get3A_1224 : i32 to index
          %get3A_1226 = arith.constant 64 : index
          %get3A_1227 = tpu.vector_load %arg6[%get3A_1225, %get3A_1226] {strides = array<i32>} : memref<9x80xi32, #tpu.memory_space<vmem>>, vector<1x16xi32>,
          %get3A_1228 = vector.shape_cast %get3A_1227 : vector<1x16xi32> to vector<16xi32>
          %mul3A_1229 = arith.constant 100 : i32
          %mul3A_1230 = vector.broadcast %mul3A_1229 : i32 to vector<16xi32>
          %mul3A_1231 = arith.muli %get3A_1228, %mul3A_1230 : vector<16xi32>
          %get3A_1232 = arith.constant 1 : i32
          %get3A_1233 = arith.index_cast %get3A_1232 : i32 to index
          %get3A_1234 = arith.constant 64 : index
          %get3A_1235 = tpu.vector_load %arg6[%get3A_1233, %get3A_1234] {strides = array<i32>} : memref<9x80xi32, #tpu.memory_space<vmem>>, vector<1x16xi32>,
          %get3A_1236 = vector.shape_cast %get3A_1235 : vector<1x16xi32> to vector<16xi32>
          %add3A_1237 = arith.addi %mul3A_1231, %get3A_1236 : vector<16xi32>
          %add3A_1238 = arith.constant 0 : i32
          %add3A_1239 = vector.broadcast %add3A_1238 : i32 to vector<16xi32>
          %add3A_1240 = arith.addi %add3A_1237, %add3A_1239 : vector<16xi32>
          %swap3A_1241 = arith.constant 0 : i32
          %swap3A_1242 = arith.index_cast %swap3A_1241 : i32 to index
          %swap3A_1243 = arith.constant 64 : index
          %swap3A_1244 = tpu.vector_load %arg8[%swap3A_1242, %swap3A_1243] {strides = array<i32>} : memref<5x80xi32, #tpu.memory_space<vmem>>, vector<1x16xi32>,
          %swap3A_1245 = vector.shape_cast %swap3A_1244 : vector<1x16xi32> to vector<16xi32>
          %swap3A_1246 = vector.shape_cast %add3A_1240 : vector<16xi32> to vector<1x16xi32>
          tpu.vector_store %arg8[%swap3A_1242, %swap3A_1243], %swap3A_1246 {strides = array<i32>} : memref<5x80xi32, #tpu.memory_space<vmem>>, vector<1x16xi32>,
          %get3A_1247 = arith.constant 2 : i32
          %get3A_1248 = arith.index_cast %get3A_1247 : i32 to index
          %get3A_1249 = arith.constant 64 : index
          %get3A_1250 = tpu.vector_load %arg6[%get3A_1248, %get3A_1249] {strides = array<i32>} : memref<9x80xi32, #tpu.memory_space<vmem>>, vector<1x16xi32>,
          %get3A_1251 = vector.shape_cast %get3A_1250 : vector<1x16xi32> to vector<16xi32>
          %mul3A_1252 = arith.constant 100 : i32
          %mul3A_1253 = vector.broadcast %mul3A_1252 : i32 to vector<16xi32>
          %mul3A_1254 = arith.muli %get3A_1251, %mul3A_1253 : vector<16xi32>
          %get3A_1255 = arith.constant 3 : i32
          %get3A_1256 = arith.index_cast %get3A_1255 : i32 to index
          %get3A_1257 = arith.constant 64 : index
          %get3A_1258 = tpu.vector_load %arg6[%get3A_1256, %get3A_1257] {strides = array<i32>} : memref<9x80xi32, #tpu.memory_space<vmem>>, vector<1x16xi32>,
          %get3A_1259 = vector.shape_cast %get3A_1258 : vector<1x16xi32> to vector<16xi32>
          %add3A_1260 = arith.addi %mul3A_1254, %get3A_1259 : vector<16xi32>
          %add3A_1261 = arith.constant 10000 : i32
          %add3A_1262 = vector.broadcast %add3A_1261 : i32 to vector<16xi32>
          %add3A_1263 = arith.addi %add3A_1260, %add3A_1262 : vector<16xi32>
          %swap3A_1264 = arith.constant 1 : i32
          %swap3A_1265 = arith.index_cast %swap3A_1264 : i32 to index
          %swap3A_1266 = arith.constant 64 : index
          %swap3A_1267 = tpu.vector_load %arg8[%swap3A_1265, %swap3A_1266] {strides = array<i32>} : memref<5x80xi32, #tpu.memory_space<vmem>>, vector<1x16xi32>,
          %swap3A_1268 = vector.shape_cast %swap3A_1267 : vector<1x16xi32> to vector<16xi32>
          %swap3A_1269 = vector.shape_cast %add3A_1263 : vector<16xi32> to vector<1x16xi32>
          tpu.vector_store %arg8[%swap3A_1265, %swap3A_1266], %swap3A_1269 {strides = array<i32>} : memref<5x80xi32, #tpu.memory_space<vmem>>, vector<1x16xi32>,
          %get3A_1270 = arith.constant 4 : i32
          %get3A_1271 = arith.index_cast %get3A_1270 : i32 to index
          %get3A_1272 = arith.constant 64 : index
          %get3A_1273 = tpu.vector_load %arg6[%get3A_1271, %get3A_1272] {strides = array<i32>} : memref<9x80xi32, #tpu.memory_space<vmem>>, vector<1x16xi32>,
          %get3A_1274 = vector.shape_cast %get3A_1273 : vector<1x16xi32> to vector<16xi32>
          %mul3A_1275 = arith.constant 100 : i32
          %mul3A_1276 = vector.broadcast %mul3A_1275 : i32 to vector<16xi32>
          %mul3A_1277 = arith.muli %get3A_1274, %mul3A_1276 : vector<16xi32>
          %get3A_1278 = arith.constant 5 : i32
          %get3A_1279 = arith.index_cast %get3A_1278 : i32 to index
          %get3A_1280 = arith.constant 64 : index
          %get3A_1281 = tpu.vector_load %arg6[%get3A_1279, %get3A_1280] {strides = array<i32>} : memref<9x80xi32, #tpu.memory_space<vmem>>, vector<1x16xi32>,
          %get3A_1282 = vector.shape_cast %get3A_1281 : vector<1x16xi32> to vector<16xi32>
          %add3A_1283 = arith.addi %mul3A_1277, %get3A_1282 : vector<16xi32>
          %add3A_1284 = arith.constant 20000 : i32
          %add3A_1285 = vector.broadcast %add3A_1284 : i32 to vector<16xi32>
          %add3A_1286 = arith.addi %add3A_1283, %add3A_1285 : vector<16xi32>
          %swap3A_1287 = arith.constant 2 : i32
          %swap3A_1288 = arith.index_cast %swap3A_1287 : i32 to index
          %swap3A_1289 = arith.constant 64 : index
          %swap3A_1290 = tpu.vector_load %arg8[%swap3A_1288, %swap3A_1289] {strides = array<i32>} : memref<5x80xi32, #tpu.memory_space<vmem>>, vector<1x16xi32>,
          %swap3A_1291 = vector.shape_cast %swap3A_1290 : vector<1x16xi32> to vector<16xi32>
          %swap3A_1292 = vector.shape_cast %add3A_1286 : vector<16xi32> to vector<1x16xi32>
          tpu.vector_store %arg8[%swap3A_1288, %swap3A_1289], %swap3A_1292 {strides = array<i32>} : memref<5x80xi32, #tpu.memory_space<vmem>>, vector<1x16xi32>,
          %get3A_1293 = arith.constant 6 : i32
          %get3A_1294 = arith.index_cast %get3A_1293 : i32 to index
          %get3A_1295 = arith.constant 64 : index
          %get3A_1296 = tpu.vector_load %arg6[%get3A_1294, %get3A_1295] {strides = array<i32>} : memref<9x80xi32, #tpu.memory_space<vmem>>, vector<1x16xi32>,
          %get3A_1297 = vector.shape_cast %get3A_1296 : vector<1x16xi32> to vector<16xi32>
          %mul3A_1298 = arith.constant 100 : i32
          %mul3A_1299 = vector.broadcast %mul3A_1298 : i32 to vector<16xi32>
          %mul3A_1300 = arith.muli %get3A_1297, %mul3A_1299 : vector<16xi32>
          %get3A_1301 = arith.constant 7 : i32
          %get3A_1302 = arith.index_cast %get3A_1301 : i32 to index
          %get3A_1303 = arith.constant 64 : index
          %get3A_1304 = tpu.vector_load %arg6[%get3A_1302, %get3A_1303] {strides = array<i32>} : memref<9x80xi32, #tpu.memory_space<vmem>>, vector<1x16xi32>,
          %get3A_1305 = vector.shape_cast %get3A_1304 : vector<1x16xi32> to vector<16xi32>
          %add3A_1306 = arith.addi %mul3A_1300, %get3A_1305 : vector<16xi32>
          %add3A_1307 = arith.constant 30000 : i32
          %add3A_1308 = vector.broadcast %add3A_1307 : i32 to vector<16xi32>
          %add3A_1309 = arith.addi %add3A_1306, %add3A_1308 : vector<16xi32>
          %swap3A_1310 = arith.constant 3 : i32
          %swap3A_1311 = arith.index_cast %swap3A_1310 : i32 to index
          %swap3A_1312 = arith.constant 64 : index
          %swap3A_1313 = tpu.vector_load %arg8[%swap3A_1311, %swap3A_1312] {strides = array<i32>} : memref<5x80xi32, #tpu.memory_space<vmem>>, vector<1x16xi32>,
          %swap3A_1314 = vector.shape_cast %swap3A_1313 : vector<1x16xi32> to vector<16xi32>
          %swap3A_1315 = vector.shape_cast %add3A_1309 : vector<16xi32> to vector<1x16xi32>
          tpu.vector_store %arg8[%swap3A_1311, %swap3A_1312], %swap3A_1315 {strides = array<i32>} : memref<5x80xi32, #tpu.memory_space<vmem>>, vector<1x16xi32>,
          %get3A_1316 = arith.constant 8 : i32
          %get3A_1317 = arith.index_cast %get3A_1316 : i32 to index
          %get3A_1318 = arith.constant 64 : index
          %get3A_1319 = tpu.vector_load %arg6[%get3A_1317, %get3A_1318] {strides = array<i32>} : memref<9x80xi32, #tpu.memory_space<vmem>>, vector<1x16xi32>,
          %get3A_1320 = vector.shape_cast %get3A_1319 : vector<1x16xi32> to vector<16xi32>
          %add3A_1321 = arith.constant 800 : i32
          %add3A_1322 = vector.broadcast %add3A_1321 : i32 to vector<16xi32>
          %add3A_1323 = arith.addi %get3A_1320, %add3A_1322 : vector<16xi32>
          %swap3A_1324 = arith.constant 4 : i32
          %swap3A_1325 = arith.index_cast %swap3A_1324 : i32 to index
          %swap3A_1326 = arith.constant 64 : index
          %swap3A_1327 = tpu.vector_load %arg8[%swap3A_1325, %swap3A_1326] {strides = array<i32>} : memref<5x80xi32, #tpu.memory_space<vmem>>, vector<1x16xi32>,
          %swap3A_1328 = vector.shape_cast %swap3A_1327 : vector<1x16xi32> to vector<16xi32>
          %swap3A_1329 = vector.shape_cast %add3A_1323 : vector<16xi32> to vector<1x16xi32>
          tpu.vector_store %arg8[%swap3A_1325, %swap3A_1326], %swap3A_1329 {strides = array<i32>} : memref<5x80xi32, #tpu.memory_space<vmem>>, vector<1x16xi32>,
          %ge3A = arith.constant 1 : i32
          %ge3A_1330 = arith.cmpi sge, %add3A_638, %ge3A : i32
          %convert_element_type3A_1331 = arith.extui %ge3A_1330 : i1 to i32
          %cond3A_1332 = arith.constant 0 : i32
          %cond3A_1333 = arith.cmpi ne, %convert_element_type3A_1331, %cond3A_1332 : i32
          scf.if %cond3A_1333 {
            %dma_wait3A_1369 = arith.constant 0 : i32
            %dma_wait3A_1370 = arith.constant 0 : i32
            %dma_wait3A_1371 = tpu.memref_slice %arg8[%dma_wait3A_1369, %dma_wait3A_1370] : memref<5x80xi32, #tpu.memory_space<vmem>> -> memref<1x80xi32, #tpu.memory_space<vmem>>
            %dma_wait3A_1372 = tpu.memref_squeeze %dma_wait3A_1371 : memref<1x80xi32, #tpu.memory_space<vmem>> -> memref<80xi32, #tpu.memory_space<vmem>>
            %dma_wait3A_1373 = arith.constant 0 : i32
            %dma_wait3A_1374 = arith.constant 0 : i32
            %dma_wait3A_1375 = tpu.memref_slice %arg4[%dma_wait3A_1373, %dma_wait3A_1374] : memref<900x128xf32, #tpu.memory_space<hbm>> -> memref<900x128xf32, #tpu.memory_space<hbm>>
            tpu.wait_indirect_dma semaphore(%arg24 : memref<!tpu.dma_semaphore, #tpu.memory_space<semaphore_mem>>) src(%dma_wait3A_1375 : memref<900x128xf32, #tpu.memory_space<hbm>>) dst(%arg10 : memref<80x128xf32, #tpu.memory_space<vmem>>)
          } else {
          }
          %dma_start3A_1334 = arith.constant 0 : i32
          %dma_start3A_1335 = arith.constant 0 : i32
          %dma_start3A_1336 = tpu.memref_slice %arg8[%dma_start3A_1334, %dma_start3A_1335] : memref<5x80xi32, #tpu.memory_space<vmem>> -> memref<1x80xi32, #tpu.memory_space<vmem>>
          %dma_start3A_1337 = tpu.memref_squeeze %dma_start3A_1336 : memref<1x80xi32, #tpu.memory_space<vmem>> -> memref<80xi32, #tpu.memory_space<vmem>>
          %dma_start3A_1338 = arith.constant 0 : i32
          %dma_start3A_1339 = arith.constant 0 : i32
          %dma_start3A_1340 = tpu.memref_slice %arg3[%dma_start3A_1338, %dma_start3A_1339] : memref<40000x128xf32, #tpu.memory_space<hbm>> -> memref<40000x128xf32, #tpu.memory_space<hbm>>
          tpu.enqueue_indirect_dma source(%dma_start3A_1340 : memref<40000x128xf32, #tpu.memory_space<hbm>>) target(%arg10 : memref<80x128xf32, #tpu.memory_space<vmem>>) offsets(%dma_start3A_1337 : memref<80xi32, #tpu.memory_space<vmem>>) semaphore(%arg20 : memref<!tpu.dma_semaphore, #tpu.memory_space<semaphore_mem>>)
          %dma_start3A_1341 = arith.constant 1 : i32
          %dma_start3A_1342 = arith.constant 0 : i32
          %dma_start3A_1343 = tpu.memref_slice %arg8[%dma_start3A_1341, %dma_start3A_1342] : memref<5x80xi32, #tpu.memory_space<vmem>> -> memref<1x80xi32, #tpu.memory_space<vmem>>
          %dma_start3A_1344 = tpu.memref_squeeze %dma_start3A_1343 : memref<1x80xi32, #tpu.memory_space<vmem>> -> memref<80xi32, #tpu.memory_space<vmem>>
          %dma_start3A_1345 = arith.constant 0 : i32
          %dma_start3A_1346 = arith.constant 0 : i32
          %dma_start3A_1347 = tpu.memref_slice %arg3[%dma_start3A_1345, %dma_start3A_1346] : memref<40000x128xf32, #tpu.memory_space<hbm>> -> memref<40000x128xf32, #tpu.memory_space<hbm>>
          tpu.enqueue_indirect_dma source(%dma_start3A_1347 : memref<40000x128xf32, #tpu.memory_space<hbm>>) target(%arg12 : memref<80x128xf32, #tpu.memory_space<vmem>>) offsets(%dma_start3A_1344 : memref<80xi32, #tpu.memory_space<vmem>>) semaphore(%arg22 : memref<!tpu.dma_semaphore, #tpu.memory_space<semaphore_mem>>)
          %dma_start3A_1348 = arith.constant 2 : i32
          %dma_start3A_1349 = arith.constant 0 : i32
          %dma_start3A_1350 = tpu.memref_slice %arg8[%dma_start3A_1348, %dma_start3A_1349] : memref<5x80xi32, #tpu.memory_space<vmem>> -> memref<1x80xi32, #tpu.memory_space<vmem>>
          %dma_start3A_1351 = tpu.memref_squeeze %dma_start3A_1350 : memref<1x80xi32, #tpu.memory_space<vmem>> -> memref<80xi32, #tpu.memory_space<vmem>>
          %dma_start3A_1352 = arith.constant 0 : i32
          %dma_start3A_1353 = arith.constant 0 : i32
          %dma_start3A_1354 = tpu.memref_slice %arg3[%dma_start3A_1352, %dma_start3A_1353] : memref<40000x128xf32, #tpu.memory_space<hbm>> -> memref<40000x128xf32, #tpu.memory_space<hbm>>
          tpu.enqueue_indirect_dma source(%dma_start3A_1354 : memref<40000x128xf32, #tpu.memory_space<hbm>>) target(%arg13 : memref<80x128xf32, #tpu.memory_space<vmem>>) offsets(%dma_start3A_1351 : memref<80xi32, #tpu.memory_space<vmem>>) semaphore(%arg22 : memref<!tpu.dma_semaphore, #tpu.memory_space<semaphore_mem>>)
          %dma_start3A_1355 = arith.constant 3 : i32
          %dma_start3A_1356 = arith.constant 0 : i32
          %dma_start3A_1357 = tpu.memref_slice %arg8[%dma_start3A_1355, %dma_start3A_1356] : memref<5x80xi32, #tpu.memory_space<vmem>> -> memref<1x80xi32, #tpu.memory_space<vmem>>
          %dma_start3A_1358 = tpu.memref_squeeze %dma_start3A_1357 : memref<1x80xi32, #tpu.memory_space<vmem>> -> memref<80xi32, #tpu.memory_space<vmem>>
          %dma_start3A_1359 = arith.constant 0 : i32
          %dma_start3A_1360 = arith.constant 0 : i32
          %dma_start3A_1361 = tpu.memref_slice %arg3[%dma_start3A_1359, %dma_start3A_1360] : memref<40000x128xf32, #tpu.memory_space<hbm>> -> memref<40000x128xf32, #tpu.memory_space<hbm>>
          tpu.enqueue_indirect_dma source(%dma_start3A_1361 : memref<40000x128xf32, #tpu.memory_space<hbm>>) target(%arg14 : memref<80x128xf32, #tpu.memory_space<vmem>>) offsets(%dma_start3A_1358 : memref<80xi32, #tpu.memory_space<vmem>>) semaphore(%arg22 : memref<!tpu.dma_semaphore, #tpu.memory_space<semaphore_mem>>)
          %dma_start3A_1362 = arith.constant 4 : i32
          %dma_start3A_1363 = arith.constant 0 : i32
          %dma_start3A_1364 = tpu.memref_slice %arg8[%dma_start3A_1362, %dma_start3A_1363] : memref<5x80xi32, #tpu.memory_space<vmem>> -> memref<1x80xi32, #tpu.memory_space<vmem>>
          %dma_start3A_1365 = tpu.memref_squeeze %dma_start3A_1364 : memref<1x80xi32, #tpu.memory_space<vmem>> -> memref<80xi32, #tpu.memory_space<vmem>>
          %dma_start3A_1366 = arith.constant 0 : i32
          %dma_start3A_1367 = arith.constant 0 : i32
          %dma_start3A_1368 = tpu.memref_slice %arg4[%dma_start3A_1366, %dma_start3A_1367] : memref<900x128xf32, #tpu.memory_space<hbm>> -> memref<900x128xf32, #tpu.memory_space<hbm>>
          tpu.enqueue_indirect_dma source(%dma_start3A_1368 : memref<900x128xf32, #tpu.memory_space<hbm>>) target(%arg15 : memref<80x128xf32, #tpu.memory_space<vmem>>) offsets(%dma_start3A_1365 : memref<80xi32, #tpu.memory_space<vmem>>) semaphore(%arg22 : memref<!tpu.dma_semaphore, #tpu.memory_space<semaphore_mem>>)
        } else {
        }
        %parallel_loop3A = arith.constant 0 : i32
        %parallel_loop3A_693 = arith.constant 80 : i32
        %parallel_loop3A_694 = arith.constant 1 : i32
        scf.for %parallel_loop3A_701 = %parallel_loop3A to %parallel_loop3A_693 step %parallel_loop3A_694  : i32 {
          %parallel_loop3A_702 = arith.index_cast %parallel_loop3A_701 : i32 to index
          %parallel_loop3A_703 = arith.constant 0 : index
          %parallel_loop3A_704 = tpu.vector_load %arg16[%parallel_loop3A_702, %parallel_loop3A_703] {strides = array<i32>} : memref<80x128xf32, #tpu.memory_space<vmem>>, vector<1x16xf32>,
          %parallel_loop3A_705 = vector.shape_cast %parallel_loop3A_704 : vector<1x16xf32> to vector<16xf32>
          %parallel_loop3A_706 = arith.index_cast %parallel_loop3A_701 : i32 to index
          %parallel_loop3A_707 = arith.constant 0 : index
          %parallel_loop3A_708 = tpu.vector_load %arg17[%parallel_loop3A_706, %parallel_loop3A_707] {strides = array<i32>} : memref<80x128xf32, #tpu.memory_space<vmem>>, vector<1x16xf32>,
          %parallel_loop3A_709 = vector.shape_cast %parallel_loop3A_708 : vector<1x16xf32> to vector<16xf32>
          %parallel_loop3A_710 = arith.addf %parallel_loop3A_705, %parallel_loop3A_709 : vector<16xf32>
          %parallel_loop3A_711 = arith.index_cast %parallel_loop3A_701 : i32 to index
          %parallel_loop3A_712 = arith.constant 0 : index
          %parallel_loop3A_713 = tpu.vector_load %arg18[%parallel_loop3A_711, %parallel_loop3A_712] {strides = array<i32>} : memref<80x128xf32, #tpu.memory_space<vmem>>, vector<1x16xf32>,
          %parallel_loop3A_714 = vector.shape_cast %parallel_loop3A_713 : vector<1x16xf32> to vector<16xf32>
          %parallel_loop3A_715 = arith.index_cast %parallel_loop3A_701 : i32 to index
          %parallel_loop3A_716 = arith.constant 0 : index
          %parallel_loop3A_717 = tpu.vector_load %arg19[%parallel_loop3A_715, %parallel_loop3A_716] {strides = array<i32>} : memref<80x128xf32, #tpu.memory_space<vmem>>, vector<1x16xf32>,
          %parallel_loop3A_718 = vector.shape_cast %parallel_loop3A_717 : vector<1x16xf32> to vector<16xf32>
          %parallel_loop3A_719 = arith.addf %parallel_loop3A_714, %parallel_loop3A_718 : vector<16xf32>
          %parallel_loop3A_720 = arith.index_cast %parallel_loop3A_701 : i32 to index
          %parallel_loop3A_721 = arith.constant 0 : index
          %parallel_loop3A_722 = tpu.vector_load %arg11[%parallel_loop3A_720, %parallel_loop3A_721] {strides = array<i32>} : memref<80x128xf32, #tpu.memory_space<vmem>>, vector<1x16xf32>,
          %parallel_loop3A_723 = vector.shape_cast %parallel_loop3A_722 : vector<1x16xf32> to vector<16xf32>
          %parallel_loop3A_724 = arith.addf %parallel_loop3A_710, %parallel_loop3A_719 : vector<16xf32>
          %parallel_loop3A_725 = arith.addf %parallel_loop3A_723, %parallel_loop3A_724 : vector<16xf32>
          %parallel_loop3A_726 = arith.index_cast %parallel_loop3A_701 : i32 to index
          %parallel_loop3A_727 = arith.constant 0 : index
          %parallel_loop3A_728 = tpu.vector_load %arg11[%parallel_loop3A_726, %parallel_loop3A_727] {strides = array<i32>} : memref<80x128xf32, #tpu.memory_space<vmem>>, vector<1x16xf32>,
          %parallel_loop3A_729 = vector.shape_cast %parallel_loop3A_728 : vector<1x16xf32> to vector<16xf32>
          %parallel_loop3A_730 = vector.shape_cast %parallel_loop3A_725 : vector<16xf32> to vector<1x16xf32>
          tpu.vector_store %arg11[%parallel_loop3A_726, %parallel_loop3A_727], %parallel_loop3A_730 {strides = array<i32>} : memref<80x128xf32, #tpu.memory_space<vmem>>, vector<1x16xf32>,
          %parallel_loop3A_731 = arith.index_cast %parallel_loop3A_701 : i32 to index
          %parallel_loop3A_732 = arith.constant 16 : index
          %parallel_loop3A_733 = tpu.vector_load %arg16[%parallel_loop3A_731, %parallel_loop3A_732] {strides = array<i32>} : memref<80x128xf32, #tpu.memory_space<vmem>>, vector<1x16xf32>,
          %parallel_loop3A_734 = vector.shape_cast %parallel_loop3A_733 : vector<1x16xf32> to vector<16xf32>
          %parallel_loop3A_735 = arith.index_cast %parallel_loop3A_701 : i32 to index
          %parallel_loop3A_736 = arith.constant 16 : index
          %parallel_loop3A_737 = tpu.vector_load %arg17[%parallel_loop3A_735, %parallel_loop3A_736] {strides = array<i32>} : memref<80x128xf32, #tpu.memory_space<vmem>>, vector<1x16xf32>,
          %parallel_loop3A_738 = vector.shape_cast %parallel_loop3A_737 : vector<1x16xf32> to vector<16xf32>
          %parallel_loop3A_739 = arith.addf %parallel_loop3A_734, %parallel_loop3A_738 : vector<16xf32>
          %parallel_loop3A_740 = arith.index_cast %parallel_loop3A_701 : i32 to index
          %parallel_loop3A_741 = arith.constant 16 : index
          %parallel_loop3A_742 = tpu.vector_load %arg18[%parallel_loop3A_740, %parallel_loop3A_741] {strides = array<i32>} : memref<80x128xf32, #tpu.memory_space<vmem>>, vector<1x16xf32>,
          %parallel_loop3A_743 = vector.shape_cast %parallel_loop3A_742 : vector<1x16xf32> to vector<16xf32>
          %parallel_loop3A_744 = arith.index_cast %parallel_loop3A_701 : i32 to index
          %parallel_loop3A_745 = arith.constant 16 : index
          %parallel_loop3A_746 = tpu.vector_load %arg19[%parallel_loop3A_744, %parallel_loop3A_745] {strides = array<i32>} : memref<80x128xf32, #tpu.memory_space<vmem>>, vector<1x16xf32>,
          %parallel_loop3A_747 = vector.shape_cast %parallel_loop3A_746 : vector<1x16xf32> to vector<16xf32>
          %parallel_loop3A_748 = arith.addf %parallel_loop3A_743, %parallel_loop3A_747 : vector<16xf32>
          %parallel_loop3A_749 = arith.index_cast %parallel_loop3A_701 : i32 to index
          %parallel_loop3A_750 = arith.constant 16 : index
          %parallel_loop3A_751 = tpu.vector_load %arg11[%parallel_loop3A_749, %parallel_loop3A_750] {strides = array<i32>} : memref<80x128xf32, #tpu.memory_space<vmem>>, vector<1x16xf32>,
          %parallel_loop3A_752 = vector.shape_cast %parallel_loop3A_751 : vector<1x16xf32> to vector<16xf32>
          %parallel_loop3A_753 = arith.addf %parallel_loop3A_739, %parallel_loop3A_748 : vector<16xf32>
          %parallel_loop3A_754 = arith.addf %parallel_loop3A_752, %parallel_loop3A_753 : vector<16xf32>
          %parallel_loop3A_755 = arith.index_cast %parallel_loop3A_701 : i32 to index
          %parallel_loop3A_756 = arith.constant 16 : index
          %parallel_loop3A_757 = tpu.vector_load %arg11[%parallel_loop3A_755, %parallel_loop3A_756] {strides = array<i32>} : memref<80x128xf32, #tpu.memory_space<vmem>>, vector<1x16xf32>,
          %parallel_loop3A_758 = vector.shape_cast %parallel_loop3A_757 : vector<1x16xf32> to vector<16xf32>
          %parallel_loop3A_759 = vector.shape_cast %parallel_loop3A_754 : vector<16xf32> to vector<1x16xf32>
          tpu.vector_store %arg11[%parallel_loop3A_755, %parallel_loop3A_756], %parallel_loop3A_759 {strides = array<i32>} : memref<80x128xf32, #tpu.memory_space<vmem>>, vector<1x16xf32>,
          %parallel_loop3A_760 = arith.index_cast %parallel_loop3A_701 : i32 to index
          %parallel_loop3A_761 = arith.constant 32 : index
          %parallel_loop3A_762 = tpu.vector_load %arg16[%parallel_loop3A_760, %parallel_loop3A_761] {strides = array<i32>} : memref<80x128xf32, #tpu.memory_space<vmem>>, vector<1x16xf32>,
          %parallel_loop3A_763 = vector.shape_cast %parallel_loop3A_762 : vector<1x16xf32> to vector<16xf32>
          %parallel_loop3A_764 = arith.index_cast %parallel_loop3A_701 : i32 to index
          %parallel_loop3A_765 = arith.constant 32 : index
          %parallel_loop3A_766 = tpu.vector_load %arg17[%parallel_loop3A_764, %parallel_loop3A_765] {strides = array<i32>} : memref<80x128xf32, #tpu.memory_space<vmem>>, vector<1x16xf32>,
          %parallel_loop3A_767 = vector.shape_cast %parallel_loop3A_766 : vector<1x16xf32> to vector<16xf32>
          %parallel_loop3A_768 = arith.addf %parallel_loop3A_763, %parallel_loop3A_767 : vector<16xf32>
          %parallel_loop3A_769 = arith.index_cast %parallel_loop3A_701 : i32 to index
          %parallel_loop3A_770 = arith.constant 32 : index
          %parallel_loop3A_771 = tpu.vector_load %arg18[%parallel_loop3A_769, %parallel_loop3A_770] {strides = array<i32>} : memref<80x128xf32, #tpu.memory_space<vmem>>, vector<1x16xf32>,
          %parallel_loop3A_772 = vector.shape_cast %parallel_loop3A_771 : vector<1x16xf32> to vector<16xf32>
          %parallel_loop3A_773 = arith.index_cast %parallel_loop3A_701 : i32 to index
          %parallel_loop3A_774 = arith.constant 32 : index
          %parallel_loop3A_775 = tpu.vector_load %arg19[%parallel_loop3A_773, %parallel_loop3A_774] {strides = array<i32>} : memref<80x128xf32, #tpu.memory_space<vmem>>, vector<1x16xf32>,
          %parallel_loop3A_776 = vector.shape_cast %parallel_loop3A_775 : vector<1x16xf32> to vector<16xf32>
          %parallel_loop3A_777 = arith.addf %parallel_loop3A_772, %parallel_loop3A_776 : vector<16xf32>
          %parallel_loop3A_778 = arith.index_cast %parallel_loop3A_701 : i32 to index
          %parallel_loop3A_779 = arith.constant 32 : index
          %parallel_loop3A_780 = tpu.vector_load %arg11[%parallel_loop3A_778, %parallel_loop3A_779] {strides = array<i32>} : memref<80x128xf32, #tpu.memory_space<vmem>>, vector<1x16xf32>,
          %parallel_loop3A_781 = vector.shape_cast %parallel_loop3A_780 : vector<1x16xf32> to vector<16xf32>
          %parallel_loop3A_782 = arith.addf %parallel_loop3A_768, %parallel_loop3A_777 : vector<16xf32>
          %parallel_loop3A_783 = arith.addf %parallel_loop3A_781, %parallel_loop3A_782 : vector<16xf32>
          %parallel_loop3A_784 = arith.index_cast %parallel_loop3A_701 : i32 to index
          %parallel_loop3A_785 = arith.constant 32 : index
          %parallel_loop3A_786 = tpu.vector_load %arg11[%parallel_loop3A_784, %parallel_loop3A_785] {strides = array<i32>} : memref<80x128xf32, #tpu.memory_space<vmem>>, vector<1x16xf32>,
          %parallel_loop3A_787 = vector.shape_cast %parallel_loop3A_786 : vector<1x16xf32> to vector<16xf32>
          %parallel_loop3A_788 = vector.shape_cast %parallel_loop3A_783 : vector<16xf32> to vector<1x16xf32>
          tpu.vector_store %arg11[%parallel_loop3A_784, %parallel_loop3A_785], %parallel_loop3A_788 {strides = array<i32>} : memref<80x128xf32, #tpu.memory_space<vmem>>, vector<1x16xf32>,
          %parallel_loop3A_789 = arith.index_cast %parallel_loop3A_701 : i32 to index
          %parallel_loop3A_790 = arith.constant 48 : index
          %parallel_loop3A_791 = tpu.vector_load %arg16[%parallel_loop3A_789, %parallel_loop3A_790] {strides = array<i32>} : memref<80x128xf32, #tpu.memory_space<vmem>>, vector<1x16xf32>,
          %parallel_loop3A_792 = vector.shape_cast %parallel_loop3A_791 : vector<1x16xf32> to vector<16xf32>
          %parallel_loop3A_793 = arith.index_cast %parallel_loop3A_701 : i32 to index
          %parallel_loop3A_794 = arith.constant 48 : index
          %parallel_loop3A_795 = tpu.vector_load %arg17[%parallel_loop3A_793, %parallel_loop3A_794] {strides = array<i32>} : memref<80x128xf32, #tpu.memory_space<vmem>>, vector<1x16xf32>,
          %parallel_loop3A_796 = vector.shape_cast %parallel_loop3A_795 : vector<1x16xf32> to vector<16xf32>
          %parallel_loop3A_797 = arith.addf %parallel_loop3A_792, %parallel_loop3A_796 : vector<16xf32>
          %parallel_loop3A_798 = arith.index_cast %parallel_loop3A_701 : i32 to index
          %parallel_loop3A_799 = arith.constant 48 : index
          %parallel_loop3A_800 = tpu.vector_load %arg18[%parallel_loop3A_798, %parallel_loop3A_799] {strides = array<i32>} : memref<80x128xf32, #tpu.memory_space<vmem>>, vector<1x16xf32>,
          %parallel_loop3A_801 = vector.shape_cast %parallel_loop3A_800 : vector<1x16xf32> to vector<16xf32>
          %parallel_loop3A_802 = arith.index_cast %parallel_loop3A_701 : i32 to index
          %parallel_loop3A_803 = arith.constant 48 : index
          %parallel_loop3A_804 = tpu.vector_load %arg19[%parallel_loop3A_802, %parallel_loop3A_803] {strides = array<i32>} : memref<80x128xf32, #tpu.memory_space<vmem>>, vector<1x16xf32>,
          %parallel_loop3A_805 = vector.shape_cast %parallel_loop3A_804 : vector<1x16xf32> to vector<16xf32>
          %parallel_loop3A_806 = arith.addf %parallel_loop3A_801, %parallel_loop3A_805 : vector<16xf32>
          %parallel_loop3A_807 = arith.index_cast %parallel_loop3A_701 : i32 to index
          %parallel_loop3A_808 = arith.constant 48 : index
          %parallel_loop3A_809 = tpu.vector_load %arg11[%parallel_loop3A_807, %parallel_loop3A_808] {strides = array<i32>} : memref<80x128xf32, #tpu.memory_space<vmem>>, vector<1x16xf32>,
          %parallel_loop3A_810 = vector.shape_cast %parallel_loop3A_809 : vector<1x16xf32> to vector<16xf32>
          %parallel_loop3A_811 = arith.addf %parallel_loop3A_797, %parallel_loop3A_806 : vector<16xf32>
          %parallel_loop3A_812 = arith.addf %parallel_loop3A_810, %parallel_loop3A_811 : vector<16xf32>
          %parallel_loop3A_813 = arith.index_cast %parallel_loop3A_701 : i32 to index
          %parallel_loop3A_814 = arith.constant 48 : index
          %parallel_loop3A_815 = tpu.vector_load %arg11[%parallel_loop3A_813, %parallel_loop3A_814] {strides = array<i32>} : memref<80x128xf32, #tpu.memory_space<vmem>>, vector<1x16xf32>,
          %parallel_loop3A_816 = vector.shape_cast %parallel_loop3A_815 : vector<1x16xf32> to vector<16xf32>
          %parallel_loop3A_817 = vector.shape_cast %parallel_loop3A_812 : vector<16xf32> to vector<1x16xf32>
          tpu.vector_store %arg11[%parallel_loop3A_813, %parallel_loop3A_814], %parallel_loop3A_817 {strides = array<i32>} : memref<80x128xf32, #tpu.memory_space<vmem>>, vector<1x16xf32>,
          %parallel_loop3A_818 = arith.index_cast %parallel_loop3A_701 : i32 to index
          %parallel_loop3A_819 = arith.constant 64 : index
          %parallel_loop3A_820 = tpu.vector_load %arg16[%parallel_loop3A_818, %parallel_loop3A_819] {strides = array<i32>} : memref<80x128xf32, #tpu.memory_space<vmem>>, vector<1x16xf32>,
          %parallel_loop3A_821 = vector.shape_cast %parallel_loop3A_820 : vector<1x16xf32> to vector<16xf32>
          %parallel_loop3A_822 = arith.index_cast %parallel_loop3A_701 : i32 to index
          %parallel_loop3A_823 = arith.constant 64 : index
          %parallel_loop3A_824 = tpu.vector_load %arg17[%parallel_loop3A_822, %parallel_loop3A_823] {strides = array<i32>} : memref<80x128xf32, #tpu.memory_space<vmem>>, vector<1x16xf32>,
          %parallel_loop3A_825 = vector.shape_cast %parallel_loop3A_824 : vector<1x16xf32> to vector<16xf32>
          %parallel_loop3A_826 = arith.addf %parallel_loop3A_821, %parallel_loop3A_825 : vector<16xf32>
          %parallel_loop3A_827 = arith.index_cast %parallel_loop3A_701 : i32 to index
          %parallel_loop3A_828 = arith.constant 64 : index
          %parallel_loop3A_829 = tpu.vector_load %arg18[%parallel_loop3A_827, %parallel_loop3A_828] {strides = array<i32>} : memref<80x128xf32, #tpu.memory_space<vmem>>, vector<1x16xf32>,
          %parallel_loop3A_830 = vector.shape_cast %parallel_loop3A_829 : vector<1x16xf32> to vector<16xf32>
          %parallel_loop3A_831 = arith.index_cast %parallel_loop3A_701 : i32 to index
          %parallel_loop3A_832 = arith.constant 64 : index
          %parallel_loop3A_833 = tpu.vector_load %arg19[%parallel_loop3A_831, %parallel_loop3A_832] {strides = array<i32>} : memref<80x128xf32, #tpu.memory_space<vmem>>, vector<1x16xf32>,
          %parallel_loop3A_834 = vector.shape_cast %parallel_loop3A_833 : vector<1x16xf32> to vector<16xf32>
          %parallel_loop3A_835 = arith.addf %parallel_loop3A_830, %parallel_loop3A_834 : vector<16xf32>
          %parallel_loop3A_836 = arith.index_cast %parallel_loop3A_701 : i32 to index
          %parallel_loop3A_837 = arith.constant 64 : index
          %parallel_loop3A_838 = tpu.vector_load %arg11[%parallel_loop3A_836, %parallel_loop3A_837] {strides = array<i32>} : memref<80x128xf32, #tpu.memory_space<vmem>>, vector<1x16xf32>,
          %parallel_loop3A_839 = vector.shape_cast %parallel_loop3A_838 : vector<1x16xf32> to vector<16xf32>
          %parallel_loop3A_840 = arith.addf %parallel_loop3A_826, %parallel_loop3A_835 : vector<16xf32>
          %parallel_loop3A_841 = arith.addf %parallel_loop3A_839, %parallel_loop3A_840 : vector<16xf32>
          %parallel_loop3A_842 = arith.index_cast %parallel_loop3A_701 : i32 to index
          %parallel_loop3A_843 = arith.constant 64 : index
          %parallel_loop3A_844 = tpu.vector_load %arg11[%parallel_loop3A_842, %parallel_loop3A_843] {strides = array<i32>} : memref<80x128xf32, #tpu.memory_space<vmem>>, vector<1x16xf32>,
          %parallel_loop3A_845 = vector.shape_cast %parallel_loop3A_844 : vector<1x16xf32> to vector<16xf32>
          %parallel_loop3A_846 = vector.shape_cast %parallel_loop3A_841 : vector<16xf32> to vector<1x16xf32>
          tpu.vector_store %arg11[%parallel_loop3A_842, %parallel_loop3A_843], %parallel_loop3A_846 {strides = array<i32>} : memref<80x128xf32, #tpu.memory_space<vmem>>, vector<1x16xf32>,
          %parallel_loop3A_847 = arith.index_cast %parallel_loop3A_701 : i32 to index
          %parallel_loop3A_848 = arith.constant 80 : index
          %parallel_loop3A_849 = tpu.vector_load %arg16[%parallel_loop3A_847, %parallel_loop3A_848] {strides = array<i32>} : memref<80x128xf32, #tpu.memory_space<vmem>>, vector<1x16xf32>,
          %parallel_loop3A_850 = vector.shape_cast %parallel_loop3A_849 : vector<1x16xf32> to vector<16xf32>
          %parallel_loop3A_851 = arith.index_cast %parallel_loop3A_701 : i32 to index
          %parallel_loop3A_852 = arith.constant 80 : index
          %parallel_loop3A_853 = tpu.vector_load %arg17[%parallel_loop3A_851, %parallel_loop3A_852] {strides = array<i32>} : memref<80x128xf32, #tpu.memory_space<vmem>>, vector<1x16xf32>,
          %parallel_loop3A_854 = vector.shape_cast %parallel_loop3A_853 : vector<1x16xf32> to vector<16xf32>
          %parallel_loop3A_855 = arith.addf %parallel_loop3A_850, %parallel_loop3A_854 : vector<16xf32>
          %parallel_loop3A_856 = arith.index_cast %parallel_loop3A_701 : i32 to index
          %parallel_loop3A_857 = arith.constant 80 : index
          %parallel_loop3A_858 = tpu.vector_load %arg18[%parallel_loop3A_856, %parallel_loop3A_857] {strides = array<i32>} : memref<80x128xf32, #tpu.memory_space<vmem>>, vector<1x16xf32>,
          %parallel_loop3A_859 = vector.shape_cast %parallel_loop3A_858 : vector<1x16xf32> to vector<16xf32>
          %parallel_loop3A_860 = arith.index_cast %parallel_loop3A_701 : i32 to index
          %parallel_loop3A_861 = arith.constant 80 : index
          %parallel_loop3A_862 = tpu.vector_load %arg19[%parallel_loop3A_860, %parallel_loop3A_861] {strides = array<i32>} : memref<80x128xf32, #tpu.memory_space<vmem>>, vector<1x16xf32>,
          %parallel_loop3A_863 = vector.shape_cast %parallel_loop3A_862 : vector<1x16xf32> to vector<16xf32>
          %parallel_loop3A_864 = arith.addf %parallel_loop3A_859, %parallel_loop3A_863 : vector<16xf32>
          %parallel_loop3A_865 = arith.index_cast %parallel_loop3A_701 : i32 to index
          %parallel_loop3A_866 = arith.constant 80 : index
          %parallel_loop3A_867 = tpu.vector_load %arg11[%parallel_loop3A_865, %parallel_loop3A_866] {strides = array<i32>} : memref<80x128xf32, #tpu.memory_space<vmem>>, vector<1x16xf32>,
          %parallel_loop3A_868 = vector.shape_cast %parallel_loop3A_867 : vector<1x16xf32> to vector<16xf32>
          %parallel_loop3A_869 = arith.addf %parallel_loop3A_855, %parallel_loop3A_864 : vector<16xf32>
          %parallel_loop3A_870 = arith.addf %parallel_loop3A_868, %parallel_loop3A_869 : vector<16xf32>
          %parallel_loop3A_871 = arith.index_cast %parallel_loop3A_701 : i32 to index
          %parallel_loop3A_872 = arith.constant 80 : index
          %parallel_loop3A_873 = tpu.vector_load %arg11[%parallel_loop3A_871, %parallel_loop3A_872] {strides = array<i32>} : memref<80x128xf32, #tpu.memory_space<vmem>>, vector<1x16xf32>,
          %parallel_loop3A_874 = vector.shape_cast %parallel_loop3A_873 : vector<1x16xf32> to vector<16xf32>
          %parallel_loop3A_875 = vector.shape_cast %parallel_loop3A_870 : vector<16xf32> to vector<1x16xf32>
          tpu.vector_store %arg11[%parallel_loop3A_871, %parallel_loop3A_872], %parallel_loop3A_875 {strides = array<i32>} : memref<80x128xf32, #tpu.memory_space<vmem>>, vector<1x16xf32>,
          %parallel_loop3A_876 = arith.index_cast %parallel_loop3A_701 : i32 to index
          %parallel_loop3A_877 = arith.constant 96 : index
          %parallel_loop3A_878 = tpu.vector_load %arg16[%parallel_loop3A_876, %parallel_loop3A_877] {strides = array<i32>} : memref<80x128xf32, #tpu.memory_space<vmem>>, vector<1x16xf32>,
          %parallel_loop3A_879 = vector.shape_cast %parallel_loop3A_878 : vector<1x16xf32> to vector<16xf32>
          %parallel_loop3A_880 = arith.index_cast %parallel_loop3A_701 : i32 to index
          %parallel_loop3A_881 = arith.constant 96 : index
          %parallel_loop3A_882 = tpu.vector_load %arg17[%parallel_loop3A_880, %parallel_loop3A_881] {strides = array<i32>} : memref<80x128xf32, #tpu.memory_space<vmem>>, vector<1x16xf32>,
          %parallel_loop3A_883 = vector.shape_cast %parallel_loop3A_882 : vector<1x16xf32> to vector<16xf32>
          %parallel_loop3A_884 = arith.addf %parallel_loop3A_879, %parallel_loop3A_883 : vector<16xf32>
          %parallel_loop3A_885 = arith.index_cast %parallel_loop3A_701 : i32 to index
          %parallel_loop3A_886 = arith.constant 96 : index
          %parallel_loop3A_887 = tpu.vector_load %arg18[%parallel_loop3A_885, %parallel_loop3A_886] {strides = array<i32>} : memref<80x128xf32, #tpu.memory_space<vmem>>, vector<1x16xf32>,
          %parallel_loop3A_888 = vector.shape_cast %parallel_loop3A_887 : vector<1x16xf32> to vector<16xf32>
          %parallel_loop3A_889 = arith.index_cast %parallel_loop3A_701 : i32 to index
          %parallel_loop3A_890 = arith.constant 96 : index
          %parallel_loop3A_891 = tpu.vector_load %arg19[%parallel_loop3A_889, %parallel_loop3A_890] {strides = array<i32>} : memref<80x128xf32, #tpu.memory_space<vmem>>, vector<1x16xf32>,
          %parallel_loop3A_892 = vector.shape_cast %parallel_loop3A_891 : vector<1x16xf32> to vector<16xf32>
          %parallel_loop3A_893 = arith.addf %parallel_loop3A_888, %parallel_loop3A_892 : vector<16xf32>
          %parallel_loop3A_894 = arith.index_cast %parallel_loop3A_701 : i32 to index
          %parallel_loop3A_895 = arith.constant 96 : index
          %parallel_loop3A_896 = tpu.vector_load %arg11[%parallel_loop3A_894, %parallel_loop3A_895] {strides = array<i32>} : memref<80x128xf32, #tpu.memory_space<vmem>>, vector<1x16xf32>,
          %parallel_loop3A_897 = vector.shape_cast %parallel_loop3A_896 : vector<1x16xf32> to vector<16xf32>
          %parallel_loop3A_898 = arith.addf %parallel_loop3A_884, %parallel_loop3A_893 : vector<16xf32>
          %parallel_loop3A_899 = arith.addf %parallel_loop3A_897, %parallel_loop3A_898 : vector<16xf32>
          %parallel_loop3A_900 = arith.index_cast %parallel_loop3A_701 : i32 to index
          %parallel_loop3A_901 = arith.constant 96 : index
          %parallel_loop3A_902 = tpu.vector_load %arg11[%parallel_loop3A_900, %parallel_loop3A_901] {strides = array<i32>} : memref<80x128xf32, #tpu.memory_space<vmem>>, vector<1x16xf32>,
          %parallel_loop3A_903 = vector.shape_cast %parallel_loop3A_902 : vector<1x16xf32> to vector<16xf32>
          %parallel_loop3A_904 = vector.shape_cast %parallel_loop3A_899 : vector<16xf32> to vector<1x16xf32>
          tpu.vector_store %arg11[%parallel_loop3A_900, %parallel_loop3A_901], %parallel_loop3A_904 {strides = array<i32>} : memref<80x128xf32, #tpu.memory_space<vmem>>, vector<1x16xf32>,
          %parallel_loop3A_905 = arith.index_cast %parallel_loop3A_701 : i32 to index
          %parallel_loop3A_906 = arith.constant 112 : index
          %parallel_loop3A_907 = tpu.vector_load %arg16[%parallel_loop3A_905, %parallel_loop3A_906] {strides = array<i32>} : memref<80x128xf32, #tpu.memory_space<vmem>>, vector<1x16xf32>,
          %parallel_loop3A_908 = vector.shape_cast %parallel_loop3A_907 : vector<1x16xf32> to vector<16xf32>
          %parallel_loop3A_909 = arith.index_cast %parallel_loop3A_701 : i32 to index
          %parallel_loop3A_910 = arith.constant 112 : index
          %parallel_loop3A_911 = tpu.vector_load %arg17[%parallel_loop3A_909, %parallel_loop3A_910] {strides = array<i32>} : memref<80x128xf32, #tpu.memory_space<vmem>>, vector<1x16xf32>,
          %parallel_loop3A_912 = vector.shape_cast %parallel_loop3A_911 : vector<1x16xf32> to vector<16xf32>
          %parallel_loop3A_913 = arith.addf %parallel_loop3A_908, %parallel_loop3A_912 : vector<16xf32>
          %parallel_loop3A_914 = arith.index_cast %parallel_loop3A_701 : i32 to index
          %parallel_loop3A_915 = arith.constant 112 : index
          %parallel_loop3A_916 = tpu.vector_load %arg18[%parallel_loop3A_914, %parallel_loop3A_915] {strides = array<i32>} : memref<80x128xf32, #tpu.memory_space<vmem>>, vector<1x16xf32>,
          %parallel_loop3A_917 = vector.shape_cast %parallel_loop3A_916 : vector<1x16xf32> to vector<16xf32>
          %parallel_loop3A_918 = arith.index_cast %parallel_loop3A_701 : i32 to index
          %parallel_loop3A_919 = arith.constant 112 : index
          %parallel_loop3A_920 = tpu.vector_load %arg19[%parallel_loop3A_918, %parallel_loop3A_919] {strides = array<i32>} : memref<80x128xf32, #tpu.memory_space<vmem>>, vector<1x16xf32>,
          %parallel_loop3A_921 = vector.shape_cast %parallel_loop3A_920 : vector<1x16xf32> to vector<16xf32>
          %parallel_loop3A_922 = arith.addf %parallel_loop3A_917, %parallel_loop3A_921 : vector<16xf32>
          %parallel_loop3A_923 = arith.index_cast %parallel_loop3A_701 : i32 to index
          %parallel_loop3A_924 = arith.constant 112 : index
          %parallel_loop3A_925 = tpu.vector_load %arg11[%parallel_loop3A_923, %parallel_loop3A_924] {strides = array<i32>} : memref<80x128xf32, #tpu.memory_space<vmem>>, vector<1x16xf32>,
          %parallel_loop3A_926 = vector.shape_cast %parallel_loop3A_925 : vector<1x16xf32> to vector<16xf32>
          %parallel_loop3A_927 = arith.addf %parallel_loop3A_913, %parallel_loop3A_922 : vector<16xf32>
          %parallel_loop3A_928 = arith.addf %parallel_loop3A_926, %parallel_loop3A_927 : vector<16xf32>
          %parallel_loop3A_929 = arith.index_cast %parallel_loop3A_701 : i32 to index
          %parallel_loop3A_930 = arith.constant 112 : index
          %parallel_loop3A_931 = tpu.vector_load %arg11[%parallel_loop3A_929, %parallel_loop3A_930] {strides = array<i32>} : memref<80x128xf32, #tpu.memory_space<vmem>>, vector<1x16xf32>,
          %parallel_loop3A_932 = vector.shape_cast %parallel_loop3A_931 : vector<1x16xf32> to vector<16xf32>
          %parallel_loop3A_933 = vector.shape_cast %parallel_loop3A_928 : vector<16xf32> to vector<1x16xf32>
          tpu.vector_store %arg11[%parallel_loop3A_929, %parallel_loop3A_930], %parallel_loop3A_933 {strides = array<i32>} : memref<80x128xf32, #tpu.memory_space<vmem>>, vector<1x16xf32>,
        } {sc.loop_unroll_factor = 4 : i64, sc.parallel_access}
        %mul3A_695 = arith.constant 80 : i32
        %mul3A_696 = arith.muli %add3A_641, %mul3A_695 : i32
        %dma_start3A_697 = arith.constant 0 : i32
        %dma_start3A_698 = tpu.memref_slice %arg5[%mul3A_696, %dma_start3A_697] : memref<100000x128xf32, #tpu.memory_space<hbm>> -> memref<80x128xf32, #tpu.memory_space<hbm>>
        %dma_start3A_699 = arith.constant 0 : i32
        %dma_start3A_700 = tpu.memref_slice %arg5[%mul3A_696, %dma_start3A_699] : memref<100000x128xf32, #tpu.memory_space<hbm>> -> memref<80x128xf32, #tpu.memory_space<hbm>>
        tpu.enqueue_dma source(%arg11 : memref<80x128xf32, #tpu.memory_space<vmem>>) target(%dma_start3A_700 : memref<80x128xf32, #tpu.memory_space<hbm>>) target_semaphore(%arg25 : memref<!tpu.dma_semaphore, #tpu.memory_space<semaphore_mem>>)
      } else {
      }
      %scan3A_647 = arith.constant 0 : i32
      scf.yield %scan3A_647 : i32
    }
    %scan3A_612 = arith.constant 20 : i32
    %dma_wait3A = arith.constant 0 : i32
    %dma_wait3A_613 = arith.constant 0 : i32
    %dma_wait3A_614 = tpu.memref_slice %arg8[%dma_wait3A, %dma_wait3A_613] : memref<5x80xi32, #tpu.memory_space<vmem>> -> memref<1x80xi32, #tpu.memory_space<vmem>>
    %dma_wait3A_615 = tpu.memref_squeeze %dma_wait3A_614 : memref<1x80xi32, #tpu.memory_space<vmem>> -> memref<80xi32, #tpu.memory_space<vmem>>
    %dma_wait3A_616 = arith.constant 0 : i32
    %dma_wait3A_617 = arith.constant 0 : i32
    %dma_wait3A_618 = tpu.memref_slice %arg4[%dma_wait3A_616, %dma_wait3A_617] : memref<900x128xf32, #tpu.memory_space<hbm>> -> memref<900x128xf32, #tpu.memory_space<hbm>>
    tpu.wait_indirect_dma semaphore(%arg24 : memref<!tpu.dma_semaphore, #tpu.memory_space<semaphore_mem>>) src(%dma_wait3A_618 : memref<900x128xf32, #tpu.memory_space<hbm>>) dst(%arg10 : memref<80x128xf32, #tpu.memory_space<vmem>>)
    %dma_wait3A_619 = arith.constant 0 : i32
    %dma_wait3A_620 = arith.constant 0 : i32
    %dma_wait3A_621 = tpu.memref_slice %arg8[%dma_wait3A_619, %dma_wait3A_620] : memref<5x80xi32, #tpu.memory_space<vmem>> -> memref<1x80xi32, #tpu.memory_space<vmem>>
    %dma_wait3A_622 = tpu.memref_squeeze %dma_wait3A_621 : memref<1x80xi32, #tpu.memory_space<vmem>> -> memref<80xi32, #tpu.memory_space<vmem>>
    %dma_wait3A_623 = arith.constant 0 : i32
    %dma_wait3A_624 = arith.constant 0 : i32
    %dma_wait3A_625 = tpu.memref_slice %arg4[%dma_wait3A_623, %dma_wait3A_624] : memref<900x128xf32, #tpu.memory_space<hbm>> -> memref<900x128xf32, #tpu.memory_space<hbm>>
    tpu.wait_indirect_dma semaphore(%arg25 : memref<!tpu.dma_semaphore, #tpu.memory_space<semaphore_mem>>) src(%dma_wait3A_625 : memref<900x128xf32, #tpu.memory_space<hbm>>) dst(%arg11 : memref<80x128xf32, #tpu.memory_space<vmem>>)
    return
  }
}

module attributes {stable_mosaic.version = 14 : i64} {
  func.func @_pair_body(%arg0: i32, %arg1: memref<1x100x128xf32, #tpu.memory_space<vmem>>, %arg2: memref<1x100x128xf32, #tpu.memory_space<vmem>>, %arg3: memref<1x100x100x128xf32, #tpu.memory_space<vmem>>) attributes {dimension_semantics = [#tpu.dimension_semantics<arbitrary>], iteration_bounds = array<i64: 4>, scalar_prefetch = 0 : i64, scratch_operands = 0 : i64, tpu.core_type = #tpu.core_type<tc>, window_params = [{transform_indices = @transform_0, window_bounds = array<i64: 1, 100, 128>}, {transform_indices = @transform_1, window_bounds = array<i64: 1, 100, 128>}, {transform_indices = @transform_2, window_bounds = array<i64: 1, 100, 100, 128>}]} {
    %get3A = arith.constant 0 : index
    %get3A_0 = arith.constant 0 : index
    %get3A_1 = arith.constant 0 : index
    %get3A_2 = vector.load %arg1[%get3A, %get3A_0, %get3A_1] : memref<1x100x128xf32, #tpu.memory_space<vmem>>, vector<1x100x128xf32>
    %get3A_3 = vector.shape_cast %get3A_2 : vector<1x100x128xf32> to vector<100x128xf32>
    %broadcast_in_dim3A = vector.shape_cast %get3A_3 : vector<100x128xf32> to vector<100x1x128xf32>
    %get3A_4 = arith.constant 0 : index
    %get3A_5 = arith.constant 0 : index
    %get3A_6 = arith.constant 0 : index
    %get3A_7 = vector.load %arg2[%get3A_4, %get3A_5, %get3A_6] : memref<1x100x128xf32, #tpu.memory_space<vmem>>, vector<1x100x128xf32>
    %get3A_8 = vector.shape_cast %get3A_7 : vector<1x100x128xf32> to vector<100x128xf32>
    %broadcast_in_dim3A_9 = vector.shape_cast %get3A_8 : vector<100x128xf32> to vector<1x100x128xf32>
    %add3A = vector.broadcast %broadcast_in_dim3A : vector<100x1x128xf32> to vector<100x100x128xf32>
    %add3A_10 = vector.broadcast %broadcast_in_dim3A_9 : vector<1x100x128xf32> to vector<100x100x128xf32>
    %add3A_11 = arith.addf %add3A, %add3A_10 : vector<100x100x128xf32>
    %swap3A = arith.constant 0 : index
    %swap3A_12 = arith.constant 0 : index
    %swap3A_13 = arith.constant 0 : index
    %swap3A_14 = arith.constant 0 : index
    %swap3A_15 = vector.load %arg3[%swap3A, %swap3A_12, %swap3A_13, %swap3A_14] : memref<1x100x100x128xf32, #tpu.memory_space<vmem>>, vector<1x100x100x128xf32>
    %swap3A_16 = vector.shape_cast %swap3A_15 : vector<1x100x100x128xf32> to vector<100x100x128xf32>
    %swap3A_17 = vector.shape_cast %add3A_11 : vector<100x100x128xf32> to vector<1x100x100x128xf32>
    tpu.vector_store %arg3[%swap3A, %swap3A_12, %swap3A_13, %swap3A_14], %swap3A_17 {strides = array<i32>} : memref<1x100x100x128xf32, #tpu.memory_space<vmem>>, vector<1x100x100x128xf32>,
    return
  }
  func.func @transform_0(%arg0: i32) -> (i32, i32, i32) {
    %mul3A = arith.constant 2 : i32
    %mul3A_0 = arith.muli %mul3A, %arg0 : i32
    %c0_i32 = arith.constant 0 : i32
    %c0_i32_1 = arith.constant 0 : i32
    %c0_i32_2 = arith.constant 0 : i32
    return %mul3A_0, %c0_i32, %c0_i32_1 : i32, i32, i32
  }
  func.func @transform_1(%arg0: i32) -> (i32, i32, i32) {
    %mul3A = arith.constant 2 : i32
    %mul3A_0 = arith.muli %mul3A, %arg0 : i32
    %add3A = arith.constant 1 : i32
    %add3A_1 = arith.addi %mul3A_0, %add3A : i32
    %c0_i32 = arith.constant 0 : i32
    %c0_i32_2 = arith.constant 0 : i32
    %c0_i32_3 = arith.constant 0 : i32
    return %add3A_1, %c0_i32, %c0_i32_2 : i32, i32, i32
  }
  func.func @transform_2(%arg0: i32) -> (i32, i32, i32, i32) {
    %c0_i32 = arith.constant 0 : i32
    %c0_i32_0 = arith.constant 0 : i32
    %c0_i32_1 = arith.constant 0 : i32
    %c0_i32_2 = arith.constant 0 : i32
    return %arg0, %c0_i32, %c0_i32_0, %c0_i32_1 : i32, i32, i32, i32
  }
}

</mosaic_0001>

<sc_bundles>
// kernel: kernel.4.cloned.1.call-start
scs
__scs_entry_jumppad:
0x0: {  	(pc) =	sbr.rel $0x88, $3  }
0x1: {  	(tag) =	ssettag $0x0;
	lr =	simm.s32 $0x1  }
0x2: {  	[smem:$0x3F9F] =	sst lr;
	_ =	strace $0xD0000000  }
0x3: {  	_ = 	snop  }
0x4: {  	_ = 	snop  }
0x5: {  	_ = 	snop  }
0x6: {  	_ = 	snop  }
0x7: {  	_ = 	snop  }
__scs_overlays_trampoline_lowered:
0x8: {  	[smem:$0x3FAE] =	sst s0  }
0x9: {  	[smem:$0x3FAF] =	sst s1  }
0xa: {  	[smem:$0x3FB0] =	sst s2  }
0xb: {  	[smem:$0x3FB1] =	sst s3  }
0xc: {  	[smem:$0x3FB2] =	sst s4  }
0xd: {  	[smem:$0x3FB3] =	sst s5  }
0xe: {  	[smem:$0x3FB4] =	sst s6  }
0xf: {  	[smem:$0x3FB5] =	sst s7  }
0x10: {  	[smem:$0x3FB6] =	sst s8  }
0x11: {  	[smem:$0x3FB7] =	sst s9;
	s0 =	simm.s32 @!p0 $0x0  }
0x12: {  	s1 =	sld [smem:$0x3F9D];
	s0 =	simm.s32 @p0 $0x1  }
0x13: {  	[smem:$0x3FB8] =	sst s0;
	s0 =	simm.s32 @!p1 $0x0  }
0x14: {  	s2 =	sld [smem:$0x3F9C];
	s0 =	simm.s32 @p1 $0x1  }
0x15: {  	[smem:$0x3FB9] =	sst s0;
	s0 =	simm.s32 @!p2 $0x0  }
0x16: {  	s3 =	sld [smem:$0x3FDB];
	s0 =	simm.s32 @p2 $0x1  }
0x17: {  	s4 =	simm.s32 $0x1BF5;
	[smem:$0x3FBB] =	sst s0  }
0x18: {  	s0 =	sld [smem:$0x3F9E];
	_ =	swait.ge [sflag:s4], $0x0  }
0x19: {  	s7 =	sld [smem:$0x3F9F]  }
0x1a: {  	s8 =	sadd.s32 $0xFFFFE003, lr  }
0x1b: {  	s9 =	sadd.s32 $0xFFFFFEF7, lr;
	s5 =	simm.s32 $0xFFFFFFFF;
	p2 =	slt.u32 s8, $0xFFFFF086  }
0x1c: {  	p1 =	slt.u32 s9, $0xF7A;
	s5 =	simm.s32 @!p2 $0x0  }
0x1d: {  	s5 =	simm.s32 @p1 $0x1;
	p0 =	seq.s32 s7, s2  }
0x1e: {  	s7 =	smul.u32 @!p0 $0xF7A, s2;
	p2 =	seq.s32 @!p0 s5, $0x0  }
0x1f: {  	s9 =	smul.u32 $0xF7A, s1;
	s8 =	simm.s32 @!p0 $0x1BF5;
	p2 =	por !p2, p0  }
0x20: {  	[sflag:s8] =	ssyncset.s32 @!p0 $0xFFFFF086;
	s6 =	sadd.s32 @!p0 s3, s7;
	s7 =	simm.s32 @!p0 $0x108  }
0x21: {  	s3 =	sadd.s32 s3, s9;
	s6 =	sadd.s32 @!p0 $0x88, s6;
	s7 =	simm.s32 @p2 $0x1082  }
0x22: {  	[simem:s7], [sflag:s8] =	dma.local @!p0 [hbm:s6], $0xF7A  }
0x23: {  	s9 =	sor.u32 $0xD0000000, s2;
	s6 =	simm.s32 $0x108;
	_ =	swait.ge @!p0 [sflag:s8], $0x0  }
0x24: {  	s3 =	sadd.s32 $0x88, s3;
	s6 =	simm.s32 @!p1 $0x1082;
	[sflag:s4] =	ssyncset.s32 $0xFFFFF086  }
0x25: {  	[simem:s6], [sflag:s4] =	dma.local [hbm:s3], $0xF7A  }
0x26: {  	[smem:$0x3F9F] =	sst s1;
	(tag) =	ssettag s2;
	_ =	strace s9  }
0x27: {  	s1 =	sld [smem:$0x3FAF]  }
0x28: {  	s2 =	sld [smem:$0x3FB0]  }
0x29: {  	s4 =	sld [smem:$0x3FB2]  }
0x2a: {  	p0 =	seq.s32 s5, $0x0;
	s5 =	sld [smem:$0x3FB3]  }
0x2b: {  	s6 =	sld [smem:$0x3FB4]  }
0x2c: {  	s7 =	sld [smem:$0x3FB5]  }
0x2d: {  	s3 =	simm.s32 $0x108;
	s8 =	sld [smem:$0x3FB6]  }
0x2e: {  	s3 =	simm.s32 @!p0 $0x1082;
	s9 =	sld [smem:$0x3FB7]  }
0x2f: {  	lr =	sadd.s32 s0, s3;
	s0 =	sld [smem:$0x3FAE]  }
0x30: {  	s3 =	sld [smem:$0x3FB1]  }
0x31: {  	[smem:$0x3FBA] =	sst s10  }
0x32: {  	s10 =	sld [smem:$0x3FB8];
	_ =	sdelay $0x3  }
0x33: {  	p0 =	seq.s32 s10, $0x1;
	s10 =	sld [smem:$0x3FBA];
	_ =	sdelay $0x3  }
0x34: {  	[smem:$0x3FBA] =	sst s10  }
0x35: {  	s10 =	sld [smem:$0x3FB9];
	_ =	sdelay $0x3  }
0x36: {  	p1 =	seq.s32 s10, $0x1;
	s10 =	sld [smem:$0x3FBA];
	_ =	sdelay $0x3  }
0x37: {  	[smem:$0x3FBA] =	sst s10  }
0x38: {  	s10 =	sld [smem:$0x3FBB]  }
0x39: {  	_ = 	snop;
	(pc) =	sbr.ind lr, $3  }
0x3a: {  	_ = 	snop  }
0x3b: {  	_ = 	snop  }
0x3c: {  	p2 =	seq.s32 s10, $0x1;
	s10 =	sld [smem:$0x3FBA]  }
0x3d: {  	_ =	shalt  }
0x3e: {  	_ =	shalt  }
0x3f: {  	_ =	shalt  }
0x40: {  	_ =	shalt  }
0x41: {  	_ =	shalt  }
0x42: {  	_ =	shalt  }
0x43: {  	_ =	shalt  }
0x44: {  	_ =	shalt  }
0x45: {  	_ =	shalt  }
0x46: {  	_ =	shalt  }
0x47: {  	_ =	shalt  }
0x48: {  	_ =	shalt  }
0x49: {  	_ =	shalt  }
0x4a: {  	_ =	shalt  }
0x4b: {  	_ =	shalt  }
0x4c: {  	_ =	shalt  }
0x4d: {  	_ =	shalt  }
0x4e: {  	_ =	shalt  }
0x4f: {  	_ =	shalt  }
0x50: {  	_ =	shalt  }
0x51: {  	_ =	shalt  }
0x52: {  	_ =	shalt  }
0x53: {  	_ =	shalt  }
0x54: {  	_ =	shalt  }
0x55: {  	_ =	shalt  }
0x56: {  	_ =	shalt  }
0x57: {  	_ =	shalt  }
0x58: {  	_ =	shalt  }
0x59: {  	_ =	shalt  }
0x5a: {  	_ =	shalt  }
0x5b: {  	_ =	shalt  }
0x5c: {  	_ =	shalt  }
0x5d: {  	_ =	shalt  }
0x5e: {  	_ =	shalt  }
0x5f: {  	_ =	shalt  }
0x60: {  	_ =	shalt  }
0x61: {  	_ =	shalt  }
0x62: {  	_ =	shalt  }
0x63: {  	_ =	shalt  }
0x64: {  	_ =	shalt  }
0x65: {  	_ =	shalt  }
0x66: {  	_ =	shalt  }
0x67: {  	_ =	shalt  }
0x68: {  	_ =	shalt  }
0x69: {  	_ =	shalt  }
0x6a: {  	_ =	shalt  }
0x6b: {  	_ =	shalt  }
0x6c: {  	_ =	shalt  }
0x6d: {  	_ =	shalt  }
0x6e: {  	_ =	shalt  }
0x6f: {  	_ =	shalt  }
0x70: {  	_ =	shalt  }
0x71: {  	_ =	shalt  }
0x72: {  	_ =	shalt  }
0x73: {  	_ =	shalt  }
0x74: {  	_ =	shalt  }
0x75: {  	_ =	shalt  }
0x76: {  	_ =	shalt  }
0x77: {  	_ =	shalt  }
0x78: {  	_ =	shalt  }
0x79: {  	_ =	shalt  }
0x7a: {  	_ =	shalt  }
0x7b: {  	_ =	shalt  }
0x7c: {  	_ =	shalt  }
0x7d: {  	_ =	shalt  }
0x7e: {  	_ =	shalt  }
0x7f: {  	_ =	shalt  }
0x80: {  	_ =	shalt  }
0x81: {  	_ =	shalt  }
0x82: {  	_ =	shalt  }
0x83: {  	_ =	shalt  }
0x84: {  	_ =	shalt  }
0x85: {  	_ =	shalt  }
0x86: {  	_ =	shalt  }
0x87: {  	_ =	shalt  }
.Lfunc_end0:
.L_simem_size_0:
called_computation_lowered:
.L_overlay_start_0:
0x88: {  	s2 =	sld [smem:$0x3FD9]  }
0x89: {  	s3 =	sld [smem:$0x3FFE];
	_ =	sdelay $0x1  }
0x8a: {  	s1 =	srdreg.scid  }
0x8b: {  	s0 =	sand.u32 $0x1, s1  }
0x8c: {  	s17 =	sshll.u32 s0, $0xA;
	s2 =	sadd.s32 s3, s2  }
0x8d: {  	s2 =	sadd.s32 s2, s17  }
0x8e: {  	[smem:$0x3FC6] =	sst s2  }
0x8f: {  	_ = 	snop  }
0x90: {  	s2 =	sld [smem:$0x3FD0];
	(tm) =	ssettm $0x1  }
0x91: {  	s18 =	sld [smem:$0x3FFB];
	_ =	sdelay $0x3  }
0x92: {  	_ =	strace s18  }
0x93: {  	s3 =	sld [smem:$0x3FFC];
	_ =	sdelay $0x3  }
0x94: {  	_ =	strace s3  }
0x95: {  	s3 =	sld [smem:$0x3FFD];
	_ =	sdelay $0x3  }
0x96: {  	_ =	strace s3  }
0x97: {  	_ =	strace $0x8FFFFFFF  }
0x98: {  	s19 =	sld [smem:$0x3FDB];
	_ =	sdelay $0x1  }
0x99: {  	s4 =	simm.s32 $_scs_section_size  }
0x9a: {  	s5 =	simm.s32 $_size__tile_overlayer_lowered;
	s6 =	simm.s32 $_tile_overlayer_lowered  }
0x9b: {  	s22 =	simm.s32 $0x1BFF;
	s21 =	sshll.u32 s6, $0x1;
	s3 =	sadd.s32 s4, s19  }
0x9c: {  	s7 =	simm.s32 $0x0;
	s20 =	sshll.u32 s5, $0x1;
	s5 =	sadd.s32 s21, s3  }
0x9d: {  	[timem:s7], [sflag:s22] =	dma.local [hbm:s5], s20  }
0x9e: {  	_ =	swait.ge [sflag:s22], s20  }
0x9f: {  	s4 =	ssub.s32 $0x0, s20;
	[sflag:s22] =	ssyncset.done $0x0  }
0xa0: {  	[sflag:s22] =	ssyncadd.s32 s4;
	_ =	sdelay $0x1  }
0xa1: {  	s23 =	simm.s32 $0x1B8B  }
0xa2: {  	_ =	swait.ge [sflag:s23], $0x1  }
0xa3: {  	[sflag:s23] =	ssyncset.done $0x0  }
0xa4: {  	s25 =	simm.s32 $0x1B8E;
	s24 =	sld [smem:$0x3FFE];
	[sflag:s23] =	ssyncadd.s32 $0xFFFFFFFF  }
0xa5: {  	s26 =	simm.s32 $execute0_lowered;
	[smem:$0x3FD2] =	sst s25  }
0xa6: {  	s5 =	sshll.u32 s26, $0x1;
	_ =	strace $0x80000046;
	[dreg:$0x1] =	wrdreg $0xFFFFFFFF  }
0xa7: {  	s28 =	simm.s32 $_size_execute0_lowered;
	s3 =	sadd.s32 s3, s5;
	[dreg:$0x0] =	wrdreg $0x0  }
0xa8: {  	s5 =	sshll.u32 s28, $0x1;
	[dreg:$0x2] =	wrdreg s3  }
0xa9: {  	[dreg:$0x3] =	wrdreg s5  }
0xaa: {  	[dreg:$0x4] =	wrdreg $0xC0  }
0xab: {  	_ =	task [dreg:s7], $0x5FFFF  }
0xac: {  	[dreg:$0x1] =	wrdreg $0xFFFFFFFF  }
0xad: {  	[dreg:$0x0] =	wrdreg $0x60  }
0xae: {  	[dreg:$0x2] =	wrdreg s24  }
0xaf: {  	[dreg:$0x3] =	wrdreg s2  }
0xb0: {  	[dreg:$0x4] =	wrdreg $0x9  }
0xb1: {  	_ =	task.clear_ibuf [dreg:s7], $0x5FFFF;
	_ =	strace $0x90000046  }
0xb2: {  	s29 =	simm.s32 $0x9;
	_ =	strace $0x80000048  }
0xb3: {  	_ =	swait.ge [sflag:s29], $0x1  }
0xb4: {  	[sflag:s29] =	ssyncadd.s32 $0xFFFFFFFF  }
0xb5: {  	_ =	strace $0x90000048  }
0xb6: {  	_ =	sfence  }
0xb7: {  	s30 =	sld [smem:$0x0];
	_ =	sdelay $0x2  }
0xb8: {  	s31 =	sshll.u32 s1, $0xD;
	s1 =	sshrl.u32 s1, $0x2  }
0xb9: {  	s3 =	sand.u32 $0x4000, s31;
	s1 =	sadd.s32 s1, s30  }
0xba: {  	s0 =	sor.u32 s3, s0;
	s1 =	sshll.u32 s1, $0x11  }
0xbb: {  	s0 =	sor.u32 s1, s0  }
0xbc: {  	s0 =	sadd.s32 $0x8F2B, s0  }
0xbd: {  	[sflag:s0] =	ssyncadd.remote.s32 $0x1  }
0xbe: {  	_ =	sfence.sel $0xFFFF  }
0xbf: {  	[dreg:$0x0] =	wrdreg $0xFFFFFFFF;
	(pc) =	sbr.abs _section_cstart, $3  }
0xc0: {  	[dreg:$0x1] =	wrdreg $0xFFFFFFFF  }
0xc1: {  	_ =	task.clear_ibuf [dreg:s7], $0x2FFFF;
	_ =	strace $0x9FFFFFFF  }
0xc2: {  	(tm) =	ssettm $0x7FFFFFFF  }
0xc3: {  	_ =	shalt  }
tec
execute0_lowered:
.L_overlay_start_1:
0x0: {  	(tag) =	ssettag $0x1  }
0x1: {  	s0 =	rddreg [dreg:$0x0];
	s1 =	srdreg.scid  }
0x2: {  	s3 =	stileid.u32;
	s2 =	rddreg [dreg:$0x1]  }
0x3: {  	s28 =	simm.s32 $0x50;
	s30 =	simm.s32 $0x1800;
	s10 =	simm.s32 $0x4000  }
0x4: {  	s15 =	simm.s32 $0x1580;
	s1 =	sand.u32 $0x1, s1;
	s4 =	sshll.u32 s3, $0x1  }
0x5: {  	s3 =	simm.s32 $0x0;
	s4 =	sor.u32 s1, s4;
	s1 =	ssub.s32 $0x2, s1  }
0x6: {  	s5 =	sadd.s32 $0x4200, s0;
	s7 =	smul.u32 $0x50, s4;
	s8 =	sshrl.u32 s1, $0x1  }
0x7: {  	s6 =	sadd.s32 $0x1FA00, s0;
	[smem:$0x7FF] =	sst s3;
	s18 =	ssub.s32 s1, s8  }
0x8: {  	s9 =	sshrl.u32 s7, $0x3;
	s7 =	sadd.s32 $0x800, s0;
	s0 =	smax.u32 s18, $0x1  }
0x9: {  	_ =	strace $0x80000047;
	s19 =	sadd.s32 s5, s9;
	[dreg:$0xc] =	wrdreg s0  }
0xa: {  	s16 =	simm.s32 $0x15800;
	s20 =	sadd.s32 $0x30D4, s19;
	[dreg:$0x3] =	wrdreg s19  }
0xb: {  	s17 =	simm.s32 $0x1600;
	s21 =	sadd.s32 $0x61A8, s19;
	[dreg:$0x4] =	wrdreg s20  }
0xc: {  	s29 =	simm.s32 $0x2;
	s22 =	sadd.s32 $0x927C, s19;
	[dreg:$0x5] =	wrdreg s21  }
0xd: {  	s31 =	simm.s32 $0x4;
	s23 =	sadd.s32 $0xC350, s19;
	[dreg:$0x6] =	wrdreg s22  }
0xe: {  	s12 =	simm.s32 $0x0;
	s24 =	sadd.s32 $0xF424, s19;
	[dreg:$0x7] =	wrdreg s23  }
.Ltmp0:
0xf: {  	s25 =	sadd.s32 $0x124F8, s19;
	[dreg:$0x8] =	wrdreg s24;
	(pc) =	sbr.rel .LBB2_1-.Ltmp0, $4  }
0x10: {  	s8 =	simm.s32 $0x18000;
	s26 =	sadd.s32 $0x155CC, s19;
	[dreg:$0x9] =	wrdreg s25  }
0x11: {  	s18 =	simm.s32 $0x9;
	s1 =	sadd.s32 $0x186A0, s19;
	[dreg:$0xa] =	wrdreg s26  }
0x12: {  	s0 =	simm.s32 $0x5;
	[dreg:$0xb] =	wrdreg s1;
	s24 =	simm.s32 $0x1  }
0x13: {  	s25 =	simm.s32 $0x3;
	s26 =	simm.s32 $0x8;
	s1 =	simm.s32 $0x7  }
.LBB2_13:
0x14: {  	_ =	swait.ge [sflag:s0], $0x2800  }
0x15: {  	[sflag:s0] =	ssyncset.done $0x0  }
0x16: {  	s11 =	simm.s32 $0x6;
	[sflag:s0] =	ssyncadd.s32 $0xFFFFD800  }
0x17: {  	_ =	swait.ge [sflag:s11], $0x2800  }
0x18: {  	s12 =	rddreg [dreg:$0xd]  }
0x19: {  	s9 =	rddreg [dreg:$0xc];
	s12 =	sadd.s32 $0x1, s12  }
0x1a: {  	p0 =	sne.s32 s12, s9  }
.Ltmp1:
0x1b: {  	_ = 	snop;
	(pc) =	sbr.rel @!p0 .LBB2_14-.Ltmp1, $3  }
0x1c: {  	_ =	sdelay $0x1  }
0x1d: {  	[sflag:s11] =	ssyncset.done $0x0  }
0x1e: {  	[sflag:s11] =	ssyncadd.s32 $0xFFFFD800  }
.LBB2_1:
0x1f: {  	[dreg:$0xd] =	wrdreg s12  }
0x20: {  	s9 =	rddreg [dreg:$0x3]  }
0x21: {  	[tilespmem:s3], [sflag:$0x9] =	stream.linear.gather [hbm4b:s9+s3], $0x50, $0x38;
	[tilespmem:$0x1A800] =	vst v63  }
0x22: {  	_ =	swait.ge [sflag:s18], $0x50  }
0x23: {  	[sflag:s18] =	ssyncset.done $0x0  }
0x24: {  	s11 =	simm.s32 $0x80;
	s13 =	rddreg [dreg:$0x4];
	[sflag:s18] =	ssyncadd.s32 $0xFFFFFFB0  }
0x25: {  	[tilespmem:s11], [sflag:$0x9] =	stream.linear.gather [hbm4b:s13+s3], $0x50, $0x38;
	[tilespmem:$0x1A800] =	vst v63  }
0x26: {  	_ =	swait.ge [sflag:s18], $0x50  }
0x27: {  	[sflag:s18] =	ssyncset.done $0x0  }
0x28: {  	s19 =	simm.s32 $0x100;
	s14 =	rddreg [dreg:$0x5];
	[sflag:s18] =	ssyncadd.s32 $0xFFFFFFB0  }
0x29: {  	[tilespmem:s19], [sflag:$0x9] =	stream.linear.gather [hbm4b:s14+s3], $0x50, $0x38;
	[tilespmem:$0x1A800] =	vst v63  }
0x2a: {  	_ =	swait.ge [sflag:s18], $0x50  }
0x2b: {  	[sflag:s18] =	ssyncset.done $0x0  }
0x2c: {  	s21 =	simm.s32 $0x180;
	s20 =	rddreg [dreg:$0x6];
	[sflag:s18] =	ssyncadd.s32 $0xFFFFFFB0  }
0x2d: {  	[tilespmem:s21], [sflag:$0x9] =	stream.linear.gather [hbm4b:s20+s3], $0x50, $0x38;
	[tilespmem:$0x1A800] =	vst v63  }
0x2e: {  	_ =	swait.ge [sflag:s18], $0x50  }
0x2f: {  	[sflag:s18] =	ssyncset.done $0x0  }
0x30: {  	s23 =	simm.s32 $0x200;
	s22 =	rddreg [dreg:$0x7];
	[sflag:s18] =	ssyncadd.s32 $0xFFFFFFB0  }
0x31: {  	[tilespmem:s23], [sflag:$0x9] =	stream.linear.gather [hbm4b:s22+s3], $0x50, $0x38;
	[tilespmem:$0x1A800] =	vst v63  }
0x32: {  	_ =	swait.ge [sflag:s18], $0x50  }
0x33: {  	[sflag:s18] =	ssyncset.done $0x0  }
0x34: {  	s13 =	simm.s32 $0x280;
	s12 =	rddreg [dreg:$0x8];
	[sflag:s18] =	ssyncadd.s32 $0xFFFFFFB0  }
0x35: {  	[tilespmem:s13], [sflag:$0x9] =	stream.linear.gather [hbm4b:s12+s3], $0x50, $0x38;
	[tilespmem:$0x1A800] =	vst v63  }
0x36: {  	_ =	swait.ge [sflag:s18], $0x50  }
0x37: {  	[sflag:s18] =	ssyncset.done $0x0  }
0x38: {  	s19 =	simm.s32 $0x300;
	s14 =	rddreg [dreg:$0x9];
	[sflag:s18] =	ssyncadd.s32 $0xFFFFFFB0  }
0x39: {  	[tilespmem:s19], [sflag:$0x9] =	stream.linear.gather [hbm4b:s14+s3], $0x50, $0x38;
	[tilespmem:$0x1A800] =	vst v63  }
0x3a: {  	_ =	swait.ge [sflag:s18], $0x50  }
0x3b: {  	[sflag:s18] =	ssyncset.done $0x0  }
0x3c: {  	s21 =	simm.s32 $0x380;
	s20 =	rddreg [dreg:$0xa];
	[sflag:s18] =	ssyncadd.s32 $0xFFFFFFB0  }
0x3d: {  	[tilespmem:s21], [sflag:$0x9] =	stream.linear.gather [hbm4b:s20+s3], $0x50, $0x38;
	[tilespmem:$0x1A800] =	vst v63  }
0x3e: {  	_ =	swait.ge [sflag:s18], $0x50  }
0x3f: {  	[sflag:s18] =	ssyncset.done $0x0  }
0x40: {  	s23 =	simm.s32 $0x400;
	s22 =	rddreg [dreg:$0xb];
	[sflag:s18] =	ssyncadd.s32 $0xFFFFFFB0  }
0x41: {  	[tilespmem:s23], [sflag:$0x9] =	stream.linear.gather [hbm4b:s22+s3], $0x50, $0x38;
	[tilespmem:$0x1A800] =	vst v63  }
0x42: {  	_ =	swait.ge [sflag:s18], $0x50  }
0x43: {  	[sflag:s18] =	ssyncset.done $0x0  }
0x44: {  	[sflag:s18] =	ssyncadd.s32 $0xFFFFFFB0  }
0x45: {  	v0 =	vld [tilespmem:$0x0]  }
0x46: {  	v1 =	vld [tilespmem:$0x80]  }
0x47: {  	v2 =	vld [tilespmem:$0x100]  }
0x48: {  	v3 =	vld [tilespmem:$0x180]  }
0x49: {  	v4 =	vld [tilespmem:$0x200]  }
0x4a: {  	v5 =	vld [tilespmem:$0x280]  }
0x4b: {  	v6 =	vld [tilespmem:$0x300]  }
0x4c: {  	v7 =	vld [tilespmem:$0x380]  }
0x4d: {  	v8 =	vld [tilespmem:$0x400]  }
0x4e: {  	v9 =	vld [tilespmem:$0x10]  }
0x4f: {  	v10 =	vld [tilespmem:$0x90]  }
0x50: {  	v11 =	vld [tilespmem:$0x110]  }
0x51: {  	v12 =	vld [tilespmem:$0x190]  }
0x52: {  	v13 =	vld [tilespmem:$0x210]  }
0x53: {  	v14 =	vld [tilespmem:$0x290]  }
0x54: {  	v15 =	vld [tilespmem:$0x310]  }
0x55: {  	v16 =	vld [tilespmem:$0x390]  }
0x56: {  	v17 =	vld [tilespmem:$0x410]  }
0x57: {  	v18 =	vld [tilespmem:$0x20]  }
0x58: {  	v19 =	vld [tilespmem:$0xA0]  }
0x59: {  	v20 =	vld [tilespmem:$0x120]  }
0x5a: {  	v21 =	vld [tilespmem:$0x1A0]  }
0x5b: {  	v22 =	vld [tilespmem:$0x220]  }
0x5c: {  	v23 =	vld [tilespmem:$0x2A0]  }
0x5d: {  	v24 =	vld [tilespmem:$0x320]  }
0x5e: {  	v25 =	vld [tilespmem:$0x3A0]  }
0x5f: {  	v40 =	vld [tilespmem:$0x30];
	v0 =	vmul.u32 $0x64, v0;
	v48 =	vadd.s32 $0x320, v8  }
0x60: {  	v43 =	vld [tilespmem:$0xB0];
	v45 =	vmul.u32 $0x64, v9;
	v17 =	vadd.s32 $0x320, v17;
	[tilespmem:$0x1200] =	vst v48  }
0x61: {  	v47 =	vld [tilespmem:$0x130];
	v2 =	vmul.u32 $0x64, v2;
	v62 =	vmul.u32 $0x64, v18;
	[tilespmem:$0x1210] =	vst v17;
	v0 =	vadd.s32 v1, v0  }
0x62: {  	v50 =	vld [tilespmem:$0x1B0];
	v4 =	vmul.u32 $0x64, v4;
	v37 =	vmul.u32 $0x64, v6;
	v51 =	vadd.s32 v10, v45;
	[tilespmem:$0x1000] =	vst v0  }
0x63: {  	v54 =	vld [tilespmem:$0x230];
	v18 =	vmul.u32 $0x64, v22;
	v36 =	vadd.s32 v2, v3;
	v22 =	vadd.s32 v19, v62;
	[tilespmem:$0x1010] =	vst v51  }
0x64: {  	v57 =	vld [tilespmem:$0x2B0];
	v46 =	vmul.u32 $0x64, v11;
	v39 =	vadd.s32 v4, v5;
	v38 =	vadd.s32 $0x2710, v36;
	[tilespmem:$0x1020] =	vst v22  }
0x65: {  	v60 =	vld [tilespmem:$0x330];
	v49 =	vmul.u32 $0x64, v13;
	v42 =	vadd.s32 v37, v7;
	v41 =	vadd.s32 $0x4E20, v39;
	[tilespmem:$0x1080] =	vst v38  }
0x66: {  	v28 =	vld [tilespmem:$0x40];
	v53 =	vmul.u32 $0x64, v15;
	v52 =	vadd.s32 v46, v12;
	v44 =	vadd.s32 $0x7530, v42;
	[tilespmem:$0x1100] =	vst v41  }
0x67: {  	v31 =	vld [tilespmem:$0xC0];
	v63 =	vmul.u32 $0x64, v20;
	v56 =	vadd.s32 v49, v14;
	v55 =	vadd.s32 $0x2710, v52;
	[tilespmem:$0x1180] =	vst v44  }
0x68: {  	v34 =	vld [tilespmem:$0x140];
	v59 =	vadd.s32 v53, v16;
	v58 =	vadd.s32 $0x4E20, v56;
	[tilespmem:$0x1090] =	vst v55  }
0x69: {  	v20 =	vld [tilespmem:$0x430];
	v27 =	vmul.u32 $0x64, v24;
	v26 =	vadd.s32 v63, v21;
	v61 =	vadd.s32 $0x7530, v59;
	[tilespmem:$0x1110] =	vst v58  }
0x6a: {  	v3 =	vld [tilespmem:$0x420];
	v30 =	vadd.s32 v18, v23;
	v29 =	vadd.s32 $0x2710, v26;
	[tilespmem:$0x1190] =	vst v61  }
0x6b: {  	v16 =	vld [tilespmem:$0x3B0];
	v33 =	vadd.s32 v27, v25;
	v53 =	vmul.u32 $0x64, v28;
	v32 =	vadd.s32 $0x4E20, v30;
	[tilespmem:$0x10A0] =	vst v29  }
0x6c: {  	v45 =	vld [tilespmem:$0x340];
	v35 =	vadd.s32 $0x7530, v33;
	v36 =	vmul.u32 $0x64, v40;
	[tilespmem:$0x1120] =	vst v32  }
0x6d: {  	v37 =	vmul.u32 $0x64, v47;
	v51 =	vld [tilespmem:$0x3C0];
	[tilespmem:$0x11A0] =	vst v35;
	v58 =	vadd.s32 v31, v53  }
0x6e: {  	v40 =	vmul.u32 $0x64, v54;
	v38 =	vld [tilespmem:$0x1C0];
	v42 =	vadd.s32 v43, v36;
	[tilespmem:$0x1040] =	vst v58  }
0x6f: {  	v41 =	vld [tilespmem:$0x240];
	v43 =	vadd.s32 v37, v50;
	v55 =	vadd.s32 $0x320, v20;
	[tilespmem:$0x1030] =	vst v42  }
0x70: {  	v48 =	vld [tilespmem:$0x2C0];
	v44 =	vmul.u32 $0x64, v60;
	v47 =	vadd.s32 v40, v57;
	v46 =	vadd.s32 $0x2710, v43;
	[tilespmem:$0x1230] =	vst v55  }
0x71: {  	v54 =	vmul.u32 $0x64, v34;
	v57 =	vld [tilespmem:$0x440];
	v49 =	vadd.s32 $0x4E20, v47;
	[tilespmem:$0x10B0] =	vst v46  }
0x72: {  	v39 =	vadd.s32 $0x320, v3;
	v50 =	vadd.s32 v44, v16;
	[tilespmem:$0x1130] =	vst v49;
	v4 =	vmul.u32 $0x64, v45  }
0x73: {  	[tilespmem:$0x1220] =	vst v39;
	v52 =	vadd.s32 $0x7530, v50;
	v59 =	vadd.s32 v54, v38  }
0x74: {  	[tilespmem:$0x11B0] =	vst v52;
	v56 =	vmul.u32 $0x64, v41;
	v61 =	vadd.s32 v4, v51;
	v1 =	vadd.s32 $0x2710, v59  }
0x75: {  	v62 =	vadd.s32 $0x7530, v61;
	[tilespmem:$0x10C0] =	vst v1  }
0x76: {  	v63 =	vadd.s32 $0x320, v57;
	v60 =	vadd.s32 v56, v48;
	[tilespmem:$0x11C0] =	vst v62  }
0x77: {  	[tilespmem:$0x1240] =	vst v63;
	v0 =	vadd.s32 $0x4E20, v60  }
0x78: {  	s11 =	simm.s32 $0x1000;
	[tilespmem:$0x1140] =	vst v0  }
0x79: {  	[tilespmem:s30], [sflag:$0x1] =	stream.indirect.gather [hbm4b:s6+s28], $0x80, s11, s28, $0xb8;
	[tilespmem:$0x1A800] =	vst v63  }
0x7a: {  	s12 =	simm.s32 $0x1080;
	s13 =	simm.s32 $0x6800  }
0x7b: {  	[tilespmem:s13], [sflag:$0x3] =	stream.indirect.gather [hbm4b:s6+s28], $0x80, s12, s28, $0xb8;
	[tilespmem:$0x1A800] =	vst v63  }
0x7c: {  	s14 =	simm.s32 $0x1100;
	s19 =	simm.s32 $0x9000  }
0x7d: {  	[tilespmem:s19], [sflag:$0x3] =	stream.indirect.gather [hbm4b:s6+s28], $0x80, s14, s28, $0xb8;
	[tilespmem:$0x1A800] =	vst v63  }
.Ltmp2:
0x7e: {  	_ = 	snop;
	(pc) =	sbr.rel .LBB2_2-.Ltmp2, $4  }
0x7f: {  	s20 =	simm.s32 $0x1180;
	s21 =	simm.s32 $0xB800  }
0x80: {  	[tilespmem:s21], [sflag:$0x3] =	stream.indirect.gather [hbm4b:s6+s28], $0x80, s20, s28, $0xb8;
	[tilespmem:$0x1A800] =	vst v63  }
0x81: {  	s22 =	simm.s32 $0x1200;
	s23 =	simm.s32 $0xE000;
	s20 =	simm.s32 $0x0  }
0x82: {  	[tilespmem:s23], [sflag:$0x3] =	stream.indirect.gather [hbm4b:s7+s28], $0x80, s22, s28, $0xb8;
	[tilespmem:$0x1A800] =	vst v63  }
.LBB2_12:
0x83: {  	s20 =	sadd.s32 $0x1, s20  }
0x84: {  	p0 =	sne.s32 s20, $0x14  }
.Ltmp3:
0x85: {  	_ = 	snop;
	(pc) =	sbr.rel @!p0 .LBB2_13-.Ltmp3, $1  }
0x86: {  	_ =	sdelay $0x3  }
.LBB2_2:
0x87: {  	s9 =	sshll.u32 s20, $0x6  }
0x88: {  	s22 =	sor.u32 s4, s9  }
0x89: {  	s21 =	sor.u32 $0x20, s22  }
0x8a: {  	p0 =	sgt.u32 s21, $0x4E1  }
0x8b: {  	s9 =	smul.u32 @!p0 $0x50, s21;
	_ =	sdelay $0x1  }
0x8c: {  	s9 =	sshrl.u32 @!p0 s9, $0x3  }
0x8d: {  	s11 =	simm.s32 @!p0 $0x0;
	s12 =	simm.s32 @!p0 $0x800;
	s9 =	sadd.s32 @!p0 s5, s9  }
0x8e: {  	[tilespmem:s12], [sflag:$0x8] =	stream.linear.gather @!p0 [hbm4b:s9+s11], $0x50, $0x38;
	[tilespmem:$0x1A800] =	vst v63  }
0x8f: {  	s13 =	simm.s32 @!p0 $0x880;
	s12 =	sadd.s32 @!p0 $0x30D4, s9  }
0x90: {  	[tilespmem:s13], [sflag:$0x8] =	stream.linear.gather @!p0 [hbm4b:s12+s11], $0x50, $0x38;
	[tilespmem:$0x1A800] =	vst v63  }
0x91: {  	s12 =	sadd.s32 @!p0 $0x61A8, s9;
	s13 =	simm.s32 @!p0 $0x900  }
0x92: {  	[tilespmem:s13], [sflag:$0x8] =	stream.linear.gather @!p0 [hbm4b:s12+s11], $0x50, $0x38;
	[tilespmem:$0x1A800] =	vst v63  }
0x93: {  	s12 =	sadd.s32 @!p0 $0x927C, s9;
	s13 =	simm.s32 @!p0 $0x980  }
0x94: {  	[tilespmem:s13], [sflag:$0x8] =	stream.linear.gather @!p0 [hbm4b:s12+s11], $0x50, $0x38;
	[tilespmem:$0x1A800] =	vst v63  }
0x95: {  	s12 =	sadd.s32 @!p0 $0xC350, s9;
	s13 =	simm.s32 @!p0 $0xA00  }
0x96: {  	[tilespmem:s13], [sflag:$0x8] =	stream.linear.gather @!p0 [hbm4b:s12+s11], $0x50, $0x38;
	[tilespmem:$0x1A800] =	vst v63  }
0x97: {  	s12 =	sadd.s32 @!p0 $0xF424, s9;
	s13 =	simm.s32 @!p0 $0xA80  }
0x98: {  	[tilespmem:s13], [sflag:$0x8] =	stream.linear.gather @!p0 [hbm4b:s12+s11], $0x50, $0x38;
	[tilespmem:$0x1A800] =	vst v63  }
0x99: {  	s12 =	sadd.s32 @!p0 $0x124F8, s9;
	s13 =	simm.s32 @!p0 $0xB00  }
0x9a: {  	[tilespmem:s13], [sflag:$0x8] =	stream.linear.gather @!p0 [hbm4b:s12+s11], $0x50, $0x38;
	[tilespmem:$0x1A800] =	vst v63  }
0x9b: {  	s12 =	sadd.s32 @!p0 $0x155CC, s9;
	s13 =	simm.s32 @!p0 $0xB80  }
0x9c: {  	[tilespmem:s13], [sflag:$0x8] =	stream.linear.gather @!p0 [hbm4b:s12+s11], $0x50, $0x38;
	[tilespmem:$0x1A800] =	vst v63  }
0x9d: {  	s9 =	sadd.s32 @!p0 $0x186A0, s9;
	s12 =	simm.s32 @!p0 $0xC00  }
0x9e: {  	[tilespmem:s12], [sflag:$0x8] =	stream.linear.gather @!p0 [hbm4b:s9+s11], $0x50, $0x38;
	[tilespmem:$0x1A800] =	vst v63  }
0x9f: {  	_ =	swait.ge [sflag:s24], $0x2800  }
0xa0: {  	[sflag:s24] =	ssyncset.done $0x0  }
0xa1: {  	[sflag:s24] =	ssyncadd.s32 $0xFFFFD800  }
0xa2: {  	_ =	swait.ge [sflag:s25], $0x2800  }
0xa3: {  	[sflag:s25] =	ssyncset.done $0x0  }
0xa4: {  	[sflag:s25] =	ssyncadd.s32 $0xFFFFD800  }
0xa5: {  	_ =	swait.ge [sflag:s25], $0x2800  }
0xa6: {  	[sflag:s25] =	ssyncset.done $0x0  }
0xa7: {  	[sflag:s25] =	ssyncadd.s32 $0xFFFFD800  }
0xa8: {  	_ =	swait.ge [sflag:s25], $0x2800  }
.Ltmp4:
0xa9: {  	[sflag:s25] =	ssyncset.done $0x0;
	(pc) =	sbr.rel @p0 .LBB2_4-.Ltmp4, $4  }
0xaa: {  	[sflag:s25] =	ssyncadd.s32 $0xFFFFD800  }
0xab: {  	_ =	swait.ge [sflag:s25], $0x2800  }
0xac: {  	[sflag:s25] =	ssyncset.done $0x0  }
0xad: {  	[sflag:s25] =	ssyncadd.s32 $0xFFFFD800  }
0xae: {  	_ =	swait.ge [sflag:s26], $0x50  }
0xaf: {  	[sflag:s26] =	ssyncset.done $0x0  }
0xb0: {  	[sflag:s26] =	ssyncadd.s32 $0xFFFFFFB0  }
0xb1: {  	_ =	swait.ge [sflag:s26], $0x50  }
0xb2: {  	[sflag:s26] =	ssyncset.done $0x0  }
0xb3: {  	[sflag:s26] =	ssyncadd.s32 $0xFFFFFFB0  }
0xb4: {  	_ =	swait.ge [sflag:s26], $0x50  }
0xb5: {  	[sflag:s26] =	ssyncset.done $0x0  }
0xb6: {  	[sflag:s26] =	ssyncadd.s32 $0xFFFFFFB0  }
0xb7: {  	_ =	swait.ge [sflag:s26], $0x50  }
0xb8: {  	[sflag:s26] =	ssyncset.done $0x0  }
0xb9: {  	[sflag:s26] =	ssyncadd.s32 $0xFFFFFFB0  }
0xba: {  	_ =	swait.ge [sflag:s26], $0x50  }
0xbb: {  	[sflag:s26] =	ssyncset.done $0x0  }
0xbc: {  	[sflag:s26] =	ssyncadd.s32 $0xFFFFFFB0  }
0xbd: {  	_ =	swait.ge [sflag:s26], $0x50  }
0xbe: {  	[sflag:s26] =	ssyncset.done $0x0  }
0xbf: {  	[sflag:s26] =	ssyncadd.s32 $0xFFFFFFB0  }
0xc0: {  	_ =	swait.ge [sflag:s26], $0x50  }
0xc1: {  	[sflag:s26] =	ssyncset.done $0x0  }
0xc2: {  	[sflag:s26] =	ssyncadd.s32 $0xFFFFFFB0  }
0xc3: {  	_ =	swait.ge [sflag:s26], $0x50  }
0xc4: {  	[sflag:s26] =	ssyncset.done $0x0  }
0xc5: {  	[sflag:s26] =	ssyncadd.s32 $0xFFFFFFB0  }
0xc6: {  	_ =	swait.ge [sflag:s26], $0x50  }
0xc7: {  	[sflag:s26] =	ssyncset.done $0x0  }
0xc8: {  	[sflag:s26] =	ssyncadd.s32 $0xFFFFFFB0  }
0xc9: {  	v0 =	vld [tilespmem:$0x800]  }
0xca: {  	v1 =	vld [tilespmem:$0x880]  }
0xcb: {  	v2 =	vld [tilespmem:$0x900]  }
0xcc: {  	v3 =	vld [tilespmem:$0x980]  }
0xcd: {  	v4 =	vld [tilespmem:$0xA00]  }
0xce: {  	v5 =	vld [tilespmem:$0xA80]  }
0xcf: {  	v6 =	vld [tilespmem:$0xB00]  }
0xd0: {  	v7 =	vld [tilespmem:$0xB80]  }
0xd1: {  	v8 =	vld [tilespmem:$0xC00]  }
0xd2: {  	v9 =	vld [tilespmem:$0x810]  }
0xd3: {  	v10 =	vld [tilespmem:$0x890]  }
0xd4: {  	v11 =	vld [tilespmem:$0x910]  }
0xd5: {  	v12 =	vld [tilespmem:$0x990]  }
0xd6: {  	v13 =	vld [tilespmem:$0xA10]  }
0xd7: {  	v14 =	vld [tilespmem:$0xA90]  }
0xd8: {  	v15 =	vld [tilespmem:$0xB10]  }
0xd9: {  	v16 =	vld [tilespmem:$0xB90]  }
0xda: {  	v17 =	vld [tilespmem:$0xC10]  }
0xdb: {  	v18 =	vld [tilespmem:$0x820]  }
0xdc: {  	v19 =	vld [tilespmem:$0x8A0]  }
0xdd: {  	v20 =	vld [tilespmem:$0x920]  }
0xde: {  	v21 =	vld [tilespmem:$0x9A0]  }
0xdf: {  	v22 =	vld [tilespmem:$0xA20]  }
0xe0: {  	v23 =	vld [tilespmem:$0xAA0]  }
0xe1: {  	v24 =	vld [tilespmem:$0xB20]  }
0xe2: {  	v25 =	vld [tilespmem:$0xBA0]  }
0xe3: {  	v40 =	vld [tilespmem:$0x830];
	v0 =	vmul.u32 $0x64, v0;
	v48 =	vadd.s32 $0x320, v8  }
0xe4: {  	v43 =	vld [tilespmem:$0x8B0];
	v45 =	vmul.u32 $0x64, v9;
	v17 =	vadd.s32 $0x320, v17;
	[tilespmem:$0x1600] =	vst v48  }
0xe5: {  	v47 =	vld [tilespmem:$0x930];
	v2 =	vmul.u32 $0x64, v2;
	v62 =	vmul.u32 $0x64, v18;
	[tilespmem:$0x1610] =	vst v17;
	v0 =	vadd.s32 v1, v0  }
0xe6: {  	v50 =	vld [tilespmem:$0x9B0];
	v4 =	vmul.u32 $0x64, v4;
	v37 =	vmul.u32 $0x64, v6;
	v51 =	vadd.s32 v10, v45;
	[tilespmem:$0x1400] =	vst v0  }
0xe7: {  	v54 =	vld [tilespmem:$0xA30];
	v18 =	vmul.u32 $0x64, v22;
	v36 =	vadd.s32 v2, v3;
	v22 =	vadd.s32 v19, v62;
	[tilespmem:$0x1410] =	vst v51  }
0xe8: {  	v57 =	vld [tilespmem:$0xAB0];
	v46 =	vmul.u32 $0x64, v11;
	v39 =	vadd.s32 v4, v5;
	v38 =	vadd.s32 $0x2710, v36;
	[tilespmem:$0x1420] =	vst v22  }
0xe9: {  	v60 =	vld [tilespmem:$0xB30];
	v49 =	vmul.u32 $0x64, v13;
	v42 =	vadd.s32 v37, v7;
	v41 =	vadd.s32 $0x4E20, v39;
	[tilespmem:$0x1480] =	vst v38  }
0xea: {  	v28 =	vld [tilespmem:$0x840];
	v53 =	vmul.u32 $0x64, v15;
	v52 =	vadd.s32 v46, v12;
	v44 =	vadd.s32 $0x7530, v42;
	[tilespmem:$0x1500] =	vst v41  }
0xeb: {  	v31 =	vld [tilespmem:$0x8C0];
	v63 =	vmul.u32 $0x64, v20;
	v56 =	vadd.s32 v49, v14;
	v55 =	vadd.s32 $0x2710, v52;
	[tilespmem:$0x1580] =	vst v44  }
0xec: {  	v34 =	vld [tilespmem:$0x940];
	v59 =	vadd.s32 v53, v16;
	v58 =	vadd.s32 $0x4E20, v56;
	[tilespmem:$0x1490] =	vst v55  }
0xed: {  	v20 =	vld [tilespmem:$0xC30];
	v27 =	vmul.u32 $0x64, v24;
	v26 =	vadd.s32 v63, v21;
	v61 =	vadd.s32 $0x7530, v59;
	[tilespmem:$0x1510] =	vst v58  }
0xee: {  	v3 =	vld [tilespmem:$0xC20];
	v30 =	vadd.s32 v18, v23;
	v29 =	vadd.s32 $0x2710, v26;
	[tilespmem:$0x1590] =	vst v61  }
0xef: {  	v16 =	vld [tilespmem:$0xBB0];
	v33 =	vadd.s32 v27, v25;
	v53 =	vmul.u32 $0x64, v28;
	v32 =	vadd.s32 $0x4E20, v30;
	[tilespmem:$0x14A0] =	vst v29  }
0xf0: {  	v45 =	vld [tilespmem:$0xB40];
	v35 =	vadd.s32 $0x7530, v33;
	v36 =	vmul.u32 $0x64, v40;
	[tilespmem:$0x1520] =	vst v32  }
0xf1: {  	v37 =	vmul.u32 $0x64, v47;
	v51 =	vld [tilespmem:$0xBC0];
	[tilespmem:$0x15A0] =	vst v35;
	v58 =	vadd.s32 v31, v53  }
0xf2: {  	v40 =	vmul.u32 $0x64, v54;
	v38 =	vld [tilespmem:$0x9C0];
	v42 =	vadd.s32 v43, v36;
	[tilespmem:$0x1440] =	vst v58  }
0xf3: {  	v41 =	vld [tilespmem:$0xA40];
	v43 =	vadd.s32 v37, v50;
	v55 =	vadd.s32 $0x320, v20;
	[tilespmem:$0x1430] =	vst v42  }
0xf4: {  	v48 =	vld [tilespmem:$0xAC0];
	v44 =	vmul.u32 $0x64, v60;
	v47 =	vadd.s32 v40, v57;
	v46 =	vadd.s32 $0x2710, v43;
	[tilespmem:$0x1630] =	vst v55  }
0xf5: {  	v54 =	vmul.u32 $0x64, v34;
	v57 =	vld [tilespmem:$0xC40];
	v49 =	vadd.s32 $0x4E20, v47;
	[tilespmem:$0x14B0] =	vst v46  }
0xf6: {  	v39 =	vadd.s32 $0x320, v3;
	v50 =	vadd.s32 v44, v16;
	[tilespmem:$0x1530] =	vst v49;
	v4 =	vmul.u32 $0x64, v45  }
0xf7: {  	[tilespmem:$0x1620] =	vst v39;
	v52 =	vadd.s32 $0x7530, v50;
	v59 =	vadd.s32 v54, v38  }
0xf8: {  	[tilespmem:$0x15B0] =	vst v52;
	v56 =	vmul.u32 $0x64, v41;
	v61 =	vadd.s32 v4, v51;
	v1 =	vadd.s32 $0x2710, v59  }
0xf9: {  	v62 =	vadd.s32 $0x7530, v61;
	[tilespmem:$0x14C0] =	vst v1  }
0xfa: {  	v63 =	vadd.s32 $0x320, v57;
	v60 =	vadd.s32 v56, v48;
	[tilespmem:$0x15C0] =	vst v62  }
0xfb: {  	p1 =	seq.s32 s20, $0x0;
	[tilespmem:$0x1640] =	vst v63;
	v0 =	vadd.s32 $0x4E20, v60  }
0xfc: {  	s9 =	simm.s32 @!p1 $0x6;
	[tilespmem:$0x1540] =	vst v0  }
0xfd: {  	_ =	swait.ge @!p1 [sflag:s9], $0x2800  }
0xfe: {  	[sflag:s9] =	ssyncset.done @!p1 $0x0  }
0xff: {  	s13 =	simm.s32 $0x1400;
	[sflag:s9] =	ssyncadd.s32 @!p1 $0xFFFFD800  }
0x100: {  	[tilespmem:s10], [sflag:$0x2] =	stream.indirect.gather [hbm4b:s6+s28], $0x80, s13, s28, $0xb8;
	[tilespmem:$0x1A800] =	vst v63  }
0x101: {  	s14 =	simm.s32 $0x1480;
	s11 =	simm.s32 $0x10800  }
0x102: {  	[tilespmem:s11], [sflag:$0x4] =	stream.indirect.gather [hbm4b:s6+s28], $0x80, s14, s28, $0xb8;
	[tilespmem:$0x1A800] =	vst v63  }
0x103: {  	s19 =	simm.s32 $0x1500;
	s23 =	simm.s32 $0x13000  }
0x104: {  	[tilespmem:s23], [sflag:$0x4] =	stream.indirect.gather [hbm4b:s6+s28], $0x80, s19, s28, $0xb8;
	[tilespmem:$0x1A800] =	vst v63  }
0x105: {  	_ = 	snop  }
0x106: {  	[tilespmem:s16], [sflag:$0x4] =	stream.indirect.gather [hbm4b:s6+s28], $0x80, s15, s28, $0xb8;
	[tilespmem:$0x1A800] =	vst v63  }
0x107: {  	_ = 	snop  }
0x108: {  	[tilespmem:s8], [sflag:$0x4] =	stream.indirect.gather [hbm4b:s7+s28], $0x80, s17, s28, $0xb8;
	[tilespmem:$0x1A800] =	vst v63  }
.LBB2_4:
0x109: {  	s12 =	simm.s32 $0x6900  }
0x10a: {  	s23 =	simm.s32 $0x9100;
	v0 =	vld [tilespmem:s12+$0x80]  }
0x10b: {  	s9 =	simm.s32 $0xB900;
	v1 =	vld [tilespmem:s23+$0x80]  }
0x10c: {  	s11 =	simm.s32 $0xE100;
	v2 =	vld [tilespmem:s9+$0x80]  }
0x10d: {  	v3 =	vld [tilespmem:s11+$0x80]  }
0x10e: {  	v4 =	vld [tilespmem:s23+$0xFFFFFF00]  }
0x10f: {  	v5 =	vld [tilespmem:s9+$0xFFFFFF00]  }
0x110: {  	s19 =	simm.s32 $0x1900;
	v6 =	vld [tilespmem:s11+$0xFFFFFF00]  }
0x111: {  	v7 =	vld [tilespmem:s19+$0x80]  }
0x112: {  	v8 =	vld [tilespmem:s12+$0xFFFFFF80]  }
0x113: {  	v9 =	vld [tilespmem:s12+$0x0]  }
0x114: {  	v10 =	vld [tilespmem:s9+$0x0]  }
0x115: {  	v14 =	vld [tilespmem:s11+$0x0]  }
0x116: {  	v15 =	vld [tilespmem:s12+$0xFFFFFF00];
	v0 =	vadd.f32 v1, v0;
	v1 =	vadd.f32 v3, v2  }
0x117: {  	v16 =	vld [tilespmem:s19+$0xFFFFFF00]  }
0x118: {  	v17 =	vld [tilespmem:s19+$0x90];
	v0 =	vadd.f32 v1, v0  }
0x119: {  	v63 =	vld [tilespmem:s19+$0xFFFFFF80]  }
0x11a: {  	v20 =	vld [tilespmem:s19+$0x0];
	v0 =	vadd.f32 v0, v7  }
0x11b: {  	v21 =	vld [tilespmem:s19+$0xFFFFFF10]  }
0x11c: {  	v22 =	vld [tilespmem:s19+$0x10];
	[tilespmem:s19+$0x80] =	vst v0  }
0x11d: {  	v0 =	vld [tilespmem:s12+$0x90]  }
0x11e: {  	v11 =	vld [tilespmem:s23+$0x90]  }
0x11f: {  	v12 =	vld [tilespmem:s9+$0x90]  }
0x120: {  	v13 =	vld [tilespmem:s11+$0x90]  }
0x121: {  	v23 =	vld [tilespmem:s19+$0xFFFFFF20]  }
0x122: {  	v53 =	vld [tilespmem:s19+$0xFFFFFF50]  }
0x123: {  	v54 =	vld [tilespmem:s19+$0xFFFFFFD0]  }
0x124: {  	v57 =	vld [tilespmem:s19+$0xFFFFFF60];
	v5 =	vadd.f32 v6, v5;
	v4 =	vadd.f32 v4, v15  }
0x125: {  	v58 =	vld [tilespmem:s19+$0xFFFFFFE0];
	v0 =	vadd.f32 v11, v0;
	v12 =	vadd.f32 v13, v12  }
0x126: {  	v2 =	vld [tilespmem:s23+$0xFFFFFF80];
	v4 =	vadd.f32 v5, v4  }
0x127: {  	v3 =	vld [tilespmem:s9+$0xFFFFFF80];
	v0 =	vadd.f32 v12, v0  }
0x128: {  	v1 =	vld [tilespmem:s11+$0xFFFFFF80];
	v4 =	vadd.f32 v4, v16  }
0x129: {  	v61 =	vld [tilespmem:s19+$0xFFFFFF70];
	v0 =	vadd.f32 v0, v17  }
0x12a: {  	v7 =	vld [tilespmem:s23+$0x0];
	[tilespmem:s19+$0xFFFFFF00] =	vst v4  }
0x12b: {  	v25 =	vld [tilespmem:s23+$0xFFFFFF10];
	[tilespmem:s19+$0x90] =	vst v0  }
0x12c: {  	v0 =	vld [tilespmem:s12+$0xA0]  }
0x12d: {  	v2 =	vadd.f32 v2, v8;
	v1 =	vadd.f32 v1, v3;
	v24 =	vld [tilespmem:s23+$0xA0]  }
0x12e: {  	v8 =	vadd.f32 v14, v10;
	v3 =	vld [tilespmem:s9+$0xA0]  }
0x12f: {  	v1 =	vadd.f32 v1, v2;
	v7 =	vadd.f32 v7, v9;
	v4 =	vld [tilespmem:s11+$0xA0]  }
0x130: {  	v26 =	vld [tilespmem:s9+$0xFFFFFF10]  }
0x131: {  	v2 =	vld [tilespmem:s12+$0xFFFFFF10];
	v1 =	vadd.f32 v1, v63;
	v7 =	vadd.f32 v8, v7  }
0x132: {  	v8 =	vld [tilespmem:s19+$0xA0]  }
0x133: {  	[tilespmem:s19+$0xFFFFFF80] =	vst v1;
	v1 =	vld [tilespmem:s11+$0xFFFFFF10];
	v7 =	vadd.f32 v7, v20  }
0x134: {  	v6 =	vld [tilespmem:s19+$0xFFFFFF90];
	v0 =	vadd.f32 v24, v0;
	v3 =	vadd.f32 v4, v3  }
0x135: {  	v27 =	vld [tilespmem:s23+$0xFFFFFF90]  }
0x136: {  	[tilespmem:s19+$0x0] =	vst v7;
	v7 =	vld [tilespmem:s11+$0xFFFFFF90];
	v0 =	vadd.f32 v3, v0  }
0x137: {  	v2 =	vadd.f32 v25, v2;
	v28 =	vld [tilespmem:s23+$0x10]  }
0x138: {  	v1 =	vadd.f32 v1, v26;
	v4 =	vld [tilespmem:s12+$0xFFFFFF90];
	v0 =	vadd.f32 v0, v8  }
0x139: {  	v3 =	vld [tilespmem:s9+$0xFFFFFF90]  }
0x13a: {  	v30 =	vld [tilespmem:s9+$0x10];
	v1 =	vadd.f32 v1, v2;
	[tilespmem:s19+$0xA0] =	vst v0  }
0x13b: {  	v0 =	vld [tilespmem:s12+$0xB0]  }
0x13c: {  	v1 =	vadd.f32 v1, v21;
	v2 =	vld [tilespmem:s23+$0xB0]  }
0x13d: {  	v29 =	vld [tilespmem:s9+$0xB0]  }
0x13e: {  	[tilespmem:s19+$0xFFFFFF10] =	vst v1;
	v4 =	vadd.f32 v27, v4;
	v3 =	vadd.f32 v7, v3;
	v7 =	vld [tilespmem:s11+$0xB0]  }
0x13f: {  	v31 =	vld [tilespmem:s9+$0xFFFFFF20]  }
0x140: {  	v8 =	vld [tilespmem:s12+$0x10];
	v1 =	vadd.f32 v3, v4  }
0x141: {  	v3 =	vld [tilespmem:s11+$0x10]  }
0x142: {  	v1 =	vadd.f32 v1, v6;
	v6 =	vld [tilespmem:s19+$0xB0]  }
0x143: {  	v4 =	vld [tilespmem:s12+$0xFFFFFF20];
	v0 =	vadd.f32 v2, v0;
	v7 =	vadd.f32 v7, v29  }
0x144: {  	v2 =	vld [tilespmem:s23+$0xFFFFFF20]  }
0x145: {  	[tilespmem:s19+$0xFFFFFF90] =	vst v1;
	v1 =	vld [tilespmem:s11+$0xFFFFFF20];
	v0 =	vadd.f32 v7, v0  }
0x146: {  	v7 =	vadd.f32 v28, v8;
	v8 =	vld [tilespmem:s12+$0xFFFFFFA0]  }
0x147: {  	v3 =	vadd.f32 v3, v30;
	v32 =	vld [tilespmem:s23+$0xFFFFFFA0];
	v0 =	vadd.f32 v0, v6  }
0x148: {  	v6 =	vld [tilespmem:s9+$0xFFFFFFA0]  }
0x149: {  	v3 =	vadd.f32 v3, v7;
	v7 =	vld [tilespmem:s11+$0xFFFFFFA0];
	[tilespmem:s19+$0xB0] =	vst v0  }
0x14a: {  	v0 =	vld [tilespmem:s12+$0xC0]  }
0x14b: {  	v3 =	vadd.f32 v3, v22;
	v33 =	vld [tilespmem:s23+$0xC0]  }
0x14c: {  	v34 =	vld [tilespmem:s9+$0xC0]  }
0x14d: {  	v2 =	vadd.f32 v2, v4;
	v1 =	vadd.f32 v1, v31;
	[tilespmem:s19+$0x10] =	vst v3;
	v3 =	vld [tilespmem:s11+$0xC0]  }
0x14e: {  	v5 =	vld [tilespmem:s19+$0xFFFFFFA0]  }
0x14f: {  	v1 =	vadd.f32 v1, v2;
	v4 =	vld [tilespmem:s12+$0x20]  }
0x150: {  	v8 =	vadd.f32 v32, v8;
	v2 =	vld [tilespmem:s23+$0x20]  }
0x151: {  	v6 =	vadd.f32 v7, v6;
	v7 =	vld [tilespmem:s19+$0xC0];
	v1 =	vadd.f32 v1, v23  }
0x152: {  	v35 =	vld [tilespmem:s9+$0x20];
	v0 =	vadd.f32 v33, v0;
	v3 =	vadd.f32 v3, v34  }
0x153: {  	v36 =	vld [tilespmem:s11+$0x20];
	[tilespmem:s19+$0xFFFFFF20] =	vst v1;
	v1 =	vadd.f32 v6, v8  }
0x154: {  	v6 =	vld [tilespmem:s19+$0x20];
	v0 =	vadd.f32 v3, v0  }
0x155: {  	v8 =	vld [tilespmem:s12+$0xFFFFFF30];
	v1 =	vadd.f32 v1, v5  }
0x156: {  	v5 =	vld [tilespmem:s9+$0xFFFFFF30];
	v0 =	vadd.f32 v0, v7  }
0x157: {  	v3 =	vld [tilespmem:s23+$0xFFFFFF30];
	[tilespmem:s19+$0xFFFFFFA0] =	vst v1  }
0x158: {  	v1 =	vld [tilespmem:s11+$0xFFFFFF30];
	[tilespmem:s19+$0xC0] =	vst v0  }
0x159: {  	v0 =	vld [tilespmem:s12+$0xD0]  }
0x15a: {  	v2 =	vadd.f32 v2, v4;
	v4 =	vadd.f32 v36, v35;
	v37 =	vld [tilespmem:s23+$0xD0]  }
0x15b: {  	v38 =	vld [tilespmem:s9+$0xD0]  }
0x15c: {  	v2 =	vadd.f32 v4, v2;
	v4 =	vld [tilespmem:s11+$0xD0]  }
0x15d: {  	v7 =	vld [tilespmem:s12+$0xFFFFFFB0]  }
0x15e: {  	v39 =	vld [tilespmem:s23+$0xFFFFFFB0];
	v2 =	vadd.f32 v2, v6  }
0x15f: {  	v40 =	vld [tilespmem:s11+$0xFFFFFFB0]  }
0x160: {  	[tilespmem:s19+$0x20] =	vst v2;
	v2 =	vld [tilespmem:s19+$0xD0]  }
0x161: {  	v6 =	vld [tilespmem:s9+$0xFFFFFFB0];
	v0 =	vadd.f32 v37, v0;
	v4 =	vadd.f32 v4, v38  }
0x162: {  	v41 =	vld [tilespmem:s12+$0x30]  }
0x163: {  	v42 =	vld [tilespmem:s23+$0x30];
	v0 =	vadd.f32 v4, v0  }
0x164: {  	v43 =	vld [tilespmem:s9+$0x30]  }
0x165: {  	v4 =	vld [tilespmem:s19+$0xFFFFFF30];
	v0 =	vadd.f32 v0, v2  }
0x166: {  	v3 =	vadd.f32 v3, v8;
	v1 =	vadd.f32 v1, v5;
	v5 =	vld [tilespmem:s11+$0x30]  }
0x167: {  	v2 =	vld [tilespmem:s19+$0xFFFFFFB0];
	[tilespmem:s19+$0xD0] =	vst v0  }
0x168: {  	v1 =	vadd.f32 v1, v3;
	v0 =	vld [tilespmem:s12+$0xE0]  }
0x169: {  	v7 =	vadd.f32 v39, v7;
	v6 =	vadd.f32 v40, v6;
	v8 =	vld [tilespmem:s23+$0xE0]  }
0x16a: {  	v1 =	vadd.f32 v1, v4;
	v4 =	vld [tilespmem:s9+$0xE0]  }
0x16b: {  	v6 =	vadd.f32 v6, v7;
	v44 =	vld [tilespmem:s11+$0xE0]  }
0x16c: {  	v3 =	vld [tilespmem:s19+$0x30]  }
0x16d: {  	[tilespmem:s19+$0xFFFFFF30] =	vst v1;
	v2 =	vadd.f32 v6, v2;
	v6 =	vld [tilespmem:s19+$0xE0]  }
0x16e: {  	v7 =	vld [tilespmem:s12+$0xFFFFFF40]  }
0x16f: {  	v9 =	vadd.f32 v42, v41;
	v5 =	vadd.f32 v5, v43;
	v45 =	vld [tilespmem:s23+$0xFFFFFF40]  }
0x170: {  	v46 =	vld [tilespmem:s9+$0xFFFFFF40];
	v0 =	vadd.f32 v8, v0;
	v4 =	vadd.f32 v44, v4  }
0x171: {  	v5 =	vadd.f32 v5, v9;
	[tilespmem:s19+$0xFFFFFFB0] =	vst v2;
	v2 =	vld [tilespmem:s11+$0xFFFFFF40]  }
0x172: {  	v1 =	vld [tilespmem:s19+$0xFFFFFF40];
	v0 =	vadd.f32 v4, v0  }
0x173: {  	v3 =	vadd.f32 v5, v3;
	v8 =	vld [tilespmem:s12+$0xFFFFFFC0]  }
0x174: {  	v5 =	vld [tilespmem:s9+$0xFFFFFFC0];
	v0 =	vadd.f32 v0, v6  }
0x175: {  	[tilespmem:s19+$0x30] =	vst v3;
	v3 =	vld [tilespmem:s11+$0xFFFFFFC0]  }
0x176: {  	v4 =	vld [tilespmem:s23+$0xFFFFFFC0];
	v2 =	vadd.f32 v2, v46;
	[tilespmem:s19+$0xE0] =	vst v0;
	v0 =	vadd.f32 v45, v7  }
0x177: {  	v50 =	vld [tilespmem:s23+$0x40]  }
0x178: {  	v51 =	vld [tilespmem:s11+$0x40];
	v0 =	vadd.f32 v2, v0  }
0x179: {  	v6 =	vld [tilespmem:s12+$0x40]  }
0x17a: {  	v2 =	vld [tilespmem:s9+$0x40];
	v0 =	vadd.f32 v0, v1  }
0x17b: {  	v3 =	vadd.f32 v3, v5;
	v4 =	vadd.f32 v4, v8;
	v1 =	vld [tilespmem:s19+$0xFFFFFFC0]  }
0x17c: {  	[tilespmem:s19+$0xFFFFFF40] =	vst v0;
	v0 =	vld [tilespmem:s19+$0x40]  }
0x17d: {  	v3 =	vadd.f32 v3, v4;
	v4 =	vld [tilespmem:s12+$0xFFFFFF50]  }
0x17e: {  	v8 =	vld [tilespmem:s23+$0xFFFFFF50]  }
0x17f: {  	v6 =	vadd.f32 v50, v6;
	v52 =	vld [tilespmem:s11+$0xFFFFFF50]  }
0x180: {  	v2 =	vadd.f32 v51, v2;
	v1 =	vadd.f32 v3, v1;
	v3 =	vld [tilespmem:s9+$0xFFFFFF50]  }
0x181: {  	v47 =	vld [tilespmem:s12+$0xF0]  }
0x182: {  	v48 =	vld [tilespmem:s23+$0xF0];
	[tilespmem:s19+$0xFFFFFFC0] =	vst v1;
	v1 =	vadd.f32 v2, v6  }
0x183: {  	v2 =	vld [tilespmem:s12+$0xFFFFFFD0]  }
0x184: {  	v6 =	vld [tilespmem:s23+$0xFFFFFFD0];
	v0 =	vadd.f32 v1, v0  }
0x185: {  	v4 =	vadd.f32 v8, v4;
	v8 =	vld [tilespmem:s11+$0xFFFFFFD0];
	v3 =	vadd.f32 v52, v3  }
0x186: {  	v1 =	vld [tilespmem:s9+$0xFFFFFFD0];
	[tilespmem:s19+$0x40] =	vst v0  }
0x187: {  	v0 =	vadd.f32 v3, v4;
	v3 =	vld [tilespmem:s12+$0x50]  }
0x188: {  	v4 =	vld [tilespmem:s23+$0x50]  }
0x189: {  	v55 =	vld [tilespmem:s9+$0x50];
	v0 =	vadd.f32 v0, v53  }
0x18a: {  	v2 =	vadd.f32 v6, v2;
	v6 =	vld [tilespmem:s11+$0x50]  }
0x18b: {  	v1 =	vadd.f32 v8, v1;
	[tilespmem:s19+$0xFFFFFF50] =	vst v0;
	v0 =	vld [tilespmem:s19+$0x50]  }
0x18c: {  	v8 =	vld [tilespmem:s12+$0xFFFFFF60]  }
0x18d: {  	v1 =	vadd.f32 v1, v2;
	v2 =	vld [tilespmem:s23+$0xFFFFFF60]  }
0x18e: {  	v56 =	vld [tilespmem:s9+$0xFFFFFF60];
	v3 =	vadd.f32 v4, v3  }
0x18f: {  	v4 =	vld [tilespmem:s11+$0xFFFFFF60];
	v1 =	vadd.f32 v1, v54;
	v6 =	vadd.f32 v6, v55  }
0x190: {  	v49 =	vld [tilespmem:s9+$0xF0]  }
0x191: {  	v7 =	vld [tilespmem:s11+$0xF0];
	[tilespmem:s19+$0xFFFFFFD0] =	vst v1;
	v1 =	vadd.f32 v6, v3  }
0x192: {  	v3 =	vld [tilespmem:s12+$0xFFFFFFE0]  }
0x193: {  	v6 =	vld [tilespmem:s23+$0xFFFFFFE0];
	v0 =	vadd.f32 v1, v0  }
0x194: {  	v1 =	vld [tilespmem:s9+$0xFFFFFFE0];
	v2 =	vadd.f32 v2, v8;
	v4 =	vadd.f32 v4, v56  }
0x195: {  	v8 =	vld [tilespmem:s11+$0xFFFFFFE0];
	[tilespmem:s19+$0x50] =	vst v0  }
0x196: {  	v0 =	vadd.f32 v4, v2;
	v2 =	vld [tilespmem:s12+$0x60]  }
0x197: {  	v4 =	vld [tilespmem:s23+$0x60]  }
0x198: {  	v59 =	vld [tilespmem:s9+$0x60];
	v0 =	vadd.f32 v0, v57  }
0x199: {  	v3 =	vadd.f32 v6, v3;
	v6 =	vld [tilespmem:s11+$0x60]  }
0x19a: {  	v1 =	vadd.f32 v8, v1;
	v8 =	vld [tilespmem:s19+$0x60];
	[tilespmem:s19+$0xFFFFFF60] =	vst v0  }
0x19b: {  	v60 =	vld [tilespmem:s12+$0xFFFFFF70]  }
0x19c: {  	v0 =	vadd.f32 v1, v3;
	v1 =	vld [tilespmem:s23+$0xFFFFFF70]  }
0x19d: {  	v3 =	vld [tilespmem:s9+$0xFFFFFF70];
	v2 =	vadd.f32 v4, v2  }
0x19e: {  	v4 =	vld [tilespmem:s11+$0xFFFFFF70];
	v0 =	vadd.f32 v0, v58;
	v6 =	vadd.f32 v6, v59  }
0x19f: {  	v5 =	vld [tilespmem:s19+$0xF0]  }
0x1a0: {  	[tilespmem:s19+$0xFFFFFFE0] =	vst v0;
	v0 =	vld [tilespmem:s19+$0xFFFFFFF0];
	v2 =	vadd.f32 v6, v2  }
0x1a1: {  	v7 =	vadd.f32 v7, v49;
	v62 =	vld [tilespmem:s12+$0xFFFFFFF0]  }
0x1a2: {  	v6 =	vadd.f32 v48, v47;
	v63 =	vld [tilespmem:s23+$0xFFFFFFF0];
	v2 =	vadd.f32 v2, v8  }
0x1a3: {  	v1 =	vadd.f32 v1, v60;
	v3 =	vadd.f32 v4, v3;
	v8 =	vld [tilespmem:s9+$0xFFFFFFF0]  }
0x1a4: {  	v4 =	vadd.f32 v7, v6;
	v7 =	vld [tilespmem:s11+$0xFFFFFFF0];
	[tilespmem:s19+$0x60] =	vst v2  }
0x1a5: {  	v1 =	vadd.f32 v3, v1;
	v2 =	vld [tilespmem:s12+$0x70]  }
0x1a6: {  	v5 =	vadd.f32 v4, v5;
	v4 =	vld [tilespmem:s23+$0x70]  }
0x1a7: {  	v3 =	vld [tilespmem:s9+$0x70];
	v1 =	vadd.f32 v1, v61  }
0x1a8: {  	[tilespmem:s19+$0xF0] =	vst v5;
	v5 =	vld [tilespmem:s11+$0x70]  }
0x1a9: {  	s13 =	simm.s32 $0x0;
	s14 =	simm.s32 $0x6B00;
	s12 =	simm.s32 $0x1900;
	v6 =	vadd.f32 v63, v62;
	v7 =	vadd.f32 v7, v8;
	[tilespmem:s19+$0xFFFFFF70] =	vst v1;
	v1 =	vld [tilespmem:s19+$0x70]  }
.LBB2_5:
0x1aa: {  	v8 =	vld [tilespmem:s14+$0x80];
	s23 =	sadd.s32 $0x200, s23  }
0x1ab: {  	s9 =	sadd.s32 $0x200, s9;
	v9 =	vld [tilespmem:s23+$0x80];
	v6 =	vadd.f32 v7, v6;
	v2 =	vadd.f32 v4, v2  }
0x1ac: {  	s11 =	sadd.s32 $0x200, s11;
	v4 =	vld [tilespmem:s9+$0x80]  }
0x1ad: {  	v7 =	vld [tilespmem:s11+$0x80];
	v0 =	vadd.f32 v6, v0;
	v3 =	vadd.f32 v5, v3  }
0x1ae: {  	v5 =	vld [tilespmem:s23+$0xFFFFFF00]  }
0x1af: {  	v6 =	vld [tilespmem:s9+$0xFFFFFF00];
	[tilespmem:s19+$0xFFFFFFF0] =	vst v0;
	v0 =	vadd.f32 v3, v2  }
0x1b0: {  	s19 =	sadd.s32 $0x200, s19;
	v2 =	vld [tilespmem:s11+$0xFFFFFF00]  }
0x1b1: {  	v3 =	vld [tilespmem:s19+$0x80];
	v0 =	vadd.f32 v0, v1  }
0x1b2: {  	v8 =	vadd.f32 v9, v8;
	v1 =	vld [tilespmem:s14+$0xFFFFFF80];
	v4 =	vadd.f32 v7, v4  }
0x1b3: {  	v7 =	vld [tilespmem:s23+$0xFFFFFF80];
	[tilespmem:s12+$0x70] =	vst v0;
	s12 =	smov.u32 s19  }
0x1b4: {  	v0 =	vld [tilespmem:s9+$0xFFFFFF80];
	v4 =	vadd.f32 v4, v8  }
0x1b5: {  	v2 =	vadd.f32 v2, v6;
	v6 =	vld [tilespmem:s11+$0xFFFFFF80]  }
0x1b6: {  	v8 =	vld [tilespmem:s14+$0x0];
	v3 =	vadd.f32 v4, v3  }
0x1b7: {  	v4 =	vld [tilespmem:s23+$0x0]  }
0x1b8: {  	v1 =	vadd.f32 v7, v1;
	v7 =	vld [tilespmem:s9+$0x0];
	[tilespmem:s19+$0x80] =	vst v3  }
0x1b9: {  	v3 =	vld [tilespmem:s14+$0x90]  }
0x1ba: {  	v0 =	vadd.f32 v6, v0;
	v6 =	vld [tilespmem:s23+$0x90]  }
0x1bb: {  	v9 =	vld [tilespmem:s9+$0x90]  }
0x1bc: {  	v0 =	vadd.f32 v0, v1;
	v1 =	vadd.f32 v4, v8;
	v4 =	vld [tilespmem:s11+$0x90]  }
0x1bd: {  	v8 =	vld [tilespmem:s11+$0x0]  }
0x1be: {  	v10 =	vld [tilespmem:s14+$0xFFFFFF00]  }
0x1bf: {  	v11 =	vld [tilespmem:s19+$0xFFFFFF00]  }
0x1c0: {  	v12 =	vld [tilespmem:s19+$0x90]  }
0x1c1: {  	v3 =	vadd.f32 v6, v3;
	v13 =	vld [tilespmem:s19+$0xFFFFFF80];
	v4 =	vadd.f32 v4, v9  }
0x1c2: {  	s13 =	sadd.s32 $0x4, s13;
	v6 =	vadd.f32 v8, v7;
	v7 =	vld [tilespmem:s19+$0x0]  }
0x1c3: {  	p1 =	slt.u32 s13, $0x4C;
	v5 =	vadd.f32 v5, v10;
	v8 =	vld [tilespmem:s19+$0xFFFFFF10];
	v3 =	vadd.f32 v4, v3  }
0x1c4: {  	v4 =	vld [tilespmem:s19+$0xFFFFFF90];
	v1 =	vadd.f32 v6, v1  }
0x1c5: {  	v2 =	vadd.f32 v2, v5;
	v5 =	vld [tilespmem:s19+$0x10];
	v3 =	vadd.f32 v3, v12  }
0x1c6: {  	v6 =	vld [tilespmem:s19+$0xFFFFFF20];
	v0 =	vadd.f32 v0, v13  }
0x1c7: {  	v2 =	vadd.f32 v2, v11;
	v9 =	vld [tilespmem:s19+$0xFFFFFFA0];
	v1 =	vadd.f32 v1, v7;
	[tilespmem:s19+$0x90] =	vst v3  }
0x1c8: {  	[tilespmem:s19+$0xFFFFFF80] =	vst v0;
	v0 =	vld [tilespmem:s14+$0xA0]  }
0x1c9: {  	[tilespmem:s19+$0xFFFFFF00] =	vst v2;
	v2 =	vld [tilespmem:s23+$0xA0]  }
0x1ca: {  	[tilespmem:s19+$0x0] =	vst v1;
	v1 =	vld [tilespmem:s9+$0xA0]  }
0x1cb: {  	v3 =	vld [tilespmem:s11+$0xA0]  }
0x1cc: {  	v7 =	vld [tilespmem:s14+$0xFFFFFF10]  }
0x1cd: {  	v10 =	vld [tilespmem:s23+$0xFFFFFF10]  }
0x1ce: {  	v11 =	vld [tilespmem:s9+$0xFFFFFF10]  }
0x1cf: {  	v12 =	vld [tilespmem:s19+$0xA0]  }
0x1d0: {  	v0 =	vadd.f32 v2, v0;
	v13 =	vld [tilespmem:s11+$0xFFFFFF10];
	v1 =	vadd.f32 v3, v1  }
0x1d1: {  	v2 =	vld [tilespmem:s14+$0xFFFFFF90]  }
0x1d2: {  	v3 =	vadd.f32 v10, v7;
	v7 =	vld [tilespmem:s23+$0xFFFFFF90];
	v0 =	vadd.f32 v1, v0  }
0x1d3: {  	v1 =	vld [tilespmem:s9+$0xFFFFFF90]  }
0x1d4: {  	v10 =	vld [tilespmem:s11+$0xFFFFFF90];
	v0 =	vadd.f32 v0, v12  }
0x1d5: {  	v11 =	vadd.f32 v13, v11;
	v12 =	vld [tilespmem:s14+$0x10]  }
0x1d6: {  	v13 =	vld [tilespmem:s23+$0x10];
	[tilespmem:s19+$0xA0] =	vst v0  }
0x1d7: {  	v0 =	vadd.f32 v11, v3;
	v2 =	vadd.f32 v7, v2;
	v3 =	vld [tilespmem:s14+$0xB0]  }
0x1d8: {  	v7 =	vld [tilespmem:s23+$0xB0]  }
0x1d9: {  	v0 =	vadd.f32 v0, v8;
	v1 =	vadd.f32 v10, v1;
	v8 =	vld [tilespmem:s9+$0xB0]  }
0x1da: {  	v10 =	vld [tilespmem:s11+$0xB0]  }
0x1db: {  	[tilespmem:s19+$0xFFFFFF10] =	vst v0;
	v0 =	vadd.f32 v1, v2;
	v1 =	vadd.f32 v13, v12;
	v2 =	vld [tilespmem:s9+$0x10]  }
0x1dc: {  	v11 =	vld [tilespmem:s11+$0x10]  }
0x1dd: {  	v12 =	vld [tilespmem:s14+$0xFFFFFF20];
	v0 =	vadd.f32 v0, v4  }
0x1de: {  	v4 =	vld [tilespmem:s19+$0xB0]  }
0x1df: {  	v13 =	vld [tilespmem:s23+$0xFFFFFF20];
	[tilespmem:s19+$0xFFFFFF90] =	vst v0;
	v0 =	vadd.f32 v7, v3;
	v3 =	vadd.f32 v10, v8  }
0x1e0: {  	v7 =	vld [tilespmem:s9+$0xFFFFFF20]  }
0x1e1: {  	v8 =	vld [tilespmem:s11+$0xFFFFFF20];
	v2 =	vadd.f32 v11, v2;
	v0 =	vadd.f32 v3, v0  }
0x1e2: {  	v3 =	vld [tilespmem:s14+$0xFFFFFFA0]  }
0x1e3: {  	v10 =	vld [tilespmem:s23+$0xFFFFFFA0];
	v1 =	vadd.f32 v2, v1;
	v0 =	vadd.f32 v0, v4  }
0x1e4: {  	v2 =	vadd.f32 v13, v12;
	v4 =	vld [tilespmem:s9+$0xFFFFFFA0]  }
0x1e5: {  	v11 =	vld [tilespmem:s11+$0xFFFFFFA0];
	v1 =	vadd.f32 v1, v5;
	[tilespmem:s19+$0xB0] =	vst v0  }
0x1e6: {  	v0 =	vadd.f32 v8, v7;
	v5 =	vld [tilespmem:s14+$0xC0]  }
0x1e7: {  	[tilespmem:s19+$0x10] =	vst v1;
	v1 =	vld [tilespmem:s23+$0xC0]  }
0x1e8: {  	v0 =	vadd.f32 v0, v2;
	v2 =	vadd.f32 v10, v3;
	v3 =	vld [tilespmem:s9+$0xC0]  }
0x1e9: {  	v7 =	vld [tilespmem:s11+$0xC0]  }
0x1ea: {  	v0 =	vadd.f32 v0, v6;
	v4 =	vadd.f32 v11, v4;
	v6 =	vld [tilespmem:s14+$0x20]  }
0x1eb: {  	v8 =	vld [tilespmem:s23+$0x20]  }
0x1ec: {  	[tilespmem:s19+$0xFFFFFF20] =	vst v0;
	v0 =	vadd.f32 v4, v2;
	v2 =	vld [tilespmem:s9+$0x20]  }
0x1ed: {  	v4 =	vld [tilespmem:s19+$0xC0]  }
0x1ee: {  	v1 =	vadd.f32 v1, v5;
	v10 =	vld [tilespmem:s11+$0x20];
	v3 =	vadd.f32 v7, v3  }
0x1ef: {  	v0 =	vadd.f32 v0, v9;
	v5 =	vld [tilespmem:s19+$0x20]  }
0x1f0: {  	v7 =	vld [tilespmem:s14+$0xFFFFFF30];
	v6 =	vadd.f32 v8, v6;
	v1 =	vadd.f32 v3, v1  }
0x1f1: {  	v3 =	vld [tilespmem:s23+$0xFFFFFF30];
	[tilespmem:s19+$0xFFFFFFA0] =	vst v0  }
0x1f2: {  	v0 =	vld [tilespmem:s9+$0xFFFFFF30];
	v1 =	vadd.f32 v1, v4  }
0x1f3: {  	v4 =	vld [tilespmem:s11+$0xFFFFFF30];
	v2 =	vadd.f32 v10, v2  }
0x1f4: {  	v8 =	vld [tilespmem:s14+$0xFFFFFFB0];
	[tilespmem:s19+$0xC0] =	vst v1  }
0x1f5: {  	v1 =	vadd.f32 v2, v6;
	v2 =	vld [tilespmem:s14+$0xD0]  }
0x1f6: {  	v3 =	vadd.f32 v3, v7;
	v6 =	vld [tilespmem:s23+$0xD0]  }
0x1f7: {  	v1 =	vadd.f32 v1, v5;
	v5 =	vld [tilespmem:s9+$0xD0]  }
0x1f8: {  	v0 =	vadd.f32 v4, v0;
	v4 =	vld [tilespmem:s11+$0xD0]  }
0x1f9: {  	v7 =	vld [tilespmem:s23+$0xFFFFFFB0];
	[tilespmem:s19+$0x20] =	vst v1  }
0x1fa: {  	v0 =	vadd.f32 v0, v3;
	v1 =	vld [tilespmem:s9+$0xFFFFFFB0]  }
0x1fb: {  	v3 =	vld [tilespmem:s11+$0xFFFFFFB0]  }
0x1fc: {  	v9 =	vld [tilespmem:s19+$0xD0]  }
0x1fd: {  	v2 =	vadd.f32 v6, v2;
	v10 =	vld [tilespmem:s14+$0x30];
	v4 =	vadd.f32 v4, v5  }
0x1fe: {  	v5 =	vadd.f32 v7, v8;
	v6 =	vld [tilespmem:s23+$0x30]  }
0x1ff: {  	v7 =	vld [tilespmem:s9+$0x30];
	v2 =	vadd.f32 v4, v2  }
0x200: {  	v1 =	vadd.f32 v3, v1;
	v3 =	vld [tilespmem:s11+$0x30]  }
0x201: {  	v4 =	vld [tilespmem:s19+$0xFFFFFF30];
	v2 =	vadd.f32 v2, v9  }
0x202: {  	v8 =	vld [tilespmem:s19+$0xFFFFFFB0];
	v1 =	vadd.f32 v1, v5  }
0x203: {  	v5 =	vadd.f32 v6, v10;
	v6 =	vld [tilespmem:s19+$0x30];
	[tilespmem:s19+$0xD0] =	vst v2  }
0x204: {  	v2 =	vld [tilespmem:s14+$0xE0]  }
0x205: {  	v3 =	vadd.f32 v3, v7;
	v7 =	vld [tilespmem:s23+$0xE0]  }
0x206: {  	v0 =	vadd.f32 v0, v4;
	v4 =	vld [tilespmem:s9+$0xE0]  }
0x207: {  	v1 =	vadd.f32 v1, v8;
	v3 =	vadd.f32 v3, v5;
	v5 =	vld [tilespmem:s11+$0xE0]  }
0x208: {  	[tilespmem:s19+$0xFFFFFF30] =	vst v0;
	v0 =	vld [tilespmem:s19+$0xFFFFFF40]  }
0x209: {  	v8 =	vld [tilespmem:s14+$0xFFFFFF40];
	[tilespmem:s19+$0xFFFFFFB0] =	vst v1;
	v1 =	vadd.f32 v3, v6  }
0x20a: {  	v3 =	vld [tilespmem:s23+$0xFFFFFF40]  }
0x20b: {  	[tilespmem:s19+$0x30] =	vst v1;
	v1 =	vld [tilespmem:s19+$0xE0]  }
0x20c: {  	v2 =	vadd.f32 v7, v2;
	v6 =	vld [tilespmem:s9+$0xFFFFFF40];
	v4 =	vadd.f32 v5, v4  }
0x20d: {  	v5 =	vld [tilespmem:s11+$0xFFFFFF40]  }
0x20e: {  	v7 =	vld [tilespmem:s14+$0xFFFFFFC0];
	v2 =	vadd.f32 v4, v2  }
0x20f: {  	v3 =	vadd.f32 v3, v8;
	v4 =	vld [tilespmem:s23+$0xFFFFFFC0]  }
0x210: {  	v8 =	vld [tilespmem:s9+$0xFFFFFFC0];
	v1 =	vadd.f32 v2, v1  }
0x211: {  	v2 =	vld [tilespmem:s11+$0xFFFFFFC0]  }
0x212: {  	v5 =	vadd.f32 v5, v6;
	v6 =	vld [tilespmem:s14+$0x40];
	[tilespmem:s19+$0xE0] =	vst v1  }
0x213: {  	v1 =	vld [tilespmem:s14+$0xF0]  }
0x214: {  	v3 =	vadd.f32 v5, v3;
	v4 =	vadd.f32 v4, v7;
	v5 =	vld [tilespmem:s23+$0xF0]  }
0x215: {  	v7 =	vld [tilespmem:s9+$0xF0]  }
0x216: {  	v0 =	vadd.f32 v3, v0;
	v2 =	vadd.f32 v2, v8;
	v3 =	vld [tilespmem:s11+$0xF0]  }
0x217: {  	v8 =	vld [tilespmem:s23+$0x40]  }
0x218: {  	[tilespmem:s19+$0xFFFFFF40] =	vst v0;
	v0 =	vadd.f32 v2, v4;
	v2 =	vld [tilespmem:s9+$0x40]  }
0x219: {  	v4 =	vld [tilespmem:s11+$0x40]  }
0x21a: {  	v9 =	vld [tilespmem:s19+$0xF0]  }
0x21b: {  	v1 =	vadd.f32 v5, v1;
	v10 =	vld [tilespmem:s19+$0xFFFFFFC0];
	v3 =	vadd.f32 v3, v7  }
0x21c: {  	v5 =	vadd.f32 v8, v6;
	v6 =	vld [tilespmem:s19+$0x40]  }
0x21d: {  	v7 =	vld [tilespmem:s14+$0xFFFFFF50];
	v1 =	vadd.f32 v3, v1  }
0x21e: {  	v3 =	vld [tilespmem:s23+$0xFFFFFF50];
	v2 =	vadd.f32 v4, v2  }
0x21f: {  	v4 =	vld [tilespmem:s9+$0xFFFFFF50];
	v1 =	vadd.f32 v1, v9  }
0x220: {  	v8 =	vld [tilespmem:s11+$0xFFFFFF50];
	v0 =	vadd.f32 v0, v10;
	v2 =	vadd.f32 v2, v5  }
0x221: {  	v5 =	vld [tilespmem:s19+$0xFFFFFF50];
	[tilespmem:s19+$0xF0] =	vst v1  }
0x222: {  	[tilespmem:s19+$0xFFFFFFC0] =	vst v0;
	v0 =	vld [tilespmem:s19+$0xFFFFFFD0];
	v1 =	vadd.f32 v2, v6  }
0x223: {  	v2 =	vadd.f32 v3, v7;
	v3 =	vld [tilespmem:s14+$0xFFFFFFD0]  }
0x224: {  	v6 =	vld [tilespmem:s23+$0xFFFFFFD0];
	[tilespmem:s19+$0x40] =	vst v1  }
0x225: {  	v1 =	vadd.f32 v8, v4;
	v4 =	vld [tilespmem:s9+$0xFFFFFFD0]  }
0x226: {  	v7 =	vld [tilespmem:s11+$0xFFFFFFD0]  }
0x227: {  	v1 =	vadd.f32 v1, v2;
	v2 =	vld [tilespmem:s14+$0x50]  }
0x228: {  	v8 =	vld [tilespmem:s23+$0x50]  }
0x229: {  	v1 =	vadd.f32 v1, v5;
	v3 =	vadd.f32 v6, v3;
	v5 =	vld [tilespmem:s9+$0x50]  }
0x22a: {  	v6 =	vld [tilespmem:s11+$0x50]  }
0x22b: {  	[tilespmem:s19+$0xFFFFFF50] =	vst v1;
	v1 =	vadd.f32 v7, v4;
	v4 =	vld [tilespmem:s19+$0x50]  }
0x22c: {  	v7 =	vld [tilespmem:s14+$0xFFFFFF60]  }
0x22d: {  	v9 =	vld [tilespmem:s23+$0xFFFFFF60];
	v1 =	vadd.f32 v1, v3;
	v2 =	vadd.f32 v8, v2  }
0x22e: {  	v3 =	vld [tilespmem:s9+$0xFFFFFF60]  }
0x22f: {  	v8 =	vld [tilespmem:s11+$0xFFFFFF60];
	v0 =	vadd.f32 v1, v0;
	v1 =	vadd.f32 v6, v5  }
0x230: {  	v5 =	vld [tilespmem:s19+$0xFFFFFF60]  }
0x231: {  	[tilespmem:s19+$0xFFFFFFD0] =	vst v0;
	v0 =	vld [tilespmem:s19+$0xFFFFFFE0];
	v1 =	vadd.f32 v1, v2  }
0x232: {  	v2 =	vadd.f32 v9, v7;
	v6 =	vld [tilespmem:s14+$0xFFFFFFE0]  }
0x233: {  	v7 =	vld [tilespmem:s23+$0xFFFFFFE0];
	v1 =	vadd.f32 v1, v4  }
0x234: {  	v3 =	vadd.f32 v8, v3;
	v4 =	vld [tilespmem:s9+$0xFFFFFFE0]  }
0x235: {  	v8 =	vld [tilespmem:s11+$0xFFFFFFE0];
	[tilespmem:s19+$0x50] =	vst v1  }
0x236: {  	v1 =	vadd.f32 v3, v2;
	v2 =	vld [tilespmem:s14+$0x60]  }
0x237: {  	v3 =	vld [tilespmem:s23+$0x60]  }
0x238: {  	v1 =	vadd.f32 v1, v5;
	v5 =	vadd.f32 v7, v6;
	v6 =	vld [tilespmem:s9+$0x60]  }
0x239: {  	v7 =	vld [tilespmem:s11+$0x60]  }
0x23a: {  	[tilespmem:s19+$0xFFFFFF60] =	vst v1;
	v1 =	vadd.f32 v8, v4;
	v4 =	vld [tilespmem:s19+$0x60]  }
0x23b: {  	v8 =	vld [tilespmem:s14+$0xFFFFFF70]  }
0x23c: {  	v9 =	vld [tilespmem:s23+$0xFFFFFF70];
	v1 =	vadd.f32 v1, v5;
	v2 =	vadd.f32 v3, v2  }
0x23d: {  	v3 =	vld [tilespmem:s9+$0xFFFFFF70]  }
0x23e: {  	v5 =	vld [tilespmem:s11+$0xFFFFFF70];
	v0 =	vadd.f32 v1, v0;
	v1 =	vadd.f32 v7, v6  }
0x23f: {  	v6 =	vld [tilespmem:s19+$0xFFFFFF70]  }
0x240: {  	[tilespmem:s19+$0xFFFFFFE0] =	vst v0;
	v0 =	vld [tilespmem:s19+$0xFFFFFFF0];
	v1 =	vadd.f32 v1, v2  }
0x241: {  	v2 =	vadd.f32 v9, v8;
	v7 =	vld [tilespmem:s14+$0xFFFFFFF0]  }
0x242: {  	v8 =	vld [tilespmem:s23+$0xFFFFFFF0];
	v1 =	vadd.f32 v1, v4  }
0x243: {  	v3 =	vadd.f32 v5, v3;
	v9 =	vld [tilespmem:s9+$0xFFFFFFF0]  }
0x244: {  	v10 =	vld [tilespmem:s11+$0xFFFFFFF0];
	[tilespmem:s19+$0x60] =	vst v1  }
.Ltmp5:
0x245: {  	v1 =	vadd.f32 v3, v2;
	v2 =	vld [tilespmem:s14+$0x70];
	(pc) =	sbr.rel @p1 .LBB2_5-.Ltmp5, $4  }
0x246: {  	v4 =	vld [tilespmem:s23+$0x70]  }
0x247: {  	v1 =	vadd.f32 v1, v6;
	v6 =	vadd.f32 v8, v7;
	v3 =	vld [tilespmem:s9+$0x70]  }
0x248: {  	v5 =	vld [tilespmem:s11+$0x70]  }
0x249: {  	s14 =	sadd.s32 $0x200, s14;
	[tilespmem:s19+$0xFFFFFF70] =	vst v1;
	v7 =	vadd.f32 v10, v9;
	v1 =	vld [tilespmem:s19+$0x70]  }
0x24a: {  	_ =	sdelay $0x2  }
0x24b: {  	v2 =	vadd.f32 v4, v2;
	v3 =	vadd.f32 v5, v3  }
0x24c: {  	v63 =	vadd.f32 v7, v6  }
0x24d: {  	v2 =	vadd.f32 v3, v2  }
.Ltmp6:
0x24e: {  	v0 =	vadd.f32 v63, v0;
	(pc) =	sbr.rel @p0 .LBB2_12-.Ltmp6, $4  }
0x24f: {  	s9 =	smul.u32 $0x500, s22;
	v1 =	vadd.f32 v2, v1  }
0x250: {  	[tilespmem:s19+$0xFFFFFFF0] =	vst v0  }
0x251: {  	s9 =	sadd.s32 s2, s9;
	[tilespmem:s12+$0x70] =	vst v1  }
0x252: {  	[hbm4b:s9+s3] =	stream.linear.scatter [tilespmem:s30], [sflag:$0x5], $0x2800, $0x38;
	[tilespmem:$0x1A800] =	vst v63  }
0x253: {  	p0 =	sgt.u32 s22, $0x4A1  }
0x254: {  	s9 =	smul.u32 @!p0 $0x50, s22;
	_ =	sdelay $0x1  }
0x255: {  	s9 =	sshrl.u32 @!p0 s9, $0x3  }
0x256: {  	s9 =	sadd.s32 @!p0 s5, s9  }
0x257: {  	s12 =	simm.s32 @!p0 $0x0;
	s11 =	sadd.s32 @!p0 $0x280, s9  }
0x258: {  	[tilespmem:s12], [sflag:$0x7] =	stream.linear.gather @!p0 [hbm4b:s11+s12], $0x50, $0x38;
	[tilespmem:$0x1A800] =	vst v63  }
0x259: {  	s13 =	simm.s32 @!p0 $0x80;
	s11 =	sadd.s32 @!p0 $0x3354, s9  }
0x25a: {  	[tilespmem:s13], [sflag:$0x7] =	stream.linear.gather @!p0 [hbm4b:s11+s12], $0x50, $0x38;
	[tilespmem:$0x1A800] =	vst v63  }
0x25b: {  	s11 =	sadd.s32 @!p0 $0x6428, s9;
	s13 =	simm.s32 @!p0 $0x100  }
0x25c: {  	[tilespmem:s13], [sflag:$0x7] =	stream.linear.gather @!p0 [hbm4b:s11+s12], $0x50, $0x38;
	[tilespmem:$0x1A800] =	vst v63  }
0x25d: {  	s11 =	sadd.s32 @!p0 $0x94FC, s9;
	s13 =	simm.s32 @!p0 $0x180  }
0x25e: {  	[tilespmem:s13], [sflag:$0x7] =	stream.linear.gather @!p0 [hbm4b:s11+s12], $0x50, $0x38;
	[tilespmem:$0x1A800] =	vst v63  }
0x25f: {  	s11 =	sadd.s32 @!p0 $0xC5D0, s9;
	s13 =	simm.s32 @!p0 $0x200  }
0x260: {  	[tilespmem:s13], [sflag:$0x7] =	stream.linear.gather @!p0 [hbm4b:s11+s12], $0x50, $0x38;
	[tilespmem:$0x1A800] =	vst v63  }
0x261: {  	s11 =	sadd.s32 @!p0 $0xF6A4, s9;
	s13 =	simm.s32 @!p0 $0x280  }
0x262: {  	[tilespmem:s13], [sflag:$0x7] =	stream.linear.gather @!p0 [hbm4b:s11+s12], $0x50, $0x38;
	[tilespmem:$0x1A800] =	vst v63  }
0x263: {  	s11 =	sadd.s32 @!p0 $0x12778, s9;
	s13 =	simm.s32 @!p0 $0x300  }
0x264: {  	[tilespmem:s13], [sflag:$0x7] =	stream.linear.gather @!p0 [hbm4b:s11+s12], $0x50, $0x38;
	[tilespmem:$0x1A800] =	vst v63  }
0x265: {  	s11 =	sadd.s32 @!p0 $0x1584C, s9;
	s13 =	simm.s32 @!p0 $0x380  }
0x266: {  	[tilespmem:s13], [sflag:$0x7] =	stream.linear.gather @!p0 [hbm4b:s11+s12], $0x50, $0x38;
	[tilespmem:$0x1A800] =	vst v63  }
0x267: {  	s9 =	sadd.s32 @!p0 $0x18920, s9;
	s11 =	simm.s32 @!p0 $0x400  }
0x268: {  	[tilespmem:s11], [sflag:$0x7] =	stream.linear.gather @!p0 [hbm4b:s9+s12], $0x50, $0x38;
	[tilespmem:$0x1A800] =	vst v63  }
0x269: {  	_ =	swait.ge [sflag:s29], $0x2800  }
0x26a: {  	[sflag:s29] =	ssyncset.done $0x0  }
0x26b: {  	[sflag:s29] =	ssyncadd.s32 $0xFFFFD800  }
0x26c: {  	_ =	swait.ge [sflag:s31], $0x2800  }
0x26d: {  	[sflag:s31] =	ssyncset.done $0x0  }
0x26e: {  	[sflag:s31] =	ssyncadd.s32 $0xFFFFD800  }
0x26f: {  	_ =	swait.ge [sflag:s31], $0x2800  }
0x270: {  	[sflag:s31] =	ssyncset.done $0x0  }
0x271: {  	[sflag:s31] =	ssyncadd.s32 $0xFFFFD800  }
0x272: {  	_ =	swait.ge [sflag:s31], $0x2800  }
.Ltmp7:
0x273: {  	[sflag:s31] =	ssyncset.done $0x0;
	(pc) =	sbr.rel @p0 .LBB2_9-.Ltmp7, $4  }
0x274: {  	[sflag:s31] =	ssyncadd.s32 $0xFFFFD800  }
0x275: {  	_ =	swait.ge [sflag:s31], $0x2800  }
0x276: {  	[sflag:s31] =	ssyncset.done $0x0  }
0x277: {  	[sflag:s31] =	ssyncadd.s32 $0xFFFFD800  }
0x278: {  	_ =	swait.ge [sflag:s1], $0x50  }
0x279: {  	[sflag:s1] =	ssyncset.done $0x0  }
0x27a: {  	[sflag:s1] =	ssyncadd.s32 $0xFFFFFFB0  }
0x27b: {  	_ =	swait.ge [sflag:s1], $0x50  }
0x27c: {  	[sflag:s1] =	ssyncset.done $0x0  }
0x27d: {  	[sflag:s1] =	ssyncadd.s32 $0xFFFFFFB0  }
0x27e: {  	_ =	swait.ge [sflag:s1], $0x50  }
0x27f: {  	[sflag:s1] =	ssyncset.done $0x0  }
0x280: {  	[sflag:s1] =	ssyncadd.s32 $0xFFFFFFB0  }
0x281: {  	_ =	swait.ge [sflag:s1], $0x50  }
0x282: {  	[sflag:s1] =	ssyncset.done $0x0  }
0x283: {  	[sflag:s1] =	ssyncadd.s32 $0xFFFFFFB0  }
0x284: {  	_ =	swait.ge [sflag:s1], $0x50  }
0x285: {  	[sflag:s1] =	ssyncset.done $0x0  }
0x286: {  	[sflag:s1] =	ssyncadd.s32 $0xFFFFFFB0  }
0x287: {  	_ =	swait.ge [sflag:s1], $0x50  }
0x288: {  	[sflag:s1] =	ssyncset.done $0x0  }
0x289: {  	[sflag:s1] =	ssyncadd.s32 $0xFFFFFFB0  }
0x28a: {  	_ =	swait.ge [sflag:s1], $0x50  }
0x28b: {  	[sflag:s1] =	ssyncset.done $0x0  }
0x28c: {  	[sflag:s1] =	ssyncadd.s32 $0xFFFFFFB0  }
0x28d: {  	_ =	swait.ge [sflag:s1], $0x50  }
0x28e: {  	[sflag:s1] =	ssyncset.done $0x0  }
0x28f: {  	[sflag:s1] =	ssyncadd.s32 $0xFFFFFFB0  }
0x290: {  	_ =	swait.ge [sflag:s1], $0x50  }
0x291: {  	[sflag:s1] =	ssyncset.done $0x0  }
0x292: {  	[sflag:s1] =	ssyncadd.s32 $0xFFFFFFB0  }
0x293: {  	v0 =	vld [tilespmem:$0x0]  }
0x294: {  	v1 =	vld [tilespmem:$0x80]  }
0x295: {  	v2 =	vld [tilespmem:$0x100]  }
0x296: {  	v3 =	vld [tilespmem:$0x180]  }
0x297: {  	v4 =	vld [tilespmem:$0x200]  }
0x298: {  	v5 =	vld [tilespmem:$0x280]  }
0x299: {  	v6 =	vld [tilespmem:$0x300]  }
0x29a: {  	v7 =	vld [tilespmem:$0x380]  }
0x29b: {  	v8 =	vld [tilespmem:$0x400]  }
0x29c: {  	v9 =	vld [tilespmem:$0x10]  }
0x29d: {  	v10 =	vld [tilespmem:$0x90]  }
0x29e: {  	v11 =	vld [tilespmem:$0x110]  }
0x29f: {  	v12 =	vld [tilespmem:$0x190]  }
0x2a0: {  	v13 =	vld [tilespmem:$0x210]  }
0x2a1: {  	v14 =	vld [tilespmem:$0x290]  }
0x2a2: {  	v15 =	vld [tilespmem:$0x310]  }
0x2a3: {  	v16 =	vld [tilespmem:$0x390]  }
0x2a4: {  	v17 =	vld [tilespmem:$0x410]  }
0x2a5: {  	v18 =	vld [tilespmem:$0x20]  }
0x2a6: {  	v19 =	vld [tilespmem:$0xA0]  }
0x2a7: {  	v20 =	vld [tilespmem:$0x120]  }
0x2a8: {  	v21 =	vld [tilespmem:$0x1A0]  }
0x2a9: {  	v22 =	vld [tilespmem:$0x220]  }
0x2aa: {  	v23 =	vld [tilespmem:$0x2A0]  }
0x2ab: {  	v24 =	vld [tilespmem:$0x320]  }
0x2ac: {  	v25 =	vld [tilespmem:$0x3A0]  }
0x2ad: {  	v40 =	vld [tilespmem:$0x30];
	v0 =	vmul.u32 $0x64, v0;
	v48 =	vadd.s32 $0x320, v8  }
0x2ae: {  	v43 =	vld [tilespmem:$0xB0];
	v45 =	vmul.u32 $0x64, v9;
	v17 =	vadd.s32 $0x320, v17;
	[tilespmem:$0x1200] =	vst v48  }
0x2af: {  	v47 =	vld [tilespmem:$0x130];
	v2 =	vmul.u32 $0x64, v2;
	v62 =	vmul.u32 $0x64, v18;
	[tilespmem:$0x1210] =	vst v17;
	v0 =	vadd.s32 v1, v0  }
0x2b0: {  	v50 =	vld [tilespmem:$0x1B0];
	v4 =	vmul.u32 $0x64, v4;
	v37 =	vmul.u32 $0x64, v6;
	v51 =	vadd.s32 v10, v45;
	[tilespmem:$0x1000] =	vst v0  }
0x2b1: {  	v54 =	vld [tilespmem:$0x230];
	v18 =	vmul.u32 $0x64, v22;
	v36 =	vadd.s32 v2, v3;
	v22 =	vadd.s32 v19, v62;
	[tilespmem:$0x1010] =	vst v51  }
0x2b2: {  	v57 =	vld [tilespmem:$0x2B0];
	v46 =	vmul.u32 $0x64, v11;
	v39 =	vadd.s32 v4, v5;
	v38 =	vadd.s32 $0x2710, v36;
	[tilespmem:$0x1020] =	vst v22  }
0x2b3: {  	v60 =	vld [tilespmem:$0x330];
	v49 =	vmul.u32 $0x64, v13;
	v42 =	vadd.s32 v37, v7;
	v41 =	vadd.s32 $0x4E20, v39;
	[tilespmem:$0x1080] =	vst v38  }
0x2b4: {  	v28 =	vld [tilespmem:$0x40];
	v53 =	vmul.u32 $0x64, v15;
	v52 =	vadd.s32 v46, v12;
	v44 =	vadd.s32 $0x7530, v42;
	[tilespmem:$0x1100] =	vst v41  }
0x2b5: {  	v31 =	vld [tilespmem:$0xC0];
	v63 =	vmul.u32 $0x64, v20;
	v56 =	vadd.s32 v49, v14;
	v55 =	vadd.s32 $0x2710, v52;
	[tilespmem:$0x1180] =	vst v44  }
0x2b6: {  	v34 =	vld [tilespmem:$0x140];
	v59 =	vadd.s32 v53, v16;
	v58 =	vadd.s32 $0x4E20, v56;
	[tilespmem:$0x1090] =	vst v55  }
0x2b7: {  	v20 =	vld [tilespmem:$0x430];
	v27 =	vmul.u32 $0x64, v24;
	v26 =	vadd.s32 v63, v21;
	v61 =	vadd.s32 $0x7530, v59;
	[tilespmem:$0x1110] =	vst v58  }
0x2b8: {  	v3 =	vld [tilespmem:$0x420];
	v30 =	vadd.s32 v18, v23;
	v29 =	vadd.s32 $0x2710, v26;
	[tilespmem:$0x1190] =	vst v61  }
0x2b9: {  	v16 =	vld [tilespmem:$0x3B0];
	v33 =	vadd.s32 v27, v25;
	v53 =	vmul.u32 $0x64, v28;
	v32 =	vadd.s32 $0x4E20, v30;
	[tilespmem:$0x10A0] =	vst v29  }
0x2ba: {  	v45 =	vld [tilespmem:$0x340];
	v35 =	vadd.s32 $0x7530, v33;
	v36 =	vmul.u32 $0x64, v40;
	[tilespmem:$0x1120] =	vst v32  }
0x2bb: {  	v37 =	vmul.u32 $0x64, v47;
	v51 =	vld [tilespmem:$0x3C0];
	[tilespmem:$0x11A0] =	vst v35;
	v58 =	vadd.s32 v31, v53  }
0x2bc: {  	v40 =	vmul.u32 $0x64, v54;
	v38 =	vld [tilespmem:$0x1C0];
	v42 =	vadd.s32 v43, v36;
	[tilespmem:$0x1040] =	vst v58  }
0x2bd: {  	v41 =	vld [tilespmem:$0x240];
	v43 =	vadd.s32 v37, v50;
	v55 =	vadd.s32 $0x320, v20;
	[tilespmem:$0x1030] =	vst v42  }
0x2be: {  	v48 =	vld [tilespmem:$0x2C0];
	v44 =	vmul.u32 $0x64, v60;
	v47 =	vadd.s32 v40, v57;
	v46 =	vadd.s32 $0x2710, v43;
	[tilespmem:$0x1230] =	vst v55  }
0x2bf: {  	v54 =	vmul.u32 $0x64, v34;
	v57 =	vld [tilespmem:$0x440];
	v49 =	vadd.s32 $0x4E20, v47;
	[tilespmem:$0x10B0] =	vst v46  }
0x2c0: {  	v39 =	vadd.s32 $0x320, v3;
	v50 =	vadd.s32 v44, v16;
	[tilespmem:$0x1130] =	vst v49;
	v4 =	vmul.u32 $0x64, v45  }
0x2c1: {  	[tilespmem:$0x1220] =	vst v39;
	v52 =	vadd.s32 $0x7530, v50;
	v59 =	vadd.s32 v54, v38  }
0x2c2: {  	[tilespmem:$0x11B0] =	vst v52;
	v56 =	vmul.u32 $0x64, v41;
	v61 =	vadd.s32 v4, v51;
	v1 =	vadd.s32 $0x2710, v59  }
0x2c3: {  	v62 =	vadd.s32 $0x7530, v61;
	[tilespmem:$0x10C0] =	vst v1  }
0x2c4: {  	v63 =	vadd.s32 $0x320, v57;
	v60 =	vadd.s32 v56, v48;
	[tilespmem:$0x11C0] =	vst v62  }
0x2c5: {  	[tilespmem:$0x1240] =	vst v63;
	v0 =	vadd.s32 $0x4E20, v60  }
0x2c6: {  	[tilespmem:$0x1140] =	vst v0  }
0x2c7: {  	_ =	swait.ge [sflag:s0], $0x2800  }
0x2c8: {  	[sflag:s0] =	ssyncset.done $0x0  }
0x2c9: {  	s9 =	simm.s32 $0x1000;
	[sflag:s0] =	ssyncadd.s32 $0xFFFFD800  }
0x2ca: {  	[tilespmem:s30], [sflag:$0x1] =	stream.indirect.gather [hbm4b:s6+s28], $0x80, s9, s28, $0xb8;
	[tilespmem:$0x1A800] =	vst v63  }
0x2cb: {  	s23 =	simm.s32 $0x1080;
	s11 =	simm.s32 $0x6800  }
0x2cc: {  	[tilespmem:s11], [sflag:$0x3] =	stream.indirect.gather [hbm4b:s6+s28], $0x80, s23, s28, $0xb8;
	[tilespmem:$0x1A800] =	vst v63  }
0x2cd: {  	s12 =	simm.s32 $0x1100;
	s13 =	simm.s32 $0x9000  }
0x2ce: {  	[tilespmem:s13], [sflag:$0x3] =	stream.indirect.gather [hbm4b:s6+s28], $0x80, s12, s28, $0xb8;
	[tilespmem:$0x1A800] =	vst v63  }
0x2cf: {  	s14 =	simm.s32 $0x1180;
	s19 =	simm.s32 $0xB800  }
0x2d0: {  	[tilespmem:s19], [sflag:$0x3] =	stream.indirect.gather [hbm4b:s6+s28], $0x80, s14, s28, $0xb8;
	[tilespmem:$0x1A800] =	vst v63  }
0x2d1: {  	s22 =	simm.s32 $0x1200;
	s23 =	simm.s32 $0xE000  }
0x2d2: {  	[tilespmem:s23], [sflag:$0x3] =	stream.indirect.gather [hbm4b:s7+s28], $0x80, s22, s28, $0xb8;
	[tilespmem:$0x1A800] =	vst v63  }
.LBB2_9:
0x2d3: {  	s12 =	simm.s32 $0x10900  }
0x2d4: {  	s22 =	simm.s32 $0x13100;
	v0 =	vld [tilespmem:s12+$0x80]  }
0x2d5: {  	s9 =	simm.s32 $0x15900;
	v1 =	vld [tilespmem:s22+$0x80]  }
0x2d6: {  	s11 =	simm.s32 $0x18100;
	v2 =	vld [tilespmem:s9+$0x80]  }
0x2d7: {  	v3 =	vld [tilespmem:s11+$0x80]  }
0x2d8: {  	v4 =	vld [tilespmem:s22+$0xFFFFFF00]  }
0x2d9: {  	v5 =	vld [tilespmem:s9+$0xFFFFFF00]  }
0x2da: {  	s19 =	simm.s32 $0x4100;
	v6 =	vld [tilespmem:s11+$0xFFFFFF00]  }
0x2db: {  	v7 =	vld [tilespmem:s19+$0x80]  }
0x2dc: {  	v8 =	vld [tilespmem:s12+$0xFFFFFF80]  }
0x2dd: {  	v9 =	vld [tilespmem:s12+$0x0]  }
0x2de: {  	v10 =	vld [tilespmem:s9+$0x0]  }
0x2df: {  	v14 =	vld [tilespmem:s11+$0x0]  }
0x2e0: {  	v15 =	vld [tilespmem:s12+$0xFFFFFF00];
	v0 =	vadd.f32 v1, v0;
	v1 =	vadd.f32 v3, v2  }
0x2e1: {  	v16 =	vld [tilespmem:s19+$0xFFFFFF00]  }
0x2e2: {  	v17 =	vld [tilespmem:s19+$0x90];
	v0 =	vadd.f32 v1, v0  }
0x2e3: {  	v63 =	vld [tilespmem:s19+$0xFFFFFF80]  }
0x2e4: {  	v20 =	vld [tilespmem:s19+$0x0];
	v0 =	vadd.f32 v0, v7  }
0x2e5: {  	v21 =	vld [tilespmem:s19+$0xFFFFFF10]  }
0x2e6: {  	v22 =	vld [tilespmem:s19+$0x10];
	[tilespmem:s19+$0x80] =	vst v0  }
0x2e7: {  	v0 =	vld [tilespmem:s12+$0x90]  }
0x2e8: {  	v11 =	vld [tilespmem:s22+$0x90]  }
0x2e9: {  	v12 =	vld [tilespmem:s9+$0x90]  }
0x2ea: {  	v13 =	vld [tilespmem:s11+$0x90]  }
0x2eb: {  	v23 =	vld [tilespmem:s19+$0xFFFFFF20]  }
0x2ec: {  	v53 =	vld [tilespmem:s19+$0xFFFFFF50]  }
0x2ed: {  	v54 =	vld [tilespmem:s19+$0xFFFFFFD0]  }
0x2ee: {  	v57 =	vld [tilespmem:s19+$0xFFFFFF60];
	v5 =	vadd.f32 v6, v5;
	v4 =	vadd.f32 v4, v15  }
0x2ef: {  	v58 =	vld [tilespmem:s19+$0xFFFFFFE0];
	v0 =	vadd.f32 v11, v0;
	v12 =	vadd.f32 v13, v12  }
0x2f0: {  	v2 =	vld [tilespmem:s22+$0xFFFFFF80];
	v4 =	vadd.f32 v5, v4  }
0x2f1: {  	v3 =	vld [tilespmem:s9+$0xFFFFFF80];
	v0 =	vadd.f32 v12, v0  }
0x2f2: {  	v1 =	vld [tilespmem:s11+$0xFFFFFF80];
	v4 =	vadd.f32 v4, v16  }
0x2f3: {  	v61 =	vld [tilespmem:s19+$0xFFFFFF70];
	v0 =	vadd.f32 v0, v17  }
0x2f4: {  	v7 =	vld [tilespmem:s22+$0x0];
	[tilespmem:s19+$0xFFFFFF00] =	vst v4  }
0x2f5: {  	v25 =	vld [tilespmem:s22+$0xFFFFFF10];
	[tilespmem:s19+$0x90] =	vst v0  }
0x2f6: {  	v0 =	vld [tilespmem:s12+$0xA0]  }
0x2f7: {  	v2 =	vadd.f32 v2, v8;
	v1 =	vadd.f32 v1, v3;
	v24 =	vld [tilespmem:s22+$0xA0]  }
0x2f8: {  	v8 =	vadd.f32 v14, v10;
	v3 =	vld [tilespmem:s9+$0xA0]  }
0x2f9: {  	v1 =	vadd.f32 v1, v2;
	v7 =	vadd.f32 v7, v9;
	v4 =	vld [tilespmem:s11+$0xA0]  }
0x2fa: {  	v26 =	vld [tilespmem:s9+$0xFFFFFF10]  }
0x2fb: {  	v2 =	vld [tilespmem:s12+$0xFFFFFF10];
	v1 =	vadd.f32 v1, v63;
	v7 =	vadd.f32 v8, v7  }
0x2fc: {  	v8 =	vld [tilespmem:s19+$0xA0]  }
0x2fd: {  	[tilespmem:s19+$0xFFFFFF80] =	vst v1;
	v1 =	vld [tilespmem:s11+$0xFFFFFF10];
	v7 =	vadd.f32 v7, v20  }
0x2fe: {  	v6 =	vld [tilespmem:s19+$0xFFFFFF90];
	v0 =	vadd.f32 v24, v0;
	v3 =	vadd.f32 v4, v3  }
0x2ff: {  	v27 =	vld [tilespmem:s22+$0xFFFFFF90]  }
0x300: {  	[tilespmem:s19+$0x0] =	vst v7;
	v7 =	vld [tilespmem:s11+$0xFFFFFF90];
	v0 =	vadd.f32 v3, v0  }
0x301: {  	v2 =	vadd.f32 v25, v2;
	v28 =	vld [tilespmem:s22+$0x10]  }
0x302: {  	v1 =	vadd.f32 v1, v26;
	v4 =	vld [tilespmem:s12+$0xFFFFFF90];
	v0 =	vadd.f32 v0, v8  }
0x303: {  	v3 =	vld [tilespmem:s9+$0xFFFFFF90]  }
0x304: {  	v30 =	vld [tilespmem:s9+$0x10];
	v1 =	vadd.f32 v1, v2;
	[tilespmem:s19+$0xA0] =	vst v0  }
0x305: {  	v0 =	vld [tilespmem:s12+$0xB0]  }
0x306: {  	v1 =	vadd.f32 v1, v21;
	v2 =	vld [tilespmem:s22+$0xB0]  }
0x307: {  	v29 =	vld [tilespmem:s9+$0xB0]  }
0x308: {  	[tilespmem:s19+$0xFFFFFF10] =	vst v1;
	v4 =	vadd.f32 v27, v4;
	v3 =	vadd.f32 v7, v3;
	v7 =	vld [tilespmem:s11+$0xB0]  }
0x309: {  	v31 =	vld [tilespmem:s9+$0xFFFFFF20]  }
0x30a: {  	v8 =	vld [tilespmem:s12+$0x10];
	v1 =	vadd.f32 v3, v4  }
0x30b: {  	v3 =	vld [tilespmem:s11+$0x10]  }
0x30c: {  	v1 =	vadd.f32 v1, v6;
	v6 =	vld [tilespmem:s19+$0xB0]  }
0x30d: {  	v4 =	vld [tilespmem:s12+$0xFFFFFF20];
	v0 =	vadd.f32 v2, v0;
	v7 =	vadd.f32 v7, v29  }
0x30e: {  	v2 =	vld [tilespmem:s22+$0xFFFFFF20]  }
0x30f: {  	[tilespmem:s19+$0xFFFFFF90] =	vst v1;
	v1 =	vld [tilespmem:s11+$0xFFFFFF20];
	v0 =	vadd.f32 v7, v0  }
0x310: {  	v7 =	vadd.f32 v28, v8;
	v8 =	vld [tilespmem:s12+$0xFFFFFFA0]  }
0x311: {  	v3 =	vadd.f32 v3, v30;
	v32 =	vld [tilespmem:s22+$0xFFFFFFA0];
	v0 =	vadd.f32 v0, v6  }
0x312: {  	v6 =	vld [tilespmem:s9+$0xFFFFFFA0]  }
0x313: {  	v3 =	vadd.f32 v3, v7;
	v7 =	vld [tilespmem:s11+$0xFFFFFFA0];
	[tilespmem:s19+$0xB0] =	vst v0  }
0x314: {  	v0 =	vld [tilespmem:s12+$0xC0]  }
0x315: {  	v3 =	vadd.f32 v3, v22;
	v33 =	vld [tilespmem:s22+$0xC0]  }
0x316: {  	v34 =	vld [tilespmem:s9+$0xC0]  }
0x317: {  	v2 =	vadd.f32 v2, v4;
	v1 =	vadd.f32 v1, v31;
	[tilespmem:s19+$0x10] =	vst v3;
	v3 =	vld [tilespmem:s11+$0xC0]  }
0x318: {  	v5 =	vld [tilespmem:s19+$0xFFFFFFA0]  }
0x319: {  	v1 =	vadd.f32 v1, v2;
	v4 =	vld [tilespmem:s12+$0x20]  }
0x31a: {  	v8 =	vadd.f32 v32, v8;
	v2 =	vld [tilespmem:s22+$0x20]  }
0x31b: {  	v6 =	vadd.f32 v7, v6;
	v7 =	vld [tilespmem:s19+$0xC0];
	v1 =	vadd.f32 v1, v23  }
0x31c: {  	v35 =	vld [tilespmem:s9+$0x20];
	v0 =	vadd.f32 v33, v0;
	v3 =	vadd.f32 v3, v34  }
0x31d: {  	v36 =	vld [tilespmem:s11+$0x20];
	[tilespmem:s19+$0xFFFFFF20] =	vst v1;
	v1 =	vadd.f32 v6, v8  }
0x31e: {  	v6 =	vld [tilespmem:s19+$0x20];
	v0 =	vadd.f32 v3, v0  }
0x31f: {  	v8 =	vld [tilespmem:s12+$0xFFFFFF30];
	v1 =	vadd.f32 v1, v5  }
0x320: {  	v5 =	vld [tilespmem:s9+$0xFFFFFF30];
	v0 =	vadd.f32 v0, v7  }
0x321: {  	v3 =	vld [tilespmem:s22+$0xFFFFFF30];
	[tilespmem:s19+$0xFFFFFFA0] =	vst v1  }
0x322: {  	v1 =	vld [tilespmem:s11+$0xFFFFFF30];
	[tilespmem:s19+$0xC0] =	vst v0  }
0x323: {  	v0 =	vld [tilespmem:s12+$0xD0]  }
0x324: {  	v2 =	vadd.f32 v2, v4;
	v4 =	vadd.f32 v36, v35;
	v37 =	vld [tilespmem:s22+$0xD0]  }
0x325: {  	v38 =	vld [tilespmem:s9+$0xD0]  }
0x326: {  	v2 =	vadd.f32 v4, v2;
	v4 =	vld [tilespmem:s11+$0xD0]  }
0x327: {  	v7 =	vld [tilespmem:s12+$0xFFFFFFB0]  }
0x328: {  	v39 =	vld [tilespmem:s22+$0xFFFFFFB0];
	v2 =	vadd.f32 v2, v6  }
0x329: {  	v40 =	vld [tilespmem:s11+$0xFFFFFFB0]  }
0x32a: {  	[tilespmem:s19+$0x20] =	vst v2;
	v2 =	vld [tilespmem:s19+$0xD0]  }
0x32b: {  	v6 =	vld [tilespmem:s9+$0xFFFFFFB0];
	v0 =	vadd.f32 v37, v0;
	v4 =	vadd.f32 v4, v38  }
0x32c: {  	v41 =	vld [tilespmem:s12+$0x30]  }
0x32d: {  	v42 =	vld [tilespmem:s22+$0x30];
	v0 =	vadd.f32 v4, v0  }
0x32e: {  	v43 =	vld [tilespmem:s9+$0x30]  }
0x32f: {  	v4 =	vld [tilespmem:s19+$0xFFFFFF30];
	v0 =	vadd.f32 v0, v2  }
0x330: {  	v3 =	vadd.f32 v3, v8;
	v1 =	vadd.f32 v1, v5;
	v5 =	vld [tilespmem:s11+$0x30]  }
0x331: {  	v2 =	vld [tilespmem:s19+$0xFFFFFFB0];
	[tilespmem:s19+$0xD0] =	vst v0  }
0x332: {  	v1 =	vadd.f32 v1, v3;
	v0 =	vld [tilespmem:s12+$0xE0]  }
0x333: {  	v7 =	vadd.f32 v39, v7;
	v6 =	vadd.f32 v40, v6;
	v8 =	vld [tilespmem:s22+$0xE0]  }
0x334: {  	v1 =	vadd.f32 v1, v4;
	v4 =	vld [tilespmem:s9+$0xE0]  }
0x335: {  	v6 =	vadd.f32 v6, v7;
	v44 =	vld [tilespmem:s11+$0xE0]  }
0x336: {  	v3 =	vld [tilespmem:s19+$0x30]  }
0x337: {  	[tilespmem:s19+$0xFFFFFF30] =	vst v1;
	v2 =	vadd.f32 v6, v2;
	v6 =	vld [tilespmem:s19+$0xE0]  }
0x338: {  	v7 =	vld [tilespmem:s12+$0xFFFFFF40]  }
0x339: {  	v9 =	vadd.f32 v42, v41;
	v5 =	vadd.f32 v5, v43;
	v45 =	vld [tilespmem:s22+$0xFFFFFF40]  }
0x33a: {  	v46 =	vld [tilespmem:s9+$0xFFFFFF40];
	v0 =	vadd.f32 v8, v0;
	v4 =	vadd.f32 v44, v4  }
0x33b: {  	v5 =	vadd.f32 v5, v9;
	[tilespmem:s19+$0xFFFFFFB0] =	vst v2;
	v2 =	vld [tilespmem:s11+$0xFFFFFF40]  }
0x33c: {  	v1 =	vld [tilespmem:s19+$0xFFFFFF40];
	v0 =	vadd.f32 v4, v0  }
0x33d: {  	v3 =	vadd.f32 v5, v3;
	v8 =	vld [tilespmem:s12+$0xFFFFFFC0]  }
0x33e: {  	v5 =	vld [tilespmem:s9+$0xFFFFFFC0];
	v0 =	vadd.f32 v0, v6  }
0x33f: {  	[tilespmem:s19+$0x30] =	vst v3;
	v3 =	vld [tilespmem:s11+$0xFFFFFFC0]  }
0x340: {  	v4 =	vld [tilespmem:s22+$0xFFFFFFC0];
	v2 =	vadd.f32 v2, v46;
	[tilespmem:s19+$0xE0] =	vst v0;
	v0 =	vadd.f32 v45, v7  }
0x341: {  	v50 =	vld [tilespmem:s22+$0x40]  }
0x342: {  	v51 =	vld [tilespmem:s11+$0x40];
	v0 =	vadd.f32 v2, v0  }
0x343: {  	v6 =	vld [tilespmem:s12+$0x40]  }
0x344: {  	v2 =	vld [tilespmem:s9+$0x40];
	v0 =	vadd.f32 v0, v1  }
0x345: {  	v3 =	vadd.f32 v3, v5;
	v4 =	vadd.f32 v4, v8;
	v1 =	vld [tilespmem:s19+$0xFFFFFFC0]  }
0x346: {  	[tilespmem:s19+$0xFFFFFF40] =	vst v0;
	v0 =	vld [tilespmem:s19+$0x40]  }
0x347: {  	v3 =	vadd.f32 v3, v4;
	v4 =	vld [tilespmem:s12+$0xFFFFFF50]  }
0x348: {  	v8 =	vld [tilespmem:s22+$0xFFFFFF50]  }
0x349: {  	v6 =	vadd.f32 v50, v6;
	v52 =	vld [tilespmem:s11+$0xFFFFFF50]  }
0x34a: {  	v2 =	vadd.f32 v51, v2;
	v1 =	vadd.f32 v3, v1;
	v3 =	vld [tilespmem:s9+$0xFFFFFF50]  }
0x34b: {  	v47 =	vld [tilespmem:s12+$0xF0]  }
0x34c: {  	v48 =	vld [tilespmem:s22+$0xF0];
	[tilespmem:s19+$0xFFFFFFC0] =	vst v1;
	v1 =	vadd.f32 v2, v6  }
0x34d: {  	v2 =	vld [tilespmem:s12+$0xFFFFFFD0]  }
0x34e: {  	v6 =	vld [tilespmem:s22+$0xFFFFFFD0];
	v0 =	vadd.f32 v1, v0  }
0x34f: {  	v4 =	vadd.f32 v8, v4;
	v8 =	vld [tilespmem:s11+$0xFFFFFFD0];
	v3 =	vadd.f32 v52, v3  }
0x350: {  	v1 =	vld [tilespmem:s9+$0xFFFFFFD0];
	[tilespmem:s19+$0x40] =	vst v0  }
0x351: {  	v0 =	vadd.f32 v3, v4;
	v3 =	vld [tilespmem:s12+$0x50]  }
0x352: {  	v4 =	vld [tilespmem:s22+$0x50]  }
0x353: {  	v55 =	vld [tilespmem:s9+$0x50];
	v0 =	vadd.f32 v0, v53  }
0x354: {  	v2 =	vadd.f32 v6, v2;
	v6 =	vld [tilespmem:s11+$0x50]  }
0x355: {  	v1 =	vadd.f32 v8, v1;
	[tilespmem:s19+$0xFFFFFF50] =	vst v0;
	v0 =	vld [tilespmem:s19+$0x50]  }
0x356: {  	v8 =	vld [tilespmem:s12+$0xFFFFFF60]  }
0x357: {  	v1 =	vadd.f32 v1, v2;
	v2 =	vld [tilespmem:s22+$0xFFFFFF60]  }
0x358: {  	v56 =	vld [tilespmem:s9+$0xFFFFFF60];
	v3 =	vadd.f32 v4, v3  }
0x359: {  	v4 =	vld [tilespmem:s11+$0xFFFFFF60];
	v1 =	vadd.f32 v1, v54;
	v6 =	vadd.f32 v6, v55  }
0x35a: {  	v49 =	vld [tilespmem:s9+$0xF0]  }
0x35b: {  	v7 =	vld [tilespmem:s11+$0xF0];
	[tilespmem:s19+$0xFFFFFFD0] =	vst v1;
	v1 =	vadd.f32 v6, v3  }
0x35c: {  	v3 =	vld [tilespmem:s12+$0xFFFFFFE0]  }
0x35d: {  	v6 =	vld [tilespmem:s22+$0xFFFFFFE0];
	v0 =	vadd.f32 v1, v0  }
0x35e: {  	v1 =	vld [tilespmem:s9+$0xFFFFFFE0];
	v2 =	vadd.f32 v2, v8;
	v4 =	vadd.f32 v4, v56  }
0x35f: {  	v8 =	vld [tilespmem:s11+$0xFFFFFFE0];
	[tilespmem:s19+$0x50] =	vst v0  }
0x360: {  	v0 =	vadd.f32 v4, v2;
	v2 =	vld [tilespmem:s12+$0x60]  }
0x361: {  	v4 =	vld [tilespmem:s22+$0x60]  }
0x362: {  	v59 =	vld [tilespmem:s9+$0x60];
	v0 =	vadd.f32 v0, v57  }
0x363: {  	v3 =	vadd.f32 v6, v3;
	v6 =	vld [tilespmem:s11+$0x60]  }
0x364: {  	v1 =	vadd.f32 v8, v1;
	v8 =	vld [tilespmem:s19+$0x60];
	[tilespmem:s19+$0xFFFFFF60] =	vst v0  }
0x365: {  	v60 =	vld [tilespmem:s12+$0xFFFFFF70]  }
0x366: {  	v0 =	vadd.f32 v1, v3;
	v1 =	vld [tilespmem:s22+$0xFFFFFF70]  }
0x367: {  	v3 =	vld [tilespmem:s9+$0xFFFFFF70];
	v2 =	vadd.f32 v4, v2  }
0x368: {  	v4 =	vld [tilespmem:s11+$0xFFFFFF70];
	v0 =	vadd.f32 v0, v58;
	v6 =	vadd.f32 v6, v59  }
0x369: {  	v5 =	vld [tilespmem:s19+$0xF0]  }
0x36a: {  	[tilespmem:s19+$0xFFFFFFE0] =	vst v0;
	v0 =	vld [tilespmem:s19+$0xFFFFFFF0];
	v2 =	vadd.f32 v6, v2  }
0x36b: {  	v7 =	vadd.f32 v7, v49;
	v62 =	vld [tilespmem:s12+$0xFFFFFFF0]  }
0x36c: {  	v6 =	vadd.f32 v48, v47;
	v63 =	vld [tilespmem:s22+$0xFFFFFFF0];
	v2 =	vadd.f32 v2, v8  }
0x36d: {  	v1 =	vadd.f32 v1, v60;
	v3 =	vadd.f32 v4, v3;
	v8 =	vld [tilespmem:s9+$0xFFFFFFF0]  }
0x36e: {  	v4 =	vadd.f32 v7, v6;
	v7 =	vld [tilespmem:s11+$0xFFFFFFF0];
	[tilespmem:s19+$0x60] =	vst v2  }
0x36f: {  	v1 =	vadd.f32 v3, v1;
	v2 =	vld [tilespmem:s12+$0x70]  }
0x370: {  	v5 =	vadd.f32 v4, v5;
	v4 =	vld [tilespmem:s22+$0x70]  }
0x371: {  	v3 =	vld [tilespmem:s9+$0x70];
	v1 =	vadd.f32 v1, v61  }
0x372: {  	[tilespmem:s19+$0xF0] =	vst v5;
	v5 =	vld [tilespmem:s11+$0x70]  }
0x373: {  	s13 =	simm.s32 $0x0;
	s14 =	simm.s32 $0x10B00;
	s12 =	simm.s32 $0x4100;
	v6 =	vadd.f32 v63, v62;
	v7 =	vadd.f32 v7, v8;
	[tilespmem:s19+$0xFFFFFF70] =	vst v1;
	v1 =	vld [tilespmem:s19+$0x70]  }
.LBB2_10:
0x374: {  	v8 =	vld [tilespmem:s14+$0x80];
	s22 =	sadd.s32 $0x200, s22  }
0x375: {  	s9 =	sadd.s32 $0x200, s9;
	v9 =	vld [tilespmem:s22+$0x80];
	v6 =	vadd.f32 v7, v6;
	v2 =	vadd.f32 v4, v2  }
0x376: {  	s11 =	sadd.s32 $0x200, s11;
	v4 =	vld [tilespmem:s9+$0x80]  }
0x377: {  	v7 =	vld [tilespmem:s11+$0x80];
	v0 =	vadd.f32 v6, v0;
	v3 =	vadd.f32 v5, v3  }
0x378: {  	v5 =	vld [tilespmem:s22+$0xFFFFFF00]  }
0x379: {  	v6 =	vld [tilespmem:s9+$0xFFFFFF00];
	[tilespmem:s19+$0xFFFFFFF0] =	vst v0;
	v0 =	vadd.f32 v3, v2  }
0x37a: {  	s19 =	sadd.s32 $0x200, s19;
	v2 =	vld [tilespmem:s11+$0xFFFFFF00]  }
0x37b: {  	v3 =	vld [tilespmem:s19+$0x80];
	v0 =	vadd.f32 v0, v1  }
0x37c: {  	v8 =	vadd.f32 v9, v8;
	v1 =	vld [tilespmem:s14+$0xFFFFFF80];
	v4 =	vadd.f32 v7, v4  }
0x37d: {  	v7 =	vld [tilespmem:s22+$0xFFFFFF80];
	[tilespmem:s12+$0x70] =	vst v0;
	s12 =	smov.u32 s19  }
0x37e: {  	v0 =	vld [tilespmem:s9+$0xFFFFFF80];
	v4 =	vadd.f32 v4, v8  }
0x37f: {  	v2 =	vadd.f32 v2, v6;
	v6 =	vld [tilespmem:s11+$0xFFFFFF80]  }
0x380: {  	v8 =	vld [tilespmem:s14+$0x0];
	v3 =	vadd.f32 v4, v3  }
0x381: {  	v4 =	vld [tilespmem:s22+$0x0]  }
0x382: {  	v1 =	vadd.f32 v7, v1;
	v7 =	vld [tilespmem:s9+$0x0];
	[tilespmem:s19+$0x80] =	vst v3  }
0x383: {  	v3 =	vld [tilespmem:s14+$0x90]  }
0x384: {  	v0 =	vadd.f32 v6, v0;
	v6 =	vld [tilespmem:s22+$0x90]  }
0x385: {  	v9 =	vld [tilespmem:s9+$0x90]  }
0x386: {  	v0 =	vadd.f32 v0, v1;
	v1 =	vadd.f32 v4, v8;
	v4 =	vld [tilespmem:s11+$0x90]  }
0x387: {  	v8 =	vld [tilespmem:s11+$0x0]  }
0x388: {  	v10 =	vld [tilespmem:s14+$0xFFFFFF00]  }
0x389: {  	v11 =	vld [tilespmem:s19+$0xFFFFFF00]  }
0x38a: {  	v12 =	vld [tilespmem:s19+$0x90]  }
0x38b: {  	v3 =	vadd.f32 v6, v3;
	v13 =	vld [tilespmem:s19+$0xFFFFFF80];
	v4 =	vadd.f32 v4, v9  }
0x38c: {  	s13 =	sadd.s32 $0x4, s13;
	v6 =	vadd.f32 v8, v7;
	v7 =	vld [tilespmem:s19+$0x0]  }
0x38d: {  	p0 =	slt.u32 s13, $0x4C;
	v5 =	vadd.f32 v5, v10;
	v8 =	vld [tilespmem:s19+$0xFFFFFF10];
	v3 =	vadd.f32 v4, v3  }
0x38e: {  	v4 =	vld [tilespmem:s19+$0xFFFFFF90];
	v1 =	vadd.f32 v6, v1  }
0x38f: {  	v2 =	vadd.f32 v2, v5;
	v5 =	vld [tilespmem:s19+$0x10];
	v3 =	vadd.f32 v3, v12  }
0x390: {  	v6 =	vld [tilespmem:s19+$0xFFFFFF20];
	v0 =	vadd.f32 v0, v13  }
0x391: {  	v2 =	vadd.f32 v2, v11;
	v9 =	vld [tilespmem:s19+$0xFFFFFFA0];
	v1 =	vadd.f32 v1, v7;
	[tilespmem:s19+$0x90] =	vst v3  }
0x392: {  	[tilespmem:s19+$0xFFFFFF80] =	vst v0;
	v0 =	vld [tilespmem:s14+$0xA0]  }
0x393: {  	[tilespmem:s19+$0xFFFFFF00] =	vst v2;
	v2 =	vld [tilespmem:s22+$0xA0]  }
0x394: {  	[tilespmem:s19+$0x0] =	vst v1;
	v1 =	vld [tilespmem:s9+$0xA0]  }
0x395: {  	v3 =	vld [tilespmem:s11+$0xA0]  }
0x396: {  	v7 =	vld [tilespmem:s14+$0xFFFFFF10]  }
0x397: {  	v10 =	vld [tilespmem:s22+$0xFFFFFF10]  }
0x398: {  	v11 =	vld [tilespmem:s9+$0xFFFFFF10]  }
0x399: {  	v12 =	vld [tilespmem:s19+$0xA0]  }
0x39a: {  	v0 =	vadd.f32 v2, v0;
	v13 =	vld [tilespmem:s11+$0xFFFFFF10];
	v1 =	vadd.f32 v3, v1  }
0x39b: {  	v2 =	vld [tilespmem:s14+$0xFFFFFF90]  }
0x39c: {  	v3 =	vadd.f32 v10, v7;
	v7 =	vld [tilespmem:s22+$0xFFFFFF90];
	v0 =	vadd.f32 v1, v0  }
0x39d: {  	v1 =	vld [tilespmem:s9+$0xFFFFFF90]  }
0x39e: {  	v10 =	vld [tilespmem:s11+$0xFFFFFF90];
	v0 =	vadd.f32 v0, v12  }
0x39f: {  	v11 =	vadd.f32 v13, v11;
	v12 =	vld [tilespmem:s14+$0x10]  }
0x3a0: {  	v13 =	vld [tilespmem:s22+$0x10];
	[tilespmem:s19+$0xA0] =	vst v0  }
0x3a1: {  	v0 =	vadd.f32 v11, v3;
	v2 =	vadd.f32 v7, v2;
	v3 =	vld [tilespmem:s14+$0xB0]  }
0x3a2: {  	v7 =	vld [tilespmem:s22+$0xB0]  }
0x3a3: {  	v0 =	vadd.f32 v0, v8;
	v1 =	vadd.f32 v10, v1;
	v8 =	vld [tilespmem:s9+$0xB0]  }
0x3a4: {  	v10 =	vld [tilespmem:s11+$0xB0]  }
0x3a5: {  	[tilespmem:s19+$0xFFFFFF10] =	vst v0;
	v0 =	vadd.f32 v1, v2;
	v1 =	vadd.f32 v13, v12;
	v2 =	vld [tilespmem:s9+$0x10]  }
0x3a6: {  	v11 =	vld [tilespmem:s11+$0x10]  }
0x3a7: {  	v12 =	vld [tilespmem:s14+$0xFFFFFF20];
	v0 =	vadd.f32 v0, v4  }
0x3a8: {  	v4 =	vld [tilespmem:s19+$0xB0]  }
0x3a9: {  	v13 =	vld [tilespmem:s22+$0xFFFFFF20];
	[tilespmem:s19+$0xFFFFFF90] =	vst v0;
	v0 =	vadd.f32 v7, v3;
	v3 =	vadd.f32 v10, v8  }
0x3aa: {  	v7 =	vld [tilespmem:s9+$0xFFFFFF20]  }
0x3ab: {  	v8 =	vld [tilespmem:s11+$0xFFFFFF20];
	v2 =	vadd.f32 v11, v2;
	v0 =	vadd.f32 v3, v0  }
0x3ac: {  	v3 =	vld [tilespmem:s14+$0xFFFFFFA0]  }
0x3ad: {  	v10 =	vld [tilespmem:s22+$0xFFFFFFA0];
	v1 =	vadd.f32 v2, v1;
	v0 =	vadd.f32 v0, v4  }
0x3ae: {  	v2 =	vadd.f32 v13, v12;
	v4 =	vld [tilespmem:s9+$0xFFFFFFA0]  }
0x3af: {  	v11 =	vld [tilespmem:s11+$0xFFFFFFA0];
	v1 =	vadd.f32 v1, v5;
	[tilespmem:s19+$0xB0] =	vst v0  }
0x3b0: {  	v0 =	vadd.f32 v8, v7;
	v5 =	vld [tilespmem:s14+$0xC0]  }
0x3b1: {  	[tilespmem:s19+$0x10] =	vst v1;
	v1 =	vld [tilespmem:s22+$0xC0]  }
0x3b2: {  	v0 =	vadd.f32 v0, v2;
	v2 =	vadd.f32 v10, v3;
	v3 =	vld [tilespmem:s9+$0xC0]  }
0x3b3: {  	v7 =	vld [tilespmem:s11+$0xC0]  }
0x3b4: {  	v0 =	vadd.f32 v0, v6;
	v4 =	vadd.f32 v11, v4;
	v6 =	vld [tilespmem:s14+$0x20]  }
0x3b5: {  	v8 =	vld [tilespmem:s22+$0x20]  }
0x3b6: {  	[tilespmem:s19+$0xFFFFFF20] =	vst v0;
	v0 =	vadd.f32 v4, v2;
	v2 =	vld [tilespmem:s9+$0x20]  }
0x3b7: {  	v4 =	vld [tilespmem:s19+$0xC0]  }
0x3b8: {  	v1 =	vadd.f32 v1, v5;
	v10 =	vld [tilespmem:s11+$0x20];
	v3 =	vadd.f32 v7, v3  }
0x3b9: {  	v0 =	vadd.f32 v0, v9;
	v5 =	vld [tilespmem:s19+$0x20]  }
0x3ba: {  	v7 =	vld [tilespmem:s14+$0xFFFFFF30];
	v6 =	vadd.f32 v8, v6;
	v1 =	vadd.f32 v3, v1  }
0x3bb: {  	v3 =	vld [tilespmem:s22+$0xFFFFFF30];
	[tilespmem:s19+$0xFFFFFFA0] =	vst v0  }
0x3bc: {  	v0 =	vld [tilespmem:s9+$0xFFFFFF30];
	v1 =	vadd.f32 v1, v4  }
0x3bd: {  	v4 =	vld [tilespmem:s11+$0xFFFFFF30];
	v2 =	vadd.f32 v10, v2  }
0x3be: {  	v8 =	vld [tilespmem:s14+$0xFFFFFFB0];
	[tilespmem:s19+$0xC0] =	vst v1  }
0x3bf: {  	v1 =	vadd.f32 v2, v6;
	v2 =	vld [tilespmem:s14+$0xD0]  }
0x3c0: {  	v3 =	vadd.f32 v3, v7;
	v6 =	vld [tilespmem:s22+$0xD0]  }
0x3c1: {  	v1 =	vadd.f32 v1, v5;
	v5 =	vld [tilespmem:s9+$0xD0]  }
0x3c2: {  	v0 =	vadd.f32 v4, v0;
	v4 =	vld [tilespmem:s11+$0xD0]  }
0x3c3: {  	v7 =	vld [tilespmem:s22+$0xFFFFFFB0];
	[tilespmem:s19+$0x20] =	vst v1  }
0x3c4: {  	v0 =	vadd.f32 v0, v3;
	v1 =	vld [tilespmem:s9+$0xFFFFFFB0]  }
0x3c5: {  	v3 =	vld [tilespmem:s11+$0xFFFFFFB0]  }
0x3c6: {  	v9 =	vld [tilespmem:s19+$0xD0]  }
0x3c7: {  	v2 =	vadd.f32 v6, v2;
	v10 =	vld [tilespmem:s14+$0x30];
	v4 =	vadd.f32 v4, v5  }
0x3c8: {  	v5 =	vadd.f32 v7, v8;
	v6 =	vld [tilespmem:s22+$0x30]  }
0x3c9: {  	v7 =	vld [tilespmem:s9+$0x30];
	v2 =	vadd.f32 v4, v2  }
0x3ca: {  	v1 =	vadd.f32 v3, v1;
	v3 =	vld [tilespmem:s11+$0x30]  }
0x3cb: {  	v4 =	vld [tilespmem:s19+$0xFFFFFF30];
	v2 =	vadd.f32 v2, v9  }
0x3cc: {  	v8 =	vld [tilespmem:s19+$0xFFFFFFB0];
	v1 =	vadd.f32 v1, v5  }
0x3cd: {  	v5 =	vadd.f32 v6, v10;
	v6 =	vld [tilespmem:s19+$0x30];
	[tilespmem:s19+$0xD0] =	vst v2  }
0x3ce: {  	v2 =	vld [tilespmem:s14+$0xE0]  }
0x3cf: {  	v3 =	vadd.f32 v3, v7;
	v7 =	vld [tilespmem:s22+$0xE0]  }
0x3d0: {  	v0 =	vadd.f32 v0, v4;
	v4 =	vld [tilespmem:s9+$0xE0]  }
0x3d1: {  	v1 =	vadd.f32 v1, v8;
	v3 =	vadd.f32 v3, v5;
	v5 =	vld [tilespmem:s11+$0xE0]  }
0x3d2: {  	[tilespmem:s19+$0xFFFFFF30] =	vst v0;
	v0 =	vld [tilespmem:s19+$0xFFFFFF40]  }
0x3d3: {  	v8 =	vld [tilespmem:s14+$0xFFFFFF40];
	[tilespmem:s19+$0xFFFFFFB0] =	vst v1;
	v1 =	vadd.f32 v3, v6  }
0x3d4: {  	v3 =	vld [tilespmem:s22+$0xFFFFFF40]  }
0x3d5: {  	[tilespmem:s19+$0x30] =	vst v1;
	v1 =	vld [tilespmem:s19+$0xE0]  }
0x3d6: {  	v2 =	vadd.f32 v7, v2;
	v6 =	vld [tilespmem:s9+$0xFFFFFF40];
	v4 =	vadd.f32 v5, v4  }
0x3d7: {  	v5 =	vld [tilespmem:s11+$0xFFFFFF40]  }
0x3d8: {  	v7 =	vld [tilespmem:s14+$0xFFFFFFC0];
	v2 =	vadd.f32 v4, v2  }
0x3d9: {  	v3 =	vadd.f32 v3, v8;
	v4 =	vld [tilespmem:s22+$0xFFFFFFC0]  }
0x3da: {  	v8 =	vld [tilespmem:s9+$0xFFFFFFC0];
	v1 =	vadd.f32 v2, v1  }
0x3db: {  	v2 =	vld [tilespmem:s11+$0xFFFFFFC0]  }
0x3dc: {  	v5 =	vadd.f32 v5, v6;
	v6 =	vld [tilespmem:s14+$0x40];
	[tilespmem:s19+$0xE0] =	vst v1  }
0x3dd: {  	v1 =	vld [tilespmem:s14+$0xF0]  }
0x3de: {  	v3 =	vadd.f32 v5, v3;
	v4 =	vadd.f32 v4, v7;
	v5 =	vld [tilespmem:s22+$0xF0]  }
0x3df: {  	v7 =	vld [tilespmem:s9+$0xF0]  }
0x3e0: {  	v0 =	vadd.f32 v3, v0;
	v2 =	vadd.f32 v2, v8;
	v3 =	vld [tilespmem:s11+$0xF0]  }
0x3e1: {  	v8 =	vld [tilespmem:s22+$0x40]  }
0x3e2: {  	[tilespmem:s19+$0xFFFFFF40] =	vst v0;
	v0 =	vadd.f32 v2, v4;
	v2 =	vld [tilespmem:s9+$0x40]  }
0x3e3: {  	v4 =	vld [tilespmem:s11+$0x40]  }
0x3e4: {  	v9 =	vld [tilespmem:s19+$0xF0]  }
0x3e5: {  	v1 =	vadd.f32 v5, v1;
	v10 =	vld [tilespmem:s19+$0xFFFFFFC0];
	v3 =	vadd.f32 v3, v7  }
0x3e6: {  	v5 =	vadd.f32 v8, v6;
	v6 =	vld [tilespmem:s19+$0x40]  }
0x3e7: {  	v7 =	vld [tilespmem:s14+$0xFFFFFF50];
	v1 =	vadd.f32 v3, v1  }
0x3e8: {  	v3 =	vld [tilespmem:s22+$0xFFFFFF50];
	v2 =	vadd.f32 v4, v2  }
0x3e9: {  	v4 =	vld [tilespmem:s9+$0xFFFFFF50];
	v1 =	vadd.f32 v1, v9  }
0x3ea: {  	v8 =	vld [tilespmem:s11+$0xFFFFFF50];
	v0 =	vadd.f32 v0, v10;
	v2 =	vadd.f32 v2, v5  }
0x3eb: {  	v5 =	vld [tilespmem:s19+$0xFFFFFF50];
	[tilespmem:s19+$0xF0] =	vst v1  }
0x3ec: {  	[tilespmem:s19+$0xFFFFFFC0] =	vst v0;
	v0 =	vld [tilespmem:s19+$0xFFFFFFD0];
	v1 =	vadd.f32 v2, v6  }
0x3ed: {  	v2 =	vadd.f32 v3, v7;
	v3 =	vld [tilespmem:s14+$0xFFFFFFD0]  }
0x3ee: {  	v6 =	vld [tilespmem:s22+$0xFFFFFFD0];
	[tilespmem:s19+$0x40] =	vst v1  }
0x3ef: {  	v1 =	vadd.f32 v8, v4;
	v4 =	vld [tilespmem:s9+$0xFFFFFFD0]  }
0x3f0: {  	v7 =	vld [tilespmem:s11+$0xFFFFFFD0]  }
0x3f1: {  	v1 =	vadd.f32 v1, v2;
	v2 =	vld [tilespmem:s14+$0x50]  }
0x3f2: {  	v8 =	vld [tilespmem:s22+$0x50]  }
0x3f3: {  	v1 =	vadd.f32 v1, v5;
	v3 =	vadd.f32 v6, v3;
	v5 =	vld [tilespmem:s9+$0x50]  }
0x3f4: {  	v6 =	vld [tilespmem:s11+$0x50]  }
0x3f5: {  	[tilespmem:s19+$0xFFFFFF50] =	vst v1;
	v1 =	vadd.f32 v7, v4;
	v4 =	vld [tilespmem:s19+$0x50]  }
0x3f6: {  	v7 =	vld [tilespmem:s14+$0xFFFFFF60]  }
0x3f7: {  	v9 =	vld [tilespmem:s22+$0xFFFFFF60];
	v1 =	vadd.f32 v1, v3;
	v2 =	vadd.f32 v8, v2  }
0x3f8: {  	v3 =	vld [tilespmem:s9+$0xFFFFFF60]  }
0x3f9: {  	v8 =	vld [tilespmem:s11+$0xFFFFFF60];
	v0 =	vadd.f32 v1, v0;
	v1 =	vadd.f32 v6, v5  }
0x3fa: {  	v5 =	vld [tilespmem:s19+$0xFFFFFF60]  }
0x3fb: {  	[tilespmem:s19+$0xFFFFFFD0] =	vst v0;
	v0 =	vld [tilespmem:s19+$0xFFFFFFE0];
	v1 =	vadd.f32 v1, v2  }
0x3fc: {  	v2 =	vadd.f32 v9, v7;
	v6 =	vld [tilespmem:s14+$0xFFFFFFE0]  }
0x3fd: {  	v7 =	vld [tilespmem:s22+$0xFFFFFFE0];
	v1 =	vadd.f32 v1, v4  }
0x3fe: {  	v3 =	vadd.f32 v8, v3;
	v4 =	vld [tilespmem:s9+$0xFFFFFFE0]  }
0x3ff: {  	v8 =	vld [tilespmem:s11+$0xFFFFFFE0];
	[tilespmem:s19+$0x50] =	vst v1  }
0x400: {  	v1 =	vadd.f32 v3, v2;
	v2 =	vld [tilespmem:s14+$0x60]  }
0x401: {  	v3 =	vld [tilespmem:s22+$0x60]  }
0x402: {  	v1 =	vadd.f32 v1, v5;
	v5 =	vadd.f32 v7, v6;
	v6 =	vld [tilespmem:s9+$0x60]  }
0x403: {  	v7 =	vld [tilespmem:s11+$0x60]  }
0x404: {  	[tilespmem:s19+$0xFFFFFF60] =	vst v1;
	v1 =	vadd.f32 v8, v4;
	v4 =	vld [tilespmem:s19+$0x60]  }
0x405: {  	v8 =	vld [tilespmem:s14+$0xFFFFFF70]  }
0x406: {  	v9 =	vld [tilespmem:s22+$0xFFFFFF70];
	v1 =	vadd.f32 v1, v5;
	v2 =	vadd.f32 v3, v2  }
0x407: {  	v3 =	vld [tilespmem:s9+$0xFFFFFF70]  }
0x408: {  	v5 =	vld [tilespmem:s11+$0xFFFFFF70];
	v0 =	vadd.f32 v1, v0;
	v1 =	vadd.f32 v7, v6  }
0x409: {  	v6 =	vld [tilespmem:s19+$0xFFFFFF70]  }
0x40a: {  	[tilespmem:s19+$0xFFFFFFE0] =	vst v0;
	v0 =	vld [tilespmem:s19+$0xFFFFFFF0];
	v1 =	vadd.f32 v1, v2  }
0x40b: {  	v2 =	vadd.f32 v9, v8;
	v7 =	vld [tilespmem:s14+$0xFFFFFFF0]  }
0x40c: {  	v8 =	vld [tilespmem:s22+$0xFFFFFFF0];
	v1 =	vadd.f32 v1, v4  }
0x40d: {  	v3 =	vadd.f32 v5, v3;
	v9 =	vld [tilespmem:s9+$0xFFFFFFF0]  }
0x40e: {  	v10 =	vld [tilespmem:s11+$0xFFFFFFF0];
	[tilespmem:s19+$0x60] =	vst v1  }
.Ltmp8:
0x40f: {  	v1 =	vadd.f32 v3, v2;
	v2 =	vld [tilespmem:s14+$0x70];
	(pc) =	sbr.rel @p0 .LBB2_10-.Ltmp8, $4  }
0x410: {  	v4 =	vld [tilespmem:s22+$0x70]  }
0x411: {  	v1 =	vadd.f32 v1, v6;
	v6 =	vadd.f32 v8, v7;
	v3 =	vld [tilespmem:s9+$0x70]  }
0x412: {  	v5 =	vld [tilespmem:s11+$0x70]  }
0x413: {  	s14 =	sadd.s32 $0x200, s14;
	[tilespmem:s19+$0xFFFFFF70] =	vst v1;
	v7 =	vadd.f32 v10, v9;
	v1 =	vld [tilespmem:s19+$0x70]  }
0x414: {  	_ =	sdelay $0x2  }
0x415: {  	v2 =	vadd.f32 v4, v2;
	v3 =	vadd.f32 v5, v3  }
0x416: {  	v63 =	vadd.f32 v7, v6  }
0x417: {  	v2 =	vadd.f32 v3, v2  }
.Ltmp9:
0x418: {  	v0 =	vadd.f32 v63, v0;
	(pc) =	sbr.rel .LBB2_12-.Ltmp9, $4  }
0x419: {  	s9 =	smul.u32 $0x500, s21;
	v1 =	vadd.f32 v2, v1  }
0x41a: {  	[tilespmem:s19+$0xFFFFFFF0] =	vst v0  }
0x41b: {  	s9 =	sadd.s32 s2, s9;
	[tilespmem:s12+$0x70] =	vst v1  }
0x41c: {  	[hbm4b:s9+s3] =	stream.linear.scatter [tilespmem:s10], [sflag:$0x6], $0x2800, $0x38;
	[tilespmem:$0x1A800] =	vst v63  }
.LBB2_14:
0x41d: {  	_ =	sfence.sel $0x180000  }
0x41e: {  	[bflag:$0x0] =	sbarrier.arrive $0xFFFF  }
0x41f: {  	_ =	strace $0x90000047  }
0x420: {  	s0 =	stileid.u32;
	[bflag:$0x2] =	sbarrier.arrive $0xFFFF  }
0x421: {  	p0 =	sne.s32 s0, $0x0;
	s0 =	rddreg [dreg:$0x2]  }
0x422: {  	s0 =	sadd.s32 @!p0 $0x100000, s0  }
0x423: {  	[sflag:s0] =	ssyncadd.tile.s32 @!p0 $0x1;
	_ =	shalt  }
.Lfunc_end2:
_tile_overlayer_lowered:
.L_overlay_start_2:
0x424: {  	(tag) =	ssettag $0x2  }
0x425: {  	s0 =	rddreg [dreg:$0x0];
	s2 =	stileid.u32  }
0x426: {  	s1 =	rddreg [dreg:$0x1];
	p0 =	sne.s32 s2, $0x0  }
0x427: {  	s3 =	rddreg [dreg:$0x2];
	[bflag:$0x3] =	sbarrier.arrive $0xFFFF;
	s2 =	simm.s32 @!p0 $0x1C09  }
0x428: {  	[timem:s3], [sflag:s2] =	dma.local @!p0 [hbm:s0], s1  }
0x429: {  	s0 =	simm.s32 @!p0 $0x9  }
0x42a: {  	_ =	swait.ge @!p0 [sflag:s0], s1  }
0x42b: {  	s1 =	ssub.s32 @!p0 $0x0, s1;
	[sflag:s0] =	ssyncset.done @!p0 $0x0  }
0x42c: {  	[sflag:s0] =	ssyncadd.s32 @!p0 s1  }
0x42d: {  	[bflag:$0x3] =	sbarrier.arrive $0xFFFF  }
0x42e: {  	_ =	shalt  }

</sc_bundles>
